<compile_context>
chip_gen: v7x
topology: tpu7x:2x2x1
jax: 0.10.2.dev20260603
libtpu: 0.0.44.dev20260713+nightly
codegen_flags: <defaults>
</compile_context>

<pallas_src>
import functools

import jax
import jax.numpy as jnp
from jax import lax
from jax.experimental import pallas as pl
from jax.experimental.pallas import tpu as pltpu
from jax.experimental.pallas import tpu_sc as plsc

_ALPHA = 0.7
_K = 205
_N = 1024
_NW = 32
_ROWS = 64 * 768
_RPW = _ROWS // _NW
_GROUPS = _RPW // 16
_NBUCK = 512
_PAD = 1040
_HPAD = 528
_LO = -8.0
_SCALE = _NBUCK / 16.0
_INV = 1.0 / _SCALE
_RANK_TOP = float(_N - _K + 1)
_RANK_BOT = float(_K)


def _tree(xs):
    while len(xs) > 1:
        xs = [xs[i] + xs[i + 1] for i in range(0, len(xs) - 1, 2)] \
            + ([xs[-1]] if len(xs) % 2 else [])
    return xs[0]


def _sc_body(x_hbm, out_hbm, xb0, xb1, xb2, xb3, hist, outv,
             sem0, sem1, sem2, sem3):
    wid = lax.axis_index("s") * 2 + lax.axis_index("c")
    row0 = wid * _RPW
    lanes = lax.iota(jnp.int32, 16)

    def esplat(e):
        return jnp.full((16,), e, jnp.int32)
    ones = jnp.ones((16,), jnp.float32)
    zeros = jnp.zeros((16,), jnp.float32)
    bufs = (xb0, xb1, xb2, xb3)
    sems = (sem0, sem1, sem2, sem3)

    def dma_rows(g, b, r0, r1):
        @pl.when(g < _GROUPS)
        def _():
            for r in range(r0, r1):
                pltpu.make_async_copy(
                    x_hbm.at[pl.ds(row0 + g * 16 + r, 1)],
                    bufs[b].at[pl.ds(r, 1), pl.ds(0, _N)],
                    sems[b]).start()

    def dma_wait(g, b):
        pltpu.make_async_copy(
            x_hbm.at[pl.ds(row0 + g * 16, 16)],
            bufs[b].at[:, pl.ds(0, _N)],
            sems[b]).wait()

    @plsc.parallel_loop(0, _NBUCK, unroll=8)
    def _(i):
        hist[pl.ds(i * 16, 16)] = zeros

    for gg in range(3):
        dma_rows(gg, gg, 0, 16)

    def group_body(g, b):
        buf = bufs[b]
        dma_wait(g, b)
        bn = (b + 3) % 4
        dma_rows(g + 3, bn, 0, 6)

        @plsc.parallel_loop(0, _N, unroll=8)
        def _(e):
            v = plsc.load_gather(buf, [lanes, esplat(e)])
            bi = jnp.clip(v * _SCALE - (_LO * _SCALE), 0.0, _NBUCK - 1.0)
            plsc.addupdate_scatter(hist, [bi.astype(jnp.int32) * 16 + lanes],
                                   ones)

        dma_rows(g + 3, bn, 6, 11)

        @plsc.parallel_loop(0, _NBUCK, step=8, carry=(zeros, zeros, zeros))
        def scan_out(i, carry):
            cum, btop, bbot = carry
            hs = []
            for u in range(8):
                hs.append(hist[pl.ds((i + u) * 16, 16)])
                hist[pl.ds((i + u) * 16, 16)] = zeros
            pre = list(hs)
            for d in (1, 2, 4):
                pre = [pre[u] + pre[u - d] if u >= d else pre[u]
                       for u in range(8)]
            cums = [cum + p for p in pre]
            dt = _tree([jnp.where(c < _RANK_TOP, 1.0, 0.0) for c in cums])
            db = _tree([jnp.where(c < _RANK_BOT, 1.0, 0.0) for c in cums])
            return cums[7], btop + dt, bbot + db
        _, btop, bbot = scan_out
        t_top = _LO + btop * _INV
        t_bot = _LO + (bbot + 1.0) * _INV

        @plsc.parallel_loop(0, _N, step=8, carry=(zeros, zeros))
        def pass_b(e, carry):
            s1, s2 = carry
            r1, r2 = [], []
            for u in range(8):
                v = plsc.load_gather(buf, [lanes, esplat(e + u)])
                r1.append(jnp.maximum(v - t_top, 0.0))
                r2.append(jnp.maximum(t_bot - v, 0.0))
            return s1 + _tree(r1), s2 + _tree(r2)
        s1, s2 = pass_b
        dma_rows(g + 3, bn, 11, 16)

        out = (t_top + s1 * (1.0 / _K)
               + _ALPHA * (t_bot - s2 * (1.0 / _K)))
        outv[pl.ds(g * 16, 16)] = out

    def outer(i, _):
        for b in range(4):
            group_body(i * 4 + b, b)
        return 0
    lax.fori_loop(0, _GROUPS // 4, outer, 0)

    pltpu.sync_copy(outv, out_hbm.at[pl.ds(row0, _RPW)])


@jax.jit
def _wildcat_sc(flat):
    mesh = plsc.VectorSubcoreMesh(core_axis_name="c", subcore_axis_name="s")
    k = functools.partial(
        pl.kernel,
        mesh=mesh,
        compiler_params=pltpu.CompilerParams(use_tc_tiling_on_sc=False,
                                             needs_layout_passes=False),
        out_type=jax.ShapeDtypeStruct((_ROWS,), jnp.float32),
        scratch_types=[
            pltpu.VMEM((16, _PAD), jnp.float32),
            pltpu.VMEM((16, _PAD), jnp.float32),
            pltpu.VMEM((16, _PAD), jnp.float32),
            pltpu.VMEM((16, _PAD), jnp.float32),
            pltpu.VMEM((_NBUCK * 16,), jnp.float32),
            pltpu.VMEM((_RPW,), jnp.float32),
            pltpu.SemaphoreType.DMA,
            pltpu.SemaphoreType.DMA,
            pltpu.SemaphoreType.DMA,
            pltpu.SemaphoreType.DMA,
        ],
    )(_sc_body)
    return k(flat)


def kernel(input):
    b, c, h, w = input.shape
    flat = input.reshape(b * c, h * w)
    return _wildcat_sc(flat).reshape(b, c)

# --- scband reference (transcript-rebuilt; emitter-appended) ---
"""Pipeline reference for scband-wildcat-pool2d-6794638262969 (READ-ONLY COPY).

The authoritative reference and input builder live on the scoring server;
editing this copy changes nothing except your own understanding.
"""

import jax, jax.numpy as jnp
import numpy as np

KMAX = 0.2
KMIN = 0.2
ALPHA = 0.7


def _get_positive_k(k, n):
    if k <= 0:
        return 0
    elif k < 1:
        return round(k * n)
    elif k > n:
        return int(n)
    else:
        return int(k)


def setup_inputs(seed: int = 0) -> dict:
    key = jax.random.key(seed)
    x = jax.random.normal(key, (64, 768, 32, 32), dtype=jnp.float32)
    return {"input": x}


def reference(input):
    b, c, h, w = input.shape
    n = h * w
    kmax = _get_positive_k(KMAX, n)
    kmin = _get_positive_k(KMIN, n)
    flat = input.reshape(b, c, n)
    # descending sort along region axis
    sorted_desc = jnp.sort(flat, axis=2)[..., ::-1]
    activations_max = sorted_desc[..., :kmax]
    output = activations_max.sum(axis=2) / kmax
    if kmin > 0 and ALPHA != 0:
        activations_min = sorted_desc[..., n - kmin:]
        output = output + activations_min.sum(axis=2) * (ALPHA / kmin)
    return output

if __name__ == "__main__":
    import jax
    _d = setup_inputs()
    print(jax.jit(kernel)(*tuple(_d.values())))

</pallas_src>

<mosaic_0001>
#map = affine_map<(d0, d1) -> (0, 0)>
#map1 = affine_map<(d0, d1) -> (0)>
module attributes {stable_mosaic.version = 14 : i64} {
  func.func @_sc_body(%arg0: i32, %arg1: i32, %arg2: memref<49152x1024xf32, #tpu.memory_space<hbm>>, %arg3: memref<49152xf32, #tpu.memory_space<hbm>>, %arg4: memref<16x1040xf32, #tpu.memory_space<vmem>>, %arg5: memref<16x1040xf32, #tpu.memory_space<vmem>>, %arg6: memref<16x1040xf32, #tpu.memory_space<vmem>>, %arg7: memref<16x1040xf32, #tpu.memory_space<vmem>>, %arg8: memref<8192xf32, #tpu.memory_space<vmem>>, %arg9: memref<1536xf32, #tpu.memory_space<vmem>>, %arg10: memref<!tpu.dma_semaphore, #tpu.memory_space<semaphore_mem>>, %arg11: memref<!tpu.dma_semaphore, #tpu.memory_space<semaphore_mem>>, %arg12: memref<!tpu.dma_semaphore, #tpu.memory_space<semaphore_mem>>, %arg13: memref<!tpu.dma_semaphore, #tpu.memory_space<semaphore_mem>>) attributes {dimension_semantics = [#tpu.dimension_semantics<core_parallel>, #tpu.dimension_semantics<subcore_parallel>], iteration_bounds = array<i64: 2, 16>, scalar_prefetch = 0 : i64, scratch_operands = 10 : i64, tpu.core_type = #tpu.core_type<sc_vector_subcore>, window_params = [{transform_indices = #map}, {transform_indices = #map1}]} {
    %mul3A = arith.constant 2 : i32
    %mul3A_0 = arith.muli %arg1, %mul3A : i32
    %add3A = arith.addi %mul3A_0, %arg0 : i32
    %mul3A_1 = arith.constant 1536 : i32
    %mul3A_2 = arith.muli %add3A, %mul3A_1 : i32
    %iota3A = tpu.iota {dimensions = array<i32: 0>} : vector<16xi32>
    %broadcast_in_dim3A = arith.constant 1.000000e+00 : f32
    %broadcast_in_dim3A_3 = vector.broadcast %broadcast_in_dim3A : f32 to vector<16xf32>
    %broadcast_in_dim3A_4 = arith.constant 0.000000e+00 : f32
    %broadcast_in_dim3A_5 = vector.broadcast %broadcast_in_dim3A_4 : f32 to vector<16xf32>
    %parallel_loop3A = arith.constant 0 : i32
    %parallel_loop3A_6 = arith.constant 512 : i32
    %parallel_loop3A_7 = arith.constant 1 : i32
    scf.for %parallel_loop3A_685 = %parallel_loop3A to %parallel_loop3A_6 step %parallel_loop3A_7  : i32 {
      %parallel_loop3A_686 = arith.constant 16 : i32
      %parallel_loop3A_687 = arith.muli %parallel_loop3A_685, %parallel_loop3A_686 : i32
      %parallel_loop3A_688 = arith.index_cast %parallel_loop3A_687 : i32 to index
      %parallel_loop3A_689 = tpu.vector_load %arg8[%parallel_loop3A_688] {strides = array<i32>} : memref<8192xf32, #tpu.memory_space<vmem>>, vector<16xf32>,
      tpu.vector_store %arg8[%parallel_loop3A_688], %broadcast_in_dim3A_5 {strides = array<i32>} : memref<8192xf32, #tpu.memory_space<vmem>>, vector<16xf32>,
    } {sc.loop_unroll_factor = 8 : i64, sc.parallel_access}
    %add3A_8 = arith.constant 0 : i32
    %add3A_9 = arith.addi %mul3A_2, %add3A_8 : i32
    %add3A_10 = arith.constant 0 : i32
    %add3A_11 = arith.addi %add3A_9, %add3A_10 : i32
    %dma_start3A = arith.constant 0 : i32
    %dma_start3A_12 = arith.constant 0 : i32
    %dma_start3A_13 = tpu.memref_slice %arg4[%dma_start3A, %dma_start3A_12] : memref<16x1040xf32, #tpu.memory_space<vmem>> -> memref<1x1024xf32, #tpu.memory_space<vmem>>
    %dma_start3A_14 = arith.constant 0 : i32
    %dma_start3A_15 = tpu.memref_slice %arg2[%add3A_11, %dma_start3A_14] : memref<49152x1024xf32, #tpu.memory_space<hbm>> -> memref<1x1024xf32, #tpu.memory_space<hbm>>
    %dma_start3A_16 = arith.constant 0 : i32
    %dma_start3A_17 = arith.constant 0 : i32
    %dma_start3A_18 = tpu.memref_slice %arg4[%dma_start3A_16, %dma_start3A_17] : memref<16x1040xf32, #tpu.memory_space<vmem>> -> memref<1x1024xf32, #tpu.memory_space<vmem>>
    %dma_start3A_19 = arith.constant 0 : i32
    %dma_start3A_20 = tpu.memref_slice %arg2[%add3A_11, %dma_start3A_19] : memref<49152x1024xf32, #tpu.memory_space<hbm>> -> memref<1x1024xf32, #tpu.memory_space<hbm>>
    tpu.enqueue_dma source(%dma_start3A_20 : memref<1x1024xf32, #tpu.memory_space<hbm>>) target(%dma_start3A_18 : memref<1x1024xf32, #tpu.memory_space<vmem>>) target_semaphore(%arg10 : memref<!tpu.dma_semaphore, #tpu.memory_space<semaphore_mem>>)
    %add3A_21 = arith.constant 0 : i32
    %add3A_22 = arith.addi %mul3A_2, %add3A_21 : i32
    %add3A_23 = arith.constant 1 : i32
    %add3A_24 = arith.addi %add3A_22, %add3A_23 : i32
    %dma_start3A_25 = arith.constant 1 : i32
    %dma_start3A_26 = arith.constant 0 : i32
    %dma_start3A_27 = tpu.memref_slice %arg4[%dma_start3A_25, %dma_start3A_26] : memref<16x1040xf32, #tpu.memory_space<vmem>> -> memref<1x1024xf32, #tpu.memory_space<vmem>>
    %dma_start3A_28 = arith.constant 0 : i32
    %dma_start3A_29 = tpu.memref_slice %arg2[%add3A_24, %dma_start3A_28] : memref<49152x1024xf32, #tpu.memory_space<hbm>> -> memref<1x1024xf32, #tpu.memory_space<hbm>>
    %dma_start3A_30 = arith.constant 1 : i32
    %dma_start3A_31 = arith.constant 0 : i32
    %dma_start3A_32 = tpu.memref_slice %arg4[%dma_start3A_30, %dma_start3A_31] : memref<16x1040xf32, #tpu.memory_space<vmem>> -> memref<1x1024xf32, #tpu.memory_space<vmem>>
    %dma_start3A_33 = arith.constant 0 : i32
    %dma_start3A_34 = tpu.memref_slice %arg2[%add3A_24, %dma_start3A_33] : memref<49152x1024xf32, #tpu.memory_space<hbm>> -> memref<1x1024xf32, #tpu.memory_space<hbm>>
    tpu.enqueue_dma source(%dma_start3A_34 : memref<1x1024xf32, #tpu.memory_space<hbm>>) target(%dma_start3A_32 : memref<1x1024xf32, #tpu.memory_space<vmem>>) target_semaphore(%arg10 : memref<!tpu.dma_semaphore, #tpu.memory_space<semaphore_mem>>)
    %add3A_35 = arith.constant 0 : i32
    %add3A_36 = arith.addi %mul3A_2, %add3A_35 : i32
    %add3A_37 = arith.constant 2 : i32
    %add3A_38 = arith.addi %add3A_36, %add3A_37 : i32
    %dma_start3A_39 = arith.constant 2 : i32
    %dma_start3A_40 = arith.constant 0 : i32
    %dma_start3A_41 = tpu.memref_slice %arg4[%dma_start3A_39, %dma_start3A_40] : memref<16x1040xf32, #tpu.memory_space<vmem>> -> memref<1x1024xf32, #tpu.memory_space<vmem>>
    %dma_start3A_42 = arith.constant 0 : i32
    %dma_start3A_43 = tpu.memref_slice %arg2[%add3A_38, %dma_start3A_42] : memref<49152x1024xf32, #tpu.memory_space<hbm>> -> memref<1x1024xf32, #tpu.memory_space<hbm>>
    %dma_start3A_44 = arith.constant 2 : i32
    %dma_start3A_45 = arith.constant 0 : i32
    %dma_start3A_46 = tpu.memref_slice %arg4[%dma_start3A_44, %dma_start3A_45] : memref<16x1040xf32, #tpu.memory_space<vmem>> -> memref<1x1024xf32, #tpu.memory_space<vmem>>
    %dma_start3A_47 = arith.constant 0 : i32
    %dma_start3A_48 = tpu.memref_slice %arg2[%add3A_38, %dma_start3A_47] : memref<49152x1024xf32, #tpu.memory_space<hbm>> -> memref<1x1024xf32, #tpu.memory_space<hbm>>
    tpu.enqueue_dma source(%dma_start3A_48 : memref<1x1024xf32, #tpu.memory_space<hbm>>) target(%dma_start3A_46 : memref<1x1024xf32, #tpu.memory_space<vmem>>) target_semaphore(%arg10 : memref<!tpu.dma_semaphore, #tpu.memory_space<semaphore_mem>>)
    %add3A_49 = arith.constant 0 : i32
    %add3A_50 = arith.addi %mul3A_2, %add3A_49 : i32
    %add3A_51 = arith.constant 3 : i32
    %add3A_52 = arith.addi %add3A_50, %add3A_51 : i32
    %dma_start3A_53 = arith.constant 3 : i32
    %dma_start3A_54 = arith.constant 0 : i32
    %dma_start3A_55 = tpu.memref_slice %arg4[%dma_start3A_53, %dma_start3A_54] : memref<16x1040xf32, #tpu.memory_space<vmem>> -> memref<1x1024xf32, #tpu.memory_space<vmem>>
    %dma_start3A_56 = arith.constant 0 : i32
    %dma_start3A_57 = tpu.memref_slice %arg2[%add3A_52, %dma_start3A_56] : memref<49152x1024xf32, #tpu.memory_space<hbm>> -> memref<1x1024xf32, #tpu.memory_space<hbm>>
    %dma_start3A_58 = arith.constant 3 : i32
    %dma_start3A_59 = arith.constant 0 : i32
    %dma_start3A_60 = tpu.memref_slice %arg4[%dma_start3A_58, %dma_start3A_59] : memref<16x1040xf32, #tpu.memory_space<vmem>> -> memref<1x1024xf32, #tpu.memory_space<vmem>>
    %dma_start3A_61 = arith.constant 0 : i32
    %dma_start3A_62 = tpu.memref_slice %arg2[%add3A_52, %dma_start3A_61] : memref<49152x1024xf32, #tpu.memory_space<hbm>> -> memref<1x1024xf32, #tpu.memory_space<hbm>>
    tpu.enqueue_dma source(%dma_start3A_62 : memref<1x1024xf32, #tpu.memory_space<hbm>>) target(%dma_start3A_60 : memref<1x1024xf32, #tpu.memory_space<vmem>>) target_semaphore(%arg10 : memref<!tpu.dma_semaphore, #tpu.memory_space<semaphore_mem>>)
    %add3A_63 = arith.constant 0 : i32
    %add3A_64 = arith.addi %mul3A_2, %add3A_63 : i32
    %add3A_65 = arith.constant 4 : i32
    %add3A_66 = arith.addi %add3A_64, %add3A_65 : i32
    %dma_start3A_67 = arith.constant 4 : i32
    %dma_start3A_68 = arith.constant 0 : i32
    %dma_start3A_69 = tpu.memref_slice %arg4[%dma_start3A_67, %dma_start3A_68] : memref<16x1040xf32, #tpu.memory_space<vmem>> -> memref<1x1024xf32, #tpu.memory_space<vmem>>
    %dma_start3A_70 = arith.constant 0 : i32
    %dma_start3A_71 = tpu.memref_slice %arg2[%add3A_66, %dma_start3A_70] : memref<49152x1024xf32, #tpu.memory_space<hbm>> -> memref<1x1024xf32, #tpu.memory_space<hbm>>
    %dma_start3A_72 = arith.constant 4 : i32
    %dma_start3A_73 = arith.constant 0 : i32
    %dma_start3A_74 = tpu.memref_slice %arg4[%dma_start3A_72, %dma_start3A_73] : memref<16x1040xf32, #tpu.memory_space<vmem>> -> memref<1x1024xf32, #tpu.memory_space<vmem>>
    %dma_start3A_75 = arith.constant 0 : i32
    %dma_start3A_76 = tpu.memref_slice %arg2[%add3A_66, %dma_start3A_75] : memref<49152x1024xf32, #tpu.memory_space<hbm>> -> memref<1x1024xf32, #tpu.memory_space<hbm>>
    tpu.enqueue_dma source(%dma_start3A_76 : memref<1x1024xf32, #tpu.memory_space<hbm>>) target(%dma_start3A_74 : memref<1x1024xf32, #tpu.memory_space<vmem>>) target_semaphore(%arg10 : memref<!tpu.dma_semaphore, #tpu.memory_space<semaphore_mem>>)
    %add3A_77 = arith.constant 0 : i32
    %add3A_78 = arith.addi %mul3A_2, %add3A_77 : i32
    %add3A_79 = arith.constant 5 : i32
    %add3A_80 = arith.addi %add3A_78, %add3A_79 : i32
    %dma_start3A_81 = arith.constant 5 : i32
    %dma_start3A_82 = arith.constant 0 : i32
    %dma_start3A_83 = tpu.memref_slice %arg4[%dma_start3A_81, %dma_start3A_82] : memref<16x1040xf32, #tpu.memory_space<vmem>> -> memref<1x1024xf32, #tpu.memory_space<vmem>>
    %dma_start3A_84 = arith.constant 0 : i32
    %dma_start3A_85 = tpu.memref_slice %arg2[%add3A_80, %dma_start3A_84] : memref<49152x1024xf32, #tpu.memory_space<hbm>> -> memref<1x1024xf32, #tpu.memory_space<hbm>>
    %dma_start3A_86 = arith.constant 5 : i32
    %dma_start3A_87 = arith.constant 0 : i32
    %dma_start3A_88 = tpu.memref_slice %arg4[%dma_start3A_86, %dma_start3A_87] : memref<16x1040xf32, #tpu.memory_space<vmem>> -> memref<1x1024xf32, #tpu.memory_space<vmem>>
    %dma_start3A_89 = arith.constant 0 : i32
    %dma_start3A_90 = tpu.memref_slice %arg2[%add3A_80, %dma_start3A_89] : memref<49152x1024xf32, #tpu.memory_space<hbm>> -> memref<1x1024xf32, #tpu.memory_space<hbm>>
    tpu.enqueue_dma source(%dma_start3A_90 : memref<1x1024xf32, #tpu.memory_space<hbm>>) target(%dma_start3A_88 : memref<1x1024xf32, #tpu.memory_space<vmem>>) target_semaphore(%arg10 : memref<!tpu.dma_semaphore, #tpu.memory_space<semaphore_mem>>)
    %add3A_91 = arith.constant 0 : i32
    %add3A_92 = arith.addi %mul3A_2, %add3A_91 : i32
    %add3A_93 = arith.constant 6 : i32
    %add3A_94 = arith.addi %add3A_92, %add3A_93 : i32
    %dma_start3A_95 = arith.constant 6 : i32
    %dma_start3A_96 = arith.constant 0 : i32
    %dma_start3A_97 = tpu.memref_slice %arg4[%dma_start3A_95, %dma_start3A_96] : memref<16x1040xf32, #tpu.memory_space<vmem>> -> memref<1x1024xf32, #tpu.memory_space<vmem>>
    %dma_start3A_98 = arith.constant 0 : i32
    %dma_start3A_99 = tpu.memref_slice %arg2[%add3A_94, %dma_start3A_98] : memref<49152x1024xf32, #tpu.memory_space<hbm>> -> memref<1x1024xf32, #tpu.memory_space<hbm>>
    %dma_start3A_100 = arith.constant 6 : i32
    %dma_start3A_101 = arith.constant 0 : i32
    %dma_start3A_102 = tpu.memref_slice %arg4[%dma_start3A_100, %dma_start3A_101] : memref<16x1040xf32, #tpu.memory_space<vmem>> -> memref<1x1024xf32, #tpu.memory_space<vmem>>
    %dma_start3A_103 = arith.constant 0 : i32
    %dma_start3A_104 = tpu.memref_slice %arg2[%add3A_94, %dma_start3A_103] : memref<49152x1024xf32, #tpu.memory_space<hbm>> -> memref<1x1024xf32, #tpu.memory_space<hbm>>
    tpu.enqueue_dma source(%dma_start3A_104 : memref<1x1024xf32, #tpu.memory_space<hbm>>) target(%dma_start3A_102 : memref<1x1024xf32, #tpu.memory_space<vmem>>) target_semaphore(%arg10 : memref<!tpu.dma_semaphore, #tpu.memory_space<semaphore_mem>>)
    %add3A_105 = arith.constant 0 : i32
    %add3A_106 = arith.addi %mul3A_2, %add3A_105 : i32
    %add3A_107 = arith.constant 7 : i32
    %add3A_108 = arith.addi %add3A_106, %add3A_107 : i32
    %dma_start3A_109 = arith.constant 7 : i32
    %dma_start3A_110 = arith.constant 0 : i32
    %dma_start3A_111 = tpu.memref_slice %arg4[%dma_start3A_109, %dma_start3A_110] : memref<16x1040xf32, #tpu.memory_space<vmem>> -> memref<1x1024xf32, #tpu.memory_space<vmem>>
    %dma_start3A_112 = arith.constant 0 : i32
    %dma_start3A_113 = tpu.memref_slice %arg2[%add3A_108, %dma_start3A_112] : memref<49152x1024xf32, #tpu.memory_space<hbm>> -> memref<1x1024xf32, #tpu.memory_space<hbm>>
    %dma_start3A_114 = arith.constant 7 : i32
    %dma_start3A_115 = arith.constant 0 : i32
    %dma_start3A_116 = tpu.memref_slice %arg4[%dma_start3A_114, %dma_start3A_115] : memref<16x1040xf32, #tpu.memory_space<vmem>> -> memref<1x1024xf32, #tpu.memory_space<vmem>>
    %dma_start3A_117 = arith.constant 0 : i32
    %dma_start3A_118 = tpu.memref_slice %arg2[%add3A_108, %dma_start3A_117] : memref<49152x1024xf32, #tpu.memory_space<hbm>> -> memref<1x1024xf32, #tpu.memory_space<hbm>>
    tpu.enqueue_dma source(%dma_start3A_118 : memref<1x1024xf32, #tpu.memory_space<hbm>>) target(%dma_start3A_116 : memref<1x1024xf32, #tpu.memory_space<vmem>>) target_semaphore(%arg10 : memref<!tpu.dma_semaphore, #tpu.memory_space<semaphore_mem>>)
    %add3A_119 = arith.constant 0 : i32
    %add3A_120 = arith.addi %mul3A_2, %add3A_119 : i32
    %add3A_121 = arith.constant 8 : i32
    %add3A_122 = arith.addi %add3A_120, %add3A_121 : i32
    %dma_start3A_123 = arith.constant 8 : i32
    %dma_start3A_124 = arith.constant 0 : i32
    %dma_start3A_125 = tpu.memref_slice %arg4[%dma_start3A_123, %dma_start3A_124] : memref<16x1040xf32, #tpu.memory_space<vmem>> -> memref<1x1024xf32, #tpu.memory_space<vmem>>
    %dma_start3A_126 = arith.constant 0 : i32
    %dma_start3A_127 = tpu.memref_slice %arg2[%add3A_122, %dma_start3A_126] : memref<49152x1024xf32, #tpu.memory_space<hbm>> -> memref<1x1024xf32, #tpu.memory_space<hbm>>
    %dma_start3A_128 = arith.constant 8 : i32
    %dma_start3A_129 = arith.constant 0 : i32
    %dma_start3A_130 = tpu.memref_slice %arg4[%dma_start3A_128, %dma_start3A_129] : memref<16x1040xf32, #tpu.memory_space<vmem>> -> memref<1x1024xf32, #tpu.memory_space<vmem>>
    %dma_start3A_131 = arith.constant 0 : i32
    %dma_start3A_132 = tpu.memref_slice %arg2[%add3A_122, %dma_start3A_131] : memref<49152x1024xf32, #tpu.memory_space<hbm>> -> memref<1x1024xf32, #tpu.memory_space<hbm>>
    tpu.enqueue_dma source(%dma_start3A_132 : memref<1x1024xf32, #tpu.memory_space<hbm>>) target(%dma_start3A_130 : memref<1x1024xf32, #tpu.memory_space<vmem>>) target_semaphore(%arg10 : memref<!tpu.dma_semaphore, #tpu.memory_space<semaphore_mem>>)
    %add3A_133 = arith.constant 0 : i32
    %add3A_134 = arith.addi %mul3A_2, %add3A_133 : i32
    %add3A_135 = arith.constant 9 : i32
    %add3A_136 = arith.addi %add3A_134, %add3A_135 : i32
    %dma_start3A_137 = arith.constant 9 : i32
    %dma_start3A_138 = arith.constant 0 : i32
    %dma_start3A_139 = tpu.memref_slice %arg4[%dma_start3A_137, %dma_start3A_138] : memref<16x1040xf32, #tpu.memory_space<vmem>> -> memref<1x1024xf32, #tpu.memory_space<vmem>>
    %dma_start3A_140 = arith.constant 0 : i32
    %dma_start3A_141 = tpu.memref_slice %arg2[%add3A_136, %dma_start3A_140] : memref<49152x1024xf32, #tpu.memory_space<hbm>> -> memref<1x1024xf32, #tpu.memory_space<hbm>>
    %dma_start3A_142 = arith.constant 9 : i32
    %dma_start3A_143 = arith.constant 0 : i32
    %dma_start3A_144 = tpu.memref_slice %arg4[%dma_start3A_142, %dma_start3A_143] : memref<16x1040xf32, #tpu.memory_space<vmem>> -> memref<1x1024xf32, #tpu.memory_space<vmem>>
    %dma_start3A_145 = arith.constant 0 : i32
    %dma_start3A_146 = tpu.memref_slice %arg2[%add3A_136, %dma_start3A_145] : memref<49152x1024xf32, #tpu.memory_space<hbm>> -> memref<1x1024xf32, #tpu.memory_space<hbm>>
    tpu.enqueue_dma source(%dma_start3A_146 : memref<1x1024xf32, #tpu.memory_space<hbm>>) target(%dma_start3A_144 : memref<1x1024xf32, #tpu.memory_space<vmem>>) target_semaphore(%arg10 : memref<!tpu.dma_semaphore, #tpu.memory_space<semaphore_mem>>)
    %add3A_147 = arith.constant 0 : i32
    %add3A_148 = arith.addi %mul3A_2, %add3A_147 : i32
    %add3A_149 = arith.constant 10 : i32
    %add3A_150 = arith.addi %add3A_148, %add3A_149 : i32
    %dma_start3A_151 = arith.constant 10 : i32
    %dma_start3A_152 = arith.constant 0 : i32
    %dma_start3A_153 = tpu.memref_slice %arg4[%dma_start3A_151, %dma_start3A_152] : memref<16x1040xf32, #tpu.memory_space<vmem>> -> memref<1x1024xf32, #tpu.memory_space<vmem>>
    %dma_start3A_154 = arith.constant 0 : i32
    %dma_start3A_155 = tpu.memref_slice %arg2[%add3A_150, %dma_start3A_154] : memref<49152x1024xf32, #tpu.memory_space<hbm>> -> memref<1x1024xf32, #tpu.memory_space<hbm>>
    %dma_start3A_156 = arith.constant 10 : i32
    %dma_start3A_157 = arith.constant 0 : i32
    %dma_start3A_158 = tpu.memref_slice %arg4[%dma_start3A_156, %dma_start3A_157] : memref<16x1040xf32, #tpu.memory_space<vmem>> -> memref<1x1024xf32, #tpu.memory_space<vmem>>
    %dma_start3A_159 = arith.constant 0 : i32
    %dma_start3A_160 = tpu.memref_slice %arg2[%add3A_150, %dma_start3A_159] : memref<49152x1024xf32, #tpu.memory_space<hbm>> -> memref<1x1024xf32, #tpu.memory_space<hbm>>
    tpu.enqueue_dma source(%dma_start3A_160 : memref<1x1024xf32, #tpu.memory_space<hbm>>) target(%dma_start3A_158 : memref<1x1024xf32, #tpu.memory_space<vmem>>) target_semaphore(%arg10 : memref<!tpu.dma_semaphore, #tpu.memory_space<semaphore_mem>>)
    %add3A_161 = arith.constant 0 : i32
    %add3A_162 = arith.addi %mul3A_2, %add3A_161 : i32
    %add3A_163 = arith.constant 11 : i32
    %add3A_164 = arith.addi %add3A_162, %add3A_163 : i32
    %dma_start3A_165 = arith.constant 11 : i32
    %dma_start3A_166 = arith.constant 0 : i32
    %dma_start3A_167 = tpu.memref_slice %arg4[%dma_start3A_165, %dma_start3A_166] : memref<16x1040xf32, #tpu.memory_space<vmem>> -> memref<1x1024xf32, #tpu.memory_space<vmem>>
    %dma_start3A_168 = arith.constant 0 : i32
    %dma_start3A_169 = tpu.memref_slice %arg2[%add3A_164, %dma_start3A_168] : memref<49152x1024xf32, #tpu.memory_space<hbm>> -> memref<1x1024xf32, #tpu.memory_space<hbm>>
    %dma_start3A_170 = arith.constant 11 : i32
    %dma_start3A_171 = arith.constant 0 : i32
    %dma_start3A_172 = tpu.memref_slice %arg4[%dma_start3A_170, %dma_start3A_171] : memref<16x1040xf32, #tpu.memory_space<vmem>> -> memref<1x1024xf32, #tpu.memory_space<vmem>>
    %dma_start3A_173 = arith.constant 0 : i32
    %dma_start3A_174 = tpu.memref_slice %arg2[%add3A_164, %dma_start3A_173] : memref<49152x1024xf32, #tpu.memory_space<hbm>> -> memref<1x1024xf32, #tpu.memory_space<hbm>>
    tpu.enqueue_dma source(%dma_start3A_174 : memref<1x1024xf32, #tpu.memory_space<hbm>>) target(%dma_start3A_172 : memref<1x1024xf32, #tpu.memory_space<vmem>>) target_semaphore(%arg10 : memref<!tpu.dma_semaphore, #tpu.memory_space<semaphore_mem>>)
    %add3A_175 = arith.constant 0 : i32
    %add3A_176 = arith.addi %mul3A_2, %add3A_175 : i32
    %add3A_177 = arith.constant 12 : i32
    %add3A_178 = arith.addi %add3A_176, %add3A_177 : i32
    %dma_start3A_179 = arith.constant 12 : i32
    %dma_start3A_180 = arith.constant 0 : i32
    %dma_start3A_181 = tpu.memref_slice %arg4[%dma_start3A_179, %dma_start3A_180] : memref<16x1040xf32, #tpu.memory_space<vmem>> -> memref<1x1024xf32, #tpu.memory_space<vmem>>
    %dma_start3A_182 = arith.constant 0 : i32
    %dma_start3A_183 = tpu.memref_slice %arg2[%add3A_178, %dma_start3A_182] : memref<49152x1024xf32, #tpu.memory_space<hbm>> -> memref<1x1024xf32, #tpu.memory_space<hbm>>
    %dma_start3A_184 = arith.constant 12 : i32
    %dma_start3A_185 = arith.constant 0 : i32
    %dma_start3A_186 = tpu.memref_slice %arg4[%dma_start3A_184, %dma_start3A_185] : memref<16x1040xf32, #tpu.memory_space<vmem>> -> memref<1x1024xf32, #tpu.memory_space<vmem>>
    %dma_start3A_187 = arith.constant 0 : i32
    %dma_start3A_188 = tpu.memref_slice %arg2[%add3A_178, %dma_start3A_187] : memref<49152x1024xf32, #tpu.memory_space<hbm>> -> memref<1x1024xf32, #tpu.memory_space<hbm>>
    tpu.enqueue_dma source(%dma_start3A_188 : memref<1x1024xf32, #tpu.memory_space<hbm>>) target(%dma_start3A_186 : memref<1x1024xf32, #tpu.memory_space<vmem>>) target_semaphore(%arg10 : memref<!tpu.dma_semaphore, #tpu.memory_space<semaphore_mem>>)
    %add3A_189 = arith.constant 0 : i32
    %add3A_190 = arith.addi %mul3A_2, %add3A_189 : i32
    %add3A_191 = arith.constant 13 : i32
    %add3A_192 = arith.addi %add3A_190, %add3A_191 : i32
    %dma_start3A_193 = arith.constant 13 : i32
    %dma_start3A_194 = arith.constant 0 : i32
    %dma_start3A_195 = tpu.memref_slice %arg4[%dma_start3A_193, %dma_start3A_194] : memref<16x1040xf32, #tpu.memory_space<vmem>> -> memref<1x1024xf32, #tpu.memory_space<vmem>>
    %dma_start3A_196 = arith.constant 0 : i32
    %dma_start3A_197 = tpu.memref_slice %arg2[%add3A_192, %dma_start3A_196] : memref<49152x1024xf32, #tpu.memory_space<hbm>> -> memref<1x1024xf32, #tpu.memory_space<hbm>>
    %dma_start3A_198 = arith.constant 13 : i32
    %dma_start3A_199 = arith.constant 0 : i32
    %dma_start3A_200 = tpu.memref_slice %arg4[%dma_start3A_198, %dma_start3A_199] : memref<16x1040xf32, #tpu.memory_space<vmem>> -> memref<1x1024xf32, #tpu.memory_space<vmem>>
    %dma_start3A_201 = arith.constant 0 : i32
    %dma_start3A_202 = tpu.memref_slice %arg2[%add3A_192, %dma_start3A_201] : memref<49152x1024xf32, #tpu.memory_space<hbm>> -> memref<1x1024xf32, #tpu.memory_space<hbm>>
    tpu.enqueue_dma source(%dma_start3A_202 : memref<1x1024xf32, #tpu.memory_space<hbm>>) target(%dma_start3A_200 : memref<1x1024xf32, #tpu.memory_space<vmem>>) target_semaphore(%arg10 : memref<!tpu.dma_semaphore, #tpu.memory_space<semaphore_mem>>)
    %add3A_203 = arith.constant 0 : i32
    %add3A_204 = arith.addi %mul3A_2, %add3A_203 : i32
    %add3A_205 = arith.constant 14 : i32
    %add3A_206 = arith.addi %add3A_204, %add3A_205 : i32
    %dma_start3A_207 = arith.constant 14 : i32
    %dma_start3A_208 = arith.constant 0 : i32
    %dma_start3A_209 = tpu.memref_slice %arg4[%dma_start3A_207, %dma_start3A_208] : memref<16x1040xf32, #tpu.memory_space<vmem>> -> memref<1x1024xf32, #tpu.memory_space<vmem>>
    %dma_start3A_210 = arith.constant 0 : i32
    %dma_start3A_211 = tpu.memref_slice %arg2[%add3A_206, %dma_start3A_210] : memref<49152x1024xf32, #tpu.memory_space<hbm>> -> memref<1x1024xf32, #tpu.memory_space<hbm>>
    %dma_start3A_212 = arith.constant 14 : i32
    %dma_start3A_213 = arith.constant 0 : i32
    %dma_start3A_214 = tpu.memref_slice %arg4[%dma_start3A_212, %dma_start3A_213] : memref<16x1040xf32, #tpu.memory_space<vmem>> -> memref<1x1024xf32, #tpu.memory_space<vmem>>
    %dma_start3A_215 = arith.constant 0 : i32
    %dma_start3A_216 = tpu.memref_slice %arg2[%add3A_206, %dma_start3A_215] : memref<49152x1024xf32, #tpu.memory_space<hbm>> -> memref<1x1024xf32, #tpu.memory_space<hbm>>
    tpu.enqueue_dma source(%dma_start3A_216 : memref<1x1024xf32, #tpu.memory_space<hbm>>) target(%dma_start3A_214 : memref<1x1024xf32, #tpu.memory_space<vmem>>) target_semaphore(%arg10 : memref<!tpu.dma_semaphore, #tpu.memory_space<semaphore_mem>>)
    %add3A_217 = arith.constant 0 : i32
    %add3A_218 = arith.addi %mul3A_2, %add3A_217 : i32
    %add3A_219 = arith.constant 15 : i32
    %add3A_220 = arith.addi %add3A_218, %add3A_219 : i32
    %dma_start3A_221 = arith.constant 15 : i32
    %dma_start3A_222 = arith.constant 0 : i32
    %dma_start3A_223 = tpu.memref_slice %arg4[%dma_start3A_221, %dma_start3A_222] : memref<16x1040xf32, #tpu.memory_space<vmem>> -> memref<1x1024xf32, #tpu.memory_space<vmem>>
    %dma_start3A_224 = arith.constant 0 : i32
    %dma_start3A_225 = tpu.memref_slice %arg2[%add3A_220, %dma_start3A_224] : memref<49152x1024xf32, #tpu.memory_space<hbm>> -> memref<1x1024xf32, #tpu.memory_space<hbm>>
    %dma_start3A_226 = arith.constant 15 : i32
    %dma_start3A_227 = arith.constant 0 : i32
    %dma_start3A_228 = tpu.memref_slice %arg4[%dma_start3A_226, %dma_start3A_227] : memref<16x1040xf32, #tpu.memory_space<vmem>> -> memref<1x1024xf32, #tpu.memory_space<vmem>>
    %dma_start3A_229 = arith.constant 0 : i32
    %dma_start3A_230 = tpu.memref_slice %arg2[%add3A_220, %dma_start3A_229] : memref<49152x1024xf32, #tpu.memory_space<hbm>> -> memref<1x1024xf32, #tpu.memory_space<hbm>>
    tpu.enqueue_dma source(%dma_start3A_230 : memref<1x1024xf32, #tpu.memory_space<hbm>>) target(%dma_start3A_228 : memref<1x1024xf32, #tpu.memory_space<vmem>>) target_semaphore(%arg10 : memref<!tpu.dma_semaphore, #tpu.memory_space<semaphore_mem>>)
    %add3A_231 = arith.constant 16 : i32
    %add3A_232 = arith.addi %mul3A_2, %add3A_231 : i32
    %add3A_233 = arith.constant 0 : i32
    %add3A_234 = arith.addi %add3A_232, %add3A_233 : i32
    %dma_start3A_235 = arith.constant 0 : i32
    %dma_start3A_236 = arith.constant 0 : i32
    %dma_start3A_237 = tpu.memref_slice %arg5[%dma_start3A_235, %dma_start3A_236] : memref<16x1040xf32, #tpu.memory_space<vmem>> -> memref<1x1024xf32, #tpu.memory_space<vmem>>
    %dma_start3A_238 = arith.constant 0 : i32
    %dma_start3A_239 = tpu.memref_slice %arg2[%add3A_234, %dma_start3A_238] : memref<49152x1024xf32, #tpu.memory_space<hbm>> -> memref<1x1024xf32, #tpu.memory_space<hbm>>
    %dma_start3A_240 = arith.constant 0 : i32
    %dma_start3A_241 = arith.constant 0 : i32
    %dma_start3A_242 = tpu.memref_slice %arg5[%dma_start3A_240, %dma_start3A_241] : memref<16x1040xf32, #tpu.memory_space<vmem>> -> memref<1x1024xf32, #tpu.memory_space<vmem>>
    %dma_start3A_243 = arith.constant 0 : i32
    %dma_start3A_244 = tpu.memref_slice %arg2[%add3A_234, %dma_start3A_243] : memref<49152x1024xf32, #tpu.memory_space<hbm>> -> memref<1x1024xf32, #tpu.memory_space<hbm>>
    tpu.enqueue_dma source(%dma_start3A_244 : memref<1x1024xf32, #tpu.memory_space<hbm>>) target(%dma_start3A_242 : memref<1x1024xf32, #tpu.memory_space<vmem>>) target_semaphore(%arg11 : memref<!tpu.dma_semaphore, #tpu.memory_space<semaphore_mem>>)
    %add3A_245 = arith.constant 16 : i32
    %add3A_246 = arith.addi %mul3A_2, %add3A_245 : i32
    %add3A_247 = arith.constant 1 : i32
    %add3A_248 = arith.addi %add3A_246, %add3A_247 : i32
    %dma_start3A_249 = arith.constant 1 : i32
    %dma_start3A_250 = arith.constant 0 : i32
    %dma_start3A_251 = tpu.memref_slice %arg5[%dma_start3A_249, %dma_start3A_250] : memref<16x1040xf32, #tpu.memory_space<vmem>> -> memref<1x1024xf32, #tpu.memory_space<vmem>>
    %dma_start3A_252 = arith.constant 0 : i32
    %dma_start3A_253 = tpu.memref_slice %arg2[%add3A_248, %dma_start3A_252] : memref<49152x1024xf32, #tpu.memory_space<hbm>> -> memref<1x1024xf32, #tpu.memory_space<hbm>>
    %dma_start3A_254 = arith.constant 1 : i32
    %dma_start3A_255 = arith.constant 0 : i32
    %dma_start3A_256 = tpu.memref_slice %arg5[%dma_start3A_254, %dma_start3A_255] : memref<16x1040xf32, #tpu.memory_space<vmem>> -> memref<1x1024xf32, #tpu.memory_space<vmem>>
    %dma_start3A_257 = arith.constant 0 : i32
    %dma_start3A_258 = tpu.memref_slice %arg2[%add3A_248, %dma_start3A_257] : memref<49152x1024xf32, #tpu.memory_space<hbm>> -> memref<1x1024xf32, #tpu.memory_space<hbm>>
    tpu.enqueue_dma source(%dma_start3A_258 : memref<1x1024xf32, #tpu.memory_space<hbm>>) target(%dma_start3A_256 : memref<1x1024xf32, #tpu.memory_space<vmem>>) target_semaphore(%arg11 : memref<!tpu.dma_semaphore, #tpu.memory_space<semaphore_mem>>)
    %add3A_259 = arith.constant 16 : i32
    %add3A_260 = arith.addi %mul3A_2, %add3A_259 : i32
    %add3A_261 = arith.constant 2 : i32
    %add3A_262 = arith.addi %add3A_260, %add3A_261 : i32
    %dma_start3A_263 = arith.constant 2 : i32
    %dma_start3A_264 = arith.constant 0 : i32
    %dma_start3A_265 = tpu.memref_slice %arg5[%dma_start3A_263, %dma_start3A_264] : memref<16x1040xf32, #tpu.memory_space<vmem>> -> memref<1x1024xf32, #tpu.memory_space<vmem>>
    %dma_start3A_266 = arith.constant 0 : i32
    %dma_start3A_267 = tpu.memref_slice %arg2[%add3A_262, %dma_start3A_266] : memref<49152x1024xf32, #tpu.memory_space<hbm>> -> memref<1x1024xf32, #tpu.memory_space<hbm>>
    %dma_start3A_268 = arith.constant 2 : i32
    %dma_start3A_269 = arith.constant 0 : i32
    %dma_start3A_270 = tpu.memref_slice %arg5[%dma_start3A_268, %dma_start3A_269] : memref<16x1040xf32, #tpu.memory_space<vmem>> -> memref<1x1024xf32, #tpu.memory_space<vmem>>
    %dma_start3A_271 = arith.constant 0 : i32
    %dma_start3A_272 = tpu.memref_slice %arg2[%add3A_262, %dma_start3A_271] : memref<49152x1024xf32, #tpu.memory_space<hbm>> -> memref<1x1024xf32, #tpu.memory_space<hbm>>
    tpu.enqueue_dma source(%dma_start3A_272 : memref<1x1024xf32, #tpu.memory_space<hbm>>) target(%dma_start3A_270 : memref<1x1024xf32, #tpu.memory_space<vmem>>) target_semaphore(%arg11 : memref<!tpu.dma_semaphore, #tpu.memory_space<semaphore_mem>>)
    %add3A_273 = arith.constant 16 : i32
    %add3A_274 = arith.addi %mul3A_2, %add3A_273 : i32
    %add3A_275 = arith.constant 3 : i32
    %add3A_276 = arith.addi %add3A_274, %add3A_275 : i32
    %dma_start3A_277 = arith.constant 3 : i32
    %dma_start3A_278 = arith.constant 0 : i32
    %dma_start3A_279 = tpu.memref_slice %arg5[%dma_start3A_277, %dma_start3A_278] : memref<16x1040xf32, #tpu.memory_space<vmem>> -> memref<1x1024xf32, #tpu.memory_space<vmem>>
    %dma_start3A_280 = arith.constant 0 : i32
    %dma_start3A_281 = tpu.memref_slice %arg2[%add3A_276, %dma_start3A_280] : memref<49152x1024xf32, #tpu.memory_space<hbm>> -> memref<1x1024xf32, #tpu.memory_space<hbm>>
    %dma_start3A_282 = arith.constant 3 : i32
    %dma_start3A_283 = arith.constant 0 : i32
    %dma_start3A_284 = tpu.memref_slice %arg5[%dma_start3A_282, %dma_start3A_283] : memref<16x1040xf32, #tpu.memory_space<vmem>> -> memref<1x1024xf32, #tpu.memory_space<vmem>>
    %dma_start3A_285 = arith.constant 0 : i32
    %dma_start3A_286 = tpu.memref_slice %arg2[%add3A_276, %dma_start3A_285] : memref<49152x1024xf32, #tpu.memory_space<hbm>> -> memref<1x1024xf32, #tpu.memory_space<hbm>>
    tpu.enqueue_dma source(%dma_start3A_286 : memref<1x1024xf32, #tpu.memory_space<hbm>>) target(%dma_start3A_284 : memref<1x1024xf32, #tpu.memory_space<vmem>>) target_semaphore(%arg11 : memref<!tpu.dma_semaphore, #tpu.memory_space<semaphore_mem>>)
    %add3A_287 = arith.constant 16 : i32
    %add3A_288 = arith.addi %mul3A_2, %add3A_287 : i32
    %add3A_289 = arith.constant 4 : i32
    %add3A_290 = arith.addi %add3A_288, %add3A_289 : i32
    %dma_start3A_291 = arith.constant 4 : i32
    %dma_start3A_292 = arith.constant 0 : i32
    %dma_start3A_293 = tpu.memref_slice %arg5[%dma_start3A_291, %dma_start3A_292] : memref<16x1040xf32, #tpu.memory_space<vmem>> -> memref<1x1024xf32, #tpu.memory_space<vmem>>
    %dma_start3A_294 = arith.constant 0 : i32
    %dma_start3A_295 = tpu.memref_slice %arg2[%add3A_290, %dma_start3A_294] : memref<49152x1024xf32, #tpu.memory_space<hbm>> -> memref<1x1024xf32, #tpu.memory_space<hbm>>
    %dma_start3A_296 = arith.constant 4 : i32
    %dma_start3A_297 = arith.constant 0 : i32
    %dma_start3A_298 = tpu.memref_slice %arg5[%dma_start3A_296, %dma_start3A_297] : memref<16x1040xf32, #tpu.memory_space<vmem>> -> memref<1x1024xf32, #tpu.memory_space<vmem>>
    %dma_start3A_299 = arith.constant 0 : i32
    %dma_start3A_300 = tpu.memref_slice %arg2[%add3A_290, %dma_start3A_299] : memref<49152x1024xf32, #tpu.memory_space<hbm>> -> memref<1x1024xf32, #tpu.memory_space<hbm>>
    tpu.enqueue_dma source(%dma_start3A_300 : memref<1x1024xf32, #tpu.memory_space<hbm>>) target(%dma_start3A_298 : memref<1x1024xf32, #tpu.memory_space<vmem>>) target_semaphore(%arg11 : memref<!tpu.dma_semaphore, #tpu.memory_space<semaphore_mem>>)
    %add3A_301 = arith.constant 16 : i32
    %add3A_302 = arith.addi %mul3A_2, %add3A_301 : i32
    %add3A_303 = arith.constant 5 : i32
    %add3A_304 = arith.addi %add3A_302, %add3A_303 : i32
    %dma_start3A_305 = arith.constant 5 : i32
    %dma_start3A_306 = arith.constant 0 : i32
    %dma_start3A_307 = tpu.memref_slice %arg5[%dma_start3A_305, %dma_start3A_306] : memref<16x1040xf32, #tpu.memory_space<vmem>> -> memref<1x1024xf32, #tpu.memory_space<vmem>>
    %dma_start3A_308 = arith.constant 0 : i32
    %dma_start3A_309 = tpu.memref_slice %arg2[%add3A_304, %dma_start3A_308] : memref<49152x1024xf32, #tpu.memory_space<hbm>> -> memref<1x1024xf32, #tpu.memory_space<hbm>>
    %dma_start3A_310 = arith.constant 5 : i32
    %dma_start3A_311 = arith.constant 0 : i32
    %dma_start3A_312 = tpu.memref_slice %arg5[%dma_start3A_310, %dma_start3A_311] : memref<16x1040xf32, #tpu.memory_space<vmem>> -> memref<1x1024xf32, #tpu.memory_space<vmem>>
    %dma_start3A_313 = arith.constant 0 : i32
    %dma_start3A_314 = tpu.memref_slice %arg2[%add3A_304, %dma_start3A_313] : memref<49152x1024xf32, #tpu.memory_space<hbm>> -> memref<1x1024xf32, #tpu.memory_space<hbm>>
    tpu.enqueue_dma source(%dma_start3A_314 : memref<1x1024xf32, #tpu.memory_space<hbm>>) target(%dma_start3A_312 : memref<1x1024xf32, #tpu.memory_space<vmem>>) target_semaphore(%arg11 : memref<!tpu.dma_semaphore, #tpu.memory_space<semaphore_mem>>)
    %add3A_315 = arith.constant 16 : i32
    %add3A_316 = arith.addi %mul3A_2, %add3A_315 : i32
    %add3A_317 = arith.constant 6 : i32
    %add3A_318 = arith.addi %add3A_316, %add3A_317 : i32
    %dma_start3A_319 = arith.constant 6 : i32
    %dma_start3A_320 = arith.constant 0 : i32
    %dma_start3A_321 = tpu.memref_slice %arg5[%dma_start3A_319, %dma_start3A_320] : memref<16x1040xf32, #tpu.memory_space<vmem>> -> memref<1x1024xf32, #tpu.memory_space<vmem>>
    %dma_start3A_322 = arith.constant 0 : i32
    %dma_start3A_323 = tpu.memref_slice %arg2[%add3A_318, %dma_start3A_322] : memref<49152x1024xf32, #tpu.memory_space<hbm>> -> memref<1x1024xf32, #tpu.memory_space<hbm>>
    %dma_start3A_324 = arith.constant 6 : i32
    %dma_start3A_325 = arith.constant 0 : i32
    %dma_start3A_326 = tpu.memref_slice %arg5[%dma_start3A_324, %dma_start3A_325] : memref<16x1040xf32, #tpu.memory_space<vmem>> -> memref<1x1024xf32, #tpu.memory_space<vmem>>
    %dma_start3A_327 = arith.constant 0 : i32
    %dma_start3A_328 = tpu.memref_slice %arg2[%add3A_318, %dma_start3A_327] : memref<49152x1024xf32, #tpu.memory_space<hbm>> -> memref<1x1024xf32, #tpu.memory_space<hbm>>
    tpu.enqueue_dma source(%dma_start3A_328 : memref<1x1024xf32, #tpu.memory_space<hbm>>) target(%dma_start3A_326 : memref<1x1024xf32, #tpu.memory_space<vmem>>) target_semaphore(%arg11 : memref<!tpu.dma_semaphore, #tpu.memory_space<semaphore_mem>>)
    %add3A_329 = arith.constant 16 : i32
    %add3A_330 = arith.addi %mul3A_2, %add3A_329 : i32
    %add3A_331 = arith.constant 7 : i32
    %add3A_332 = arith.addi %add3A_330, %add3A_331 : i32
    %dma_start3A_333 = arith.constant 7 : i32
    %dma_start3A_334 = arith.constant 0 : i32
    %dma_start3A_335 = tpu.memref_slice %arg5[%dma_start3A_333, %dma_start3A_334] : memref<16x1040xf32, #tpu.memory_space<vmem>> -> memref<1x1024xf32, #tpu.memory_space<vmem>>
    %dma_start3A_336 = arith.constant 0 : i32
    %dma_start3A_337 = tpu.memref_slice %arg2[%add3A_332, %dma_start3A_336] : memref<49152x1024xf32, #tpu.memory_space<hbm>> -> memref<1x1024xf32, #tpu.memory_space<hbm>>
    %dma_start3A_338 = arith.constant 7 : i32
    %dma_start3A_339 = arith.constant 0 : i32
    %dma_start3A_340 = tpu.memref_slice %arg5[%dma_start3A_338, %dma_start3A_339] : memref<16x1040xf32, #tpu.memory_space<vmem>> -> memref<1x1024xf32, #tpu.memory_space<vmem>>
    %dma_start3A_341 = arith.constant 0 : i32
    %dma_start3A_342 = tpu.memref_slice %arg2[%add3A_332, %dma_start3A_341] : memref<49152x1024xf32, #tpu.memory_space<hbm>> -> memref<1x1024xf32, #tpu.memory_space<hbm>>
    tpu.enqueue_dma source(%dma_start3A_342 : memref<1x1024xf32, #tpu.memory_space<hbm>>) target(%dma_start3A_340 : memref<1x1024xf32, #tpu.memory_space<vmem>>) target_semaphore(%arg11 : memref<!tpu.dma_semaphore, #tpu.memory_space<semaphore_mem>>)
    %add3A_343 = arith.constant 16 : i32
    %add3A_344 = arith.addi %mul3A_2, %add3A_343 : i32
    %add3A_345 = arith.constant 8 : i32
    %add3A_346 = arith.addi %add3A_344, %add3A_345 : i32
    %dma_start3A_347 = arith.constant 8 : i32
    %dma_start3A_348 = arith.constant 0 : i32
    %dma_start3A_349 = tpu.memref_slice %arg5[%dma_start3A_347, %dma_start3A_348] : memref<16x1040xf32, #tpu.memory_space<vmem>> -> memref<1x1024xf32, #tpu.memory_space<vmem>>
    %dma_start3A_350 = arith.constant 0 : i32
    %dma_start3A_351 = tpu.memref_slice %arg2[%add3A_346, %dma_start3A_350] : memref<49152x1024xf32, #tpu.memory_space<hbm>> -> memref<1x1024xf32, #tpu.memory_space<hbm>>
    %dma_start3A_352 = arith.constant 8 : i32
    %dma_start3A_353 = arith.constant 0 : i32
    %dma_start3A_354 = tpu.memref_slice %arg5[%dma_start3A_352, %dma_start3A_353] : memref<16x1040xf32, #tpu.memory_space<vmem>> -> memref<1x1024xf32, #tpu.memory_space<vmem>>
    %dma_start3A_355 = arith.constant 0 : i32
    %dma_start3A_356 = tpu.memref_slice %arg2[%add3A_346, %dma_start3A_355] : memref<49152x1024xf32, #tpu.memory_space<hbm>> -> memref<1x1024xf32, #tpu.memory_space<hbm>>
    tpu.enqueue_dma source(%dma_start3A_356 : memref<1x1024xf32, #tpu.memory_space<hbm>>) target(%dma_start3A_354 : memref<1x1024xf32, #tpu.memory_space<vmem>>) target_semaphore(%arg11 : memref<!tpu.dma_semaphore, #tpu.memory_space<semaphore_mem>>)
    %add3A_357 = arith.constant 16 : i32
    %add3A_358 = arith.addi %mul3A_2, %add3A_357 : i32
    %add3A_359 = arith.constant 9 : i32
    %add3A_360 = arith.addi %add3A_358, %add3A_359 : i32
    %dma_start3A_361 = arith.constant 9 : i32
    %dma_start3A_362 = arith.constant 0 : i32
    %dma_start3A_363 = tpu.memref_slice %arg5[%dma_start3A_361, %dma_start3A_362] : memref<16x1040xf32, #tpu.memory_space<vmem>> -> memref<1x1024xf32, #tpu.memory_space<vmem>>
    %dma_start3A_364 = arith.constant 0 : i32
    %dma_start3A_365 = tpu.memref_slice %arg2[%add3A_360, %dma_start3A_364] : memref<49152x1024xf32, #tpu.memory_space<hbm>> -> memref<1x1024xf32, #tpu.memory_space<hbm>>
    %dma_start3A_366 = arith.constant 9 : i32
    %dma_start3A_367 = arith.constant 0 : i32
    %dma_start3A_368 = tpu.memref_slice %arg5[%dma_start3A_366, %dma_start3A_367] : memref<16x1040xf32, #tpu.memory_space<vmem>> -> memref<1x1024xf32, #tpu.memory_space<vmem>>
    %dma_start3A_369 = arith.constant 0 : i32
    %dma_start3A_370 = tpu.memref_slice %arg2[%add3A_360, %dma_start3A_369] : memref<49152x1024xf32, #tpu.memory_space<hbm>> -> memref<1x1024xf32, #tpu.memory_space<hbm>>
    tpu.enqueue_dma source(%dma_start3A_370 : memref<1x1024xf32, #tpu.memory_space<hbm>>) target(%dma_start3A_368 : memref<1x1024xf32, #tpu.memory_space<vmem>>) target_semaphore(%arg11 : memref<!tpu.dma_semaphore, #tpu.memory_space<semaphore_mem>>)
    %add3A_371 = arith.constant 16 : i32
    %add3A_372 = arith.addi %mul3A_2, %add3A_371 : i32
    %add3A_373 = arith.constant 10 : i32
    %add3A_374 = arith.addi %add3A_372, %add3A_373 : i32
    %dma_start3A_375 = arith.constant 10 : i32
    %dma_start3A_376 = arith.constant 0 : i32
    %dma_start3A_377 = tpu.memref_slice %arg5[%dma_start3A_375, %dma_start3A_376] : memref<16x1040xf32, #tpu.memory_space<vmem>> -> memref<1x1024xf32, #tpu.memory_space<vmem>>
    %dma_start3A_378 = arith.constant 0 : i32
    %dma_start3A_379 = tpu.memref_slice %arg2[%add3A_374, %dma_start3A_378] : memref<49152x1024xf32, #tpu.memory_space<hbm>> -> memref<1x1024xf32, #tpu.memory_space<hbm>>
    %dma_start3A_380 = arith.constant 10 : i32
    %dma_start3A_381 = arith.constant 0 : i32
    %dma_start3A_382 = tpu.memref_slice %arg5[%dma_start3A_380, %dma_start3A_381] : memref<16x1040xf32, #tpu.memory_space<vmem>> -> memref<1x1024xf32, #tpu.memory_space<vmem>>
    %dma_start3A_383 = arith.constant 0 : i32
    %dma_start3A_384 = tpu.memref_slice %arg2[%add3A_374, %dma_start3A_383] : memref<49152x1024xf32, #tpu.memory_space<hbm>> -> memref<1x1024xf32, #tpu.memory_space<hbm>>
    tpu.enqueue_dma source(%dma_start3A_384 : memref<1x1024xf32, #tpu.memory_space<hbm>>) target(%dma_start3A_382 : memref<1x1024xf32, #tpu.memory_space<vmem>>) target_semaphore(%arg11 : memref<!tpu.dma_semaphore, #tpu.memory_space<semaphore_mem>>)
    %add3A_385 = arith.constant 16 : i32
    %add3A_386 = arith.addi %mul3A_2, %add3A_385 : i32
    %add3A_387 = arith.constant 11 : i32
    %add3A_388 = arith.addi %add3A_386, %add3A_387 : i32
    %dma_start3A_389 = arith.constant 11 : i32
    %dma_start3A_390 = arith.constant 0 : i32
    %dma_start3A_391 = tpu.memref_slice %arg5[%dma_start3A_389, %dma_start3A_390] : memref<16x1040xf32, #tpu.memory_space<vmem>> -> memref<1x1024xf32, #tpu.memory_space<vmem>>
    %dma_start3A_392 = arith.constant 0 : i32
    %dma_start3A_393 = tpu.memref_slice %arg2[%add3A_388, %dma_start3A_392] : memref<49152x1024xf32, #tpu.memory_space<hbm>> -> memref<1x1024xf32, #tpu.memory_space<hbm>>
    %dma_start3A_394 = arith.constant 11 : i32
    %dma_start3A_395 = arith.constant 0 : i32
    %dma_start3A_396 = tpu.memref_slice %arg5[%dma_start3A_394, %dma_start3A_395] : memref<16x1040xf32, #tpu.memory_space<vmem>> -> memref<1x1024xf32, #tpu.memory_space<vmem>>
    %dma_start3A_397 = arith.constant 0 : i32
    %dma_start3A_398 = tpu.memref_slice %arg2[%add3A_388, %dma_start3A_397] : memref<49152x1024xf32, #tpu.memory_space<hbm>> -> memref<1x1024xf32, #tpu.memory_space<hbm>>
    tpu.enqueue_dma source(%dma_start3A_398 : memref<1x1024xf32, #tpu.memory_space<hbm>>) target(%dma_start3A_396 : memref<1x1024xf32, #tpu.memory_space<vmem>>) target_semaphore(%arg11 : memref<!tpu.dma_semaphore, #tpu.memory_space<semaphore_mem>>)
    %add3A_399 = arith.constant 16 : i32
    %add3A_400 = arith.addi %mul3A_2, %add3A_399 : i32
    %add3A_401 = arith.constant 12 : i32
    %add3A_402 = arith.addi %add3A_400, %add3A_401 : i32
    %dma_start3A_403 = arith.constant 12 : i32
    %dma_start3A_404 = arith.constant 0 : i32
    %dma_start3A_405 = tpu.memref_slice %arg5[%dma_start3A_403, %dma_start3A_404] : memref<16x1040xf32, #tpu.memory_space<vmem>> -> memref<1x1024xf32, #tpu.memory_space<vmem>>
    %dma_start3A_406 = arith.constant 0 : i32
    %dma_start3A_407 = tpu.memref_slice %arg2[%add3A_402, %dma_start3A_406] : memref<49152x1024xf32, #tpu.memory_space<hbm>> -> memref<1x1024xf32, #tpu.memory_space<hbm>>
    %dma_start3A_408 = arith.constant 12 : i32
    %dma_start3A_409 = arith.constant 0 : i32
    %dma_start3A_410 = tpu.memref_slice %arg5[%dma_start3A_408, %dma_start3A_409] : memref<16x1040xf32, #tpu.memory_space<vmem>> -> memref<1x1024xf32, #tpu.memory_space<vmem>>
    %dma_start3A_411 = arith.constant 0 : i32
    %dma_start3A_412 = tpu.memref_slice %arg2[%add3A_402, %dma_start3A_411] : memref<49152x1024xf32, #tpu.memory_space<hbm>> -> memref<1x1024xf32, #tpu.memory_space<hbm>>
    tpu.enqueue_dma source(%dma_start3A_412 : memref<1x1024xf32, #tpu.memory_space<hbm>>) target(%dma_start3A_410 : memref<1x1024xf32, #tpu.memory_space<vmem>>) target_semaphore(%arg11 : memref<!tpu.dma_semaphore, #tpu.memory_space<semaphore_mem>>)
    %add3A_413 = arith.constant 16 : i32
    %add3A_414 = arith.addi %mul3A_2, %add3A_413 : i32
    %add3A_415 = arith.constant 13 : i32
    %add3A_416 = arith.addi %add3A_414, %add3A_415 : i32
    %dma_start3A_417 = arith.constant 13 : i32
    %dma_start3A_418 = arith.constant 0 : i32
    %dma_start3A_419 = tpu.memref_slice %arg5[%dma_start3A_417, %dma_start3A_418] : memref<16x1040xf32, #tpu.memory_space<vmem>> -> memref<1x1024xf32, #tpu.memory_space<vmem>>
    %dma_start3A_420 = arith.constant 0 : i32
    %dma_start3A_421 = tpu.memref_slice %arg2[%add3A_416, %dma_start3A_420] : memref<49152x1024xf32, #tpu.memory_space<hbm>> -> memref<1x1024xf32, #tpu.memory_space<hbm>>
    %dma_start3A_422 = arith.constant 13 : i32
    %dma_start3A_423 = arith.constant 0 : i32
    %dma_start3A_424 = tpu.memref_slice %arg5[%dma_start3A_422, %dma_start3A_423] : memref<16x1040xf32, #tpu.memory_space<vmem>> -> memref<1x1024xf32, #tpu.memory_space<vmem>>
    %dma_start3A_425 = arith.constant 0 : i32
    %dma_start3A_426 = tpu.memref_slice %arg2[%add3A_416, %dma_start3A_425] : memref<49152x1024xf32, #tpu.memory_space<hbm>> -> memref<1x1024xf32, #tpu.memory_space<hbm>>
    tpu.enqueue_dma source(%dma_start3A_426 : memref<1x1024xf32, #tpu.memory_space<hbm>>) target(%dma_start3A_424 : memref<1x1024xf32, #tpu.memory_space<vmem>>) target_semaphore(%arg11 : memref<!tpu.dma_semaphore, #tpu.memory_space<semaphore_mem>>)
    %add3A_427 = arith.constant 16 : i32
    %add3A_428 = arith.addi %mul3A_2, %add3A_427 : i32
    %add3A_429 = arith.constant 14 : i32
    %add3A_430 = arith.addi %add3A_428, %add3A_429 : i32
    %dma_start3A_431 = arith.constant 14 : i32
    %dma_start3A_432 = arith.constant 0 : i32
    %dma_start3A_433 = tpu.memref_slice %arg5[%dma_start3A_431, %dma_start3A_432] : memref<16x1040xf32, #tpu.memory_space<vmem>> -> memref<1x1024xf32, #tpu.memory_space<vmem>>
    %dma_start3A_434 = arith.constant 0 : i32
    %dma_start3A_435 = tpu.memref_slice %arg2[%add3A_430, %dma_start3A_434] : memref<49152x1024xf32, #tpu.memory_space<hbm>> -> memref<1x1024xf32, #tpu.memory_space<hbm>>
    %dma_start3A_436 = arith.constant 14 : i32
    %dma_start3A_437 = arith.constant 0 : i32
    %dma_start3A_438 = tpu.memref_slice %arg5[%dma_start3A_436, %dma_start3A_437] : memref<16x1040xf32, #tpu.memory_space<vmem>> -> memref<1x1024xf32, #tpu.memory_space<vmem>>
    %dma_start3A_439 = arith.constant 0 : i32
    %dma_start3A_440 = tpu.memref_slice %arg2[%add3A_430, %dma_start3A_439] : memref<49152x1024xf32, #tpu.memory_space<hbm>> -> memref<1x1024xf32, #tpu.memory_space<hbm>>
    tpu.enqueue_dma source(%dma_start3A_440 : memref<1x1024xf32, #tpu.memory_space<hbm>>) target(%dma_start3A_438 : memref<1x1024xf32, #tpu.memory_space<vmem>>) target_semaphore(%arg11 : memref<!tpu.dma_semaphore, #tpu.memory_space<semaphore_mem>>)
    %add3A_441 = arith.constant 16 : i32
    %add3A_442 = arith.addi %mul3A_2, %add3A_441 : i32
    %add3A_443 = arith.constant 15 : i32
    %add3A_444 = arith.addi %add3A_442, %add3A_443 : i32
    %dma_start3A_445 = arith.constant 15 : i32
    %dma_start3A_446 = arith.constant 0 : i32
    %dma_start3A_447 = tpu.memref_slice %arg5[%dma_start3A_445, %dma_start3A_446] : memref<16x1040xf32, #tpu.memory_space<vmem>> -> memref<1x1024xf32, #tpu.memory_space<vmem>>
    %dma_start3A_448 = arith.constant 0 : i32
    %dma_start3A_449 = tpu.memref_slice %arg2[%add3A_444, %dma_start3A_448] : memref<49152x1024xf32, #tpu.memory_space<hbm>> -> memref<1x1024xf32, #tpu.memory_space<hbm>>
    %dma_start3A_450 = arith.constant 15 : i32
    %dma_start3A_451 = arith.constant 0 : i32
    %dma_start3A_452 = tpu.memref_slice %arg5[%dma_start3A_450, %dma_start3A_451] : memref<16x1040xf32, #tpu.memory_space<vmem>> -> memref<1x1024xf32, #tpu.memory_space<vmem>>
    %dma_start3A_453 = arith.constant 0 : i32
    %dma_start3A_454 = tpu.memref_slice %arg2[%add3A_444, %dma_start3A_453] : memref<49152x1024xf32, #tpu.memory_space<hbm>> -> memref<1x1024xf32, #tpu.memory_space<hbm>>
    tpu.enqueue_dma source(%dma_start3A_454 : memref<1x1024xf32, #tpu.memory_space<hbm>>) target(%dma_start3A_452 : memref<1x1024xf32, #tpu.memory_space<vmem>>) target_semaphore(%arg11 : memref<!tpu.dma_semaphore, #tpu.memory_space<semaphore_mem>>)
    %add3A_455 = arith.constant 32 : i32
    %add3A_456 = arith.addi %mul3A_2, %add3A_455 : i32
    %add3A_457 = arith.constant 0 : i32
    %add3A_458 = arith.addi %add3A_456, %add3A_457 : i32
    %dma_start3A_459 = arith.constant 0 : i32
    %dma_start3A_460 = arith.constant 0 : i32
    %dma_start3A_461 = tpu.memref_slice %arg6[%dma_start3A_459, %dma_start3A_460] : memref<16x1040xf32, #tpu.memory_space<vmem>> -> memref<1x1024xf32, #tpu.memory_space<vmem>>
    %dma_start3A_462 = arith.constant 0 : i32
    %dma_start3A_463 = tpu.memref_slice %arg2[%add3A_458, %dma_start3A_462] : memref<49152x1024xf32, #tpu.memory_space<hbm>> -> memref<1x1024xf32, #tpu.memory_space<hbm>>
    %dma_start3A_464 = arith.constant 0 : i32
    %dma_start3A_465 = arith.constant 0 : i32
    %dma_start3A_466 = tpu.memref_slice %arg6[%dma_start3A_464, %dma_start3A_465] : memref<16x1040xf32, #tpu.memory_space<vmem>> -> memref<1x1024xf32, #tpu.memory_space<vmem>>
    %dma_start3A_467 = arith.constant 0 : i32
    %dma_start3A_468 = tpu.memref_slice %arg2[%add3A_458, %dma_start3A_467] : memref<49152x1024xf32, #tpu.memory_space<hbm>> -> memref<1x1024xf32, #tpu.memory_space<hbm>>
    tpu.enqueue_dma source(%dma_start3A_468 : memref<1x1024xf32, #tpu.memory_space<hbm>>) target(%dma_start3A_466 : memref<1x1024xf32, #tpu.memory_space<vmem>>) target_semaphore(%arg12 : memref<!tpu.dma_semaphore, #tpu.memory_space<semaphore_mem>>)
    %add3A_469 = arith.constant 32 : i32
    %add3A_470 = arith.addi %mul3A_2, %add3A_469 : i32
    %add3A_471 = arith.constant 1 : i32
    %add3A_472 = arith.addi %add3A_470, %add3A_471 : i32
    %dma_start3A_473 = arith.constant 1 : i32
    %dma_start3A_474 = arith.constant 0 : i32
    %dma_start3A_475 = tpu.memref_slice %arg6[%dma_start3A_473, %dma_start3A_474] : memref<16x1040xf32, #tpu.memory_space<vmem>> -> memref<1x1024xf32, #tpu.memory_space<vmem>>
    %dma_start3A_476 = arith.constant 0 : i32
    %dma_start3A_477 = tpu.memref_slice %arg2[%add3A_472, %dma_start3A_476] : memref<49152x1024xf32, #tpu.memory_space<hbm>> -> memref<1x1024xf32, #tpu.memory_space<hbm>>
    %dma_start3A_478 = arith.constant 1 : i32
    %dma_start3A_479 = arith.constant 0 : i32
    %dma_start3A_480 = tpu.memref_slice %arg6[%dma_start3A_478, %dma_start3A_479] : memref<16x1040xf32, #tpu.memory_space<vmem>> -> memref<1x1024xf32, #tpu.memory_space<vmem>>
    %dma_start3A_481 = arith.constant 0 : i32
    %dma_start3A_482 = tpu.memref_slice %arg2[%add3A_472, %dma_start3A_481] : memref<49152x1024xf32, #tpu.memory_space<hbm>> -> memref<1x1024xf32, #tpu.memory_space<hbm>>
    tpu.enqueue_dma source(%dma_start3A_482 : memref<1x1024xf32, #tpu.memory_space<hbm>>) target(%dma_start3A_480 : memref<1x1024xf32, #tpu.memory_space<vmem>>) target_semaphore(%arg12 : memref<!tpu.dma_semaphore, #tpu.memory_space<semaphore_mem>>)
    %add3A_483 = arith.constant 32 : i32
    %add3A_484 = arith.addi %mul3A_2, %add3A_483 : i32
    %add3A_485 = arith.constant 2 : i32
    %add3A_486 = arith.addi %add3A_484, %add3A_485 : i32
    %dma_start3A_487 = arith.constant 2 : i32
    %dma_start3A_488 = arith.constant 0 : i32
    %dma_start3A_489 = tpu.memref_slice %arg6[%dma_start3A_487, %dma_start3A_488] : memref<16x1040xf32, #tpu.memory_space<vmem>> -> memref<1x1024xf32, #tpu.memory_space<vmem>>
    %dma_start3A_490 = arith.constant 0 : i32
    %dma_start3A_491 = tpu.memref_slice %arg2[%add3A_486, %dma_start3A_490] : memref<49152x1024xf32, #tpu.memory_space<hbm>> -> memref<1x1024xf32, #tpu.memory_space<hbm>>
    %dma_start3A_492 = arith.constant 2 : i32
    %dma_start3A_493 = arith.constant 0 : i32
    %dma_start3A_494 = tpu.memref_slice %arg6[%dma_start3A_492, %dma_start3A_493] : memref<16x1040xf32, #tpu.memory_space<vmem>> -> memref<1x1024xf32, #tpu.memory_space<vmem>>
    %dma_start3A_495 = arith.constant 0 : i32
    %dma_start3A_496 = tpu.memref_slice %arg2[%add3A_486, %dma_start3A_495] : memref<49152x1024xf32, #tpu.memory_space<hbm>> -> memref<1x1024xf32, #tpu.memory_space<hbm>>
    tpu.enqueue_dma source(%dma_start3A_496 : memref<1x1024xf32, #tpu.memory_space<hbm>>) target(%dma_start3A_494 : memref<1x1024xf32, #tpu.memory_space<vmem>>) target_semaphore(%arg12 : memref<!tpu.dma_semaphore, #tpu.memory_space<semaphore_mem>>)
    %add3A_497 = arith.constant 32 : i32
    %add3A_498 = arith.addi %mul3A_2, %add3A_497 : i32
    %add3A_499 = arith.constant 3 : i32
    %add3A_500 = arith.addi %add3A_498, %add3A_499 : i32
    %dma_start3A_501 = arith.constant 3 : i32
    %dma_start3A_502 = arith.constant 0 : i32
    %dma_start3A_503 = tpu.memref_slice %arg6[%dma_start3A_501, %dma_start3A_502] : memref<16x1040xf32, #tpu.memory_space<vmem>> -> memref<1x1024xf32, #tpu.memory_space<vmem>>
    %dma_start3A_504 = arith.constant 0 : i32
    %dma_start3A_505 = tpu.memref_slice %arg2[%add3A_500, %dma_start3A_504] : memref<49152x1024xf32, #tpu.memory_space<hbm>> -> memref<1x1024xf32, #tpu.memory_space<hbm>>
    %dma_start3A_506 = arith.constant 3 : i32
    %dma_start3A_507 = arith.constant 0 : i32
    %dma_start3A_508 = tpu.memref_slice %arg6[%dma_start3A_506, %dma_start3A_507] : memref<16x1040xf32, #tpu.memory_space<vmem>> -> memref<1x1024xf32, #tpu.memory_space<vmem>>
    %dma_start3A_509 = arith.constant 0 : i32
    %dma_start3A_510 = tpu.memref_slice %arg2[%add3A_500, %dma_start3A_509] : memref<49152x1024xf32, #tpu.memory_space<hbm>> -> memref<1x1024xf32, #tpu.memory_space<hbm>>
    tpu.enqueue_dma source(%dma_start3A_510 : memref<1x1024xf32, #tpu.memory_space<hbm>>) target(%dma_start3A_508 : memref<1x1024xf32, #tpu.memory_space<vmem>>) target_semaphore(%arg12 : memref<!tpu.dma_semaphore, #tpu.memory_space<semaphore_mem>>)
    %add3A_511 = arith.constant 32 : i32
    %add3A_512 = arith.addi %mul3A_2, %add3A_511 : i32
    %add3A_513 = arith.constant 4 : i32
    %add3A_514 = arith.addi %add3A_512, %add3A_513 : i32
    %dma_start3A_515 = arith.constant 4 : i32
    %dma_start3A_516 = arith.constant 0 : i32
    %dma_start3A_517 = tpu.memref_slice %arg6[%dma_start3A_515, %dma_start3A_516] : memref<16x1040xf32, #tpu.memory_space<vmem>> -> memref<1x1024xf32, #tpu.memory_space<vmem>>
    %dma_start3A_518 = arith.constant 0 : i32
    %dma_start3A_519 = tpu.memref_slice %arg2[%add3A_514, %dma_start3A_518] : memref<49152x1024xf32, #tpu.memory_space<hbm>> -> memref<1x1024xf32, #tpu.memory_space<hbm>>
    %dma_start3A_520 = arith.constant 4 : i32
    %dma_start3A_521 = arith.constant 0 : i32
    %dma_start3A_522 = tpu.memref_slice %arg6[%dma_start3A_520, %dma_start3A_521] : memref<16x1040xf32, #tpu.memory_space<vmem>> -> memref<1x1024xf32, #tpu.memory_space<vmem>>
    %dma_start3A_523 = arith.constant 0 : i32
    %dma_start3A_524 = tpu.memref_slice %arg2[%add3A_514, %dma_start3A_523] : memref<49152x1024xf32, #tpu.memory_space<hbm>> -> memref<1x1024xf32, #tpu.memory_space<hbm>>
    tpu.enqueue_dma source(%dma_start3A_524 : memref<1x1024xf32, #tpu.memory_space<hbm>>) target(%dma_start3A_522 : memref<1x1024xf32, #tpu.memory_space<vmem>>) target_semaphore(%arg12 : memref<!tpu.dma_semaphore, #tpu.memory_space<semaphore_mem>>)
    %add3A_525 = arith.constant 32 : i32
    %add3A_526 = arith.addi %mul3A_2, %add3A_525 : i32
    %add3A_527 = arith.constant 5 : i32
    %add3A_528 = arith.addi %add3A_526, %add3A_527 : i32
    %dma_start3A_529 = arith.constant 5 : i32
    %dma_start3A_530 = arith.constant 0 : i32
    %dma_start3A_531 = tpu.memref_slice %arg6[%dma_start3A_529, %dma_start3A_530] : memref<16x1040xf32, #tpu.memory_space<vmem>> -> memref<1x1024xf32, #tpu.memory_space<vmem>>
    %dma_start3A_532 = arith.constant 0 : i32
    %dma_start3A_533 = tpu.memref_slice %arg2[%add3A_528, %dma_start3A_532] : memref<49152x1024xf32, #tpu.memory_space<hbm>> -> memref<1x1024xf32, #tpu.memory_space<hbm>>
    %dma_start3A_534 = arith.constant 5 : i32
    %dma_start3A_535 = arith.constant 0 : i32
    %dma_start3A_536 = tpu.memref_slice %arg6[%dma_start3A_534, %dma_start3A_535] : memref<16x1040xf32, #tpu.memory_space<vmem>> -> memref<1x1024xf32, #tpu.memory_space<vmem>>
    %dma_start3A_537 = arith.constant 0 : i32
    %dma_start3A_538 = tpu.memref_slice %arg2[%add3A_528, %dma_start3A_537] : memref<49152x1024xf32, #tpu.memory_space<hbm>> -> memref<1x1024xf32, #tpu.memory_space<hbm>>
    tpu.enqueue_dma source(%dma_start3A_538 : memref<1x1024xf32, #tpu.memory_space<hbm>>) target(%dma_start3A_536 : memref<1x1024xf32, #tpu.memory_space<vmem>>) target_semaphore(%arg12 : memref<!tpu.dma_semaphore, #tpu.memory_space<semaphore_mem>>)
    %add3A_539 = arith.constant 32 : i32
    %add3A_540 = arith.addi %mul3A_2, %add3A_539 : i32
    %add3A_541 = arith.constant 6 : i32
    %add3A_542 = arith.addi %add3A_540, %add3A_541 : i32
    %dma_start3A_543 = arith.constant 6 : i32
    %dma_start3A_544 = arith.constant 0 : i32
    %dma_start3A_545 = tpu.memref_slice %arg6[%dma_start3A_543, %dma_start3A_544] : memref<16x1040xf32, #tpu.memory_space<vmem>> -> memref<1x1024xf32, #tpu.memory_space<vmem>>
    %dma_start3A_546 = arith.constant 0 : i32
    %dma_start3A_547 = tpu.memref_slice %arg2[%add3A_542, %dma_start3A_546] : memref<49152x1024xf32, #tpu.memory_space<hbm>> -> memref<1x1024xf32, #tpu.memory_space<hbm>>
    %dma_start3A_548 = arith.constant 6 : i32
    %dma_start3A_549 = arith.constant 0 : i32
    %dma_start3A_550 = tpu.memref_slice %arg6[%dma_start3A_548, %dma_start3A_549] : memref<16x1040xf32, #tpu.memory_space<vmem>> -> memref<1x1024xf32, #tpu.memory_space<vmem>>
    %dma_start3A_551 = arith.constant 0 : i32
    %dma_start3A_552 = tpu.memref_slice %arg2[%add3A_542, %dma_start3A_551] : memref<49152x1024xf32, #tpu.memory_space<hbm>> -> memref<1x1024xf32, #tpu.memory_space<hbm>>
    tpu.enqueue_dma source(%dma_start3A_552 : memref<1x1024xf32, #tpu.memory_space<hbm>>) target(%dma_start3A_550 : memref<1x1024xf32, #tpu.memory_space<vmem>>) target_semaphore(%arg12 : memref<!tpu.dma_semaphore, #tpu.memory_space<semaphore_mem>>)
    %add3A_553 = arith.constant 32 : i32
    %add3A_554 = arith.addi %mul3A_2, %add3A_553 : i32
    %add3A_555 = arith.constant 7 : i32
    %add3A_556 = arith.addi %add3A_554, %add3A_555 : i32
    %dma_start3A_557 = arith.constant 7 : i32
    %dma_start3A_558 = arith.constant 0 : i32
    %dma_start3A_559 = tpu.memref_slice %arg6[%dma_start3A_557, %dma_start3A_558] : memref<16x1040xf32, #tpu.memory_space<vmem>> -> memref<1x1024xf32, #tpu.memory_space<vmem>>
    %dma_start3A_560 = arith.constant 0 : i32
    %dma_start3A_561 = tpu.memref_slice %arg2[%add3A_556, %dma_start3A_560] : memref<49152x1024xf32, #tpu.memory_space<hbm>> -> memref<1x1024xf32, #tpu.memory_space<hbm>>
    %dma_start3A_562 = arith.constant 7 : i32
    %dma_start3A_563 = arith.constant 0 : i32
    %dma_start3A_564 = tpu.memref_slice %arg6[%dma_start3A_562, %dma_start3A_563] : memref<16x1040xf32, #tpu.memory_space<vmem>> -> memref<1x1024xf32, #tpu.memory_space<vmem>>
    %dma_start3A_565 = arith.constant 0 : i32
    %dma_start3A_566 = tpu.memref_slice %arg2[%add3A_556, %dma_start3A_565] : memref<49152x1024xf32, #tpu.memory_space<hbm>> -> memref<1x1024xf32, #tpu.memory_space<hbm>>
    tpu.enqueue_dma source(%dma_start3A_566 : memref<1x1024xf32, #tpu.memory_space<hbm>>) target(%dma_start3A_564 : memref<1x1024xf32, #tpu.memory_space<vmem>>) target_semaphore(%arg12 : memref<!tpu.dma_semaphore, #tpu.memory_space<semaphore_mem>>)
    %add3A_567 = arith.constant 32 : i32
    %add3A_568 = arith.addi %mul3A_2, %add3A_567 : i32
    %add3A_569 = arith.constant 8 : i32
    %add3A_570 = arith.addi %add3A_568, %add3A_569 : i32
    %dma_start3A_571 = arith.constant 8 : i32
    %dma_start3A_572 = arith.constant 0 : i32
    %dma_start3A_573 = tpu.memref_slice %arg6[%dma_start3A_571, %dma_start3A_572] : memref<16x1040xf32, #tpu.memory_space<vmem>> -> memref<1x1024xf32, #tpu.memory_space<vmem>>
    %dma_start3A_574 = arith.constant 0 : i32
    %dma_start3A_575 = tpu.memref_slice %arg2[%add3A_570, %dma_start3A_574] : memref<49152x1024xf32, #tpu.memory_space<hbm>> -> memref<1x1024xf32, #tpu.memory_space<hbm>>
    %dma_start3A_576 = arith.constant 8 : i32
    %dma_start3A_577 = arith.constant 0 : i32
    %dma_start3A_578 = tpu.memref_slice %arg6[%dma_start3A_576, %dma_start3A_577] : memref<16x1040xf32, #tpu.memory_space<vmem>> -> memref<1x1024xf32, #tpu.memory_space<vmem>>
    %dma_start3A_579 = arith.constant 0 : i32
    %dma_start3A_580 = tpu.memref_slice %arg2[%add3A_570, %dma_start3A_579] : memref<49152x1024xf32, #tpu.memory_space<hbm>> -> memref<1x1024xf32, #tpu.memory_space<hbm>>
    tpu.enqueue_dma source(%dma_start3A_580 : memref<1x1024xf32, #tpu.memory_space<hbm>>) target(%dma_start3A_578 : memref<1x1024xf32, #tpu.memory_space<vmem>>) target_semaphore(%arg12 : memref<!tpu.dma_semaphore, #tpu.memory_space<semaphore_mem>>)
    %add3A_581 = arith.constant 32 : i32
    %add3A_582 = arith.addi %mul3A_2, %add3A_581 : i32
    %add3A_583 = arith.constant 9 : i32
    %add3A_584 = arith.addi %add3A_582, %add3A_583 : i32
    %dma_start3A_585 = arith.constant 9 : i32
    %dma_start3A_586 = arith.constant 0 : i32
    %dma_start3A_587 = tpu.memref_slice %arg6[%dma_start3A_585, %dma_start3A_586] : memref<16x1040xf32, #tpu.memory_space<vmem>> -> memref<1x1024xf32, #tpu.memory_space<vmem>>
    %dma_start3A_588 = arith.constant 0 : i32
    %dma_start3A_589 = tpu.memref_slice %arg2[%add3A_584, %dma_start3A_588] : memref<49152x1024xf32, #tpu.memory_space<hbm>> -> memref<1x1024xf32, #tpu.memory_space<hbm>>
    %dma_start3A_590 = arith.constant 9 : i32
    %dma_start3A_591 = arith.constant 0 : i32
    %dma_start3A_592 = tpu.memref_slice %arg6[%dma_start3A_590, %dma_start3A_591] : memref<16x1040xf32, #tpu.memory_space<vmem>> -> memref<1x1024xf32, #tpu.memory_space<vmem>>
    %dma_start3A_593 = arith.constant 0 : i32
    %dma_start3A_594 = tpu.memref_slice %arg2[%add3A_584, %dma_start3A_593] : memref<49152x1024xf32, #tpu.memory_space<hbm>> -> memref<1x1024xf32, #tpu.memory_space<hbm>>
    tpu.enqueue_dma source(%dma_start3A_594 : memref<1x1024xf32, #tpu.memory_space<hbm>>) target(%dma_start3A_592 : memref<1x1024xf32, #tpu.memory_space<vmem>>) target_semaphore(%arg12 : memref<!tpu.dma_semaphore, #tpu.memory_space<semaphore_mem>>)
    %add3A_595 = arith.constant 32 : i32
    %add3A_596 = arith.addi %mul3A_2, %add3A_595 : i32
    %add3A_597 = arith.constant 10 : i32
    %add3A_598 = arith.addi %add3A_596, %add3A_597 : i32
    %dma_start3A_599 = arith.constant 10 : i32
    %dma_start3A_600 = arith.constant 0 : i32
    %dma_start3A_601 = tpu.memref_slice %arg6[%dma_start3A_599, %dma_start3A_600] : memref<16x1040xf32, #tpu.memory_space<vmem>> -> memref<1x1024xf32, #tpu.memory_space<vmem>>
    %dma_start3A_602 = arith.constant 0 : i32
    %dma_start3A_603 = tpu.memref_slice %arg2[%add3A_598, %dma_start3A_602] : memref<49152x1024xf32, #tpu.memory_space<hbm>> -> memref<1x1024xf32, #tpu.memory_space<hbm>>
    %dma_start3A_604 = arith.constant 10 : i32
    %dma_start3A_605 = arith.constant 0 : i32
    %dma_start3A_606 = tpu.memref_slice %arg6[%dma_start3A_604, %dma_start3A_605] : memref<16x1040xf32, #tpu.memory_space<vmem>> -> memref<1x1024xf32, #tpu.memory_space<vmem>>
    %dma_start3A_607 = arith.constant 0 : i32
    %dma_start3A_608 = tpu.memref_slice %arg2[%add3A_598, %dma_start3A_607] : memref<49152x1024xf32, #tpu.memory_space<hbm>> -> memref<1x1024xf32, #tpu.memory_space<hbm>>
    tpu.enqueue_dma source(%dma_start3A_608 : memref<1x1024xf32, #tpu.memory_space<hbm>>) target(%dma_start3A_606 : memref<1x1024xf32, #tpu.memory_space<vmem>>) target_semaphore(%arg12 : memref<!tpu.dma_semaphore, #tpu.memory_space<semaphore_mem>>)
    %add3A_609 = arith.constant 32 : i32
    %add3A_610 = arith.addi %mul3A_2, %add3A_609 : i32
    %add3A_611 = arith.constant 11 : i32
    %add3A_612 = arith.addi %add3A_610, %add3A_611 : i32
    %dma_start3A_613 = arith.constant 11 : i32
    %dma_start3A_614 = arith.constant 0 : i32
    %dma_start3A_615 = tpu.memref_slice %arg6[%dma_start3A_613, %dma_start3A_614] : memref<16x1040xf32, #tpu.memory_space<vmem>> -> memref<1x1024xf32, #tpu.memory_space<vmem>>
    %dma_start3A_616 = arith.constant 0 : i32
    %dma_start3A_617 = tpu.memref_slice %arg2[%add3A_612, %dma_start3A_616] : memref<49152x1024xf32, #tpu.memory_space<hbm>> -> memref<1x1024xf32, #tpu.memory_space<hbm>>
    %dma_start3A_618 = arith.constant 11 : i32
    %dma_start3A_619 = arith.constant 0 : i32
    %dma_start3A_620 = tpu.memref_slice %arg6[%dma_start3A_618, %dma_start3A_619] : memref<16x1040xf32, #tpu.memory_space<vmem>> -> memref<1x1024xf32, #tpu.memory_space<vmem>>
    %dma_start3A_621 = arith.constant 0 : i32
    %dma_start3A_622 = tpu.memref_slice %arg2[%add3A_612, %dma_start3A_621] : memref<49152x1024xf32, #tpu.memory_space<hbm>> -> memref<1x1024xf32, #tpu.memory_space<hbm>>
    tpu.enqueue_dma source(%dma_start3A_622 : memref<1x1024xf32, #tpu.memory_space<hbm>>) target(%dma_start3A_620 : memref<1x1024xf32, #tpu.memory_space<vmem>>) target_semaphore(%arg12 : memref<!tpu.dma_semaphore, #tpu.memory_space<semaphore_mem>>)
    %add3A_623 = arith.constant 32 : i32
    %add3A_624 = arith.addi %mul3A_2, %add3A_623 : i32
    %add3A_625 = arith.constant 12 : i32
    %add3A_626 = arith.addi %add3A_624, %add3A_625 : i32
    %dma_start3A_627 = arith.constant 12 : i32
    %dma_start3A_628 = arith.constant 0 : i32
    %dma_start3A_629 = tpu.memref_slice %arg6[%dma_start3A_627, %dma_start3A_628] : memref<16x1040xf32, #tpu.memory_space<vmem>> -> memref<1x1024xf32, #tpu.memory_space<vmem>>
    %dma_start3A_630 = arith.constant 0 : i32
    %dma_start3A_631 = tpu.memref_slice %arg2[%add3A_626, %dma_start3A_630] : memref<49152x1024xf32, #tpu.memory_space<hbm>> -> memref<1x1024xf32, #tpu.memory_space<hbm>>
    %dma_start3A_632 = arith.constant 12 : i32
    %dma_start3A_633 = arith.constant 0 : i32
    %dma_start3A_634 = tpu.memref_slice %arg6[%dma_start3A_632, %dma_start3A_633] : memref<16x1040xf32, #tpu.memory_space<vmem>> -> memref<1x1024xf32, #tpu.memory_space<vmem>>
    %dma_start3A_635 = arith.constant 0 : i32
    %dma_start3A_636 = tpu.memref_slice %arg2[%add3A_626, %dma_start3A_635] : memref<49152x1024xf32, #tpu.memory_space<hbm>> -> memref<1x1024xf32, #tpu.memory_space<hbm>>
    tpu.enqueue_dma source(%dma_start3A_636 : memref<1x1024xf32, #tpu.memory_space<hbm>>) target(%dma_start3A_634 : memref<1x1024xf32, #tpu.memory_space<vmem>>) target_semaphore(%arg12 : memref<!tpu.dma_semaphore, #tpu.memory_space<semaphore_mem>>)
    %add3A_637 = arith.constant 32 : i32
    %add3A_638 = arith.addi %mul3A_2, %add3A_637 : i32
    %add3A_639 = arith.constant 13 : i32
    %add3A_640 = arith.addi %add3A_638, %add3A_639 : i32
    %dma_start3A_641 = arith.constant 13 : i32
    %dma_start3A_642 = arith.constant 0 : i32
    %dma_start3A_643 = tpu.memref_slice %arg6[%dma_start3A_641, %dma_start3A_642] : memref<16x1040xf32, #tpu.memory_space<vmem>> -> memref<1x1024xf32, #tpu.memory_space<vmem>>
    %dma_start3A_644 = arith.constant 0 : i32
    %dma_start3A_645 = tpu.memref_slice %arg2[%add3A_640, %dma_start3A_644] : memref<49152x1024xf32, #tpu.memory_space<hbm>> -> memref<1x1024xf32, #tpu.memory_space<hbm>>
    %dma_start3A_646 = arith.constant 13 : i32
    %dma_start3A_647 = arith.constant 0 : i32
    %dma_start3A_648 = tpu.memref_slice %arg6[%dma_start3A_646, %dma_start3A_647] : memref<16x1040xf32, #tpu.memory_space<vmem>> -> memref<1x1024xf32, #tpu.memory_space<vmem>>
    %dma_start3A_649 = arith.constant 0 : i32
    %dma_start3A_650 = tpu.memref_slice %arg2[%add3A_640, %dma_start3A_649] : memref<49152x1024xf32, #tpu.memory_space<hbm>> -> memref<1x1024xf32, #tpu.memory_space<hbm>>
    tpu.enqueue_dma source(%dma_start3A_650 : memref<1x1024xf32, #tpu.memory_space<hbm>>) target(%dma_start3A_648 : memref<1x1024xf32, #tpu.memory_space<vmem>>) target_semaphore(%arg12 : memref<!tpu.dma_semaphore, #tpu.memory_space<semaphore_mem>>)
    %add3A_651 = arith.constant 32 : i32
    %add3A_652 = arith.addi %mul3A_2, %add3A_651 : i32
    %add3A_653 = arith.constant 14 : i32
    %add3A_654 = arith.addi %add3A_652, %add3A_653 : i32
    %dma_start3A_655 = arith.constant 14 : i32
    %dma_start3A_656 = arith.constant 0 : i32
    %dma_start3A_657 = tpu.memref_slice %arg6[%dma_start3A_655, %dma_start3A_656] : memref<16x1040xf32, #tpu.memory_space<vmem>> -> memref<1x1024xf32, #tpu.memory_space<vmem>>
    %dma_start3A_658 = arith.constant 0 : i32
    %dma_start3A_659 = tpu.memref_slice %arg2[%add3A_654, %dma_start3A_658] : memref<49152x1024xf32, #tpu.memory_space<hbm>> -> memref<1x1024xf32, #tpu.memory_space<hbm>>
    %dma_start3A_660 = arith.constant 14 : i32
    %dma_start3A_661 = arith.constant 0 : i32
    %dma_start3A_662 = tpu.memref_slice %arg6[%dma_start3A_660, %dma_start3A_661] : memref<16x1040xf32, #tpu.memory_space<vmem>> -> memref<1x1024xf32, #tpu.memory_space<vmem>>
    %dma_start3A_663 = arith.constant 0 : i32
    %dma_start3A_664 = tpu.memref_slice %arg2[%add3A_654, %dma_start3A_663] : memref<49152x1024xf32, #tpu.memory_space<hbm>> -> memref<1x1024xf32, #tpu.memory_space<hbm>>
    tpu.enqueue_dma source(%dma_start3A_664 : memref<1x1024xf32, #tpu.memory_space<hbm>>) target(%dma_start3A_662 : memref<1x1024xf32, #tpu.memory_space<vmem>>) target_semaphore(%arg12 : memref<!tpu.dma_semaphore, #tpu.memory_space<semaphore_mem>>)
    %add3A_665 = arith.constant 32 : i32
    %add3A_666 = arith.addi %mul3A_2, %add3A_665 : i32
    %add3A_667 = arith.constant 15 : i32
    %add3A_668 = arith.addi %add3A_666, %add3A_667 : i32
    %dma_start3A_669 = arith.constant 15 : i32
    %dma_start3A_670 = arith.constant 0 : i32
    %dma_start3A_671 = tpu.memref_slice %arg6[%dma_start3A_669, %dma_start3A_670] : memref<16x1040xf32, #tpu.memory_space<vmem>> -> memref<1x1024xf32, #tpu.memory_space<vmem>>
    %dma_start3A_672 = arith.constant 0 : i32
    %dma_start3A_673 = tpu.memref_slice %arg2[%add3A_668, %dma_start3A_672] : memref<49152x1024xf32, #tpu.memory_space<hbm>> -> memref<1x1024xf32, #tpu.memory_space<hbm>>
    %dma_start3A_674 = arith.constant 15 : i32
    %dma_start3A_675 = arith.constant 0 : i32
    %dma_start3A_676 = tpu.memref_slice %arg6[%dma_start3A_674, %dma_start3A_675] : memref<16x1040xf32, #tpu.memory_space<vmem>> -> memref<1x1024xf32, #tpu.memory_space<vmem>>
    %dma_start3A_677 = arith.constant 0 : i32
    %dma_start3A_678 = tpu.memref_slice %arg2[%add3A_668, %dma_start3A_677] : memref<49152x1024xf32, #tpu.memory_space<hbm>> -> memref<1x1024xf32, #tpu.memory_space<hbm>>
    tpu.enqueue_dma source(%dma_start3A_678 : memref<1x1024xf32, #tpu.memory_space<hbm>>) target(%dma_start3A_676 : memref<1x1024xf32, #tpu.memory_space<vmem>>) target_semaphore(%arg12 : memref<!tpu.dma_semaphore, #tpu.memory_space<semaphore_mem>>)
    %scan3A = arith.constant 0 : i32
    %scan3A_679 = arith.constant 0 : i32
    %scan3A_680 = arith.constant 24 : i32
    %scan3A_681 = arith.addi %scan3A_679, %scan3A_680 : i32
    %scan3A_682 = arith.constant 1 : i32
    %scan3A_683 = scf.for %scan3A_685 = %scan3A_679 to %scan3A_681 step %scan3A_682 iter_args(%scan3A_686 = %scan3A) -> (i32)  : i32 {
      %mul3A_687 = arith.constant 4 : i32
      %mul3A_688 = arith.muli %scan3A_685, %mul3A_687 : i32
      %add3A_689 = arith.constant 0 : i32
      %add3A_690 = arith.addi %mul3A_688, %add3A_689 : i32
      %mul3A_691 = arith.constant 16 : i32
      %mul3A_692 = arith.muli %add3A_690, %mul3A_691 : i32
      %add3A_693 = arith.addi %mul3A_2, %mul3A_692 : i32
      %dma_wait3A = arith.constant 0 : i32
      %dma_wait3A_694 = arith.constant 0 : i32
      %dma_wait3A_695 = tpu.memref_slice %arg4[%dma_wait3A, %dma_wait3A_694] : memref<16x1040xf32, #tpu.memory_space<vmem>> -> memref<16x1024xf32, #tpu.memory_space<vmem>>
      %dma_wait3A_696 = arith.constant 0 : i32
      %dma_wait3A_697 = tpu.memref_slice %arg2[%add3A_693, %dma_wait3A_696] : memref<49152x1024xf32, #tpu.memory_space<hbm>> -> memref<16x1024xf32, #tpu.memory_space<hbm>>
      %dma_wait3A_698 = arith.constant 0 : i32
      %dma_wait3A_699 = arith.constant 0 : i32
      %dma_wait3A_700 = tpu.memref_slice %arg4[%dma_wait3A_698, %dma_wait3A_699] : memref<16x1040xf32, #tpu.memory_space<vmem>> -> memref<16x1024xf32, #tpu.memory_space<vmem>>
      %dma_wait3A_701 = arith.constant 0 : i32
      %dma_wait3A_702 = tpu.memref_slice %arg2[%add3A_693, %dma_wait3A_701] : memref<49152x1024xf32, #tpu.memory_space<hbm>> -> memref<16x1024xf32, #tpu.memory_space<hbm>>
      tpu.wait_dma2 semaphore(%arg10 : memref<!tpu.dma_semaphore, #tpu.memory_space<semaphore_mem>>) src(%dma_wait3A_702 : memref<16x1024xf32, #tpu.memory_space<hbm>>) dst(%dma_wait3A_700 : memref<16x1024xf32, #tpu.memory_space<vmem>>)
      %add3A_703 = arith.constant 3 : i32
      %add3A_704 = arith.addi %add3A_690, %add3A_703 : i32
      %lt3A = arith.constant 96 : i32
      %lt3A_705 = arith.cmpi slt, %add3A_704, %lt3A : i32
      %convert_element_type3A = arith.extui %lt3A_705 : i1 to i32
      %cond3A = arith.constant 0 : i32
      %cond3A_706 = arith.cmpi ne, %convert_element_type3A, %cond3A : i32
      scf.if %cond3A_706 {
        %mul3A_1002 = arith.constant 16 : i32
        %mul3A_1003 = arith.muli %add3A_704, %mul3A_1002 : i32
        %add3A_1004 = arith.addi %mul3A_2, %mul3A_1003 : i32
        %add3A_1005 = arith.constant 0 : i32
        %add3A_1006 = arith.addi %add3A_1004, %add3A_1005 : i32
        %dma_start3A_1007 = arith.constant 0 : i32
        %dma_start3A_1008 = arith.constant 0 : i32
        %dma_start3A_1009 = tpu.memref_slice %arg7[%dma_start3A_1007, %dma_start3A_1008] : memref<16x1040xf32, #tpu.memory_space<vmem>> -> memref<1x1024xf32, #tpu.memory_space<vmem>>
        %dma_start3A_1010 = arith.constant 0 : i32
        %dma_start3A_1011 = tpu.memref_slice %arg2[%add3A_1006, %dma_start3A_1010] : memref<49152x1024xf32, #tpu.memory_space<hbm>> -> memref<1x1024xf32, #tpu.memory_space<hbm>>
        %dma_start3A_1012 = arith.constant 0 : i32
        %dma_start3A_1013 = arith.constant 0 : i32
        %dma_start3A_1014 = tpu.memref_slice %arg7[%dma_start3A_1012, %dma_start3A_1013] : memref<16x1040xf32, #tpu.memory_space<vmem>> -> memref<1x1024xf32, #tpu.memory_space<vmem>>
        %dma_start3A_1015 = arith.constant 0 : i32
        %dma_start3A_1016 = tpu.memref_slice %arg2[%add3A_1006, %dma_start3A_1015] : memref<49152x1024xf32, #tpu.memory_space<hbm>> -> memref<1x1024xf32, #tpu.memory_space<hbm>>
        tpu.enqueue_dma source(%dma_start3A_1016 : memref<1x1024xf32, #tpu.memory_space<hbm>>) target(%dma_start3A_1014 : memref<1x1024xf32, #tpu.memory_space<vmem>>) target_semaphore(%arg13 : memref<!tpu.dma_semaphore, #tpu.memory_space<semaphore_mem>>)
        %mul3A_1017 = arith.constant 16 : i32
        %mul3A_1018 = arith.muli %add3A_704, %mul3A_1017 : i32
        %add3A_1019 = arith.addi %mul3A_2, %mul3A_1018 : i32
        %add3A_1020 = arith.constant 1 : i32
        %add3A_1021 = arith.addi %add3A_1019, %add3A_1020 : i32
        %dma_start3A_1022 = arith.constant 1 : i32
        %dma_start3A_1023 = arith.constant 0 : i32
        %dma_start3A_1024 = tpu.memref_slice %arg7[%dma_start3A_1022, %dma_start3A_1023] : memref<16x1040xf32, #tpu.memory_space<vmem>> -> memref<1x1024xf32, #tpu.memory_space<vmem>>
        %dma_start3A_1025 = arith.constant 0 : i32
        %dma_start3A_1026 = tpu.memref_slice %arg2[%add3A_1021, %dma_start3A_1025] : memref<49152x1024xf32, #tpu.memory_space<hbm>> -> memref<1x1024xf32, #tpu.memory_space<hbm>>
        %dma_start3A_1027 = arith.constant 1 : i32
        %dma_start3A_1028 = arith.constant 0 : i32
        %dma_start3A_1029 = tpu.memref_slice %arg7[%dma_start3A_1027, %dma_start3A_1028] : memref<16x1040xf32, #tpu.memory_space<vmem>> -> memref<1x1024xf32, #tpu.memory_space<vmem>>
        %dma_start3A_1030 = arith.constant 0 : i32
        %dma_start3A_1031 = tpu.memref_slice %arg2[%add3A_1021, %dma_start3A_1030] : memref<49152x1024xf32, #tpu.memory_space<hbm>> -> memref<1x1024xf32, #tpu.memory_space<hbm>>
        tpu.enqueue_dma source(%dma_start3A_1031 : memref<1x1024xf32, #tpu.memory_space<hbm>>) target(%dma_start3A_1029 : memref<1x1024xf32, #tpu.memory_space<vmem>>) target_semaphore(%arg13 : memref<!tpu.dma_semaphore, #tpu.memory_space<semaphore_mem>>)
        %mul3A_1032 = arith.constant 16 : i32
        %mul3A_1033 = arith.muli %add3A_704, %mul3A_1032 : i32
        %add3A_1034 = arith.addi %mul3A_2, %mul3A_1033 : i32
        %add3A_1035 = arith.constant 2 : i32
        %add3A_1036 = arith.addi %add3A_1034, %add3A_1035 : i32
        %dma_start3A_1037 = arith.constant 2 : i32
        %dma_start3A_1038 = arith.constant 0 : i32
        %dma_start3A_1039 = tpu.memref_slice %arg7[%dma_start3A_1037, %dma_start3A_1038] : memref<16x1040xf32, #tpu.memory_space<vmem>> -> memref<1x1024xf32, #tpu.memory_space<vmem>>
        %dma_start3A_1040 = arith.constant 0 : i32
        %dma_start3A_1041 = tpu.memref_slice %arg2[%add3A_1036, %dma_start3A_1040] : memref<49152x1024xf32, #tpu.memory_space<hbm>> -> memref<1x1024xf32, #tpu.memory_space<hbm>>
        %dma_start3A_1042 = arith.constant 2 : i32
        %dma_start3A_1043 = arith.constant 0 : i32
        %dma_start3A_1044 = tpu.memref_slice %arg7[%dma_start3A_1042, %dma_start3A_1043] : memref<16x1040xf32, #tpu.memory_space<vmem>> -> memref<1x1024xf32, #tpu.memory_space<vmem>>
        %dma_start3A_1045 = arith.constant 0 : i32
        %dma_start3A_1046 = tpu.memref_slice %arg2[%add3A_1036, %dma_start3A_1045] : memref<49152x1024xf32, #tpu.memory_space<hbm>> -> memref<1x1024xf32, #tpu.memory_space<hbm>>
        tpu.enqueue_dma source(%dma_start3A_1046 : memref<1x1024xf32, #tpu.memory_space<hbm>>) target(%dma_start3A_1044 : memref<1x1024xf32, #tpu.memory_space<vmem>>) target_semaphore(%arg13 : memref<!tpu.dma_semaphore, #tpu.memory_space<semaphore_mem>>)
        %mul3A_1047 = arith.constant 16 : i32
        %mul3A_1048 = arith.muli %add3A_704, %mul3A_1047 : i32
        %add3A_1049 = arith.addi %mul3A_2, %mul3A_1048 : i32
        %add3A_1050 = arith.constant 3 : i32
        %add3A_1051 = arith.addi %add3A_1049, %add3A_1050 : i32
        %dma_start3A_1052 = arith.constant 3 : i32
        %dma_start3A_1053 = arith.constant 0 : i32
        %dma_start3A_1054 = tpu.memref_slice %arg7[%dma_start3A_1052, %dma_start3A_1053] : memref<16x1040xf32, #tpu.memory_space<vmem>> -> memref<1x1024xf32, #tpu.memory_space<vmem>>
        %dma_start3A_1055 = arith.constant 0 : i32
        %dma_start3A_1056 = tpu.memref_slice %arg2[%add3A_1051, %dma_start3A_1055] : memref<49152x1024xf32, #tpu.memory_space<hbm>> -> memref<1x1024xf32, #tpu.memory_space<hbm>>
        %dma_start3A_1057 = arith.constant 3 : i32
        %dma_start3A_1058 = arith.constant 0 : i32
        %dma_start3A_1059 = tpu.memref_slice %arg7[%dma_start3A_1057, %dma_start3A_1058] : memref<16x1040xf32, #tpu.memory_space<vmem>> -> memref<1x1024xf32, #tpu.memory_space<vmem>>
        %dma_start3A_1060 = arith.constant 0 : i32
        %dma_start3A_1061 = tpu.memref_slice %arg2[%add3A_1051, %dma_start3A_1060] : memref<49152x1024xf32, #tpu.memory_space<hbm>> -> memref<1x1024xf32, #tpu.memory_space<hbm>>
        tpu.enqueue_dma source(%dma_start3A_1061 : memref<1x1024xf32, #tpu.memory_space<hbm>>) target(%dma_start3A_1059 : memref<1x1024xf32, #tpu.memory_space<vmem>>) target_semaphore(%arg13 : memref<!tpu.dma_semaphore, #tpu.memory_space<semaphore_mem>>)
        %mul3A_1062 = arith.constant 16 : i32
        %mul3A_1063 = arith.muli %add3A_704, %mul3A_1062 : i32
        %add3A_1064 = arith.addi %mul3A_2, %mul3A_1063 : i32
        %add3A_1065 = arith.constant 4 : i32
        %add3A_1066 = arith.addi %add3A_1064, %add3A_1065 : i32
        %dma_start3A_1067 = arith.constant 4 : i32
        %dma_start3A_1068 = arith.constant 0 : i32
        %dma_start3A_1069 = tpu.memref_slice %arg7[%dma_start3A_1067, %dma_start3A_1068] : memref<16x1040xf32, #tpu.memory_space<vmem>> -> memref<1x1024xf32, #tpu.memory_space<vmem>>
        %dma_start3A_1070 = arith.constant 0 : i32
        %dma_start3A_1071 = tpu.memref_slice %arg2[%add3A_1066, %dma_start3A_1070] : memref<49152x1024xf32, #tpu.memory_space<hbm>> -> memref<1x1024xf32, #tpu.memory_space<hbm>>
        %dma_start3A_1072 = arith.constant 4 : i32
        %dma_start3A_1073 = arith.constant 0 : i32
        %dma_start3A_1074 = tpu.memref_slice %arg7[%dma_start3A_1072, %dma_start3A_1073] : memref<16x1040xf32, #tpu.memory_space<vmem>> -> memref<1x1024xf32, #tpu.memory_space<vmem>>
        %dma_start3A_1075 = arith.constant 0 : i32
        %dma_start3A_1076 = tpu.memref_slice %arg2[%add3A_1066, %dma_start3A_1075] : memref<49152x1024xf32, #tpu.memory_space<hbm>> -> memref<1x1024xf32, #tpu.memory_space<hbm>>
        tpu.enqueue_dma source(%dma_start3A_1076 : memref<1x1024xf32, #tpu.memory_space<hbm>>) target(%dma_start3A_1074 : memref<1x1024xf32, #tpu.memory_space<vmem>>) target_semaphore(%arg13 : memref<!tpu.dma_semaphore, #tpu.memory_space<semaphore_mem>>)
        %mul3A_1077 = arith.constant 16 : i32
        %mul3A_1078 = arith.muli %add3A_704, %mul3A_1077 : i32
        %add3A_1079 = arith.addi %mul3A_2, %mul3A_1078 : i32
        %add3A_1080 = arith.constant 5 : i32
        %add3A_1081 = arith.addi %add3A_1079, %add3A_1080 : i32
        %dma_start3A_1082 = arith.constant 5 : i32
        %dma_start3A_1083 = arith.constant 0 : i32
        %dma_start3A_1084 = tpu.memref_slice %arg7[%dma_start3A_1082, %dma_start3A_1083] : memref<16x1040xf32, #tpu.memory_space<vmem>> -> memref<1x1024xf32, #tpu.memory_space<vmem>>
        %dma_start3A_1085 = arith.constant 0 : i32
        %dma_start3A_1086 = tpu.memref_slice %arg2[%add3A_1081, %dma_start3A_1085] : memref<49152x1024xf32, #tpu.memory_space<hbm>> -> memref<1x1024xf32, #tpu.memory_space<hbm>>
        %dma_start3A_1087 = arith.constant 5 : i32
        %dma_start3A_1088 = arith.constant 0 : i32
        %dma_start3A_1089 = tpu.memref_slice %arg7[%dma_start3A_1087, %dma_start3A_1088] : memref<16x1040xf32, #tpu.memory_space<vmem>> -> memref<1x1024xf32, #tpu.memory_space<vmem>>
        %dma_start3A_1090 = arith.constant 0 : i32
        %dma_start3A_1091 = tpu.memref_slice %arg2[%add3A_1081, %dma_start3A_1090] : memref<49152x1024xf32, #tpu.memory_space<hbm>> -> memref<1x1024xf32, #tpu.memory_space<hbm>>
        tpu.enqueue_dma source(%dma_start3A_1091 : memref<1x1024xf32, #tpu.memory_space<hbm>>) target(%dma_start3A_1089 : memref<1x1024xf32, #tpu.memory_space<vmem>>) target_semaphore(%arg13 : memref<!tpu.dma_semaphore, #tpu.memory_space<semaphore_mem>>)
      } else {
      }
      %parallel_loop3A_707 = arith.constant 0 : i32
      %parallel_loop3A_708 = arith.constant 1024 : i32
      %parallel_loop3A_709 = arith.constant 1 : i32
      scf.for %parallel_loop3A_1002 = %parallel_loop3A_707 to %parallel_loop3A_708 step %parallel_loop3A_709  : i32 {
        %parallel_loop3A_1003 = vector.broadcast %parallel_loop3A_1002 : i32 to vector<16xi32>
        %parallel_loop3A_1004 = tpu.vector_load_idx %arg4[%iota3A, %parallel_loop3A_1003] : memref<16x1040xf32, #tpu.memory_space<vmem>>[vector<16xi32>, vector<16xi32>], vector<16xf32>,
        %parallel_loop3A_1005 = arith.constant 3.200000e+01 : f32
        %parallel_loop3A_1006 = vector.broadcast %parallel_loop3A_1005 : f32 to vector<16xf32>
        %parallel_loop3A_1007 = arith.mulf %parallel_loop3A_1004, %parallel_loop3A_1006 : vector<16xf32>
        %parallel_loop3A_1008 = arith.constant -2.560000e+02 : f32
        %parallel_loop3A_1009 = vector.broadcast %parallel_loop3A_1008 : f32 to vector<16xf32>
        %parallel_loop3A_1010 = arith.subf %parallel_loop3A_1007, %parallel_loop3A_1009 : vector<16xf32>
        %parallel_loop3A_1011 = arith.constant 0.000000e+00 : f32
        %parallel_loop3A_1012 = arith.constant 5.110000e+02 : f32
        %parallel_loop3A_1013 = vector.broadcast %parallel_loop3A_1011 : f32 to vector<16xf32>
        %parallel_loop3A_1014 = arith.maximumf %parallel_loop3A_1013, %parallel_loop3A_1010 : vector<16xf32>
        %parallel_loop3A_1015 = vector.broadcast %parallel_loop3A_1012 : f32 to vector<16xf32>
        %parallel_loop3A_1016 = arith.minimumf %parallel_loop3A_1015, %parallel_loop3A_1014 : vector<16xf32>
        %parallel_loop3A_1017 = arith.fptosi %parallel_loop3A_1016 : vector<16xf32> to vector<16xi32>
        %parallel_loop3A_1018 = arith.constant 16 : i32
        %parallel_loop3A_1019 = vector.broadcast %parallel_loop3A_1018 : i32 to vector<16xi32>
        %parallel_loop3A_1020 = arith.muli %parallel_loop3A_1017, %parallel_loop3A_1019 : vector<16xi32>
        %parallel_loop3A_1021 = arith.addi %parallel_loop3A_1020, %iota3A : vector<16xi32>
        tpu.vector_store_idx %arg8[%parallel_loop3A_1021], %broadcast_in_dim3A_3 {add = true} : memref<8192xf32, #tpu.memory_space<vmem>>[vector<16xi32>], vector<16xf32>,
      } {sc.loop_unroll_factor = 8 : i64, sc.parallel_access}
      %add3A_710 = arith.constant 3 : i32
      %add3A_711 = arith.addi %add3A_690, %add3A_710 : i32
      %lt3A_712 = arith.constant 96 : i32
      %lt3A_713 = arith.cmpi slt, %add3A_711, %lt3A_712 : i32
      %convert_element_type3A_714 = arith.extui %lt3A_713 : i1 to i32
      %cond3A_715 = arith.constant 0 : i32
      %cond3A_716 = arith.cmpi ne, %convert_element_type3A_714, %cond3A_715 : i32
      scf.if %cond3A_716 {
        %mul3A_1002 = arith.constant 16 : i32
        %mul3A_1003 = arith.muli %add3A_711, %mul3A_1002 : i32
        %add3A_1004 = arith.addi %mul3A_2, %mul3A_1003 : i32
        %add3A_1005 = arith.constant 6 : i32
        %add3A_1006 = arith.addi %add3A_1004, %add3A_1005 : i32
        %dma_start3A_1007 = arith.constant 6 : i32
        %dma_start3A_1008 = arith.constant 0 : i32
        %dma_start3A_1009 = tpu.memref_slice %arg7[%dma_start3A_1007, %dma_start3A_1008] : memref<16x1040xf32, #tpu.memory_space<vmem>> -> memref<1x1024xf32, #tpu.memory_space<vmem>>
        %dma_start3A_1010 = arith.constant 0 : i32
        %dma_start3A_1011 = tpu.memref_slice %arg2[%add3A_1006, %dma_start3A_1010] : memref<49152x1024xf32, #tpu.memory_space<hbm>> -> memref<1x1024xf32, #tpu.memory_space<hbm>>
        %dma_start3A_1012 = arith.constant 6 : i32
        %dma_start3A_1013 = arith.constant 0 : i32
        %dma_start3A_1014 = tpu.memref_slice %arg7[%dma_start3A_1012, %dma_start3A_1013] : memref<16x1040xf32, #tpu.memory_space<vmem>> -> memref<1x1024xf32, #tpu.memory_space<vmem>>
        %dma_start3A_1015 = arith.constant 0 : i32
        %dma_start3A_1016 = tpu.memref_slice %arg2[%add3A_1006, %dma_start3A_1015] : memref<49152x1024xf32, #tpu.memory_space<hbm>> -> memref<1x1024xf32, #tpu.memory_space<hbm>>
        tpu.enqueue_dma source(%dma_start3A_1016 : memref<1x1024xf32, #tpu.memory_space<hbm>>) target(%dma_start3A_1014 : memref<1x1024xf32, #tpu.memory_space<vmem>>) target_semaphore(%arg13 : memref<!tpu.dma_semaphore, #tpu.memory_space<semaphore_mem>>)
        %mul3A_1017 = arith.constant 16 : i32
        %mul3A_1018 = arith.muli %add3A_711, %mul3A_1017 : i32
        %add3A_1019 = arith.addi %mul3A_2, %mul3A_1018 : i32
        %add3A_1020 = arith.constant 7 : i32
        %add3A_1021 = arith.addi %add3A_1019, %add3A_1020 : i32
        %dma_start3A_1022 = arith.constant 7 : i32
        %dma_start3A_1023 = arith.constant 0 : i32
        %dma_start3A_1024 = tpu.memref_slice %arg7[%dma_start3A_1022, %dma_start3A_1023] : memref<16x1040xf32, #tpu.memory_space<vmem>> -> memref<1x1024xf32, #tpu.memory_space<vmem>>
        %dma_start3A_1025 = arith.constant 0 : i32
        %dma_start3A_1026 = tpu.memref_slice %arg2[%add3A_1021, %dma_start3A_1025] : memref<49152x1024xf32, #tpu.memory_space<hbm>> -> memref<1x1024xf32, #tpu.memory_space<hbm>>
        %dma_start3A_1027 = arith.constant 7 : i32
        %dma_start3A_1028 = arith.constant 0 : i32
        %dma_start3A_1029 = tpu.memref_slice %arg7[%dma_start3A_1027, %dma_start3A_1028] : memref<16x1040xf32, #tpu.memory_space<vmem>> -> memref<1x1024xf32, #tpu.memory_space<vmem>>
        %dma_start3A_1030 = arith.constant 0 : i32
        %dma_start3A_1031 = tpu.memref_slice %arg2[%add3A_1021, %dma_start3A_1030] : memref<49152x1024xf32, #tpu.memory_space<hbm>> -> memref<1x1024xf32, #tpu.memory_space<hbm>>
        tpu.enqueue_dma source(%dma_start3A_1031 : memref<1x1024xf32, #tpu.memory_space<hbm>>) target(%dma_start3A_1029 : memref<1x1024xf32, #tpu.memory_space<vmem>>) target_semaphore(%arg13 : memref<!tpu.dma_semaphore, #tpu.memory_space<semaphore_mem>>)
        %mul3A_1032 = arith.constant 16 : i32
        %mul3A_1033 = arith.muli %add3A_711, %mul3A_1032 : i32
        %add3A_1034 = arith.addi %mul3A_2, %mul3A_1033 : i32
        %add3A_1035 = arith.constant 8 : i32
        %add3A_1036 = arith.addi %add3A_1034, %add3A_1035 : i32
        %dma_start3A_1037 = arith.constant 8 : i32
        %dma_start3A_1038 = arith.constant 0 : i32
        %dma_start3A_1039 = tpu.memref_slice %arg7[%dma_start3A_1037, %dma_start3A_1038] : memref<16x1040xf32, #tpu.memory_space<vmem>> -> memref<1x1024xf32, #tpu.memory_space<vmem>>
        %dma_start3A_1040 = arith.constant 0 : i32
        %dma_start3A_1041 = tpu.memref_slice %arg2[%add3A_1036, %dma_start3A_1040] : memref<49152x1024xf32, #tpu.memory_space<hbm>> -> memref<1x1024xf32, #tpu.memory_space<hbm>>
        %dma_start3A_1042 = arith.constant 8 : i32
        %dma_start3A_1043 = arith.constant 0 : i32
        %dma_start3A_1044 = tpu.memref_slice %arg7[%dma_start3A_1042, %dma_start3A_1043] : memref<16x1040xf32, #tpu.memory_space<vmem>> -> memref<1x1024xf32, #tpu.memory_space<vmem>>
        %dma_start3A_1045 = arith.constant 0 : i32
        %dma_start3A_1046 = tpu.memref_slice %arg2[%add3A_1036, %dma_start3A_1045] : memref<49152x1024xf32, #tpu.memory_space<hbm>> -> memref<1x1024xf32, #tpu.memory_space<hbm>>
        tpu.enqueue_dma source(%dma_start3A_1046 : memref<1x1024xf32, #tpu.memory_space<hbm>>) target(%dma_start3A_1044 : memref<1x1024xf32, #tpu.memory_space<vmem>>) target_semaphore(%arg13 : memref<!tpu.dma_semaphore, #tpu.memory_space<semaphore_mem>>)
        %mul3A_1047 = arith.constant 16 : i32
        %mul3A_1048 = arith.muli %add3A_711, %mul3A_1047 : i32
        %add3A_1049 = arith.addi %mul3A_2, %mul3A_1048 : i32
        %add3A_1050 = arith.constant 9 : i32
        %add3A_1051 = arith.addi %add3A_1049, %add3A_1050 : i32
        %dma_start3A_1052 = arith.constant 9 : i32
        %dma_start3A_1053 = arith.constant 0 : i32
        %dma_start3A_1054 = tpu.memref_slice %arg7[%dma_start3A_1052, %dma_start3A_1053] : memref<16x1040xf32, #tpu.memory_space<vmem>> -> memref<1x1024xf32, #tpu.memory_space<vmem>>
        %dma_start3A_1055 = arith.constant 0 : i32
        %dma_start3A_1056 = tpu.memref_slice %arg2[%add3A_1051, %dma_start3A_1055] : memref<49152x1024xf32, #tpu.memory_space<hbm>> -> memref<1x1024xf32, #tpu.memory_space<hbm>>
        %dma_start3A_1057 = arith.constant 9 : i32
        %dma_start3A_1058 = arith.constant 0 : i32
        %dma_start3A_1059 = tpu.memref_slice %arg7[%dma_start3A_1057, %dma_start3A_1058] : memref<16x1040xf32, #tpu.memory_space<vmem>> -> memref<1x1024xf32, #tpu.memory_space<vmem>>
        %dma_start3A_1060 = arith.constant 0 : i32
        %dma_start3A_1061 = tpu.memref_slice %arg2[%add3A_1051, %dma_start3A_1060] : memref<49152x1024xf32, #tpu.memory_space<hbm>> -> memref<1x1024xf32, #tpu.memory_space<hbm>>
        tpu.enqueue_dma source(%dma_start3A_1061 : memref<1x1024xf32, #tpu.memory_space<hbm>>) target(%dma_start3A_1059 : memref<1x1024xf32, #tpu.memory_space<vmem>>) target_semaphore(%arg13 : memref<!tpu.dma_semaphore, #tpu.memory_space<semaphore_mem>>)
        %mul3A_1062 = arith.constant 16 : i32
        %mul3A_1063 = arith.muli %add3A_711, %mul3A_1062 : i32
        %add3A_1064 = arith.addi %mul3A_2, %mul3A_1063 : i32
        %add3A_1065 = arith.constant 10 : i32
        %add3A_1066 = arith.addi %add3A_1064, %add3A_1065 : i32
        %dma_start3A_1067 = arith.constant 10 : i32
        %dma_start3A_1068 = arith.constant 0 : i32
        %dma_start3A_1069 = tpu.memref_slice %arg7[%dma_start3A_1067, %dma_start3A_1068] : memref<16x1040xf32, #tpu.memory_space<vmem>> -> memref<1x1024xf32, #tpu.memory_space<vmem>>
        %dma_start3A_1070 = arith.constant 0 : i32
        %dma_start3A_1071 = tpu.memref_slice %arg2[%add3A_1066, %dma_start3A_1070] : memref<49152x1024xf32, #tpu.memory_space<hbm>> -> memref<1x1024xf32, #tpu.memory_space<hbm>>
        %dma_start3A_1072 = arith.constant 10 : i32
        %dma_start3A_1073 = arith.constant 0 : i32
        %dma_start3A_1074 = tpu.memref_slice %arg7[%dma_start3A_1072, %dma_start3A_1073] : memref<16x1040xf32, #tpu.memory_space<vmem>> -> memref<1x1024xf32, #tpu.memory_space<vmem>>
        %dma_start3A_1075 = arith.constant 0 : i32
        %dma_start3A_1076 = tpu.memref_slice %arg2[%add3A_1066, %dma_start3A_1075] : memref<49152x1024xf32, #tpu.memory_space<hbm>> -> memref<1x1024xf32, #tpu.memory_space<hbm>>
        tpu.enqueue_dma source(%dma_start3A_1076 : memref<1x1024xf32, #tpu.memory_space<hbm>>) target(%dma_start3A_1074 : memref<1x1024xf32, #tpu.memory_space<vmem>>) target_semaphore(%arg13 : memref<!tpu.dma_semaphore, #tpu.memory_space<semaphore_mem>>)
      } else {
      }
      %parallel_loop3A_717 = arith.constant 0 : i32
      %parallel_loop3A_718 = arith.constant 512 : i32
      %parallel_loop3A_719 = arith.constant 8 : i32
      %parallel_loop3A_720:3 = scf.for %parallel_loop3A_1002 = %parallel_loop3A_717 to %parallel_loop3A_718 step %parallel_loop3A_719 iter_args(%parallel_loop3A_1003 = %broadcast_in_dim3A_5, %parallel_loop3A_1004 = %broadcast_in_dim3A_5, %parallel_loop3A_1005 = %broadcast_in_dim3A_5) -> (vector<16xf32>, vector<16xf32>, vector<16xf32>)  : i32 {
        %parallel_loop3A_1006 = arith.constant 0 : i32
        %parallel_loop3A_1007 = arith.addi %parallel_loop3A_1002, %parallel_loop3A_1006 : i32
        %parallel_loop3A_1008 = arith.constant 16 : i32
        %parallel_loop3A_1009 = arith.muli %parallel_loop3A_1007, %parallel_loop3A_1008 : i32
        %parallel_loop3A_1010 = arith.index_cast %parallel_loop3A_1009 : i32 to index
        %parallel_loop3A_1011 = tpu.vector_load %arg8[%parallel_loop3A_1010] {strides = array<i32>} : memref<8192xf32, #tpu.memory_space<vmem>>, vector<16xf32>,
        %parallel_loop3A_1012 = arith.constant 0 : i32
        %parallel_loop3A_1013 = arith.addi %parallel_loop3A_1002, %parallel_loop3A_1012 : i32
        %parallel_loop3A_1014 = arith.constant 16 : i32
        %parallel_loop3A_1015 = arith.muli %parallel_loop3A_1013, %parallel_loop3A_1014 : i32
        %parallel_loop3A_1016 = arith.index_cast %parallel_loop3A_1015 : i32 to index
        %parallel_loop3A_1017 = tpu.vector_load %arg8[%parallel_loop3A_1016] {strides = array<i32>} : memref<8192xf32, #tpu.memory_space<vmem>>, vector<16xf32>,
        tpu.vector_store %arg8[%parallel_loop3A_1016], %broadcast_in_dim3A_5 {strides = array<i32>} : memref<8192xf32, #tpu.memory_space<vmem>>, vector<16xf32>,
        %parallel_loop3A_1018 = arith.constant 1 : i32
        %parallel_loop3A_1019 = arith.addi %parallel_loop3A_1002, %parallel_loop3A_1018 : i32
        %parallel_loop3A_1020 = arith.constant 16 : i32
        %parallel_loop3A_1021 = arith.muli %parallel_loop3A_1019, %parallel_loop3A_1020 : i32
        %parallel_loop3A_1022 = arith.index_cast %parallel_loop3A_1021 : i32 to index
        %parallel_loop3A_1023 = tpu.vector_load %arg8[%parallel_loop3A_1022] {strides = array<i32>} : memref<8192xf32, #tpu.memory_space<vmem>>, vector<16xf32>,
        %parallel_loop3A_1024 = arith.constant 1 : i32
        %parallel_loop3A_1025 = arith.addi %parallel_loop3A_1002, %parallel_loop3A_1024 : i32
        %parallel_loop3A_1026 = arith.constant 16 : i32
        %parallel_loop3A_1027 = arith.muli %parallel_loop3A_1025, %parallel_loop3A_1026 : i32
        %parallel_loop3A_1028 = arith.index_cast %parallel_loop3A_1027 : i32 to index
        %parallel_loop3A_1029 = tpu.vector_load %arg8[%parallel_loop3A_1028] {strides = array<i32>} : memref<8192xf32, #tpu.memory_space<vmem>>, vector<16xf32>,
        tpu.vector_store %arg8[%parallel_loop3A_1028], %broadcast_in_dim3A_5 {strides = array<i32>} : memref<8192xf32, #tpu.memory_space<vmem>>, vector<16xf32>,
        %parallel_loop3A_1030 = arith.constant 2 : i32
        %parallel_loop3A_1031 = arith.addi %parallel_loop3A_1002, %parallel_loop3A_1030 : i32
        %parallel_loop3A_1032 = arith.constant 16 : i32
        %parallel_loop3A_1033 = arith.muli %parallel_loop3A_1031, %parallel_loop3A_1032 : i32
        %parallel_loop3A_1034 = arith.index_cast %parallel_loop3A_1033 : i32 to index
        %parallel_loop3A_1035 = tpu.vector_load %arg8[%parallel_loop3A_1034] {strides = array<i32>} : memref<8192xf32, #tpu.memory_space<vmem>>, vector<16xf32>,
        %parallel_loop3A_1036 = arith.constant 2 : i32
        %parallel_loop3A_1037 = arith.addi %parallel_loop3A_1002, %parallel_loop3A_1036 : i32
        %parallel_loop3A_1038 = arith.constant 16 : i32
        %parallel_loop3A_1039 = arith.muli %parallel_loop3A_1037, %parallel_loop3A_1038 : i32
        %parallel_loop3A_1040 = arith.index_cast %parallel_loop3A_1039 : i32 to index
        %parallel_loop3A_1041 = tpu.vector_load %arg8[%parallel_loop3A_1040] {strides = array<i32>} : memref<8192xf32, #tpu.memory_space<vmem>>, vector<16xf32>,
        tpu.vector_store %arg8[%parallel_loop3A_1040], %broadcast_in_dim3A_5 {strides = array<i32>} : memref<8192xf32, #tpu.memory_space<vmem>>, vector<16xf32>,
        %parallel_loop3A_1042 = arith.constant 3 : i32
        %parallel_loop3A_1043 = arith.addi %parallel_loop3A_1002, %parallel_loop3A_1042 : i32
        %parallel_loop3A_1044 = arith.constant 16 : i32
        %parallel_loop3A_1045 = arith.muli %parallel_loop3A_1043, %parallel_loop3A_1044 : i32
        %parallel_loop3A_1046 = arith.index_cast %parallel_loop3A_1045 : i32 to index
        %parallel_loop3A_1047 = tpu.vector_load %arg8[%parallel_loop3A_1046] {strides = array<i32>} : memref<8192xf32, #tpu.memory_space<vmem>>, vector<16xf32>,
        %parallel_loop3A_1048 = arith.constant 3 : i32
        %parallel_loop3A_1049 = arith.addi %parallel_loop3A_1002, %parallel_loop3A_1048 : i32
        %parallel_loop3A_1050 = arith.constant 16 : i32
        %parallel_loop3A_1051 = arith.muli %parallel_loop3A_1049, %parallel_loop3A_1050 : i32
        %parallel_loop3A_1052 = arith.index_cast %parallel_loop3A_1051 : i32 to index
        %parallel_loop3A_1053 = tpu.vector_load %arg8[%parallel_loop3A_1052] {strides = array<i32>} : memref<8192xf32, #tpu.memory_space<vmem>>, vector<16xf32>,
        tpu.vector_store %arg8[%parallel_loop3A_1052], %broadcast_in_dim3A_5 {strides = array<i32>} : memref<8192xf32, #tpu.memory_space<vmem>>, vector<16xf32>,
        %parallel_loop3A_1054 = arith.constant 4 : i32
        %parallel_loop3A_1055 = arith.addi %parallel_loop3A_1002, %parallel_loop3A_1054 : i32
        %parallel_loop3A_1056 = arith.constant 16 : i32
        %parallel_loop3A_1057 = arith.muli %parallel_loop3A_1055, %parallel_loop3A_1056 : i32
        %parallel_loop3A_1058 = arith.index_cast %parallel_loop3A_1057 : i32 to index
        %parallel_loop3A_1059 = tpu.vector_load %arg8[%parallel_loop3A_1058] {strides = array<i32>} : memref<8192xf32, #tpu.memory_space<vmem>>, vector<16xf32>,
        %parallel_loop3A_1060 = arith.constant 4 : i32
        %parallel_loop3A_1061 = arith.addi %parallel_loop3A_1002, %parallel_loop3A_1060 : i32
        %parallel_loop3A_1062 = arith.constant 16 : i32
        %parallel_loop3A_1063 = arith.muli %parallel_loop3A_1061, %parallel_loop3A_1062 : i32
        %parallel_loop3A_1064 = arith.index_cast %parallel_loop3A_1063 : i32 to index
        %parallel_loop3A_1065 = tpu.vector_load %arg8[%parallel_loop3A_1064] {strides = array<i32>} : memref<8192xf32, #tpu.memory_space<vmem>>, vector<16xf32>,
        tpu.vector_store %arg8[%parallel_loop3A_1064], %broadcast_in_dim3A_5 {strides = array<i32>} : memref<8192xf32, #tpu.memory_space<vmem>>, vector<16xf32>,
        %parallel_loop3A_1066 = arith.constant 5 : i32
        %parallel_loop3A_1067 = arith.addi %parallel_loop3A_1002, %parallel_loop3A_1066 : i32
        %parallel_loop3A_1068 = arith.constant 16 : i32
        %parallel_loop3A_1069 = arith.muli %parallel_loop3A_1067, %parallel_loop3A_1068 : i32
        %parallel_loop3A_1070 = arith.index_cast %parallel_loop3A_1069 : i32 to index
        %parallel_loop3A_1071 = tpu.vector_load %arg8[%parallel_loop3A_1070] {strides = array<i32>} : memref<8192xf32, #tpu.memory_space<vmem>>, vector<16xf32>,
        %parallel_loop3A_1072 = arith.constant 5 : i32
        %parallel_loop3A_1073 = arith.addi %parallel_loop3A_1002, %parallel_loop3A_1072 : i32
        %parallel_loop3A_1074 = arith.constant 16 : i32
        %parallel_loop3A_1075 = arith.muli %parallel_loop3A_1073, %parallel_loop3A_1074 : i32
        %parallel_loop3A_1076 = arith.index_cast %parallel_loop3A_1075 : i32 to index
        %parallel_loop3A_1077 = tpu.vector_load %arg8[%parallel_loop3A_1076] {strides = array<i32>} : memref<8192xf32, #tpu.memory_space<vmem>>, vector<16xf32>,
        tpu.vector_store %arg8[%parallel_loop3A_1076], %broadcast_in_dim3A_5 {strides = array<i32>} : memref<8192xf32, #tpu.memory_space<vmem>>, vector<16xf32>,
        %parallel_loop3A_1078 = arith.constant 6 : i32
        %parallel_loop3A_1079 = arith.addi %parallel_loop3A_1002, %parallel_loop3A_1078 : i32
        %parallel_loop3A_1080 = arith.constant 16 : i32
        %parallel_loop3A_1081 = arith.muli %parallel_loop3A_1079, %parallel_loop3A_1080 : i32
        %parallel_loop3A_1082 = arith.index_cast %parallel_loop3A_1081 : i32 to index
        %parallel_loop3A_1083 = tpu.vector_load %arg8[%parallel_loop3A_1082] {strides = array<i32>} : memref<8192xf32, #tpu.memory_space<vmem>>, vector<16xf32>,
        %parallel_loop3A_1084 = arith.constant 6 : i32
        %parallel_loop3A_1085 = arith.addi %parallel_loop3A_1002, %parallel_loop3A_1084 : i32
        %parallel_loop3A_1086 = arith.constant 16 : i32
        %parallel_loop3A_1087 = arith.muli %parallel_loop3A_1085, %parallel_loop3A_1086 : i32
        %parallel_loop3A_1088 = arith.index_cast %parallel_loop3A_1087 : i32 to index
        %parallel_loop3A_1089 = tpu.vector_load %arg8[%parallel_loop3A_1088] {strides = array<i32>} : memref<8192xf32, #tpu.memory_space<vmem>>, vector<16xf32>,
        tpu.vector_store %arg8[%parallel_loop3A_1088], %broadcast_in_dim3A_5 {strides = array<i32>} : memref<8192xf32, #tpu.memory_space<vmem>>, vector<16xf32>,
        %parallel_loop3A_1090 = arith.constant 7 : i32
        %parallel_loop3A_1091 = arith.addi %parallel_loop3A_1002, %parallel_loop3A_1090 : i32
        %parallel_loop3A_1092 = arith.constant 16 : i32
        %parallel_loop3A_1093 = arith.muli %parallel_loop3A_1091, %parallel_loop3A_1092 : i32
        %parallel_loop3A_1094 = arith.index_cast %parallel_loop3A_1093 : i32 to index
        %parallel_loop3A_1095 = tpu.vector_load %arg8[%parallel_loop3A_1094] {strides = array<i32>} : memref<8192xf32, #tpu.memory_space<vmem>>, vector<16xf32>,
        %parallel_loop3A_1096 = arith.constant 7 : i32
        %parallel_loop3A_1097 = arith.addi %parallel_loop3A_1002, %parallel_loop3A_1096 : i32
        %parallel_loop3A_1098 = arith.constant 16 : i32
        %parallel_loop3A_1099 = arith.muli %parallel_loop3A_1097, %parallel_loop3A_1098 : i32
        %parallel_loop3A_1100 = arith.index_cast %parallel_loop3A_1099 : i32 to index
        %parallel_loop3A_1101 = tpu.vector_load %arg8[%parallel_loop3A_1100] {strides = array<i32>} : memref<8192xf32, #tpu.memory_space<vmem>>, vector<16xf32>,
        tpu.vector_store %arg8[%parallel_loop3A_1100], %broadcast_in_dim3A_5 {strides = array<i32>} : memref<8192xf32, #tpu.memory_space<vmem>>, vector<16xf32>,
        %parallel_loop3A_1102 = arith.addf %parallel_loop3A_1023, %parallel_loop3A_1011 : vector<16xf32>
        %parallel_loop3A_1103 = arith.addf %parallel_loop3A_1035, %parallel_loop3A_1023 : vector<16xf32>
        %parallel_loop3A_1104 = arith.addf %parallel_loop3A_1047, %parallel_loop3A_1035 : vector<16xf32>
        %parallel_loop3A_1105 = arith.addf %parallel_loop3A_1059, %parallel_loop3A_1047 : vector<16xf32>
        %parallel_loop3A_1106 = arith.addf %parallel_loop3A_1071, %parallel_loop3A_1059 : vector<16xf32>
        %parallel_loop3A_1107 = arith.addf %parallel_loop3A_1083, %parallel_loop3A_1071 : vector<16xf32>
        %parallel_loop3A_1108 = arith.addf %parallel_loop3A_1095, %parallel_loop3A_1083 : vector<16xf32>
        %parallel_loop3A_1109 = arith.addf %parallel_loop3A_1103, %parallel_loop3A_1011 : vector<16xf32>
        %parallel_loop3A_1110 = arith.addf %parallel_loop3A_1104, %parallel_loop3A_1102 : vector<16xf32>
        %parallel_loop3A_1111 = arith.addf %parallel_loop3A_1105, %parallel_loop3A_1103 : vector<16xf32>
        %parallel_loop3A_1112 = arith.addf %parallel_loop3A_1106, %parallel_loop3A_1104 : vector<16xf32>
        %parallel_loop3A_1113 = arith.addf %parallel_loop3A_1107, %parallel_loop3A_1105 : vector<16xf32>
        %parallel_loop3A_1114 = arith.addf %parallel_loop3A_1108, %parallel_loop3A_1106 : vector<16xf32>
        %parallel_loop3A_1115 = arith.addf %parallel_loop3A_1111, %parallel_loop3A_1011 : vector<16xf32>
        %parallel_loop3A_1116 = arith.addf %parallel_loop3A_1112, %parallel_loop3A_1102 : vector<16xf32>
        %parallel_loop3A_1117 = arith.addf %parallel_loop3A_1113, %parallel_loop3A_1109 : vector<16xf32>
        %parallel_loop3A_1118 = arith.addf %parallel_loop3A_1114, %parallel_loop3A_1110 : vector<16xf32>
        %parallel_loop3A_1119 = arith.addf %parallel_loop3A_1003, %parallel_loop3A_1011 : vector<16xf32>
        %parallel_loop3A_1120 = arith.addf %parallel_loop3A_1003, %parallel_loop3A_1102 : vector<16xf32>
        %parallel_loop3A_1121 = arith.addf %parallel_loop3A_1003, %parallel_loop3A_1109 : vector<16xf32>
        %parallel_loop3A_1122 = arith.addf %parallel_loop3A_1003, %parallel_loop3A_1110 : vector<16xf32>
        %parallel_loop3A_1123 = arith.addf %parallel_loop3A_1003, %parallel_loop3A_1115 : vector<16xf32>
        %parallel_loop3A_1124 = arith.addf %parallel_loop3A_1003, %parallel_loop3A_1116 : vector<16xf32>
        %parallel_loop3A_1125 = arith.addf %parallel_loop3A_1003, %parallel_loop3A_1117 : vector<16xf32>
        %parallel_loop3A_1126 = arith.addf %parallel_loop3A_1003, %parallel_loop3A_1118 : vector<16xf32>
        %parallel_loop3A_1127 = arith.constant 8.200000e+02 : f32
        %parallel_loop3A_1128 = vector.broadcast %parallel_loop3A_1127 : f32 to vector<16xf32>
        %parallel_loop3A_1129 = arith.cmpf olt, %parallel_loop3A_1119, %parallel_loop3A_1128 : vector<16xf32>
        %parallel_loop3A_1130 = arith.constant 1.000000e+00 : f32
        %parallel_loop3A_1131 = arith.constant 0.000000e+00 : f32
        %parallel_loop3A_1132 = vector.broadcast %parallel_loop3A_1130 : f32 to vector<16xf32>
        %parallel_loop3A_1133 = vector.broadcast %parallel_loop3A_1131 : f32 to vector<16xf32>
        %parallel_loop3A_1134 = arith.select %parallel_loop3A_1129, %parallel_loop3A_1132, %parallel_loop3A_1133 : vector<16xi1>, vector<16xf32>
        %parallel_loop3A_1135 = arith.constant 8.200000e+02 : f32
        %parallel_loop3A_1136 = vector.broadcast %parallel_loop3A_1135 : f32 to vector<16xf32>
        %parallel_loop3A_1137 = arith.cmpf olt, %parallel_loop3A_1120, %parallel_loop3A_1136 : vector<16xf32>
        %parallel_loop3A_1138 = arith.constant 1.000000e+00 : f32
        %parallel_loop3A_1139 = arith.constant 0.000000e+00 : f32
        %parallel_loop3A_1140 = vector.broadcast %parallel_loop3A_1138 : f32 to vector<16xf32>
        %parallel_loop3A_1141 = vector.broadcast %parallel_loop3A_1139 : f32 to vector<16xf32>
        %parallel_loop3A_1142 = arith.select %parallel_loop3A_1137, %parallel_loop3A_1140, %parallel_loop3A_1141 : vector<16xi1>, vector<16xf32>
        %parallel_loop3A_1143 = arith.constant 8.200000e+02 : f32
        %parallel_loop3A_1144 = vector.broadcast %parallel_loop3A_1143 : f32 to vector<16xf32>
        %parallel_loop3A_1145 = arith.cmpf olt, %parallel_loop3A_1121, %parallel_loop3A_1144 : vector<16xf32>
        %parallel_loop3A_1146 = arith.constant 1.000000e+00 : f32
        %parallel_loop3A_1147 = arith.constant 0.000000e+00 : f32
        %parallel_loop3A_1148 = vector.broadcast %parallel_loop3A_1146 : f32 to vector<16xf32>
        %parallel_loop3A_1149 = vector.broadcast %parallel_loop3A_1147 : f32 to vector<16xf32>
        %parallel_loop3A_1150 = arith.select %parallel_loop3A_1145, %parallel_loop3A_1148, %parallel_loop3A_1149 : vector<16xi1>, vector<16xf32>
        %parallel_loop3A_1151 = arith.constant 8.200000e+02 : f32
        %parallel_loop3A_1152 = vector.broadcast %parallel_loop3A_1151 : f32 to vector<16xf32>
        %parallel_loop3A_1153 = arith.cmpf olt, %parallel_loop3A_1122, %parallel_loop3A_1152 : vector<16xf32>
        %parallel_loop3A_1154 = arith.constant 1.000000e+00 : f32
        %parallel_loop3A_1155 = arith.constant 0.000000e+00 : f32
        %parallel_loop3A_1156 = vector.broadcast %parallel_loop3A_1154 : f32 to vector<16xf32>
        %parallel_loop3A_1157 = vector.broadcast %parallel_loop3A_1155 : f32 to vector<16xf32>
        %parallel_loop3A_1158 = arith.select %parallel_loop3A_1153, %parallel_loop3A_1156, %parallel_loop3A_1157 : vector<16xi1>, vector<16xf32>
        %parallel_loop3A_1159 = arith.constant 8.200000e+02 : f32
        %parallel_loop3A_1160 = vector.broadcast %parallel_loop3A_1159 : f32 to vector<16xf32>
        %parallel_loop3A_1161 = arith.cmpf olt, %parallel_loop3A_1123, %parallel_loop3A_1160 : vector<16xf32>
        %parallel_loop3A_1162 = arith.constant 1.000000e+00 : f32
        %parallel_loop3A_1163 = arith.constant 0.000000e+00 : f32
        %parallel_loop3A_1164 = vector.broadcast %parallel_loop3A_1162 : f32 to vector<16xf32>
        %parallel_loop3A_1165 = vector.broadcast %parallel_loop3A_1163 : f32 to vector<16xf32>
        %parallel_loop3A_1166 = arith.select %parallel_loop3A_1161, %parallel_loop3A_1164, %parallel_loop3A_1165 : vector<16xi1>, vector<16xf32>
        %parallel_loop3A_1167 = arith.constant 8.200000e+02 : f32
        %parallel_loop3A_1168 = vector.broadcast %parallel_loop3A_1167 : f32 to vector<16xf32>
        %parallel_loop3A_1169 = arith.cmpf olt, %parallel_loop3A_1124, %parallel_loop3A_1168 : vector<16xf32>
        %parallel_loop3A_1170 = arith.constant 1.000000e+00 : f32
        %parallel_loop3A_1171 = arith.constant 0.000000e+00 : f32
        %parallel_loop3A_1172 = vector.broadcast %parallel_loop3A_1170 : f32 to vector<16xf32>
        %parallel_loop3A_1173 = vector.broadcast %parallel_loop3A_1171 : f32 to vector<16xf32>
        %parallel_loop3A_1174 = arith.select %parallel_loop3A_1169, %parallel_loop3A_1172, %parallel_loop3A_1173 : vector<16xi1>, vector<16xf32>
        %parallel_loop3A_1175 = arith.constant 8.200000e+02 : f32
        %parallel_loop3A_1176 = vector.broadcast %parallel_loop3A_1175 : f32 to vector<16xf32>
        %parallel_loop3A_1177 = arith.cmpf olt, %parallel_loop3A_1125, %parallel_loop3A_1176 : vector<16xf32>
        %parallel_loop3A_1178 = arith.constant 1.000000e+00 : f32
        %parallel_loop3A_1179 = arith.constant 0.000000e+00 : f32
        %parallel_loop3A_1180 = vector.broadcast %parallel_loop3A_1178 : f32 to vector<16xf32>
        %parallel_loop3A_1181 = vector.broadcast %parallel_loop3A_1179 : f32 to vector<16xf32>
        %parallel_loop3A_1182 = arith.select %parallel_loop3A_1177, %parallel_loop3A_1180, %parallel_loop3A_1181 : vector<16xi1>, vector<16xf32>
        %parallel_loop3A_1183 = arith.constant 8.200000e+02 : f32
        %parallel_loop3A_1184 = vector.broadcast %parallel_loop3A_1183 : f32 to vector<16xf32>
        %parallel_loop3A_1185 = arith.cmpf olt, %parallel_loop3A_1126, %parallel_loop3A_1184 : vector<16xf32>
        %parallel_loop3A_1186 = arith.constant 1.000000e+00 : f32
        %parallel_loop3A_1187 = arith.constant 0.000000e+00 : f32
        %parallel_loop3A_1188 = vector.broadcast %parallel_loop3A_1186 : f32 to vector<16xf32>
        %parallel_loop3A_1189 = vector.broadcast %parallel_loop3A_1187 : f32 to vector<16xf32>
        %parallel_loop3A_1190 = arith.select %parallel_loop3A_1185, %parallel_loop3A_1188, %parallel_loop3A_1189 : vector<16xi1>, vector<16xf32>
        %parallel_loop3A_1191 = arith.addf %parallel_loop3A_1134, %parallel_loop3A_1142 : vector<16xf32>
        %parallel_loop3A_1192 = arith.addf %parallel_loop3A_1150, %parallel_loop3A_1158 : vector<16xf32>
        %parallel_loop3A_1193 = arith.addf %parallel_loop3A_1166, %parallel_loop3A_1174 : vector<16xf32>
        %parallel_loop3A_1194 = arith.addf %parallel_loop3A_1182, %parallel_loop3A_1190 : vector<16xf32>
        %parallel_loop3A_1195 = arith.addf %parallel_loop3A_1191, %parallel_loop3A_1192 : vector<16xf32>
        %parallel_loop3A_1196 = arith.addf %parallel_loop3A_1193, %parallel_loop3A_1194 : vector<16xf32>
        %parallel_loop3A_1197 = arith.addf %parallel_loop3A_1195, %parallel_loop3A_1196 : vector<16xf32>
        %parallel_loop3A_1198 = arith.constant 2.050000e+02 : f32
        %parallel_loop3A_1199 = vector.broadcast %parallel_loop3A_1198 : f32 to vector<16xf32>
        %parallel_loop3A_1200 = arith.cmpf olt, %parallel_loop3A_1119, %parallel_loop3A_1199 : vector<16xf32>
        %parallel_loop3A_1201 = arith.constant 1.000000e+00 : f32
        %parallel_loop3A_1202 = arith.constant 0.000000e+00 : f32
        %parallel_loop3A_1203 = vector.broadcast %parallel_loop3A_1201 : f32 to vector<16xf32>
        %parallel_loop3A_1204 = vector.broadcast %parallel_loop3A_1202 : f32 to vector<16xf32>
        %parallel_loop3A_1205 = arith.select %parallel_loop3A_1200, %parallel_loop3A_1203, %parallel_loop3A_1204 : vector<16xi1>, vector<16xf32>
        %parallel_loop3A_1206 = arith.constant 2.050000e+02 : f32
        %parallel_loop3A_1207 = vector.broadcast %parallel_loop3A_1206 : f32 to vector<16xf32>
        %parallel_loop3A_1208 = arith.cmpf olt, %parallel_loop3A_1120, %parallel_loop3A_1207 : vector<16xf32>
        %parallel_loop3A_1209 = arith.constant 1.000000e+00 : f32
        %parallel_loop3A_1210 = arith.constant 0.000000e+00 : f32
        %parallel_loop3A_1211 = vector.broadcast %parallel_loop3A_1209 : f32 to vector<16xf32>
        %parallel_loop3A_1212 = vector.broadcast %parallel_loop3A_1210 : f32 to vector<16xf32>
        %parallel_loop3A_1213 = arith.select %parallel_loop3A_1208, %parallel_loop3A_1211, %parallel_loop3A_1212 : vector<16xi1>, vector<16xf32>
        %parallel_loop3A_1214 = arith.constant 2.050000e+02 : f32
        %parallel_loop3A_1215 = vector.broadcast %parallel_loop3A_1214 : f32 to vector<16xf32>
        %parallel_loop3A_1216 = arith.cmpf olt, %parallel_loop3A_1121, %parallel_loop3A_1215 : vector<16xf32>
        %parallel_loop3A_1217 = arith.constant 1.000000e+00 : f32
        %parallel_loop3A_1218 = arith.constant 0.000000e+00 : f32
        %parallel_loop3A_1219 = vector.broadcast %parallel_loop3A_1217 : f32 to vector<16xf32>
        %parallel_loop3A_1220 = vector.broadcast %parallel_loop3A_1218 : f32 to vector<16xf32>
        %parallel_loop3A_1221 = arith.select %parallel_loop3A_1216, %parallel_loop3A_1219, %parallel_loop3A_1220 : vector<16xi1>, vector<16xf32>
        %parallel_loop3A_1222 = arith.constant 2.050000e+02 : f32
        %parallel_loop3A_1223 = vector.broadcast %parallel_loop3A_1222 : f32 to vector<16xf32>
        %parallel_loop3A_1224 = arith.cmpf olt, %parallel_loop3A_1122, %parallel_loop3A_1223 : vector<16xf32>
        %parallel_loop3A_1225 = arith.constant 1.000000e+00 : f32
        %parallel_loop3A_1226 = arith.constant 0.000000e+00 : f32
        %parallel_loop3A_1227 = vector.broadcast %parallel_loop3A_1225 : f32 to vector<16xf32>
        %parallel_loop3A_1228 = vector.broadcast %parallel_loop3A_1226 : f32 to vector<16xf32>
        %parallel_loop3A_1229 = arith.select %parallel_loop3A_1224, %parallel_loop3A_1227, %parallel_loop3A_1228 : vector<16xi1>, vector<16xf32>
        %parallel_loop3A_1230 = arith.constant 2.050000e+02 : f32
        %parallel_loop3A_1231 = vector.broadcast %parallel_loop3A_1230 : f32 to vector<16xf32>
        %parallel_loop3A_1232 = arith.cmpf olt, %parallel_loop3A_1123, %parallel_loop3A_1231 : vector<16xf32>
        %parallel_loop3A_1233 = arith.constant 1.000000e+00 : f32
        %parallel_loop3A_1234 = arith.constant 0.000000e+00 : f32
        %parallel_loop3A_1235 = vector.broadcast %parallel_loop3A_1233 : f32 to vector<16xf32>
        %parallel_loop3A_1236 = vector.broadcast %parallel_loop3A_1234 : f32 to vector<16xf32>
        %parallel_loop3A_1237 = arith.select %parallel_loop3A_1232, %parallel_loop3A_1235, %parallel_loop3A_1236 : vector<16xi1>, vector<16xf32>
        %parallel_loop3A_1238 = arith.constant 2.050000e+02 : f32
        %parallel_loop3A_1239 = vector.broadcast %parallel_loop3A_1238 : f32 to vector<16xf32>
        %parallel_loop3A_1240 = arith.cmpf olt, %parallel_loop3A_1124, %parallel_loop3A_1239 : vector<16xf32>
        %parallel_loop3A_1241 = arith.constant 1.000000e+00 : f32
        %parallel_loop3A_1242 = arith.constant 0.000000e+00 : f32
        %parallel_loop3A_1243 = vector.broadcast %parallel_loop3A_1241 : f32 to vector<16xf32>
        %parallel_loop3A_1244 = vector.broadcast %parallel_loop3A_1242 : f32 to vector<16xf32>
        %parallel_loop3A_1245 = arith.select %parallel_loop3A_1240, %parallel_loop3A_1243, %parallel_loop3A_1244 : vector<16xi1>, vector<16xf32>
        %parallel_loop3A_1246 = arith.constant 2.050000e+02 : f32
        %parallel_loop3A_1247 = vector.broadcast %parallel_loop3A_1246 : f32 to vector<16xf32>
        %parallel_loop3A_1248 = arith.cmpf olt, %parallel_loop3A_1125, %parallel_loop3A_1247 : vector<16xf32>
        %parallel_loop3A_1249 = arith.constant 1.000000e+00 : f32
        %parallel_loop3A_1250 = arith.constant 0.000000e+00 : f32
        %parallel_loop3A_1251 = vector.broadcast %parallel_loop3A_1249 : f32 to vector<16xf32>
        %parallel_loop3A_1252 = vector.broadcast %parallel_loop3A_1250 : f32 to vector<16xf32>
        %parallel_loop3A_1253 = arith.select %parallel_loop3A_1248, %parallel_loop3A_1251, %parallel_loop3A_1252 : vector<16xi1>, vector<16xf32>
        %parallel_loop3A_1254 = arith.constant 2.050000e+02 : f32
        %parallel_loop3A_1255 = vector.broadcast %parallel_loop3A_1254 : f32 to vector<16xf32>
        %parallel_loop3A_1256 = arith.cmpf olt, %parallel_loop3A_1126, %parallel_loop3A_1255 : vector<16xf32>
        %parallel_loop3A_1257 = arith.constant 1.000000e+00 : f32
        %parallel_loop3A_1258 = arith.constant 0.000000e+00 : f32
        %parallel_loop3A_1259 = vector.broadcast %parallel_loop3A_1257 : f32 to vector<16xf32>
        %parallel_loop3A_1260 = vector.broadcast %parallel_loop3A_1258 : f32 to vector<16xf32>
        %parallel_loop3A_1261 = arith.select %parallel_loop3A_1256, %parallel_loop3A_1259, %parallel_loop3A_1260 : vector<16xi1>, vector<16xf32>
        %parallel_loop3A_1262 = arith.addf %parallel_loop3A_1205, %parallel_loop3A_1213 : vector<16xf32>
        %parallel_loop3A_1263 = arith.addf %parallel_loop3A_1221, %parallel_loop3A_1229 : vector<16xf32>
        %parallel_loop3A_1264 = arith.addf %parallel_loop3A_1237, %parallel_loop3A_1245 : vector<16xf32>
        %parallel_loop3A_1265 = arith.addf %parallel_loop3A_1253, %parallel_loop3A_1261 : vector<16xf32>
        %parallel_loop3A_1266 = arith.addf %parallel_loop3A_1262, %parallel_loop3A_1263 : vector<16xf32>
        %parallel_loop3A_1267 = arith.addf %parallel_loop3A_1264, %parallel_loop3A_1265 : vector<16xf32>
        %parallel_loop3A_1268 = arith.addf %parallel_loop3A_1266, %parallel_loop3A_1267 : vector<16xf32>
        %parallel_loop3A_1269 = arith.addf %parallel_loop3A_1004, %parallel_loop3A_1197 : vector<16xf32>
        %parallel_loop3A_1270 = arith.addf %parallel_loop3A_1005, %parallel_loop3A_1268 : vector<16xf32>
        scf.yield %parallel_loop3A_1126, %parallel_loop3A_1269, %parallel_loop3A_1270 : vector<16xf32>, vector<16xf32>, vector<16xf32>
      } {sc.loop_unroll_factor = 1 : i64, sc.parallel_access}
      %mul3A_721 = arith.constant 3.125000e-02 : f32
      %mul3A_722 = vector.broadcast %mul3A_721 : f32 to vector<16xf32>
      %mul3A_723 = arith.mulf %parallel_loop3A_720#1, %mul3A_722 : vector<16xf32>
      %add3A_724 = arith.constant -8.000000e+00 : f32
      %add3A_725 = vector.broadcast %add3A_724 : f32 to vector<16xf32>
      %add3A_726 = arith.addf %add3A_725, %mul3A_723 : vector<16xf32>
      %add3A_727 = arith.constant 1.000000e+00 : f32
      %add3A_728 = vector.broadcast %add3A_727 : f32 to vector<16xf32>
      %add3A_729 = arith.addf %parallel_loop3A_720#2, %add3A_728 : vector<16xf32>
      %mul3A_730 = arith.constant 3.125000e-02 : f32
      %mul3A_731 = vector.broadcast %mul3A_730 : f32 to vector<16xf32>
      %mul3A_732 = arith.mulf %add3A_729, %mul3A_731 : vector<16xf32>
      %add3A_733 = arith.constant -8.000000e+00 : f32
      %add3A_734 = vector.broadcast %add3A_733 : f32 to vector<16xf32>
      %add3A_735 = arith.addf %add3A_734, %mul3A_732 : vector<16xf32>
      %parallel_loop3A_736 = arith.constant 0 : i32
      %parallel_loop3A_737 = arith.constant 1024 : i32
      %parallel_loop3A_738 = arith.constant 8 : i32
      %parallel_loop3A_739:2 = scf.for %parallel_loop3A_1002 = %parallel_loop3A_736 to %parallel_loop3A_737 step %parallel_loop3A_738 iter_args(%parallel_loop3A_1003 = %broadcast_in_dim3A_5, %parallel_loop3A_1004 = %broadcast_in_dim3A_5) -> (vector<16xf32>, vector<16xf32>)  : i32 {
        %parallel_loop3A_1005 = arith.constant 0 : i32
        %parallel_loop3A_1006 = arith.addi %parallel_loop3A_1002, %parallel_loop3A_1005 : i32
        %parallel_loop3A_1007 = vector.broadcast %parallel_loop3A_1006 : i32 to vector<16xi32>
        %parallel_loop3A_1008 = tpu.vector_load_idx %arg4[%iota3A, %parallel_loop3A_1007] : memref<16x1040xf32, #tpu.memory_space<vmem>>[vector<16xi32>, vector<16xi32>], vector<16xf32>,
        %parallel_loop3A_1009 = arith.subf %parallel_loop3A_1008, %add3A_726 : vector<16xf32>
        %parallel_loop3A_1010 = arith.constant 0.000000e+00 : f32
        %parallel_loop3A_1011 = vector.broadcast %parallel_loop3A_1010 : f32 to vector<16xf32>
        %parallel_loop3A_1012 = arith.maximumf %parallel_loop3A_1009, %parallel_loop3A_1011 : vector<16xf32>
        %parallel_loop3A_1013 = arith.subf %add3A_735, %parallel_loop3A_1008 : vector<16xf32>
        %parallel_loop3A_1014 = arith.constant 0.000000e+00 : f32
        %parallel_loop3A_1015 = vector.broadcast %parallel_loop3A_1014 : f32 to vector<16xf32>
        %parallel_loop3A_1016 = arith.maximumf %parallel_loop3A_1013, %parallel_loop3A_1015 : vector<16xf32>
        %parallel_loop3A_1017 = arith.constant 1 : i32
        %parallel_loop3A_1018 = arith.addi %parallel_loop3A_1002, %parallel_loop3A_1017 : i32
        %parallel_loop3A_1019 = vector.broadcast %parallel_loop3A_1018 : i32 to vector<16xi32>
        %parallel_loop3A_1020 = tpu.vector_load_idx %arg4[%iota3A, %parallel_loop3A_1019] : memref<16x1040xf32, #tpu.memory_space<vmem>>[vector<16xi32>, vector<16xi32>], vector<16xf32>,
        %parallel_loop3A_1021 = arith.subf %parallel_loop3A_1020, %add3A_726 : vector<16xf32>
        %parallel_loop3A_1022 = arith.constant 0.000000e+00 : f32
        %parallel_loop3A_1023 = vector.broadcast %parallel_loop3A_1022 : f32 to vector<16xf32>
        %parallel_loop3A_1024 = arith.maximumf %parallel_loop3A_1021, %parallel_loop3A_1023 : vector<16xf32>
        %parallel_loop3A_1025 = arith.subf %add3A_735, %parallel_loop3A_1020 : vector<16xf32>
        %parallel_loop3A_1026 = arith.constant 0.000000e+00 : f32
        %parallel_loop3A_1027 = vector.broadcast %parallel_loop3A_1026 : f32 to vector<16xf32>
        %parallel_loop3A_1028 = arith.maximumf %parallel_loop3A_1025, %parallel_loop3A_1027 : vector<16xf32>
        %parallel_loop3A_1029 = arith.constant 2 : i32
        %parallel_loop3A_1030 = arith.addi %parallel_loop3A_1002, %parallel_loop3A_1029 : i32
        %parallel_loop3A_1031 = vector.broadcast %parallel_loop3A_1030 : i32 to vector<16xi32>
        %parallel_loop3A_1032 = tpu.vector_load_idx %arg4[%iota3A, %parallel_loop3A_1031] : memref<16x1040xf32, #tpu.memory_space<vmem>>[vector<16xi32>, vector<16xi32>], vector<16xf32>,
        %parallel_loop3A_1033 = arith.subf %parallel_loop3A_1032, %add3A_726 : vector<16xf32>
        %parallel_loop3A_1034 = arith.constant 0.000000e+00 : f32
        %parallel_loop3A_1035 = vector.broadcast %parallel_loop3A_1034 : f32 to vector<16xf32>
        %parallel_loop3A_1036 = arith.maximumf %parallel_loop3A_1033, %parallel_loop3A_1035 : vector<16xf32>
        %parallel_loop3A_1037 = arith.subf %add3A_735, %parallel_loop3A_1032 : vector<16xf32>
        %parallel_loop3A_1038 = arith.constant 0.000000e+00 : f32
        %parallel_loop3A_1039 = vector.broadcast %parallel_loop3A_1038 : f32 to vector<16xf32>
        %parallel_loop3A_1040 = arith.maximumf %parallel_loop3A_1037, %parallel_loop3A_1039 : vector<16xf32>
        %parallel_loop3A_1041 = arith.constant 3 : i32
        %parallel_loop3A_1042 = arith.addi %parallel_loop3A_1002, %parallel_loop3A_1041 : i32
        %parallel_loop3A_1043 = vector.broadcast %parallel_loop3A_1042 : i32 to vector<16xi32>
        %parallel_loop3A_1044 = tpu.vector_load_idx %arg4[%iota3A, %parallel_loop3A_1043] : memref<16x1040xf32, #tpu.memory_space<vmem>>[vector<16xi32>, vector<16xi32>], vector<16xf32>,
        %parallel_loop3A_1045 = arith.subf %parallel_loop3A_1044, %add3A_726 : vector<16xf32>
        %parallel_loop3A_1046 = arith.constant 0.000000e+00 : f32
        %parallel_loop3A_1047 = vector.broadcast %parallel_loop3A_1046 : f32 to vector<16xf32>
        %parallel_loop3A_1048 = arith.maximumf %parallel_loop3A_1045, %parallel_loop3A_1047 : vector<16xf32>
        %parallel_loop3A_1049 = arith.subf %add3A_735, %parallel_loop3A_1044 : vector<16xf32>
        %parallel_loop3A_1050 = arith.constant 0.000000e+00 : f32
        %parallel_loop3A_1051 = vector.broadcast %parallel_loop3A_1050 : f32 to vector<16xf32>
        %parallel_loop3A_1052 = arith.maximumf %parallel_loop3A_1049, %parallel_loop3A_1051 : vector<16xf32>
        %parallel_loop3A_1053 = arith.constant 4 : i32
        %parallel_loop3A_1054 = arith.addi %parallel_loop3A_1002, %parallel_loop3A_1053 : i32
        %parallel_loop3A_1055 = vector.broadcast %parallel_loop3A_1054 : i32 to vector<16xi32>
        %parallel_loop3A_1056 = tpu.vector_load_idx %arg4[%iota3A, %parallel_loop3A_1055] : memref<16x1040xf32, #tpu.memory_space<vmem>>[vector<16xi32>, vector<16xi32>], vector<16xf32>,
        %parallel_loop3A_1057 = arith.subf %parallel_loop3A_1056, %add3A_726 : vector<16xf32>
        %parallel_loop3A_1058 = arith.constant 0.000000e+00 : f32
        %parallel_loop3A_1059 = vector.broadcast %parallel_loop3A_1058 : f32 to vector<16xf32>
        %parallel_loop3A_1060 = arith.maximumf %parallel_loop3A_1057, %parallel_loop3A_1059 : vector<16xf32>
        %parallel_loop3A_1061 = arith.subf %add3A_735, %parallel_loop3A_1056 : vector<16xf32>
        %parallel_loop3A_1062 = arith.constant 0.000000e+00 : f32
        %parallel_loop3A_1063 = vector.broadcast %parallel_loop3A_1062 : f32 to vector<16xf32>
        %parallel_loop3A_1064 = arith.maximumf %parallel_loop3A_1061, %parallel_loop3A_1063 : vector<16xf32>
        %parallel_loop3A_1065 = arith.constant 5 : i32
        %parallel_loop3A_1066 = arith.addi %parallel_loop3A_1002, %parallel_loop3A_1065 : i32
        %parallel_loop3A_1067 = vector.broadcast %parallel_loop3A_1066 : i32 to vector<16xi32>
        %parallel_loop3A_1068 = tpu.vector_load_idx %arg4[%iota3A, %parallel_loop3A_1067] : memref<16x1040xf32, #tpu.memory_space<vmem>>[vector<16xi32>, vector<16xi32>], vector<16xf32>,
        %parallel_loop3A_1069 = arith.subf %parallel_loop3A_1068, %add3A_726 : vector<16xf32>
        %parallel_loop3A_1070 = arith.constant 0.000000e+00 : f32
        %parallel_loop3A_1071 = vector.broadcast %parallel_loop3A_1070 : f32 to vector<16xf32>
        %parallel_loop3A_1072 = arith.maximumf %parallel_loop3A_1069, %parallel_loop3A_1071 : vector<16xf32>
        %parallel_loop3A_1073 = arith.subf %add3A_735, %parallel_loop3A_1068 : vector<16xf32>
        %parallel_loop3A_1074 = arith.constant 0.000000e+00 : f32
        %parallel_loop3A_1075 = vector.broadcast %parallel_loop3A_1074 : f32 to vector<16xf32>
        %parallel_loop3A_1076 = arith.maximumf %parallel_loop3A_1073, %parallel_loop3A_1075 : vector<16xf32>
        %parallel_loop3A_1077 = arith.constant 6 : i32
        %parallel_loop3A_1078 = arith.addi %parallel_loop3A_1002, %parallel_loop3A_1077 : i32
        %parallel_loop3A_1079 = vector.broadcast %parallel_loop3A_1078 : i32 to vector<16xi32>
        %parallel_loop3A_1080 = tpu.vector_load_idx %arg4[%iota3A, %parallel_loop3A_1079] : memref<16x1040xf32, #tpu.memory_space<vmem>>[vector<16xi32>, vector<16xi32>], vector<16xf32>,
        %parallel_loop3A_1081 = arith.subf %parallel_loop3A_1080, %add3A_726 : vector<16xf32>
        %parallel_loop3A_1082 = arith.constant 0.000000e+00 : f32
        %parallel_loop3A_1083 = vector.broadcast %parallel_loop3A_1082 : f32 to vector<16xf32>
        %parallel_loop3A_1084 = arith.maximumf %parallel_loop3A_1081, %parallel_loop3A_1083 : vector<16xf32>
        %parallel_loop3A_1085 = arith.subf %add3A_735, %parallel_loop3A_1080 : vector<16xf32>
        %parallel_loop3A_1086 = arith.constant 0.000000e+00 : f32
        %parallel_loop3A_1087 = vector.broadcast %parallel_loop3A_1086 : f32 to vector<16xf32>
        %parallel_loop3A_1088 = arith.maximumf %parallel_loop3A_1085, %parallel_loop3A_1087 : vector<16xf32>
        %parallel_loop3A_1089 = arith.constant 7 : i32
        %parallel_loop3A_1090 = arith.addi %parallel_loop3A_1002, %parallel_loop3A_1089 : i32
        %parallel_loop3A_1091 = vector.broadcast %parallel_loop3A_1090 : i32 to vector<16xi32>
        %parallel_loop3A_1092 = tpu.vector_load_idx %arg4[%iota3A, %parallel_loop3A_1091] : memref<16x1040xf32, #tpu.memory_space<vmem>>[vector<16xi32>, vector<16xi32>], vector<16xf32>,
        %parallel_loop3A_1093 = arith.subf %parallel_loop3A_1092, %add3A_726 : vector<16xf32>
        %parallel_loop3A_1094 = arith.constant 0.000000e+00 : f32
        %parallel_loop3A_1095 = vector.broadcast %parallel_loop3A_1094 : f32 to vector<16xf32>
        %parallel_loop3A_1096 = arith.maximumf %parallel_loop3A_1093, %parallel_loop3A_1095 : vector<16xf32>
        %parallel_loop3A_1097 = arith.subf %add3A_735, %parallel_loop3A_1092 : vector<16xf32>
        %parallel_loop3A_1098 = arith.constant 0.000000e+00 : f32
        %parallel_loop3A_1099 = vector.broadcast %parallel_loop3A_1098 : f32 to vector<16xf32>
        %parallel_loop3A_1100 = arith.maximumf %parallel_loop3A_1097, %parallel_loop3A_1099 : vector<16xf32>
        %parallel_loop3A_1101 = arith.addf %parallel_loop3A_1012, %parallel_loop3A_1024 : vector<16xf32>
        %parallel_loop3A_1102 = arith.addf %parallel_loop3A_1036, %parallel_loop3A_1048 : vector<16xf32>
        %parallel_loop3A_1103 = arith.addf %parallel_loop3A_1060, %parallel_loop3A_1072 : vector<16xf32>
        %parallel_loop3A_1104 = arith.addf %parallel_loop3A_1084, %parallel_loop3A_1096 : vector<16xf32>
        %parallel_loop3A_1105 = arith.addf %parallel_loop3A_1101, %parallel_loop3A_1102 : vector<16xf32>
        %parallel_loop3A_1106 = arith.addf %parallel_loop3A_1103, %parallel_loop3A_1104 : vector<16xf32>
        %parallel_loop3A_1107 = arith.addf %parallel_loop3A_1105, %parallel_loop3A_1106 : vector<16xf32>
        %parallel_loop3A_1108 = arith.addf %parallel_loop3A_1003, %parallel_loop3A_1107 : vector<16xf32>
        %parallel_loop3A_1109 = arith.addf %parallel_loop3A_1016, %parallel_loop3A_1028 : vector<16xf32>
        %parallel_loop3A_1110 = arith.addf %parallel_loop3A_1040, %parallel_loop3A_1052 : vector<16xf32>
        %parallel_loop3A_1111 = arith.addf %parallel_loop3A_1064, %parallel_loop3A_1076 : vector<16xf32>
        %parallel_loop3A_1112 = arith.addf %parallel_loop3A_1088, %parallel_loop3A_1100 : vector<16xf32>
        %parallel_loop3A_1113 = arith.addf %parallel_loop3A_1109, %parallel_loop3A_1110 : vector<16xf32>
        %parallel_loop3A_1114 = arith.addf %parallel_loop3A_1111, %parallel_loop3A_1112 : vector<16xf32>
        %parallel_loop3A_1115 = arith.addf %parallel_loop3A_1113, %parallel_loop3A_1114 : vector<16xf32>
        %parallel_loop3A_1116 = arith.addf %parallel_loop3A_1004, %parallel_loop3A_1115 : vector<16xf32>
        scf.yield %parallel_loop3A_1108, %parallel_loop3A_1116 : vector<16xf32>, vector<16xf32>
      } {sc.loop_unroll_factor = 1 : i64, sc.parallel_access}
      %add3A_740 = arith.constant 3 : i32
      %add3A_741 = arith.addi %add3A_690, %add3A_740 : i32
      %lt3A_742 = arith.constant 96 : i32
      %lt3A_743 = arith.cmpi slt, %add3A_741, %lt3A_742 : i32
      %convert_element_type3A_744 = arith.extui %lt3A_743 : i1 to i32
      %cond3A_745 = arith.constant 0 : i32
      %cond3A_746 = arith.cmpi ne, %convert_element_type3A_744, %cond3A_745 : i32
      scf.if %cond3A_746 {
        %mul3A_1002 = arith.constant 16 : i32
        %mul3A_1003 = arith.muli %add3A_741, %mul3A_1002 : i32
        %add3A_1004 = arith.addi %mul3A_2, %mul3A_1003 : i32
        %add3A_1005 = arith.constant 11 : i32
        %add3A_1006 = arith.addi %add3A_1004, %add3A_1005 : i32
        %dma_start3A_1007 = arith.constant 11 : i32
        %dma_start3A_1008 = arith.constant 0 : i32
        %dma_start3A_1009 = tpu.memref_slice %arg7[%dma_start3A_1007, %dma_start3A_1008] : memref<16x1040xf32, #tpu.memory_space<vmem>> -> memref<1x1024xf32, #tpu.memory_space<vmem>>
        %dma_start3A_1010 = arith.constant 0 : i32
        %dma_start3A_1011 = tpu.memref_slice %arg2[%add3A_1006, %dma_start3A_1010] : memref<49152x1024xf32, #tpu.memory_space<hbm>> -> memref<1x1024xf32, #tpu.memory_space<hbm>>
        %dma_start3A_1012 = arith.constant 11 : i32
        %dma_start3A_1013 = arith.constant 0 : i32
        %dma_start3A_1014 = tpu.memref_slice %arg7[%dma_start3A_1012, %dma_start3A_1013] : memref<16x1040xf32, #tpu.memory_space<vmem>> -> memref<1x1024xf32, #tpu.memory_space<vmem>>
        %dma_start3A_1015 = arith.constant 0 : i32
        %dma_start3A_1016 = tpu.memref_slice %arg2[%add3A_1006, %dma_start3A_1015] : memref<49152x1024xf32, #tpu.memory_space<hbm>> -> memref<1x1024xf32, #tpu.memory_space<hbm>>
        tpu.enqueue_dma source(%dma_start3A_1016 : memref<1x1024xf32, #tpu.memory_space<hbm>>) target(%dma_start3A_1014 : memref<1x1024xf32, #tpu.memory_space<vmem>>) target_semaphore(%arg13 : memref<!tpu.dma_semaphore, #tpu.memory_space<semaphore_mem>>)
        %mul3A_1017 = arith.constant 16 : i32
        %mul3A_1018 = arith.muli %add3A_741, %mul3A_1017 : i32
        %add3A_1019 = arith.addi %mul3A_2, %mul3A_1018 : i32
        %add3A_1020 = arith.constant 12 : i32
        %add3A_1021 = arith.addi %add3A_1019, %add3A_1020 : i32
        %dma_start3A_1022 = arith.constant 12 : i32
        %dma_start3A_1023 = arith.constant 0 : i32
        %dma_start3A_1024 = tpu.memref_slice %arg7[%dma_start3A_1022, %dma_start3A_1023] : memref<16x1040xf32, #tpu.memory_space<vmem>> -> memref<1x1024xf32, #tpu.memory_space<vmem>>
        %dma_start3A_1025 = arith.constant 0 : i32
        %dma_start3A_1026 = tpu.memref_slice %arg2[%add3A_1021, %dma_start3A_1025] : memref<49152x1024xf32, #tpu.memory_space<hbm>> -> memref<1x1024xf32, #tpu.memory_space<hbm>>
        %dma_start3A_1027 = arith.constant 12 : i32
        %dma_start3A_1028 = arith.constant 0 : i32
        %dma_start3A_1029 = tpu.memref_slice %arg7[%dma_start3A_1027, %dma_start3A_1028] : memref<16x1040xf32, #tpu.memory_space<vmem>> -> memref<1x1024xf32, #tpu.memory_space<vmem>>
        %dma_start3A_1030 = arith.constant 0 : i32
        %dma_start3A_1031 = tpu.memref_slice %arg2[%add3A_1021, %dma_start3A_1030] : memref<49152x1024xf32, #tpu.memory_space<hbm>> -> memref<1x1024xf32, #tpu.memory_space<hbm>>
        tpu.enqueue_dma source(%dma_start3A_1031 : memref<1x1024xf32, #tpu.memory_space<hbm>>) target(%dma_start3A_1029 : memref<1x1024xf32, #tpu.memory_space<vmem>>) target_semaphore(%arg13 : memref<!tpu.dma_semaphore, #tpu.memory_space<semaphore_mem>>)
        %mul3A_1032 = arith.constant 16 : i32
        %mul3A_1033 = arith.muli %add3A_741, %mul3A_1032 : i32
        %add3A_1034 = arith.addi %mul3A_2, %mul3A_1033 : i32
        %add3A_1035 = arith.constant 13 : i32
        %add3A_1036 = arith.addi %add3A_1034, %add3A_1035 : i32
        %dma_start3A_1037 = arith.constant 13 : i32
        %dma_start3A_1038 = arith.constant 0 : i32
        %dma_start3A_1039 = tpu.memref_slice %arg7[%dma_start3A_1037, %dma_start3A_1038] : memref<16x1040xf32, #tpu.memory_space<vmem>> -> memref<1x1024xf32, #tpu.memory_space<vmem>>
        %dma_start3A_1040 = arith.constant 0 : i32
        %dma_start3A_1041 = tpu.memref_slice %arg2[%add3A_1036, %dma_start3A_1040] : memref<49152x1024xf32, #tpu.memory_space<hbm>> -> memref<1x1024xf32, #tpu.memory_space<hbm>>
        %dma_start3A_1042 = arith.constant 13 : i32
        %dma_start3A_1043 = arith.constant 0 : i32
        %dma_start3A_1044 = tpu.memref_slice %arg7[%dma_start3A_1042, %dma_start3A_1043] : memref<16x1040xf32, #tpu.memory_space<vmem>> -> memref<1x1024xf32, #tpu.memory_space<vmem>>
        %dma_start3A_1045 = arith.constant 0 : i32
        %dma_start3A_1046 = tpu.memref_slice %arg2[%add3A_1036, %dma_start3A_1045] : memref<49152x1024xf32, #tpu.memory_space<hbm>> -> memref<1x1024xf32, #tpu.memory_space<hbm>>
        tpu.enqueue_dma source(%dma_start3A_1046 : memref<1x1024xf32, #tpu.memory_space<hbm>>) target(%dma_start3A_1044 : memref<1x1024xf32, #tpu.memory_space<vmem>>) target_semaphore(%arg13 : memref<!tpu.dma_semaphore, #tpu.memory_space<semaphore_mem>>)
        %mul3A_1047 = arith.constant 16 : i32
        %mul3A_1048 = arith.muli %add3A_741, %mul3A_1047 : i32
        %add3A_1049 = arith.addi %mul3A_2, %mul3A_1048 : i32
        %add3A_1050 = arith.constant 14 : i32
        %add3A_1051 = arith.addi %add3A_1049, %add3A_1050 : i32
        %dma_start3A_1052 = arith.constant 14 : i32
        %dma_start3A_1053 = arith.constant 0 : i32
        %dma_start3A_1054 = tpu.memref_slice %arg7[%dma_start3A_1052, %dma_start3A_1053] : memref<16x1040xf32, #tpu.memory_space<vmem>> -> memref<1x1024xf32, #tpu.memory_space<vmem>>
        %dma_start3A_1055 = arith.constant 0 : i32
        %dma_start3A_1056 = tpu.memref_slice %arg2[%add3A_1051, %dma_start3A_1055] : memref<49152x1024xf32, #tpu.memory_space<hbm>> -> memref<1x1024xf32, #tpu.memory_space<hbm>>
        %dma_start3A_1057 = arith.constant 14 : i32
        %dma_start3A_1058 = arith.constant 0 : i32
        %dma_start3A_1059 = tpu.memref_slice %arg7[%dma_start3A_1057, %dma_start3A_1058] : memref<16x1040xf32, #tpu.memory_space<vmem>> -> memref<1x1024xf32, #tpu.memory_space<vmem>>
        %dma_start3A_1060 = arith.constant 0 : i32
        %dma_start3A_1061 = tpu.memref_slice %arg2[%add3A_1051, %dma_start3A_1060] : memref<49152x1024xf32, #tpu.memory_space<hbm>> -> memref<1x1024xf32, #tpu.memory_space<hbm>>
        tpu.enqueue_dma source(%dma_start3A_1061 : memref<1x1024xf32, #tpu.memory_space<hbm>>) target(%dma_start3A_1059 : memref<1x1024xf32, #tpu.memory_space<vmem>>) target_semaphore(%arg13 : memref<!tpu.dma_semaphore, #tpu.memory_space<semaphore_mem>>)
        %mul3A_1062 = arith.constant 16 : i32
        %mul3A_1063 = arith.muli %add3A_741, %mul3A_1062 : i32
        %add3A_1064 = arith.addi %mul3A_2, %mul3A_1063 : i32
        %add3A_1065 = arith.constant 15 : i32
        %add3A_1066 = arith.addi %add3A_1064, %add3A_1065 : i32
        %dma_start3A_1067 = arith.constant 15 : i32
        %dma_start3A_1068 = arith.constant 0 : i32
        %dma_start3A_1069 = tpu.memref_slice %arg7[%dma_start3A_1067, %dma_start3A_1068] : memref<16x1040xf32, #tpu.memory_space<vmem>> -> memref<1x1024xf32, #tpu.memory_space<vmem>>
        %dma_start3A_1070 = arith.constant 0 : i32
        %dma_start3A_1071 = tpu.memref_slice %arg2[%add3A_1066, %dma_start3A_1070] : memref<49152x1024xf32, #tpu.memory_space<hbm>> -> memref<1x1024xf32, #tpu.memory_space<hbm>>
        %dma_start3A_1072 = arith.constant 15 : i32
        %dma_start3A_1073 = arith.constant 0 : i32
        %dma_start3A_1074 = tpu.memref_slice %arg7[%dma_start3A_1072, %dma_start3A_1073] : memref<16x1040xf32, #tpu.memory_space<vmem>> -> memref<1x1024xf32, #tpu.memory_space<vmem>>
        %dma_start3A_1075 = arith.constant 0 : i32
        %dma_start3A_1076 = tpu.memref_slice %arg2[%add3A_1066, %dma_start3A_1075] : memref<49152x1024xf32, #tpu.memory_space<hbm>> -> memref<1x1024xf32, #tpu.memory_space<hbm>>
        tpu.enqueue_dma source(%dma_start3A_1076 : memref<1x1024xf32, #tpu.memory_space<hbm>>) target(%dma_start3A_1074 : memref<1x1024xf32, #tpu.memory_space<vmem>>) target_semaphore(%arg13 : memref<!tpu.dma_semaphore, #tpu.memory_space<semaphore_mem>>)
      } else {
      }
      %mul3A_747 = arith.constant 0.00487804879 : f32
      %mul3A_748 = vector.broadcast %mul3A_747 : f32 to vector<16xf32>
      %mul3A_749 = arith.mulf %parallel_loop3A_739#0, %mul3A_748 : vector<16xf32>
      %add3A_750 = arith.addf %add3A_726, %mul3A_749 : vector<16xf32>
      %mul3A_751 = arith.constant 0.00487804879 : f32
      %mul3A_752 = vector.broadcast %mul3A_751 : f32 to vector<16xf32>
      %mul3A_753 = arith.mulf %parallel_loop3A_739#1, %mul3A_752 : vector<16xf32>
      %sub3A = arith.subf %add3A_735, %mul3A_753 : vector<16xf32>
      %mul3A_754 = arith.constant 0.699999988 : f32
      %mul3A_755 = vector.broadcast %mul3A_754 : f32 to vector<16xf32>
      %mul3A_756 = arith.mulf %mul3A_755, %sub3A : vector<16xf32>
      %add3A_757 = arith.addf %add3A_750, %mul3A_756 : vector<16xf32>
      %mul3A_758 = arith.constant 16 : i32
      %mul3A_759 = arith.muli %add3A_690, %mul3A_758 : i32
      %swap3A = arith.index_cast %mul3A_759 : i32 to index
      %swap3A_760 = tpu.vector_load %arg9[%swap3A] {strides = array<i32>} : memref<1536xf32, #tpu.memory_space<vmem>>, vector<16xf32>,
      tpu.vector_store %arg9[%swap3A], %add3A_757 {strides = array<i32>} : memref<1536xf32, #tpu.memory_space<vmem>>, vector<16xf32>,
      %mul3A_761 = arith.constant 4 : i32
      %mul3A_762 = arith.muli %scan3A_685, %mul3A_761 : i32
      %add3A_763 = arith.constant 1 : i32
      %add3A_764 = arith.addi %mul3A_762, %add3A_763 : i32
      %mul3A_765 = arith.constant 16 : i32
      %mul3A_766 = arith.muli %add3A_764, %mul3A_765 : i32
      %add3A_767 = arith.addi %mul3A_2, %mul3A_766 : i32
      %dma_wait3A_768 = arith.constant 0 : i32
      %dma_wait3A_769 = arith.constant 0 : i32
      %dma_wait3A_770 = tpu.memref_slice %arg5[%dma_wait3A_768, %dma_wait3A_769] : memref<16x1040xf32, #tpu.memory_space<vmem>> -> memref<16x1024xf32, #tpu.memory_space<vmem>>
      %dma_wait3A_771 = arith.constant 0 : i32
      %dma_wait3A_772 = tpu.memref_slice %arg2[%add3A_767, %dma_wait3A_771] : memref<49152x1024xf32, #tpu.memory_space<hbm>> -> memref<16x1024xf32, #tpu.memory_space<hbm>>
      %dma_wait3A_773 = arith.constant 0 : i32
      %dma_wait3A_774 = arith.constant 0 : i32
      %dma_wait3A_775 = tpu.memref_slice %arg5[%dma_wait3A_773, %dma_wait3A_774] : memref<16x1040xf32, #tpu.memory_space<vmem>> -> memref<16x1024xf32, #tpu.memory_space<vmem>>
      %dma_wait3A_776 = arith.constant 0 : i32
      %dma_wait3A_777 = tpu.memref_slice %arg2[%add3A_767, %dma_wait3A_776] : memref<49152x1024xf32, #tpu.memory_space<hbm>> -> memref<16x1024xf32, #tpu.memory_space<hbm>>
      tpu.wait_dma2 semaphore(%arg11 : memref<!tpu.dma_semaphore, #tpu.memory_space<semaphore_mem>>) src(%dma_wait3A_777 : memref<16x1024xf32, #tpu.memory_space<hbm>>) dst(%dma_wait3A_775 : memref<16x1024xf32, #tpu.memory_space<vmem>>)
      %add3A_778 = arith.constant 3 : i32
      %add3A_779 = arith.addi %add3A_764, %add3A_778 : i32
      %lt3A_780 = arith.constant 96 : i32
      %lt3A_781 = arith.cmpi slt, %add3A_779, %lt3A_780 : i32
      %convert_element_type3A_782 = arith.extui %lt3A_781 : i1 to i32
      %cond3A_783 = arith.constant 0 : i32
      %cond3A_784 = arith.cmpi ne, %convert_element_type3A_782, %cond3A_783 : i32
      scf.if %cond3A_784 {
        %mul3A_1002 = arith.constant 16 : i32
        %mul3A_1003 = arith.muli %add3A_779, %mul3A_1002 : i32
        %add3A_1004 = arith.addi %mul3A_2, %mul3A_1003 : i32
        %add3A_1005 = arith.constant 0 : i32
        %add3A_1006 = arith.addi %add3A_1004, %add3A_1005 : i32
        %dma_start3A_1007 = arith.constant 0 : i32
        %dma_start3A_1008 = arith.constant 0 : i32
        %dma_start3A_1009 = tpu.memref_slice %arg4[%dma_start3A_1007, %dma_start3A_1008] : memref<16x1040xf32, #tpu.memory_space<vmem>> -> memref<1x1024xf32, #tpu.memory_space<vmem>>
        %dma_start3A_1010 = arith.constant 0 : i32
        %dma_start3A_1011 = tpu.memref_slice %arg2[%add3A_1006, %dma_start3A_1010] : memref<49152x1024xf32, #tpu.memory_space<hbm>> -> memref<1x1024xf32, #tpu.memory_space<hbm>>
        %dma_start3A_1012 = arith.constant 0 : i32
        %dma_start3A_1013 = arith.constant 0 : i32
        %dma_start3A_1014 = tpu.memref_slice %arg4[%dma_start3A_1012, %dma_start3A_1013] : memref<16x1040xf32, #tpu.memory_space<vmem>> -> memref<1x1024xf32, #tpu.memory_space<vmem>>
        %dma_start3A_1015 = arith.constant 0 : i32
        %dma_start3A_1016 = tpu.memref_slice %arg2[%add3A_1006, %dma_start3A_1015] : memref<49152x1024xf32, #tpu.memory_space<hbm>> -> memref<1x1024xf32, #tpu.memory_space<hbm>>
        tpu.enqueue_dma source(%dma_start3A_1016 : memref<1x1024xf32, #tpu.memory_space<hbm>>) target(%dma_start3A_1014 : memref<1x1024xf32, #tpu.memory_space<vmem>>) target_semaphore(%arg10 : memref<!tpu.dma_semaphore, #tpu.memory_space<semaphore_mem>>)
        %mul3A_1017 = arith.constant 16 : i32
        %mul3A_1018 = arith.muli %add3A_779, %mul3A_1017 : i32
        %add3A_1019 = arith.addi %mul3A_2, %mul3A_1018 : i32
        %add3A_1020 = arith.constant 1 : i32
        %add3A_1021 = arith.addi %add3A_1019, %add3A_1020 : i32
        %dma_start3A_1022 = arith.constant 1 : i32
        %dma_start3A_1023 = arith.constant 0 : i32
        %dma_start3A_1024 = tpu.memref_slice %arg4[%dma_start3A_1022, %dma_start3A_1023] : memref<16x1040xf32, #tpu.memory_space<vmem>> -> memref<1x1024xf32, #tpu.memory_space<vmem>>
        %dma_start3A_1025 = arith.constant 0 : i32
        %dma_start3A_1026 = tpu.memref_slice %arg2[%add3A_1021, %dma_start3A_1025] : memref<49152x1024xf32, #tpu.memory_space<hbm>> -> memref<1x1024xf32, #tpu.memory_space<hbm>>
        %dma_start3A_1027 = arith.constant 1 : i32
        %dma_start3A_1028 = arith.constant 0 : i32
        %dma_start3A_1029 = tpu.memref_slice %arg4[%dma_start3A_1027, %dma_start3A_1028] : memref<16x1040xf32, #tpu.memory_space<vmem>> -> memref<1x1024xf32, #tpu.memory_space<vmem>>
        %dma_start3A_1030 = arith.constant 0 : i32
        %dma_start3A_1031 = tpu.memref_slice %arg2[%add3A_1021, %dma_start3A_1030] : memref<49152x1024xf32, #tpu.memory_space<hbm>> -> memref<1x1024xf32, #tpu.memory_space<hbm>>
        tpu.enqueue_dma source(%dma_start3A_1031 : memref<1x1024xf32, #tpu.memory_space<hbm>>) target(%dma_start3A_1029 : memref<1x1024xf32, #tpu.memory_space<vmem>>) target_semaphore(%arg10 : memref<!tpu.dma_semaphore, #tpu.memory_space<semaphore_mem>>)
        %mul3A_1032 = arith.constant 16 : i32
        %mul3A_1033 = arith.muli %add3A_779, %mul3A_1032 : i32
        %add3A_1034 = arith.addi %mul3A_2, %mul3A_1033 : i32
        %add3A_1035 = arith.constant 2 : i32
        %add3A_1036 = arith.addi %add3A_1034, %add3A_1035 : i32
        %dma_start3A_1037 = arith.constant 2 : i32
        %dma_start3A_1038 = arith.constant 0 : i32
        %dma_start3A_1039 = tpu.memref_slice %arg4[%dma_start3A_1037, %dma_start3A_1038] : memref<16x1040xf32, #tpu.memory_space<vmem>> -> memref<1x1024xf32, #tpu.memory_space<vmem>>
        %dma_start3A_1040 = arith.constant 0 : i32
        %dma_start3A_1041 = tpu.memref_slice %arg2[%add3A_1036, %dma_start3A_1040] : memref<49152x1024xf32, #tpu.memory_space<hbm>> -> memref<1x1024xf32, #tpu.memory_space<hbm>>
        %dma_start3A_1042 = arith.constant 2 : i32
        %dma_start3A_1043 = arith.constant 0 : i32
        %dma_start3A_1044 = tpu.memref_slice %arg4[%dma_start3A_1042, %dma_start3A_1043] : memref<16x1040xf32, #tpu.memory_space<vmem>> -> memref<1x1024xf32, #tpu.memory_space<vmem>>
        %dma_start3A_1045 = arith.constant 0 : i32
        %dma_start3A_1046 = tpu.memref_slice %arg2[%add3A_1036, %dma_start3A_1045] : memref<49152x1024xf32, #tpu.memory_space<hbm>> -> memref<1x1024xf32, #tpu.memory_space<hbm>>
        tpu.enqueue_dma source(%dma_start3A_1046 : memref<1x1024xf32, #tpu.memory_space<hbm>>) target(%dma_start3A_1044 : memref<1x1024xf32, #tpu.memory_space<vmem>>) target_semaphore(%arg10 : memref<!tpu.dma_semaphore, #tpu.memory_space<semaphore_mem>>)
        %mul3A_1047 = arith.constant 16 : i32
        %mul3A_1048 = arith.muli %add3A_779, %mul3A_1047 : i32
        %add3A_1049 = arith.addi %mul3A_2, %mul3A_1048 : i32
        %add3A_1050 = arith.constant 3 : i32
        %add3A_1051 = arith.addi %add3A_1049, %add3A_1050 : i32
        %dma_start3A_1052 = arith.constant 3 : i32
        %dma_start3A_1053 = arith.constant 0 : i32
        %dma_start3A_1054 = tpu.memref_slice %arg4[%dma_start3A_1052, %dma_start3A_1053] : memref<16x1040xf32, #tpu.memory_space<vmem>> -> memref<1x1024xf32, #tpu.memory_space<vmem>>
        %dma_start3A_1055 = arith.constant 0 : i32
        %dma_start3A_1056 = tpu.memref_slice %arg2[%add3A_1051, %dma_start3A_1055] : memref<49152x1024xf32, #tpu.memory_space<hbm>> -> memref<1x1024xf32, #tpu.memory_space<hbm>>
        %dma_start3A_1057 = arith.constant 3 : i32
        %dma_start3A_1058 = arith.constant 0 : i32
        %dma_start3A_1059 = tpu.memref_slice %arg4[%dma_start3A_1057, %dma_start3A_1058] : memref<16x1040xf32, #tpu.memory_space<vmem>> -> memref<1x1024xf32, #tpu.memory_space<vmem>>
        %dma_start3A_1060 = arith.constant 0 : i32
        %dma_start3A_1061 = tpu.memref_slice %arg2[%add3A_1051, %dma_start3A_1060] : memref<49152x1024xf32, #tpu.memory_space<hbm>> -> memref<1x1024xf32, #tpu.memory_space<hbm>>
        tpu.enqueue_dma source(%dma_start3A_1061 : memref<1x1024xf32, #tpu.memory_space<hbm>>) target(%dma_start3A_1059 : memref<1x1024xf32, #tpu.memory_space<vmem>>) target_semaphore(%arg10 : memref<!tpu.dma_semaphore, #tpu.memory_space<semaphore_mem>>)
        %mul3A_1062 = arith.constant 16 : i32
        %mul3A_1063 = arith.muli %add3A_779, %mul3A_1062 : i32
        %add3A_1064 = arith.addi %mul3A_2, %mul3A_1063 : i32
        %add3A_1065 = arith.constant 4 : i32
        %add3A_1066 = arith.addi %add3A_1064, %add3A_1065 : i32
        %dma_start3A_1067 = arith.constant 4 : i32
        %dma_start3A_1068 = arith.constant 0 : i32
        %dma_start3A_1069 = tpu.memref_slice %arg4[%dma_start3A_1067, %dma_start3A_1068] : memref<16x1040xf32, #tpu.memory_space<vmem>> -> memref<1x1024xf32, #tpu.memory_space<vmem>>
        %dma_start3A_1070 = arith.constant 0 : i32
        %dma_start3A_1071 = tpu.memref_slice %arg2[%add3A_1066, %dma_start3A_1070] : memref<49152x1024xf32, #tpu.memory_space<hbm>> -> memref<1x1024xf32, #tpu.memory_space<hbm>>
        %dma_start3A_1072 = arith.constant 4 : i32
        %dma_start3A_1073 = arith.constant 0 : i32
        %dma_start3A_1074 = tpu.memref_slice %arg4[%dma_start3A_1072, %dma_start3A_1073] : memref<16x1040xf32, #tpu.memory_space<vmem>> -> memref<1x1024xf32, #tpu.memory_space<vmem>>
        %dma_start3A_1075 = arith.constant 0 : i32
        %dma_start3A_1076 = tpu.memref_slice %arg2[%add3A_1066, %dma_start3A_1075] : memref<49152x1024xf32, #tpu.memory_space<hbm>> -> memref<1x1024xf32, #tpu.memory_space<hbm>>
        tpu.enqueue_dma source(%dma_start3A_1076 : memref<1x1024xf32, #tpu.memory_space<hbm>>) target(%dma_start3A_1074 : memref<1x1024xf32, #tpu.memory_space<vmem>>) target_semaphore(%arg10 : memref<!tpu.dma_semaphore, #tpu.memory_space<semaphore_mem>>)
        %mul3A_1077 = arith.constant 16 : i32
        %mul3A_1078 = arith.muli %add3A_779, %mul3A_1077 : i32
        %add3A_1079 = arith.addi %mul3A_2, %mul3A_1078 : i32
        %add3A_1080 = arith.constant 5 : i32
        %add3A_1081 = arith.addi %add3A_1079, %add3A_1080 : i32
        %dma_start3A_1082 = arith.constant 5 : i32
        %dma_start3A_1083 = arith.constant 0 : i32
        %dma_start3A_1084 = tpu.memref_slice %arg4[%dma_start3A_1082, %dma_start3A_1083] : memref<16x1040xf32, #tpu.memory_space<vmem>> -> memref<1x1024xf32, #tpu.memory_space<vmem>>
        %dma_start3A_1085 = arith.constant 0 : i32
        %dma_start3A_1086 = tpu.memref_slice %arg2[%add3A_1081, %dma_start3A_1085] : memref<49152x1024xf32, #tpu.memory_space<hbm>> -> memref<1x1024xf32, #tpu.memory_space<hbm>>
        %dma_start3A_1087 = arith.constant 5 : i32
        %dma_start3A_1088 = arith.constant 0 : i32
        %dma_start3A_1089 = tpu.memref_slice %arg4[%dma_start3A_1087, %dma_start3A_1088] : memref<16x1040xf32, #tpu.memory_space<vmem>> -> memref<1x1024xf32, #tpu.memory_space<vmem>>
        %dma_start3A_1090 = arith.constant 0 : i32
        %dma_start3A_1091 = tpu.memref_slice %arg2[%add3A_1081, %dma_start3A_1090] : memref<49152x1024xf32, #tpu.memory_space<hbm>> -> memref<1x1024xf32, #tpu.memory_space<hbm>>
        tpu.enqueue_dma source(%dma_start3A_1091 : memref<1x1024xf32, #tpu.memory_space<hbm>>) target(%dma_start3A_1089 : memref<1x1024xf32, #tpu.memory_space<vmem>>) target_semaphore(%arg10 : memref<!tpu.dma_semaphore, #tpu.memory_space<semaphore_mem>>)
      } else {
      }
      %parallel_loop3A_785 = arith.constant 0 : i32
      %parallel_loop3A_786 = arith.constant 1024 : i32
      %parallel_loop3A_787 = arith.constant 1 : i32
      scf.for %parallel_loop3A_1002 = %parallel_loop3A_785 to %parallel_loop3A_786 step %parallel_loop3A_787  : i32 {
        %parallel_loop3A_1003 = vector.broadcast %parallel_loop3A_1002 : i32 to vector<16xi32>
        %parallel_loop3A_1004 = tpu.vector_load_idx %arg5[%iota3A, %parallel_loop3A_1003] : memref<16x1040xf32, #tpu.memory_space<vmem>>[vector<16xi32>, vector<16xi32>], vector<16xf32>,
        %parallel_loop3A_1005 = arith.constant 3.200000e+01 : f32
        %parallel_loop3A_1006 = vector.broadcast %parallel_loop3A_1005 : f32 to vector<16xf32>
        %parallel_loop3A_1007 = arith.mulf %parallel_loop3A_1004, %parallel_loop3A_1006 : vector<16xf32>
        %parallel_loop3A_1008 = arith.constant -2.560000e+02 : f32
        %parallel_loop3A_1009 = vector.broadcast %parallel_loop3A_1008 : f32 to vector<16xf32>
        %parallel_loop3A_1010 = arith.subf %parallel_loop3A_1007, %parallel_loop3A_1009 : vector<16xf32>
        %parallel_loop3A_1011 = arith.constant 0.000000e+00 : f32
        %parallel_loop3A_1012 = arith.constant 5.110000e+02 : f32
        %parallel_loop3A_1013 = vector.broadcast %parallel_loop3A_1011 : f32 to vector<16xf32>
        %parallel_loop3A_1014 = arith.maximumf %parallel_loop3A_1013, %parallel_loop3A_1010 : vector<16xf32>
        %parallel_loop3A_1015 = vector.broadcast %parallel_loop3A_1012 : f32 to vector<16xf32>
        %parallel_loop3A_1016 = arith.minimumf %parallel_loop3A_1015, %parallel_loop3A_1014 : vector<16xf32>
        %parallel_loop3A_1017 = arith.fptosi %parallel_loop3A_1016 : vector<16xf32> to vector<16xi32>
        %parallel_loop3A_1018 = arith.constant 16 : i32
        %parallel_loop3A_1019 = vector.broadcast %parallel_loop3A_1018 : i32 to vector<16xi32>
        %parallel_loop3A_1020 = arith.muli %parallel_loop3A_1017, %parallel_loop3A_1019 : vector<16xi32>
        %parallel_loop3A_1021 = arith.addi %parallel_loop3A_1020, %iota3A : vector<16xi32>
        tpu.vector_store_idx %arg8[%parallel_loop3A_1021], %broadcast_in_dim3A_3 {add = true} : memref<8192xf32, #tpu.memory_space<vmem>>[vector<16xi32>], vector<16xf32>,
      } {sc.loop_unroll_factor = 8 : i64, sc.parallel_access}
      %add3A_788 = arith.constant 3 : i32
      %add3A_789 = arith.addi %add3A_764, %add3A_788 : i32
      %lt3A_790 = arith.constant 96 : i32
      %lt3A_791 = arith.cmpi slt, %add3A_789, %lt3A_790 : i32
      %convert_element_type3A_792 = arith.extui %lt3A_791 : i1 to i32
      %cond3A_793 = arith.constant 0 : i32
      %cond3A_794 = arith.cmpi ne, %convert_element_type3A_792, %cond3A_793 : i32
      scf.if %cond3A_794 {
        %mul3A_1002 = arith.constant 16 : i32
        %mul3A_1003 = arith.muli %add3A_789, %mul3A_1002 : i32
        %add3A_1004 = arith.addi %mul3A_2, %mul3A_1003 : i32
        %add3A_1005 = arith.constant 6 : i32
        %add3A_1006 = arith.addi %add3A_1004, %add3A_1005 : i32
        %dma_start3A_1007 = arith.constant 6 : i32
        %dma_start3A_1008 = arith.constant 0 : i32
        %dma_start3A_1009 = tpu.memref_slice %arg4[%dma_start3A_1007, %dma_start3A_1008] : memref<16x1040xf32, #tpu.memory_space<vmem>> -> memref<1x1024xf32, #tpu.memory_space<vmem>>
        %dma_start3A_1010 = arith.constant 0 : i32
        %dma_start3A_1011 = tpu.memref_slice %arg2[%add3A_1006, %dma_start3A_1010] : memref<49152x1024xf32, #tpu.memory_space<hbm>> -> memref<1x1024xf32, #tpu.memory_space<hbm>>
        %dma_start3A_1012 = arith.constant 6 : i32
        %dma_start3A_1013 = arith.constant 0 : i32
        %dma_start3A_1014 = tpu.memref_slice %arg4[%dma_start3A_1012, %dma_start3A_1013] : memref<16x1040xf32, #tpu.memory_space<vmem>> -> memref<1x1024xf32, #tpu.memory_space<vmem>>
        %dma_start3A_1015 = arith.constant 0 : i32
        %dma_start3A_1016 = tpu.memref_slice %arg2[%add3A_1006, %dma_start3A_1015] : memref<49152x1024xf32, #tpu.memory_space<hbm>> -> memref<1x1024xf32, #tpu.memory_space<hbm>>
        tpu.enqueue_dma source(%dma_start3A_1016 : memref<1x1024xf32, #tpu.memory_space<hbm>>) target(%dma_start3A_1014 : memref<1x1024xf32, #tpu.memory_space<vmem>>) target_semaphore(%arg10 : memref<!tpu.dma_semaphore, #tpu.memory_space<semaphore_mem>>)
        %mul3A_1017 = arith.constant 16 : i32
        %mul3A_1018 = arith.muli %add3A_789, %mul3A_1017 : i32
        %add3A_1019 = arith.addi %mul3A_2, %mul3A_1018 : i32
        %add3A_1020 = arith.constant 7 : i32
        %add3A_1021 = arith.addi %add3A_1019, %add3A_1020 : i32
        %dma_start3A_1022 = arith.constant 7 : i32
        %dma_start3A_1023 = arith.constant 0 : i32
        %dma_start3A_1024 = tpu.memref_slice %arg4[%dma_start3A_1022, %dma_start3A_1023] : memref<16x1040xf32, #tpu.memory_space<vmem>> -> memref<1x1024xf32, #tpu.memory_space<vmem>>
        %dma_start3A_1025 = arith.constant 0 : i32
        %dma_start3A_1026 = tpu.memref_slice %arg2[%add3A_1021, %dma_start3A_1025] : memref<49152x1024xf32, #tpu.memory_space<hbm>> -> memref<1x1024xf32, #tpu.memory_space<hbm>>
        %dma_start3A_1027 = arith.constant 7 : i32
        %dma_start3A_1028 = arith.constant 0 : i32
        %dma_start3A_1029 = tpu.memref_slice %arg4[%dma_start3A_1027, %dma_start3A_1028] : memref<16x1040xf32, #tpu.memory_space<vmem>> -> memref<1x1024xf32, #tpu.memory_space<vmem>>
        %dma_start3A_1030 = arith.constant 0 : i32
        %dma_start3A_1031 = tpu.memref_slice %arg2[%add3A_1021, %dma_start3A_1030] : memref<49152x1024xf32, #tpu.memory_space<hbm>> -> memref<1x1024xf32, #tpu.memory_space<hbm>>
        tpu.enqueue_dma source(%dma_start3A_1031 : memref<1x1024xf32, #tpu.memory_space<hbm>>) target(%dma_start3A_1029 : memref<1x1024xf32, #tpu.memory_space<vmem>>) target_semaphore(%arg10 : memref<!tpu.dma_semaphore, #tpu.memory_space<semaphore_mem>>)
        %mul3A_1032 = arith.constant 16 : i32
        %mul3A_1033 = arith.muli %add3A_789, %mul3A_1032 : i32
        %add3A_1034 = arith.addi %mul3A_2, %mul3A_1033 : i32
        %add3A_1035 = arith.constant 8 : i32
        %add3A_1036 = arith.addi %add3A_1034, %add3A_1035 : i32
        %dma_start3A_1037 = arith.constant 8 : i32
        %dma_start3A_1038 = arith.constant 0 : i32
        %dma_start3A_1039 = tpu.memref_slice %arg4[%dma_start3A_1037, %dma_start3A_1038] : memref<16x1040xf32, #tpu.memory_space<vmem>> -> memref<1x1024xf32, #tpu.memory_space<vmem>>
        %dma_start3A_1040 = arith.constant 0 : i32
        %dma_start3A_1041 = tpu.memref_slice %arg2[%add3A_1036, %dma_start3A_1040] : memref<49152x1024xf32, #tpu.memory_space<hbm>> -> memref<1x1024xf32, #tpu.memory_space<hbm>>
        %dma_start3A_1042 = arith.constant 8 : i32
        %dma_start3A_1043 = arith.constant 0 : i32
        %dma_start3A_1044 = tpu.memref_slice %arg4[%dma_start3A_1042, %dma_start3A_1043] : memref<16x1040xf32, #tpu.memory_space<vmem>> -> memref<1x1024xf32, #tpu.memory_space<vmem>>
        %dma_start3A_1045 = arith.constant 0 : i32
        %dma_start3A_1046 = tpu.memref_slice %arg2[%add3A_1036, %dma_start3A_1045] : memref<49152x1024xf32, #tpu.memory_space<hbm>> -> memref<1x1024xf32, #tpu.memory_space<hbm>>
        tpu.enqueue_dma source(%dma_start3A_1046 : memref<1x1024xf32, #tpu.memory_space<hbm>>) target(%dma_start3A_1044 : memref<1x1024xf32, #tpu.memory_space<vmem>>) target_semaphore(%arg10 : memref<!tpu.dma_semaphore, #tpu.memory_space<semaphore_mem>>)
        %mul3A_1047 = arith.constant 16 : i32
        %mul3A_1048 = arith.muli %add3A_789, %mul3A_1047 : i32
        %add3A_1049 = arith.addi %mul3A_2, %mul3A_1048 : i32
        %add3A_1050 = arith.constant 9 : i32
        %add3A_1051 = arith.addi %add3A_1049, %add3A_1050 : i32
        %dma_start3A_1052 = arith.constant 9 : i32
        %dma_start3A_1053 = arith.constant 0 : i32
        %dma_start3A_1054 = tpu.memref_slice %arg4[%dma_start3A_1052, %dma_start3A_1053] : memref<16x1040xf32, #tpu.memory_space<vmem>> -> memref<1x1024xf32, #tpu.memory_space<vmem>>
        %dma_start3A_1055 = arith.constant 0 : i32
        %dma_start3A_1056 = tpu.memref_slice %arg2[%add3A_1051, %dma_start3A_1055] : memref<49152x1024xf32, #tpu.memory_space<hbm>> -> memref<1x1024xf32, #tpu.memory_space<hbm>>
        %dma_start3A_1057 = arith.constant 9 : i32
        %dma_start3A_1058 = arith.constant 0 : i32
        %dma_start3A_1059 = tpu.memref_slice %arg4[%dma_start3A_1057, %dma_start3A_1058] : memref<16x1040xf32, #tpu.memory_space<vmem>> -> memref<1x1024xf32, #tpu.memory_space<vmem>>
        %dma_start3A_1060 = arith.constant 0 : i32
        %dma_start3A_1061 = tpu.memref_slice %arg2[%add3A_1051, %dma_start3A_1060] : memref<49152x1024xf32, #tpu.memory_space<hbm>> -> memref<1x1024xf32, #tpu.memory_space<hbm>>
        tpu.enqueue_dma source(%dma_start3A_1061 : memref<1x1024xf32, #tpu.memory_space<hbm>>) target(%dma_start3A_1059 : memref<1x1024xf32, #tpu.memory_space<vmem>>) target_semaphore(%arg10 : memref<!tpu.dma_semaphore, #tpu.memory_space<semaphore_mem>>)
        %mul3A_1062 = arith.constant 16 : i32
        %mul3A_1063 = arith.muli %add3A_789, %mul3A_1062 : i32
        %add3A_1064 = arith.addi %mul3A_2, %mul3A_1063 : i32
        %add3A_1065 = arith.constant 10 : i32
        %add3A_1066 = arith.addi %add3A_1064, %add3A_1065 : i32
        %dma_start3A_1067 = arith.constant 10 : i32
        %dma_start3A_1068 = arith.constant 0 : i32
        %dma_start3A_1069 = tpu.memref_slice %arg4[%dma_start3A_1067, %dma_start3A_1068] : memref<16x1040xf32, #tpu.memory_space<vmem>> -> memref<1x1024xf32, #tpu.memory_space<vmem>>
        %dma_start3A_1070 = arith.constant 0 : i32
        %dma_start3A_1071 = tpu.memref_slice %arg2[%add3A_1066, %dma_start3A_1070] : memref<49152x1024xf32, #tpu.memory_space<hbm>> -> memref<1x1024xf32, #tpu.memory_space<hbm>>
        %dma_start3A_1072 = arith.constant 10 : i32
        %dma_start3A_1073 = arith.constant 0 : i32
        %dma_start3A_1074 = tpu.memref_slice %arg4[%dma_start3A_1072, %dma_start3A_1073] : memref<16x1040xf32, #tpu.memory_space<vmem>> -> memref<1x1024xf32, #tpu.memory_space<vmem>>
        %dma_start3A_1075 = arith.constant 0 : i32
        %dma_start3A_1076 = tpu.memref_slice %arg2[%add3A_1066, %dma_start3A_1075] : memref<49152x1024xf32, #tpu.memory_space<hbm>> -> memref<1x1024xf32, #tpu.memory_space<hbm>>
        tpu.enqueue_dma source(%dma_start3A_1076 : memref<1x1024xf32, #tpu.memory_space<hbm>>) target(%dma_start3A_1074 : memref<1x1024xf32, #tpu.memory_space<vmem>>) target_semaphore(%arg10 : memref<!tpu.dma_semaphore, #tpu.memory_space<semaphore_mem>>)
      } else {
      }
      %parallel_loop3A_795 = arith.constant 0 : i32
      %parallel_loop3A_796 = arith.constant 512 : i32
      %parallel_loop3A_797 = arith.constant 8 : i32
      %parallel_loop3A_798:3 = scf.for %parallel_loop3A_1002 = %parallel_loop3A_795 to %parallel_loop3A_796 step %parallel_loop3A_797 iter_args(%parallel_loop3A_1003 = %broadcast_in_dim3A_5, %parallel_loop3A_1004 = %broadcast_in_dim3A_5, %parallel_loop3A_1005 = %broadcast_in_dim3A_5) -> (vector<16xf32>, vector<16xf32>, vector<16xf32>)  : i32 {
        %parallel_loop3A_1006 = arith.constant 0 : i32
        %parallel_loop3A_1007 = arith.addi %parallel_loop3A_1002, %parallel_loop3A_1006 : i32
        %parallel_loop3A_1008 = arith.constant 16 : i32
        %parallel_loop3A_1009 = arith.muli %parallel_loop3A_1007, %parallel_loop3A_1008 : i32
        %parallel_loop3A_1010 = arith.index_cast %parallel_loop3A_1009 : i32 to index
        %parallel_loop3A_1011 = tpu.vector_load %arg8[%parallel_loop3A_1010] {strides = array<i32>} : memref<8192xf32, #tpu.memory_space<vmem>>, vector<16xf32>,
        %parallel_loop3A_1012 = arith.constant 0 : i32
        %parallel_loop3A_1013 = arith.addi %parallel_loop3A_1002, %parallel_loop3A_1012 : i32
        %parallel_loop3A_1014 = arith.constant 16 : i32
        %parallel_loop3A_1015 = arith.muli %parallel_loop3A_1013, %parallel_loop3A_1014 : i32
        %parallel_loop3A_1016 = arith.index_cast %parallel_loop3A_1015 : i32 to index
        %parallel_loop3A_1017 = tpu.vector_load %arg8[%parallel_loop3A_1016] {strides = array<i32>} : memref<8192xf32, #tpu.memory_space<vmem>>, vector<16xf32>,
        tpu.vector_store %arg8[%parallel_loop3A_1016], %broadcast_in_dim3A_5 {strides = array<i32>} : memref<8192xf32, #tpu.memory_space<vmem>>, vector<16xf32>,
        %parallel_loop3A_1018 = arith.constant 1 : i32
        %parallel_loop3A_1019 = arith.addi %parallel_loop3A_1002, %parallel_loop3A_1018 : i32
        %parallel_loop3A_1020 = arith.constant 16 : i32
        %parallel_loop3A_1021 = arith.muli %parallel_loop3A_1019, %parallel_loop3A_1020 : i32
        %parallel_loop3A_1022 = arith.index_cast %parallel_loop3A_1021 : i32 to index
        %parallel_loop3A_1023 = tpu.vector_load %arg8[%parallel_loop3A_1022] {strides = array<i32>} : memref<8192xf32, #tpu.memory_space<vmem>>, vector<16xf32>,
        %parallel_loop3A_1024 = arith.constant 1 : i32
        %parallel_loop3A_1025 = arith.addi %parallel_loop3A_1002, %parallel_loop3A_1024 : i32
        %parallel_loop3A_1026 = arith.constant 16 : i32
        %parallel_loop3A_1027 = arith.muli %parallel_loop3A_1025, %parallel_loop3A_1026 : i32
        %parallel_loop3A_1028 = arith.index_cast %parallel_loop3A_1027 : i32 to index
        %parallel_loop3A_1029 = tpu.vector_load %arg8[%parallel_loop3A_1028] {strides = array<i32>} : memref<8192xf32, #tpu.memory_space<vmem>>, vector<16xf32>,
        tpu.vector_store %arg8[%parallel_loop3A_1028], %broadcast_in_dim3A_5 {strides = array<i32>} : memref<8192xf32, #tpu.memory_space<vmem>>, vector<16xf32>,
        %parallel_loop3A_1030 = arith.constant 2 : i32
        %parallel_loop3A_1031 = arith.addi %parallel_loop3A_1002, %parallel_loop3A_1030 : i32
        %parallel_loop3A_1032 = arith.constant 16 : i32
        %parallel_loop3A_1033 = arith.muli %parallel_loop3A_1031, %parallel_loop3A_1032 : i32
        %parallel_loop3A_1034 = arith.index_cast %parallel_loop3A_1033 : i32 to index
        %parallel_loop3A_1035 = tpu.vector_load %arg8[%parallel_loop3A_1034] {strides = array<i32>} : memref<8192xf32, #tpu.memory_space<vmem>>, vector<16xf32>,
        %parallel_loop3A_1036 = arith.constant 2 : i32
        %parallel_loop3A_1037 = arith.addi %parallel_loop3A_1002, %parallel_loop3A_1036 : i32
        %parallel_loop3A_1038 = arith.constant 16 : i32
        %parallel_loop3A_1039 = arith.muli %parallel_loop3A_1037, %parallel_loop3A_1038 : i32
        %parallel_loop3A_1040 = arith.index_cast %parallel_loop3A_1039 : i32 to index
        %parallel_loop3A_1041 = tpu.vector_load %arg8[%parallel_loop3A_1040] {strides = array<i32>} : memref<8192xf32, #tpu.memory_space<vmem>>, vector<16xf32>,
        tpu.vector_store %arg8[%parallel_loop3A_1040], %broadcast_in_dim3A_5 {strides = array<i32>} : memref<8192xf32, #tpu.memory_space<vmem>>, vector<16xf32>,
        %parallel_loop3A_1042 = arith.constant 3 : i32
        %parallel_loop3A_1043 = arith.addi %parallel_loop3A_1002, %parallel_loop3A_1042 : i32
        %parallel_loop3A_1044 = arith.constant 16 : i32
        %parallel_loop3A_1045 = arith.muli %parallel_loop3A_1043, %parallel_loop3A_1044 : i32
        %parallel_loop3A_1046 = arith.index_cast %parallel_loop3A_1045 : i32 to index
        %parallel_loop3A_1047 = tpu.vector_load %arg8[%parallel_loop3A_1046] {strides = array<i32>} : memref<8192xf32, #tpu.memory_space<vmem>>, vector<16xf32>,
        %parallel_loop3A_1048 = arith.constant 3 : i32
        %parallel_loop3A_1049 = arith.addi %parallel_loop3A_1002, %parallel_loop3A_1048 : i32
        %parallel_loop3A_1050 = arith.constant 16 : i32
        %parallel_loop3A_1051 = arith.muli %parallel_loop3A_1049, %parallel_loop3A_1050 : i32
        %parallel_loop3A_1052 = arith.index_cast %parallel_loop3A_1051 : i32 to index
        %parallel_loop3A_1053 = tpu.vector_load %arg8[%parallel_loop3A_1052] {strides = array<i32>} : memref<8192xf32, #tpu.memory_space<vmem>>, vector<16xf32>,
        tpu.vector_store %arg8[%parallel_loop3A_1052], %broadcast_in_dim3A_5 {strides = array<i32>} : memref<8192xf32, #tpu.memory_space<vmem>>, vector<16xf32>,
        %parallel_loop3A_1054 = arith.constant 4 : i32
        %parallel_loop3A_1055 = arith.addi %parallel_loop3A_1002, %parallel_loop3A_1054 : i32
        %parallel_loop3A_1056 = arith.constant 16 : i32
        %parallel_loop3A_1057 = arith.muli %parallel_loop3A_1055, %parallel_loop3A_1056 : i32
        %parallel_loop3A_1058 = arith.index_cast %parallel_loop3A_1057 : i32 to index
        %parallel_loop3A_1059 = tpu.vector_load %arg8[%parallel_loop3A_1058] {strides = array<i32>} : memref<8192xf32, #tpu.memory_space<vmem>>, vector<16xf32>,
        %parallel_loop3A_1060 = arith.constant 4 : i32
        %parallel_loop3A_1061 = arith.addi %parallel_loop3A_1002, %parallel_loop3A_1060 : i32
        %parallel_loop3A_1062 = arith.constant 16 : i32
        %parallel_loop3A_1063 = arith.muli %parallel_loop3A_1061, %parallel_loop3A_1062 : i32
        %parallel_loop3A_1064 = arith.index_cast %parallel_loop3A_1063 : i32 to index
        %parallel_loop3A_1065 = tpu.vector_load %arg8[%parallel_loop3A_1064] {strides = array<i32>} : memref<8192xf32, #tpu.memory_space<vmem>>, vector<16xf32>,
        tpu.vector_store %arg8[%parallel_loop3A_1064], %broadcast_in_dim3A_5 {strides = array<i32>} : memref<8192xf32, #tpu.memory_space<vmem>>, vector<16xf32>,
        %parallel_loop3A_1066 = arith.constant 5 : i32
        %parallel_loop3A_1067 = arith.addi %parallel_loop3A_1002, %parallel_loop3A_1066 : i32
        %parallel_loop3A_1068 = arith.constant 16 : i32
        %parallel_loop3A_1069 = arith.muli %parallel_loop3A_1067, %parallel_loop3A_1068 : i32
        %parallel_loop3A_1070 = arith.index_cast %parallel_loop3A_1069 : i32 to index
        %parallel_loop3A_1071 = tpu.vector_load %arg8[%parallel_loop3A_1070] {strides = array<i32>} : memref<8192xf32, #tpu.memory_space<vmem>>, vector<16xf32>,
        %parallel_loop3A_1072 = arith.constant 5 : i32
        %parallel_loop3A_1073 = arith.addi %parallel_loop3A_1002, %parallel_loop3A_1072 : i32
        %parallel_loop3A_1074 = arith.constant 16 : i32
        %parallel_loop3A_1075 = arith.muli %parallel_loop3A_1073, %parallel_loop3A_1074 : i32
        %parallel_loop3A_1076 = arith.index_cast %parallel_loop3A_1075 : i32 to index
        %parallel_loop3A_1077 = tpu.vector_load %arg8[%parallel_loop3A_1076] {strides = array<i32>} : memref<8192xf32, #tpu.memory_space<vmem>>, vector<16xf32>,
        tpu.vector_store %arg8[%parallel_loop3A_1076], %broadcast_in_dim3A_5 {strides = array<i32>} : memref<8192xf32, #tpu.memory_space<vmem>>, vector<16xf32>,
        %parallel_loop3A_1078 = arith.constant 6 : i32
        %parallel_loop3A_1079 = arith.addi %parallel_loop3A_1002, %parallel_loop3A_1078 : i32
        %parallel_loop3A_1080 = arith.constant 16 : i32
        %parallel_loop3A_1081 = arith.muli %parallel_loop3A_1079, %parallel_loop3A_1080 : i32
        %parallel_loop3A_1082 = arith.index_cast %parallel_loop3A_1081 : i32 to index
        %parallel_loop3A_1083 = tpu.vector_load %arg8[%parallel_loop3A_1082] {strides = array<i32>} : memref<8192xf32, #tpu.memory_space<vmem>>, vector<16xf32>,
        %parallel_loop3A_1084 = arith.constant 6 : i32
        %parallel_loop3A_1085 = arith.addi %parallel_loop3A_1002, %parallel_loop3A_1084 : i32
        %parallel_loop3A_1086 = arith.constant 16 : i32
        %parallel_loop3A_1087 = arith.muli %parallel_loop3A_1085, %parallel_loop3A_1086 : i32
        %parallel_loop3A_1088 = arith.index_cast %parallel_loop3A_1087 : i32 to index
        %parallel_loop3A_1089 = tpu.vector_load %arg8[%parallel_loop3A_1088] {strides = array<i32>} : memref<8192xf32, #tpu.memory_space<vmem>>, vector<16xf32>,
        tpu.vector_store %arg8[%parallel_loop3A_1088], %broadcast_in_dim3A_5 {strides = array<i32>} : memref<8192xf32, #tpu.memory_space<vmem>>, vector<16xf32>,
        %parallel_loop3A_1090 = arith.constant 7 : i32
        %parallel_loop3A_1091 = arith.addi %parallel_loop3A_1002, %parallel_loop3A_1090 : i32
        %parallel_loop3A_1092 = arith.constant 16 : i32
        %parallel_loop3A_1093 = arith.muli %parallel_loop3A_1091, %parallel_loop3A_1092 : i32
        %parallel_loop3A_1094 = arith.index_cast %parallel_loop3A_1093 : i32 to index
        %parallel_loop3A_1095 = tpu.vector_load %arg8[%parallel_loop3A_1094] {strides = array<i32>} : memref<8192xf32, #tpu.memory_space<vmem>>, vector<16xf32>,
        %parallel_loop3A_1096 = arith.constant 7 : i32
        %parallel_loop3A_1097 = arith.addi %parallel_loop3A_1002, %parallel_loop3A_1096 : i32
        %parallel_loop3A_1098 = arith.constant 16 : i32
        %parallel_loop3A_1099 = arith.muli %parallel_loop3A_1097, %parallel_loop3A_1098 : i32
        %parallel_loop3A_1100 = arith.index_cast %parallel_loop3A_1099 : i32 to index
        %parallel_loop3A_1101 = tpu.vector_load %arg8[%parallel_loop3A_1100] {strides = array<i32>} : memref<8192xf32, #tpu.memory_space<vmem>>, vector<16xf32>,
        tpu.vector_store %arg8[%parallel_loop3A_1100], %broadcast_in_dim3A_5 {strides = array<i32>} : memref<8192xf32, #tpu.memory_space<vmem>>, vector<16xf32>,
        %parallel_loop3A_1102 = arith.addf %parallel_loop3A_1023, %parallel_loop3A_1011 : vector<16xf32>
        %parallel_loop3A_1103 = arith.addf %parallel_loop3A_1035, %parallel_loop3A_1023 : vector<16xf32>
        %parallel_loop3A_1104 = arith.addf %parallel_loop3A_1047, %parallel_loop3A_1035 : vector<16xf32>
        %parallel_loop3A_1105 = arith.addf %parallel_loop3A_1059, %parallel_loop3A_1047 : vector<16xf32>
        %parallel_loop3A_1106 = arith.addf %parallel_loop3A_1071, %parallel_loop3A_1059 : vector<16xf32>
        %parallel_loop3A_1107 = arith.addf %parallel_loop3A_1083, %parallel_loop3A_1071 : vector<16xf32>
        %parallel_loop3A_1108 = arith.addf %parallel_loop3A_1095, %parallel_loop3A_1083 : vector<16xf32>
        %parallel_loop3A_1109 = arith.addf %parallel_loop3A_1103, %parallel_loop3A_1011 : vector<16xf32>
        %parallel_loop3A_1110 = arith.addf %parallel_loop3A_1104, %parallel_loop3A_1102 : vector<16xf32>
        %parallel_loop3A_1111 = arith.addf %parallel_loop3A_1105, %parallel_loop3A_1103 : vector<16xf32>
        %parallel_loop3A_1112 = arith.addf %parallel_loop3A_1106, %parallel_loop3A_1104 : vector<16xf32>
        %parallel_loop3A_1113 = arith.addf %parallel_loop3A_1107, %parallel_loop3A_1105 : vector<16xf32>
        %parallel_loop3A_1114 = arith.addf %parallel_loop3A_1108, %parallel_loop3A_1106 : vector<16xf32>
        %parallel_loop3A_1115 = arith.addf %parallel_loop3A_1111, %parallel_loop3A_1011 : vector<16xf32>
        %parallel_loop3A_1116 = arith.addf %parallel_loop3A_1112, %parallel_loop3A_1102 : vector<16xf32>
        %parallel_loop3A_1117 = arith.addf %parallel_loop3A_1113, %parallel_loop3A_1109 : vector<16xf32>
        %parallel_loop3A_1118 = arith.addf %parallel_loop3A_1114, %parallel_loop3A_1110 : vector<16xf32>
        %parallel_loop3A_1119 = arith.addf %parallel_loop3A_1003, %parallel_loop3A_1011 : vector<16xf32>
        %parallel_loop3A_1120 = arith.addf %parallel_loop3A_1003, %parallel_loop3A_1102 : vector<16xf32>
        %parallel_loop3A_1121 = arith.addf %parallel_loop3A_1003, %parallel_loop3A_1109 : vector<16xf32>
        %parallel_loop3A_1122 = arith.addf %parallel_loop3A_1003, %parallel_loop3A_1110 : vector<16xf32>
        %parallel_loop3A_1123 = arith.addf %parallel_loop3A_1003, %parallel_loop3A_1115 : vector<16xf32>
        %parallel_loop3A_1124 = arith.addf %parallel_loop3A_1003, %parallel_loop3A_1116 : vector<16xf32>
        %parallel_loop3A_1125 = arith.addf %parallel_loop3A_1003, %parallel_loop3A_1117 : vector<16xf32>
        %parallel_loop3A_1126 = arith.addf %parallel_loop3A_1003, %parallel_loop3A_1118 : vector<16xf32>
        %parallel_loop3A_1127 = arith.constant 8.200000e+02 : f32
        %parallel_loop3A_1128 = vector.broadcast %parallel_loop3A_1127 : f32 to vector<16xf32>
        %parallel_loop3A_1129 = arith.cmpf olt, %parallel_loop3A_1119, %parallel_loop3A_1128 : vector<16xf32>
        %parallel_loop3A_1130 = arith.constant 1.000000e+00 : f32
        %parallel_loop3A_1131 = arith.constant 0.000000e+00 : f32
        %parallel_loop3A_1132 = vector.broadcast %parallel_loop3A_1130 : f32 to vector<16xf32>
        %parallel_loop3A_1133 = vector.broadcast %parallel_loop3A_1131 : f32 to vector<16xf32>
        %parallel_loop3A_1134 = arith.select %parallel_loop3A_1129, %parallel_loop3A_1132, %parallel_loop3A_1133 : vector<16xi1>, vector<16xf32>
        %parallel_loop3A_1135 = arith.constant 8.200000e+02 : f32
        %parallel_loop3A_1136 = vector.broadcast %parallel_loop3A_1135 : f32 to vector<16xf32>
        %parallel_loop3A_1137 = arith.cmpf olt, %parallel_loop3A_1120, %parallel_loop3A_1136 : vector<16xf32>
        %parallel_loop3A_1138 = arith.constant 1.000000e+00 : f32
        %parallel_loop3A_1139 = arith.constant 0.000000e+00 : f32
        %parallel_loop3A_1140 = vector.broadcast %parallel_loop3A_1138 : f32 to vector<16xf32>
        %parallel_loop3A_1141 = vector.broadcast %parallel_loop3A_1139 : f32 to vector<16xf32>
        %parallel_loop3A_1142 = arith.select %parallel_loop3A_1137, %parallel_loop3A_1140, %parallel_loop3A_1141 : vector<16xi1>, vector<16xf32>
        %parallel_loop3A_1143 = arith.constant 8.200000e+02 : f32
        %parallel_loop3A_1144 = vector.broadcast %parallel_loop3A_1143 : f32 to vector<16xf32>
        %parallel_loop3A_1145 = arith.cmpf olt, %parallel_loop3A_1121, %parallel_loop3A_1144 : vector<16xf32>
        %parallel_loop3A_1146 = arith.constant 1.000000e+00 : f32
        %parallel_loop3A_1147 = arith.constant 0.000000e+00 : f32
        %parallel_loop3A_1148 = vector.broadcast %parallel_loop3A_1146 : f32 to vector<16xf32>
        %parallel_loop3A_1149 = vector.broadcast %parallel_loop3A_1147 : f32 to vector<16xf32>
        %parallel_loop3A_1150 = arith.select %parallel_loop3A_1145, %parallel_loop3A_1148, %parallel_loop3A_1149 : vector<16xi1>, vector<16xf32>
        %parallel_loop3A_1151 = arith.constant 8.200000e+02 : f32
        %parallel_loop3A_1152 = vector.broadcast %parallel_loop3A_1151 : f32 to vector<16xf32>
        %parallel_loop3A_1153 = arith.cmpf olt, %parallel_loop3A_1122, %parallel_loop3A_1152 : vector<16xf32>
        %parallel_loop3A_1154 = arith.constant 1.000000e+00 : f32
        %parallel_loop3A_1155 = arith.constant 0.000000e+00 : f32
        %parallel_loop3A_1156 = vector.broadcast %parallel_loop3A_1154 : f32 to vector<16xf32>
        %parallel_loop3A_1157 = vector.broadcast %parallel_loop3A_1155 : f32 to vector<16xf32>
        %parallel_loop3A_1158 = arith.select %parallel_loop3A_1153, %parallel_loop3A_1156, %parallel_loop3A_1157 : vector<16xi1>, vector<16xf32>
        %parallel_loop3A_1159 = arith.constant 8.200000e+02 : f32
        %parallel_loop3A_1160 = vector.broadcast %parallel_loop3A_1159 : f32 to vector<16xf32>
        %parallel_loop3A_1161 = arith.cmpf olt, %parallel_loop3A_1123, %parallel_loop3A_1160 : vector<16xf32>
        %parallel_loop3A_1162 = arith.constant 1.000000e+00 : f32
        %parallel_loop3A_1163 = arith.constant 0.000000e+00 : f32
        %parallel_loop3A_1164 = vector.broadcast %parallel_loop3A_1162 : f32 to vector<16xf32>
        %parallel_loop3A_1165 = vector.broadcast %parallel_loop3A_1163 : f32 to vector<16xf32>
        %parallel_loop3A_1166 = arith.select %parallel_loop3A_1161, %parallel_loop3A_1164, %parallel_loop3A_1165 : vector<16xi1>, vector<16xf32>
        %parallel_loop3A_1167 = arith.constant 8.200000e+02 : f32
        %parallel_loop3A_1168 = vector.broadcast %parallel_loop3A_1167 : f32 to vector<16xf32>
        %parallel_loop3A_1169 = arith.cmpf olt, %parallel_loop3A_1124, %parallel_loop3A_1168 : vector<16xf32>
        %parallel_loop3A_1170 = arith.constant 1.000000e+00 : f32
        %parallel_loop3A_1171 = arith.constant 0.000000e+00 : f32
        %parallel_loop3A_1172 = vector.broadcast %parallel_loop3A_1170 : f32 to vector<16xf32>
        %parallel_loop3A_1173 = vector.broadcast %parallel_loop3A_1171 : f32 to vector<16xf32>
        %parallel_loop3A_1174 = arith.select %parallel_loop3A_1169, %parallel_loop3A_1172, %parallel_loop3A_1173 : vector<16xi1>, vector<16xf32>
        %parallel_loop3A_1175 = arith.constant 8.200000e+02 : f32
        %parallel_loop3A_1176 = vector.broadcast %parallel_loop3A_1175 : f32 to vector<16xf32>
        %parallel_loop3A_1177 = arith.cmpf olt, %parallel_loop3A_1125, %parallel_loop3A_1176 : vector<16xf32>
        %parallel_loop3A_1178 = arith.constant 1.000000e+00 : f32
        %parallel_loop3A_1179 = arith.constant 0.000000e+00 : f32
        %parallel_loop3A_1180 = vector.broadcast %parallel_loop3A_1178 : f32 to vector<16xf32>
        %parallel_loop3A_1181 = vector.broadcast %parallel_loop3A_1179 : f32 to vector<16xf32>
        %parallel_loop3A_1182 = arith.select %parallel_loop3A_1177, %parallel_loop3A_1180, %parallel_loop3A_1181 : vector<16xi1>, vector<16xf32>
        %parallel_loop3A_1183 = arith.constant 8.200000e+02 : f32
        %parallel_loop3A_1184 = vector.broadcast %parallel_loop3A_1183 : f32 to vector<16xf32>
        %parallel_loop3A_1185 = arith.cmpf olt, %parallel_loop3A_1126, %parallel_loop3A_1184 : vector<16xf32>
        %parallel_loop3A_1186 = arith.constant 1.000000e+00 : f32
        %parallel_loop3A_1187 = arith.constant 0.000000e+00 : f32
        %parallel_loop3A_1188 = vector.broadcast %parallel_loop3A_1186 : f32 to vector<16xf32>
        %parallel_loop3A_1189 = vector.broadcast %parallel_loop3A_1187 : f32 to vector<16xf32>
        %parallel_loop3A_1190 = arith.select %parallel_loop3A_1185, %parallel_loop3A_1188, %parallel_loop3A_1189 : vector<16xi1>, vector<16xf32>
        %parallel_loop3A_1191 = arith.addf %parallel_loop3A_1134, %parallel_loop3A_1142 : vector<16xf32>
        %parallel_loop3A_1192 = arith.addf %parallel_loop3A_1150, %parallel_loop3A_1158 : vector<16xf32>
        %parallel_loop3A_1193 = arith.addf %parallel_loop3A_1166, %parallel_loop3A_1174 : vector<16xf32>
        %parallel_loop3A_1194 = arith.addf %parallel_loop3A_1182, %parallel_loop3A_1190 : vector<16xf32>
        %parallel_loop3A_1195 = arith.addf %parallel_loop3A_1191, %parallel_loop3A_1192 : vector<16xf32>
        %parallel_loop3A_1196 = arith.addf %parallel_loop3A_1193, %parallel_loop3A_1194 : vector<16xf32>
        %parallel_loop3A_1197 = arith.addf %parallel_loop3A_1195, %parallel_loop3A_1196 : vector<16xf32>
        %parallel_loop3A_1198 = arith.constant 2.050000e+02 : f32
        %parallel_loop3A_1199 = vector.broadcast %parallel_loop3A_1198 : f32 to vector<16xf32>
        %parallel_loop3A_1200 = arith.cmpf olt, %parallel_loop3A_1119, %parallel_loop3A_1199 : vector<16xf32>
        %parallel_loop3A_1201 = arith.constant 1.000000e+00 : f32
        %parallel_loop3A_1202 = arith.constant 0.000000e+00 : f32
        %parallel_loop3A_1203 = vector.broadcast %parallel_loop3A_1201 : f32 to vector<16xf32>
        %parallel_loop3A_1204 = vector.broadcast %parallel_loop3A_1202 : f32 to vector<16xf32>
        %parallel_loop3A_1205 = arith.select %parallel_loop3A_1200, %parallel_loop3A_1203, %parallel_loop3A_1204 : vector<16xi1>, vector<16xf32>
        %parallel_loop3A_1206 = arith.constant 2.050000e+02 : f32
        %parallel_loop3A_1207 = vector.broadcast %parallel_loop3A_1206 : f32 to vector<16xf32>
        %parallel_loop3A_1208 = arith.cmpf olt, %parallel_loop3A_1120, %parallel_loop3A_1207 : vector<16xf32>
        %parallel_loop3A_1209 = arith.constant 1.000000e+00 : f32
        %parallel_loop3A_1210 = arith.constant 0.000000e+00 : f32
        %parallel_loop3A_1211 = vector.broadcast %parallel_loop3A_1209 : f32 to vector<16xf32>
        %parallel_loop3A_1212 = vector.broadcast %parallel_loop3A_1210 : f32 to vector<16xf32>
        %parallel_loop3A_1213 = arith.select %parallel_loop3A_1208, %parallel_loop3A_1211, %parallel_loop3A_1212 : vector<16xi1>, vector<16xf32>
        %parallel_loop3A_1214 = arith.constant 2.050000e+02 : f32
        %parallel_loop3A_1215 = vector.broadcast %parallel_loop3A_1214 : f32 to vector<16xf32>
        %parallel_loop3A_1216 = arith.cmpf olt, %parallel_loop3A_1121, %parallel_loop3A_1215 : vector<16xf32>
        %parallel_loop3A_1217 = arith.constant 1.000000e+00 : f32
        %parallel_loop3A_1218 = arith.constant 0.000000e+00 : f32
        %parallel_loop3A_1219 = vector.broadcast %parallel_loop3A_1217 : f32 to vector<16xf32>
        %parallel_loop3A_1220 = vector.broadcast %parallel_loop3A_1218 : f32 to vector<16xf32>
        %parallel_loop3A_1221 = arith.select %parallel_loop3A_1216, %parallel_loop3A_1219, %parallel_loop3A_1220 : vector<16xi1>, vector<16xf32>
        %parallel_loop3A_1222 = arith.constant 2.050000e+02 : f32
        %parallel_loop3A_1223 = vector.broadcast %parallel_loop3A_1222 : f32 to vector<16xf32>
        %parallel_loop3A_1224 = arith.cmpf olt, %parallel_loop3A_1122, %parallel_loop3A_1223 : vector<16xf32>
        %parallel_loop3A_1225 = arith.constant 1.000000e+00 : f32
        %parallel_loop3A_1226 = arith.constant 0.000000e+00 : f32
        %parallel_loop3A_1227 = vector.broadcast %parallel_loop3A_1225 : f32 to vector<16xf32>
        %parallel_loop3A_1228 = vector.broadcast %parallel_loop3A_1226 : f32 to vector<16xf32>
        %parallel_loop3A_1229 = arith.select %parallel_loop3A_1224, %parallel_loop3A_1227, %parallel_loop3A_1228 : vector<16xi1>, vector<16xf32>
        %parallel_loop3A_1230 = arith.constant 2.050000e+02 : f32
        %parallel_loop3A_1231 = vector.broadcast %parallel_loop3A_1230 : f32 to vector<16xf32>
        %parallel_loop3A_1232 = arith.cmpf olt, %parallel_loop3A_1123, %parallel_loop3A_1231 : vector<16xf32>
        %parallel_loop3A_1233 = arith.constant 1.000000e+00 : f32
        %parallel_loop3A_1234 = arith.constant 0.000000e+00 : f32
        %parallel_loop3A_1235 = vector.broadcast %parallel_loop3A_1233 : f32 to vector<16xf32>
        %parallel_loop3A_1236 = vector.broadcast %parallel_loop3A_1234 : f32 to vector<16xf32>
        %parallel_loop3A_1237 = arith.select %parallel_loop3A_1232, %parallel_loop3A_1235, %parallel_loop3A_1236 : vector<16xi1>, vector<16xf32>
        %parallel_loop3A_1238 = arith.constant 2.050000e+02 : f32
        %parallel_loop3A_1239 = vector.broadcast %parallel_loop3A_1238 : f32 to vector<16xf32>
        %parallel_loop3A_1240 = arith.cmpf olt, %parallel_loop3A_1124, %parallel_loop3A_1239 : vector<16xf32>
        %parallel_loop3A_1241 = arith.constant 1.000000e+00 : f32
        %parallel_loop3A_1242 = arith.constant 0.000000e+00 : f32
        %parallel_loop3A_1243 = vector.broadcast %parallel_loop3A_1241 : f32 to vector<16xf32>
        %parallel_loop3A_1244 = vector.broadcast %parallel_loop3A_1242 : f32 to vector<16xf32>
        %parallel_loop3A_1245 = arith.select %parallel_loop3A_1240, %parallel_loop3A_1243, %parallel_loop3A_1244 : vector<16xi1>, vector<16xf32>
        %parallel_loop3A_1246 = arith.constant 2.050000e+02 : f32
        %parallel_loop3A_1247 = vector.broadcast %parallel_loop3A_1246 : f32 to vector<16xf32>
        %parallel_loop3A_1248 = arith.cmpf olt, %parallel_loop3A_1125, %parallel_loop3A_1247 : vector<16xf32>
        %parallel_loop3A_1249 = arith.constant 1.000000e+00 : f32
        %parallel_loop3A_1250 = arith.constant 0.000000e+00 : f32
        %parallel_loop3A_1251 = vector.broadcast %parallel_loop3A_1249 : f32 to vector<16xf32>
        %parallel_loop3A_1252 = vector.broadcast %parallel_loop3A_1250 : f32 to vector<16xf32>
        %parallel_loop3A_1253 = arith.select %parallel_loop3A_1248, %parallel_loop3A_1251, %parallel_loop3A_1252 : vector<16xi1>, vector<16xf32>
        %parallel_loop3A_1254 = arith.constant 2.050000e+02 : f32
        %parallel_loop3A_1255 = vector.broadcast %parallel_loop3A_1254 : f32 to vector<16xf32>
        %parallel_loop3A_1256 = arith.cmpf olt, %parallel_loop3A_1126, %parallel_loop3A_1255 : vector<16xf32>
        %parallel_loop3A_1257 = arith.constant 1.000000e+00 : f32
        %parallel_loop3A_1258 = arith.constant 0.000000e+00 : f32
        %parallel_loop3A_1259 = vector.broadcast %parallel_loop3A_1257 : f32 to vector<16xf32>
        %parallel_loop3A_1260 = vector.broadcast %parallel_loop3A_1258 : f32 to vector<16xf32>
        %parallel_loop3A_1261 = arith.select %parallel_loop3A_1256, %parallel_loop3A_1259, %parallel_loop3A_1260 : vector<16xi1>, vector<16xf32>
        %parallel_loop3A_1262 = arith.addf %parallel_loop3A_1205, %parallel_loop3A_1213 : vector<16xf32>
        %parallel_loop3A_1263 = arith.addf %parallel_loop3A_1221, %parallel_loop3A_1229 : vector<16xf32>
        %parallel_loop3A_1264 = arith.addf %parallel_loop3A_1237, %parallel_loop3A_1245 : vector<16xf32>
        %parallel_loop3A_1265 = arith.addf %parallel_loop3A_1253, %parallel_loop3A_1261 : vector<16xf32>
        %parallel_loop3A_1266 = arith.addf %parallel_loop3A_1262, %parallel_loop3A_1263 : vector<16xf32>
        %parallel_loop3A_1267 = arith.addf %parallel_loop3A_1264, %parallel_loop3A_1265 : vector<16xf32>
        %parallel_loop3A_1268 = arith.addf %parallel_loop3A_1266, %parallel_loop3A_1267 : vector<16xf32>
        %parallel_loop3A_1269 = arith.addf %parallel_loop3A_1004, %parallel_loop3A_1197 : vector<16xf32>
        %parallel_loop3A_1270 = arith.addf %parallel_loop3A_1005, %parallel_loop3A_1268 : vector<16xf32>
        scf.yield %parallel_loop3A_1126, %parallel_loop3A_1269, %parallel_loop3A_1270 : vector<16xf32>, vector<16xf32>, vector<16xf32>
      } {sc.loop_unroll_factor = 1 : i64, sc.parallel_access}
      %mul3A_799 = arith.constant 3.125000e-02 : f32
      %mul3A_800 = vector.broadcast %mul3A_799 : f32 to vector<16xf32>
      %mul3A_801 = arith.mulf %parallel_loop3A_798#1, %mul3A_800 : vector<16xf32>
      %add3A_802 = arith.constant -8.000000e+00 : f32
      %add3A_803 = vector.broadcast %add3A_802 : f32 to vector<16xf32>
      %add3A_804 = arith.addf %add3A_803, %mul3A_801 : vector<16xf32>
      %add3A_805 = arith.constant 1.000000e+00 : f32
      %add3A_806 = vector.broadcast %add3A_805 : f32 to vector<16xf32>
      %add3A_807 = arith.addf %parallel_loop3A_798#2, %add3A_806 : vector<16xf32>
      %mul3A_808 = arith.constant 3.125000e-02 : f32
      %mul3A_809 = vector.broadcast %mul3A_808 : f32 to vector<16xf32>
      %mul3A_810 = arith.mulf %add3A_807, %mul3A_809 : vector<16xf32>
      %add3A_811 = arith.constant -8.000000e+00 : f32
      %add3A_812 = vector.broadcast %add3A_811 : f32 to vector<16xf32>
      %add3A_813 = arith.addf %add3A_812, %mul3A_810 : vector<16xf32>
      %parallel_loop3A_814 = arith.constant 0 : i32
      %parallel_loop3A_815 = arith.constant 1024 : i32
      %parallel_loop3A_816 = arith.constant 8 : i32
      %parallel_loop3A_817:2 = scf.for %parallel_loop3A_1002 = %parallel_loop3A_814 to %parallel_loop3A_815 step %parallel_loop3A_816 iter_args(%parallel_loop3A_1003 = %broadcast_in_dim3A_5, %parallel_loop3A_1004 = %broadcast_in_dim3A_5) -> (vector<16xf32>, vector<16xf32>)  : i32 {
        %parallel_loop3A_1005 = arith.constant 0 : i32
        %parallel_loop3A_1006 = arith.addi %parallel_loop3A_1002, %parallel_loop3A_1005 : i32
        %parallel_loop3A_1007 = vector.broadcast %parallel_loop3A_1006 : i32 to vector<16xi32>
        %parallel_loop3A_1008 = tpu.vector_load_idx %arg5[%iota3A, %parallel_loop3A_1007] : memref<16x1040xf32, #tpu.memory_space<vmem>>[vector<16xi32>, vector<16xi32>], vector<16xf32>,
        %parallel_loop3A_1009 = arith.subf %parallel_loop3A_1008, %add3A_804 : vector<16xf32>
        %parallel_loop3A_1010 = arith.constant 0.000000e+00 : f32
        %parallel_loop3A_1011 = vector.broadcast %parallel_loop3A_1010 : f32 to vector<16xf32>
        %parallel_loop3A_1012 = arith.maximumf %parallel_loop3A_1009, %parallel_loop3A_1011 : vector<16xf32>
        %parallel_loop3A_1013 = arith.subf %add3A_813, %parallel_loop3A_1008 : vector<16xf32>
        %parallel_loop3A_1014 = arith.constant 0.000000e+00 : f32
        %parallel_loop3A_1015 = vector.broadcast %parallel_loop3A_1014 : f32 to vector<16xf32>
        %parallel_loop3A_1016 = arith.maximumf %parallel_loop3A_1013, %parallel_loop3A_1015 : vector<16xf32>
        %parallel_loop3A_1017 = arith.constant 1 : i32
        %parallel_loop3A_1018 = arith.addi %parallel_loop3A_1002, %parallel_loop3A_1017 : i32
        %parallel_loop3A_1019 = vector.broadcast %parallel_loop3A_1018 : i32 to vector<16xi32>
        %parallel_loop3A_1020 = tpu.vector_load_idx %arg5[%iota3A, %parallel_loop3A_1019] : memref<16x1040xf32, #tpu.memory_space<vmem>>[vector<16xi32>, vector<16xi32>], vector<16xf32>,
        %parallel_loop3A_1021 = arith.subf %parallel_loop3A_1020, %add3A_804 : vector<16xf32>
        %parallel_loop3A_1022 = arith.constant 0.000000e+00 : f32
        %parallel_loop3A_1023 = vector.broadcast %parallel_loop3A_1022 : f32 to vector<16xf32>
        %parallel_loop3A_1024 = arith.maximumf %parallel_loop3A_1021, %parallel_loop3A_1023 : vector<16xf32>
        %parallel_loop3A_1025 = arith.subf %add3A_813, %parallel_loop3A_1020 : vector<16xf32>
        %parallel_loop3A_1026 = arith.constant 0.000000e+00 : f32
        %parallel_loop3A_1027 = vector.broadcast %parallel_loop3A_1026 : f32 to vector<16xf32>
        %parallel_loop3A_1028 = arith.maximumf %parallel_loop3A_1025, %parallel_loop3A_1027 : vector<16xf32>
        %parallel_loop3A_1029 = arith.constant 2 : i32
        %parallel_loop3A_1030 = arith.addi %parallel_loop3A_1002, %parallel_loop3A_1029 : i32
        %parallel_loop3A_1031 = vector.broadcast %parallel_loop3A_1030 : i32 to vector<16xi32>
        %parallel_loop3A_1032 = tpu.vector_load_idx %arg5[%iota3A, %parallel_loop3A_1031] : memref<16x1040xf32, #tpu.memory_space<vmem>>[vector<16xi32>, vector<16xi32>], vector<16xf32>,
        %parallel_loop3A_1033 = arith.subf %parallel_loop3A_1032, %add3A_804 : vector<16xf32>
        %parallel_loop3A_1034 = arith.constant 0.000000e+00 : f32
        %parallel_loop3A_1035 = vector.broadcast %parallel_loop3A_1034 : f32 to vector<16xf32>
        %parallel_loop3A_1036 = arith.maximumf %parallel_loop3A_1033, %parallel_loop3A_1035 : vector<16xf32>
        %parallel_loop3A_1037 = arith.subf %add3A_813, %parallel_loop3A_1032 : vector<16xf32>
        %parallel_loop3A_1038 = arith.constant 0.000000e+00 : f32
        %parallel_loop3A_1039 = vector.broadcast %parallel_loop3A_1038 : f32 to vector<16xf32>
        %parallel_loop3A_1040 = arith.maximumf %parallel_loop3A_1037, %parallel_loop3A_1039 : vector<16xf32>
        %parallel_loop3A_1041 = arith.constant 3 : i32
        %parallel_loop3A_1042 = arith.addi %parallel_loop3A_1002, %parallel_loop3A_1041 : i32
        %parallel_loop3A_1043 = vector.broadcast %parallel_loop3A_1042 : i32 to vector<16xi32>
        %parallel_loop3A_1044 = tpu.vector_load_idx %arg5[%iota3A, %parallel_loop3A_1043] : memref<16x1040xf32, #tpu.memory_space<vmem>>[vector<16xi32>, vector<16xi32>], vector<16xf32>,
        %parallel_loop3A_1045 = arith.subf %parallel_loop3A_1044, %add3A_804 : vector<16xf32>
        %parallel_loop3A_1046 = arith.constant 0.000000e+00 : f32
        %parallel_loop3A_1047 = vector.broadcast %parallel_loop3A_1046 : f32 to vector<16xf32>
        %parallel_loop3A_1048 = arith.maximumf %parallel_loop3A_1045, %parallel_loop3A_1047 : vector<16xf32>
        %parallel_loop3A_1049 = arith.subf %add3A_813, %parallel_loop3A_1044 : vector<16xf32>
        %parallel_loop3A_1050 = arith.constant 0.000000e+00 : f32
        %parallel_loop3A_1051 = vector.broadcast %parallel_loop3A_1050 : f32 to vector<16xf32>
        %parallel_loop3A_1052 = arith.maximumf %parallel_loop3A_1049, %parallel_loop3A_1051 : vector<16xf32>
        %parallel_loop3A_1053 = arith.constant 4 : i32
        %parallel_loop3A_1054 = arith.addi %parallel_loop3A_1002, %parallel_loop3A_1053 : i32
        %parallel_loop3A_1055 = vector.broadcast %parallel_loop3A_1054 : i32 to vector<16xi32>
        %parallel_loop3A_1056 = tpu.vector_load_idx %arg5[%iota3A, %parallel_loop3A_1055] : memref<16x1040xf32, #tpu.memory_space<vmem>>[vector<16xi32>, vector<16xi32>], vector<16xf32>,
        %parallel_loop3A_1057 = arith.subf %parallel_loop3A_1056, %add3A_804 : vector<16xf32>
        %parallel_loop3A_1058 = arith.constant 0.000000e+00 : f32
        %parallel_loop3A_1059 = vector.broadcast %parallel_loop3A_1058 : f32 to vector<16xf32>
        %parallel_loop3A_1060 = arith.maximumf %parallel_loop3A_1057, %parallel_loop3A_1059 : vector<16xf32>
        %parallel_loop3A_1061 = arith.subf %add3A_813, %parallel_loop3A_1056 : vector<16xf32>
        %parallel_loop3A_1062 = arith.constant 0.000000e+00 : f32
        %parallel_loop3A_1063 = vector.broadcast %parallel_loop3A_1062 : f32 to vector<16xf32>
        %parallel_loop3A_1064 = arith.maximumf %parallel_loop3A_1061, %parallel_loop3A_1063 : vector<16xf32>
        %parallel_loop3A_1065 = arith.constant 5 : i32
        %parallel_loop3A_1066 = arith.addi %parallel_loop3A_1002, %parallel_loop3A_1065 : i32
        %parallel_loop3A_1067 = vector.broadcast %parallel_loop3A_1066 : i32 to vector<16xi32>
        %parallel_loop3A_1068 = tpu.vector_load_idx %arg5[%iota3A, %parallel_loop3A_1067] : memref<16x1040xf32, #tpu.memory_space<vmem>>[vector<16xi32>, vector<16xi32>], vector<16xf32>,
        %parallel_loop3A_1069 = arith.subf %parallel_loop3A_1068, %add3A_804 : vector<16xf32>
        %parallel_loop3A_1070 = arith.constant 0.000000e+00 : f32
        %parallel_loop3A_1071 = vector.broadcast %parallel_loop3A_1070 : f32 to vector<16xf32>
        %parallel_loop3A_1072 = arith.maximumf %parallel_loop3A_1069, %parallel_loop3A_1071 : vector<16xf32>
        %parallel_loop3A_1073 = arith.subf %add3A_813, %parallel_loop3A_1068 : vector<16xf32>
        %parallel_loop3A_1074 = arith.constant 0.000000e+00 : f32
        %parallel_loop3A_1075 = vector.broadcast %parallel_loop3A_1074 : f32 to vector<16xf32>
        %parallel_loop3A_1076 = arith.maximumf %parallel_loop3A_1073, %parallel_loop3A_1075 : vector<16xf32>
        %parallel_loop3A_1077 = arith.constant 6 : i32
        %parallel_loop3A_1078 = arith.addi %parallel_loop3A_1002, %parallel_loop3A_1077 : i32
        %parallel_loop3A_1079 = vector.broadcast %parallel_loop3A_1078 : i32 to vector<16xi32>
        %parallel_loop3A_1080 = tpu.vector_load_idx %arg5[%iota3A, %parallel_loop3A_1079] : memref<16x1040xf32, #tpu.memory_space<vmem>>[vector<16xi32>, vector<16xi32>], vector<16xf32>,
        %parallel_loop3A_1081 = arith.subf %parallel_loop3A_1080, %add3A_804 : vector<16xf32>
        %parallel_loop3A_1082 = arith.constant 0.000000e+00 : f32
        %parallel_loop3A_1083 = vector.broadcast %parallel_loop3A_1082 : f32 to vector<16xf32>
        %parallel_loop3A_1084 = arith.maximumf %parallel_loop3A_1081, %parallel_loop3A_1083 : vector<16xf32>
        %parallel_loop3A_1085 = arith.subf %add3A_813, %parallel_loop3A_1080 : vector<16xf32>
        %parallel_loop3A_1086 = arith.constant 0.000000e+00 : f32
        %parallel_loop3A_1087 = vector.broadcast %parallel_loop3A_1086 : f32 to vector<16xf32>
        %parallel_loop3A_1088 = arith.maximumf %parallel_loop3A_1085, %parallel_loop3A_1087 : vector<16xf32>
        %parallel_loop3A_1089 = arith.constant 7 : i32
        %parallel_loop3A_1090 = arith.addi %parallel_loop3A_1002, %parallel_loop3A_1089 : i32
        %parallel_loop3A_1091 = vector.broadcast %parallel_loop3A_1090 : i32 to vector<16xi32>
        %parallel_loop3A_1092 = tpu.vector_load_idx %arg5[%iota3A, %parallel_loop3A_1091] : memref<16x1040xf32, #tpu.memory_space<vmem>>[vector<16xi32>, vector<16xi32>], vector<16xf32>,
        %parallel_loop3A_1093 = arith.subf %parallel_loop3A_1092, %add3A_804 : vector<16xf32>
        %parallel_loop3A_1094 = arith.constant 0.000000e+00 : f32
        %parallel_loop3A_1095 = vector.broadcast %parallel_loop3A_1094 : f32 to vector<16xf32>
        %parallel_loop3A_1096 = arith.maximumf %parallel_loop3A_1093, %parallel_loop3A_1095 : vector<16xf32>
        %parallel_loop3A_1097 = arith.subf %add3A_813, %parallel_loop3A_1092 : vector<16xf32>
        %parallel_loop3A_1098 = arith.constant 0.000000e+00 : f32
        %parallel_loop3A_1099 = vector.broadcast %parallel_loop3A_1098 : f32 to vector<16xf32>
        %parallel_loop3A_1100 = arith.maximumf %parallel_loop3A_1097, %parallel_loop3A_1099 : vector<16xf32>
        %parallel_loop3A_1101 = arith.addf %parallel_loop3A_1012, %parallel_loop3A_1024 : vector<16xf32>
        %parallel_loop3A_1102 = arith.addf %parallel_loop3A_1036, %parallel_loop3A_1048 : vector<16xf32>
        %parallel_loop3A_1103 = arith.addf %parallel_loop3A_1060, %parallel_loop3A_1072 : vector<16xf32>
        %parallel_loop3A_1104 = arith.addf %parallel_loop3A_1084, %parallel_loop3A_1096 : vector<16xf32>
        %parallel_loop3A_1105 = arith.addf %parallel_loop3A_1101, %parallel_loop3A_1102 : vector<16xf32>
        %parallel_loop3A_1106 = arith.addf %parallel_loop3A_1103, %parallel_loop3A_1104 : vector<16xf32>
        %parallel_loop3A_1107 = arith.addf %parallel_loop3A_1105, %parallel_loop3A_1106 : vector<16xf32>
        %parallel_loop3A_1108 = arith.addf %parallel_loop3A_1003, %parallel_loop3A_1107 : vector<16xf32>
        %parallel_loop3A_1109 = arith.addf %parallel_loop3A_1016, %parallel_loop3A_1028 : vector<16xf32>
        %parallel_loop3A_1110 = arith.addf %parallel_loop3A_1040, %parallel_loop3A_1052 : vector<16xf32>
        %parallel_loop3A_1111 = arith.addf %parallel_loop3A_1064, %parallel_loop3A_1076 : vector<16xf32>
        %parallel_loop3A_1112 = arith.addf %parallel_loop3A_1088, %parallel_loop3A_1100 : vector<16xf32>
        %parallel_loop3A_1113 = arith.addf %parallel_loop3A_1109, %parallel_loop3A_1110 : vector<16xf32>
        %parallel_loop3A_1114 = arith.addf %parallel_loop3A_1111, %parallel_loop3A_1112 : vector<16xf32>
        %parallel_loop3A_1115 = arith.addf %parallel_loop3A_1113, %parallel_loop3A_1114 : vector<16xf32>
        %parallel_loop3A_1116 = arith.addf %parallel_loop3A_1004, %parallel_loop3A_1115 : vector<16xf32>
        scf.yield %parallel_loop3A_1108, %parallel_loop3A_1116 : vector<16xf32>, vector<16xf32>
      } {sc.loop_unroll_factor = 1 : i64, sc.parallel_access}
      %add3A_818 = arith.constant 3 : i32
      %add3A_819 = arith.addi %add3A_764, %add3A_818 : i32
      %lt3A_820 = arith.constant 96 : i32
      %lt3A_821 = arith.cmpi slt, %add3A_819, %lt3A_820 : i32
      %convert_element_type3A_822 = arith.extui %lt3A_821 : i1 to i32
      %cond3A_823 = arith.constant 0 : i32
      %cond3A_824 = arith.cmpi ne, %convert_element_type3A_822, %cond3A_823 : i32
      scf.if %cond3A_824 {
        %mul3A_1002 = arith.constant 16 : i32
        %mul3A_1003 = arith.muli %add3A_819, %mul3A_1002 : i32
        %add3A_1004 = arith.addi %mul3A_2, %mul3A_1003 : i32
        %add3A_1005 = arith.constant 11 : i32
        %add3A_1006 = arith.addi %add3A_1004, %add3A_1005 : i32
        %dma_start3A_1007 = arith.constant 11 : i32
        %dma_start3A_1008 = arith.constant 0 : i32
        %dma_start3A_1009 = tpu.memref_slice %arg4[%dma_start3A_1007, %dma_start3A_1008] : memref<16x1040xf32, #tpu.memory_space<vmem>> -> memref<1x1024xf32, #tpu.memory_space<vmem>>
        %dma_start3A_1010 = arith.constant 0 : i32
        %dma_start3A_1011 = tpu.memref_slice %arg2[%add3A_1006, %dma_start3A_1010] : memref<49152x1024xf32, #tpu.memory_space<hbm>> -> memref<1x1024xf32, #tpu.memory_space<hbm>>
        %dma_start3A_1012 = arith.constant 11 : i32
        %dma_start3A_1013 = arith.constant 0 : i32
        %dma_start3A_1014 = tpu.memref_slice %arg4[%dma_start3A_1012, %dma_start3A_1013] : memref<16x1040xf32, #tpu.memory_space<vmem>> -> memref<1x1024xf32, #tpu.memory_space<vmem>>
        %dma_start3A_1015 = arith.constant 0 : i32
        %dma_start3A_1016 = tpu.memref_slice %arg2[%add3A_1006, %dma_start3A_1015] : memref<49152x1024xf32, #tpu.memory_space<hbm>> -> memref<1x1024xf32, #tpu.memory_space<hbm>>
        tpu.enqueue_dma source(%dma_start3A_1016 : memref<1x1024xf32, #tpu.memory_space<hbm>>) target(%dma_start3A_1014 : memref<1x1024xf32, #tpu.memory_space<vmem>>) target_semaphore(%arg10 : memref<!tpu.dma_semaphore, #tpu.memory_space<semaphore_mem>>)
        %mul3A_1017 = arith.constant 16 : i32
        %mul3A_1018 = arith.muli %add3A_819, %mul3A_1017 : i32
        %add3A_1019 = arith.addi %mul3A_2, %mul3A_1018 : i32
        %add3A_1020 = arith.constant 12 : i32
        %add3A_1021 = arith.addi %add3A_1019, %add3A_1020 : i32
        %dma_start3A_1022 = arith.constant 12 : i32
        %dma_start3A_1023 = arith.constant 0 : i32
        %dma_start3A_1024 = tpu.memref_slice %arg4[%dma_start3A_1022, %dma_start3A_1023] : memref<16x1040xf32, #tpu.memory_space<vmem>> -> memref<1x1024xf32, #tpu.memory_space<vmem>>
        %dma_start3A_1025 = arith.constant 0 : i32
        %dma_start3A_1026 = tpu.memref_slice %arg2[%add3A_1021, %dma_start3A_1025] : memref<49152x1024xf32, #tpu.memory_space<hbm>> -> memref<1x1024xf32, #tpu.memory_space<hbm>>
        %dma_start3A_1027 = arith.constant 12 : i32
        %dma_start3A_1028 = arith.constant 0 : i32
        %dma_start3A_1029 = tpu.memref_slice %arg4[%dma_start3A_1027, %dma_start3A_1028] : memref<16x1040xf32, #tpu.memory_space<vmem>> -> memref<1x1024xf32, #tpu.memory_space<vmem>>
        %dma_start3A_1030 = arith.constant 0 : i32
        %dma_start3A_1031 = tpu.memref_slice %arg2[%add3A_1021, %dma_start3A_1030] : memref<49152x1024xf32, #tpu.memory_space<hbm>> -> memref<1x1024xf32, #tpu.memory_space<hbm>>
        tpu.enqueue_dma source(%dma_start3A_1031 : memref<1x1024xf32, #tpu.memory_space<hbm>>) target(%dma_start3A_1029 : memref<1x1024xf32, #tpu.memory_space<vmem>>) target_semaphore(%arg10 : memref<!tpu.dma_semaphore, #tpu.memory_space<semaphore_mem>>)
        %mul3A_1032 = arith.constant 16 : i32
        %mul3A_1033 = arith.muli %add3A_819, %mul3A_1032 : i32
        %add3A_1034 = arith.addi %mul3A_2, %mul3A_1033 : i32
        %add3A_1035 = arith.constant 13 : i32
        %add3A_1036 = arith.addi %add3A_1034, %add3A_1035 : i32
        %dma_start3A_1037 = arith.constant 13 : i32
        %dma_start3A_1038 = arith.constant 0 : i32
        %dma_start3A_1039 = tpu.memref_slice %arg4[%dma_start3A_1037, %dma_start3A_1038] : memref<16x1040xf32, #tpu.memory_space<vmem>> -> memref<1x1024xf32, #tpu.memory_space<vmem>>
        %dma_start3A_1040 = arith.constant 0 : i32
        %dma_start3A_1041 = tpu.memref_slice %arg2[%add3A_1036, %dma_start3A_1040] : memref<49152x1024xf32, #tpu.memory_space<hbm>> -> memref<1x1024xf32, #tpu.memory_space<hbm>>
        %dma_start3A_1042 = arith.constant 13 : i32
        %dma_start3A_1043 = arith.constant 0 : i32
        %dma_start3A_1044 = tpu.memref_slice %arg4[%dma_start3A_1042, %dma_start3A_1043] : memref<16x1040xf32, #tpu.memory_space<vmem>> -> memref<1x1024xf32, #tpu.memory_space<vmem>>
        %dma_start3A_1045 = arith.constant 0 : i32
        %dma_start3A_1046 = tpu.memref_slice %arg2[%add3A_1036, %dma_start3A_1045] : memref<49152x1024xf32, #tpu.memory_space<hbm>> -> memref<1x1024xf32, #tpu.memory_space<hbm>>
        tpu.enqueue_dma source(%dma_start3A_1046 : memref<1x1024xf32, #tpu.memory_space<hbm>>) target(%dma_start3A_1044 : memref<1x1024xf32, #tpu.memory_space<vmem>>) target_semaphore(%arg10 : memref<!tpu.dma_semaphore, #tpu.memory_space<semaphore_mem>>)
        %mul3A_1047 = arith.constant 16 : i32
        %mul3A_1048 = arith.muli %add3A_819, %mul3A_1047 : i32
        %add3A_1049 = arith.addi %mul3A_2, %mul3A_1048 : i32
        %add3A_1050 = arith.constant 14 : i32
        %add3A_1051 = arith.addi %add3A_1049, %add3A_1050 : i32
        %dma_start3A_1052 = arith.constant 14 : i32
        %dma_start3A_1053 = arith.constant 0 : i32
        %dma_start3A_1054 = tpu.memref_slice %arg4[%dma_start3A_1052, %dma_start3A_1053] : memref<16x1040xf32, #tpu.memory_space<vmem>> -> memref<1x1024xf32, #tpu.memory_space<vmem>>
        %dma_start3A_1055 = arith.constant 0 : i32
        %dma_start3A_1056 = tpu.memref_slice %arg2[%add3A_1051, %dma_start3A_1055] : memref<49152x1024xf32, #tpu.memory_space<hbm>> -> memref<1x1024xf32, #tpu.memory_space<hbm>>
        %dma_start3A_1057 = arith.constant 14 : i32
        %dma_start3A_1058 = arith.constant 0 : i32
        %dma_start3A_1059 = tpu.memref_slice %arg4[%dma_start3A_1057, %dma_start3A_1058] : memref<16x1040xf32, #tpu.memory_space<vmem>> -> memref<1x1024xf32, #tpu.memory_space<vmem>>
        %dma_start3A_1060 = arith.constant 0 : i32
        %dma_start3A_1061 = tpu.memref_slice %arg2[%add3A_1051, %dma_start3A_1060] : memref<49152x1024xf32, #tpu.memory_space<hbm>> -> memref<1x1024xf32, #tpu.memory_space<hbm>>
        tpu.enqueue_dma source(%dma_start3A_1061 : memref<1x1024xf32, #tpu.memory_space<hbm>>) target(%dma_start3A_1059 : memref<1x1024xf32, #tpu.memory_space<vmem>>) target_semaphore(%arg10 : memref<!tpu.dma_semaphore, #tpu.memory_space<semaphore_mem>>)
        %mul3A_1062 = arith.constant 16 : i32
        %mul3A_1063 = arith.muli %add3A_819, %mul3A_1062 : i32
        %add3A_1064 = arith.addi %mul3A_2, %mul3A_1063 : i32
        %add3A_1065 = arith.constant 15 : i32
        %add3A_1066 = arith.addi %add3A_1064, %add3A_1065 : i32
        %dma_start3A_1067 = arith.constant 15 : i32
        %dma_start3A_1068 = arith.constant 0 : i32
        %dma_start3A_1069 = tpu.memref_slice %arg4[%dma_start3A_1067, %dma_start3A_1068] : memref<16x1040xf32, #tpu.memory_space<vmem>> -> memref<1x1024xf32, #tpu.memory_space<vmem>>
        %dma_start3A_1070 = arith.constant 0 : i32
        %dma_start3A_1071 = tpu.memref_slice %arg2[%add3A_1066, %dma_start3A_1070] : memref<49152x1024xf32, #tpu.memory_space<hbm>> -> memref<1x1024xf32, #tpu.memory_space<hbm>>
        %dma_start3A_1072 = arith.constant 15 : i32
        %dma_start3A_1073 = arith.constant 0 : i32
        %dma_start3A_1074 = tpu.memref_slice %arg4[%dma_start3A_1072, %dma_start3A_1073] : memref<16x1040xf32, #tpu.memory_space<vmem>> -> memref<1x1024xf32, #tpu.memory_space<vmem>>
        %dma_start3A_1075 = arith.constant 0 : i32
        %dma_start3A_1076 = tpu.memref_slice %arg2[%add3A_1066, %dma_start3A_1075] : memref<49152x1024xf32, #tpu.memory_space<hbm>> -> memref<1x1024xf32, #tpu.memory_space<hbm>>
        tpu.enqueue_dma source(%dma_start3A_1076 : memref<1x1024xf32, #tpu.memory_space<hbm>>) target(%dma_start3A_1074 : memref<1x1024xf32, #tpu.memory_space<vmem>>) target_semaphore(%arg10 : memref<!tpu.dma_semaphore, #tpu.memory_space<semaphore_mem>>)
      } else {
      }
      %mul3A_825 = arith.constant 0.00487804879 : f32
      %mul3A_826 = vector.broadcast %mul3A_825 : f32 to vector<16xf32>
      %mul3A_827 = arith.mulf %parallel_loop3A_817#0, %mul3A_826 : vector<16xf32>
      %add3A_828 = arith.addf %add3A_804, %mul3A_827 : vector<16xf32>
      %mul3A_829 = arith.constant 0.00487804879 : f32
      %mul3A_830 = vector.broadcast %mul3A_829 : f32 to vector<16xf32>
      %mul3A_831 = arith.mulf %parallel_loop3A_817#1, %mul3A_830 : vector<16xf32>
      %sub3A_832 = arith.subf %add3A_813, %mul3A_831 : vector<16xf32>
      %mul3A_833 = arith.constant 0.699999988 : f32
      %mul3A_834 = vector.broadcast %mul3A_833 : f32 to vector<16xf32>
      %mul3A_835 = arith.mulf %mul3A_834, %sub3A_832 : vector<16xf32>
      %add3A_836 = arith.addf %add3A_828, %mul3A_835 : vector<16xf32>
      %mul3A_837 = arith.constant 16 : i32
      %mul3A_838 = arith.muli %add3A_764, %mul3A_837 : i32
      %swap3A_839 = arith.index_cast %mul3A_838 : i32 to index
      %swap3A_840 = tpu.vector_load %arg9[%swap3A_839] {strides = array<i32>} : memref<1536xf32, #tpu.memory_space<vmem>>, vector<16xf32>,
      tpu.vector_store %arg9[%swap3A_839], %add3A_836 {strides = array<i32>} : memref<1536xf32, #tpu.memory_space<vmem>>, vector<16xf32>,
      %mul3A_841 = arith.constant 4 : i32
      %mul3A_842 = arith.muli %scan3A_685, %mul3A_841 : i32
      %add3A_843 = arith.constant 2 : i32
      %add3A_844 = arith.addi %mul3A_842, %add3A_843 : i32
      %mul3A_845 = arith.constant 16 : i32
      %mul3A_846 = arith.muli %add3A_844, %mul3A_845 : i32
      %add3A_847 = arith.addi %mul3A_2, %mul3A_846 : i32
      %dma_wait3A_848 = arith.constant 0 : i32
      %dma_wait3A_849 = arith.constant 0 : i32
      %dma_wait3A_850 = tpu.memref_slice %arg6[%dma_wait3A_848, %dma_wait3A_849] : memref<16x1040xf32, #tpu.memory_space<vmem>> -> memref<16x1024xf32, #tpu.memory_space<vmem>>
      %dma_wait3A_851 = arith.constant 0 : i32
      %dma_wait3A_852 = tpu.memref_slice %arg2[%add3A_847, %dma_wait3A_851] : memref<49152x1024xf32, #tpu.memory_space<hbm>> -> memref<16x1024xf32, #tpu.memory_space<hbm>>
      %dma_wait3A_853 = arith.constant 0 : i32
      %dma_wait3A_854 = arith.constant 0 : i32
      %dma_wait3A_855 = tpu.memref_slice %arg6[%dma_wait3A_853, %dma_wait3A_854] : memref<16x1040xf32, #tpu.memory_space<vmem>> -> memref<16x1024xf32, #tpu.memory_space<vmem>>
      %dma_wait3A_856 = arith.constant 0 : i32
      %dma_wait3A_857 = tpu.memref_slice %arg2[%add3A_847, %dma_wait3A_856] : memref<49152x1024xf32, #tpu.memory_space<hbm>> -> memref<16x1024xf32, #tpu.memory_space<hbm>>
      tpu.wait_dma2 semaphore(%arg12 : memref<!tpu.dma_semaphore, #tpu.memory_space<semaphore_mem>>) src(%dma_wait3A_857 : memref<16x1024xf32, #tpu.memory_space<hbm>>) dst(%dma_wait3A_855 : memref<16x1024xf32, #tpu.memory_space<vmem>>)
      %add3A_858 = arith.constant 3 : i32
      %add3A_859 = arith.addi %add3A_844, %add3A_858 : i32
      %lt3A_860 = arith.constant 96 : i32
      %lt3A_861 = arith.cmpi slt, %add3A_859, %lt3A_860 : i32
      %convert_element_type3A_862 = arith.extui %lt3A_861 : i1 to i32
      %cond3A_863 = arith.constant 0 : i32
      %cond3A_864 = arith.cmpi ne, %convert_element_type3A_862, %cond3A_863 : i32
      scf.if %cond3A_864 {
        %mul3A_1002 = arith.constant 16 : i32
        %mul3A_1003 = arith.muli %add3A_859, %mul3A_1002 : i32
        %add3A_1004 = arith.addi %mul3A_2, %mul3A_1003 : i32
        %add3A_1005 = arith.constant 0 : i32
        %add3A_1006 = arith.addi %add3A_1004, %add3A_1005 : i32
        %dma_start3A_1007 = arith.constant 0 : i32
        %dma_start3A_1008 = arith.constant 0 : i32
        %dma_start3A_1009 = tpu.memref_slice %arg5[%dma_start3A_1007, %dma_start3A_1008] : memref<16x1040xf32, #tpu.memory_space<vmem>> -> memref<1x1024xf32, #tpu.memory_space<vmem>>
        %dma_start3A_1010 = arith.constant 0 : i32
        %dma_start3A_1011 = tpu.memref_slice %arg2[%add3A_1006, %dma_start3A_1010] : memref<49152x1024xf32, #tpu.memory_space<hbm>> -> memref<1x1024xf32, #tpu.memory_space<hbm>>
        %dma_start3A_1012 = arith.constant 0 : i32
        %dma_start3A_1013 = arith.constant 0 : i32
        %dma_start3A_1014 = tpu.memref_slice %arg5[%dma_start3A_1012, %dma_start3A_1013] : memref<16x1040xf32, #tpu.memory_space<vmem>> -> memref<1x1024xf32, #tpu.memory_space<vmem>>
        %dma_start3A_1015 = arith.constant 0 : i32
        %dma_start3A_1016 = tpu.memref_slice %arg2[%add3A_1006, %dma_start3A_1015] : memref<49152x1024xf32, #tpu.memory_space<hbm>> -> memref<1x1024xf32, #tpu.memory_space<hbm>>
        tpu.enqueue_dma source(%dma_start3A_1016 : memref<1x1024xf32, #tpu.memory_space<hbm>>) target(%dma_start3A_1014 : memref<1x1024xf32, #tpu.memory_space<vmem>>) target_semaphore(%arg11 : memref<!tpu.dma_semaphore, #tpu.memory_space<semaphore_mem>>)
        %mul3A_1017 = arith.constant 16 : i32
        %mul3A_1018 = arith.muli %add3A_859, %mul3A_1017 : i32
        %add3A_1019 = arith.addi %mul3A_2, %mul3A_1018 : i32
        %add3A_1020 = arith.constant 1 : i32
        %add3A_1021 = arith.addi %add3A_1019, %add3A_1020 : i32
        %dma_start3A_1022 = arith.constant 1 : i32
        %dma_start3A_1023 = arith.constant 0 : i32
        %dma_start3A_1024 = tpu.memref_slice %arg5[%dma_start3A_1022, %dma_start3A_1023] : memref<16x1040xf32, #tpu.memory_space<vmem>> -> memref<1x1024xf32, #tpu.memory_space<vmem>>
        %dma_start3A_1025 = arith.constant 0 : i32
        %dma_start3A_1026 = tpu.memref_slice %arg2[%add3A_1021, %dma_start3A_1025] : memref<49152x1024xf32, #tpu.memory_space<hbm>> -> memref<1x1024xf32, #tpu.memory_space<hbm>>
        %dma_start3A_1027 = arith.constant 1 : i32
        %dma_start3A_1028 = arith.constant 0 : i32
        %dma_start3A_1029 = tpu.memref_slice %arg5[%dma_start3A_1027, %dma_start3A_1028] : memref<16x1040xf32, #tpu.memory_space<vmem>> -> memref<1x1024xf32, #tpu.memory_space<vmem>>
        %dma_start3A_1030 = arith.constant 0 : i32
        %dma_start3A_1031 = tpu.memref_slice %arg2[%add3A_1021, %dma_start3A_1030] : memref<49152x1024xf32, #tpu.memory_space<hbm>> -> memref<1x1024xf32, #tpu.memory_space<hbm>>
        tpu.enqueue_dma source(%dma_start3A_1031 : memref<1x1024xf32, #tpu.memory_space<hbm>>) target(%dma_start3A_1029 : memref<1x1024xf32, #tpu.memory_space<vmem>>) target_semaphore(%arg11 : memref<!tpu.dma_semaphore, #tpu.memory_space<semaphore_mem>>)
        %mul3A_1032 = arith.constant 16 : i32
        %mul3A_1033 = arith.muli %add3A_859, %mul3A_1032 : i32
        %add3A_1034 = arith.addi %mul3A_2, %mul3A_1033 : i32
        %add3A_1035 = arith.constant 2 : i32
        %add3A_1036 = arith.addi %add3A_1034, %add3A_1035 : i32
        %dma_start3A_1037 = arith.constant 2 : i32
        %dma_start3A_1038 = arith.constant 0 : i32
        %dma_start3A_1039 = tpu.memref_slice %arg5[%dma_start3A_1037, %dma_start3A_1038] : memref<16x1040xf32, #tpu.memory_space<vmem>> -> memref<1x1024xf32, #tpu.memory_space<vmem>>
        %dma_start3A_1040 = arith.constant 0 : i32
        %dma_start3A_1041 = tpu.memref_slice %arg2[%add3A_1036, %dma_start3A_1040] : memref<49152x1024xf32, #tpu.memory_space<hbm>> -> memref<1x1024xf32, #tpu.memory_space<hbm>>
        %dma_start3A_1042 = arith.constant 2 : i32
        %dma_start3A_1043 = arith.constant 0 : i32
        %dma_start3A_1044 = tpu.memref_slice %arg5[%dma_start3A_1042, %dma_start3A_1043] : memref<16x1040xf32, #tpu.memory_space<vmem>> -> memref<1x1024xf32, #tpu.memory_space<vmem>>
        %dma_start3A_1045 = arith.constant 0 : i32
        %dma_start3A_1046 = tpu.memref_slice %arg2[%add3A_1036, %dma_start3A_1045] : memref<49152x1024xf32, #tpu.memory_space<hbm>> -> memref<1x1024xf32, #tpu.memory_space<hbm>>
        tpu.enqueue_dma source(%dma_start3A_1046 : memref<1x1024xf32, #tpu.memory_space<hbm>>) target(%dma_start3A_1044 : memref<1x1024xf32, #tpu.memory_space<vmem>>) target_semaphore(%arg11 : memref<!tpu.dma_semaphore, #tpu.memory_space<semaphore_mem>>)
        %mul3A_1047 = arith.constant 16 : i32
        %mul3A_1048 = arith.muli %add3A_859, %mul3A_1047 : i32
        %add3A_1049 = arith.addi %mul3A_2, %mul3A_1048 : i32
        %add3A_1050 = arith.constant 3 : i32
        %add3A_1051 = arith.addi %add3A_1049, %add3A_1050 : i32
        %dma_start3A_1052 = arith.constant 3 : i32
        %dma_start3A_1053 = arith.constant 0 : i32
        %dma_start3A_1054 = tpu.memref_slice %arg5[%dma_start3A_1052, %dma_start3A_1053] : memref<16x1040xf32, #tpu.memory_space<vmem>> -> memref<1x1024xf32, #tpu.memory_space<vmem>>
        %dma_start3A_1055 = arith.constant 0 : i32
        %dma_start3A_1056 = tpu.memref_slice %arg2[%add3A_1051, %dma_start3A_1055] : memref<49152x1024xf32, #tpu.memory_space<hbm>> -> memref<1x1024xf32, #tpu.memory_space<hbm>>
        %dma_start3A_1057 = arith.constant 3 : i32
        %dma_start3A_1058 = arith.constant 0 : i32
        %dma_start3A_1059 = tpu.memref_slice %arg5[%dma_start3A_1057, %dma_start3A_1058] : memref<16x1040xf32, #tpu.memory_space<vmem>> -> memref<1x1024xf32, #tpu.memory_space<vmem>>
        %dma_start3A_1060 = arith.constant 0 : i32
        %dma_start3A_1061 = tpu.memref_slice %arg2[%add3A_1051, %dma_start3A_1060] : memref<49152x1024xf32, #tpu.memory_space<hbm>> -> memref<1x1024xf32, #tpu.memory_space<hbm>>
        tpu.enqueue_dma source(%dma_start3A_1061 : memref<1x1024xf32, #tpu.memory_space<hbm>>) target(%dma_start3A_1059 : memref<1x1024xf32, #tpu.memory_space<vmem>>) target_semaphore(%arg11 : memref<!tpu.dma_semaphore, #tpu.memory_space<semaphore_mem>>)
        %mul3A_1062 = arith.constant 16 : i32
        %mul3A_1063 = arith.muli %add3A_859, %mul3A_1062 : i32
        %add3A_1064 = arith.addi %mul3A_2, %mul3A_1063 : i32
        %add3A_1065 = arith.constant 4 : i32
        %add3A_1066 = arith.addi %add3A_1064, %add3A_1065 : i32
        %dma_start3A_1067 = arith.constant 4 : i32
        %dma_start3A_1068 = arith.constant 0 : i32
        %dma_start3A_1069 = tpu.memref_slice %arg5[%dma_start3A_1067, %dma_start3A_1068] : memref<16x1040xf32, #tpu.memory_space<vmem>> -> memref<1x1024xf32, #tpu.memory_space<vmem>>
        %dma_start3A_1070 = arith.constant 0 : i32
        %dma_start3A_1071 = tpu.memref_slice %arg2[%add3A_1066, %dma_start3A_1070] : memref<49152x1024xf32, #tpu.memory_space<hbm>> -> memref<1x1024xf32, #tpu.memory_space<hbm>>
        %dma_start3A_1072 = arith.constant 4 : i32
        %dma_start3A_1073 = arith.constant 0 : i32
        %dma_start3A_1074 = tpu.memref_slice %arg5[%dma_start3A_1072, %dma_start3A_1073] : memref<16x1040xf32, #tpu.memory_space<vmem>> -> memref<1x1024xf32, #tpu.memory_space<vmem>>
        %dma_start3A_1075 = arith.constant 0 : i32
        %dma_start3A_1076 = tpu.memref_slice %arg2[%add3A_1066, %dma_start3A_1075] : memref<49152x1024xf32, #tpu.memory_space<hbm>> -> memref<1x1024xf32, #tpu.memory_space<hbm>>
        tpu.enqueue_dma source(%dma_start3A_1076 : memref<1x1024xf32, #tpu.memory_space<hbm>>) target(%dma_start3A_1074 : memref<1x1024xf32, #tpu.memory_space<vmem>>) target_semaphore(%arg11 : memref<!tpu.dma_semaphore, #tpu.memory_space<semaphore_mem>>)
        %mul3A_1077 = arith.constant 16 : i32
        %mul3A_1078 = arith.muli %add3A_859, %mul3A_1077 : i32
        %add3A_1079 = arith.addi %mul3A_2, %mul3A_1078 : i32
        %add3A_1080 = arith.constant 5 : i32
        %add3A_1081 = arith.addi %add3A_1079, %add3A_1080 : i32
        %dma_start3A_1082 = arith.constant 5 : i32
        %dma_start3A_1083 = arith.constant 0 : i32
        %dma_start3A_1084 = tpu.memref_slice %arg5[%dma_start3A_1082, %dma_start3A_1083] : memref<16x1040xf32, #tpu.memory_space<vmem>> -> memref<1x1024xf32, #tpu.memory_space<vmem>>
        %dma_start3A_1085 = arith.constant 0 : i32
        %dma_start3A_1086 = tpu.memref_slice %arg2[%add3A_1081, %dma_start3A_1085] : memref<49152x1024xf32, #tpu.memory_space<hbm>> -> memref<1x1024xf32, #tpu.memory_space<hbm>>
        %dma_start3A_1087 = arith.constant 5 : i32
        %dma_start3A_1088 = arith.constant 0 : i32
        %dma_start3A_1089 = tpu.memref_slice %arg5[%dma_start3A_1087, %dma_start3A_1088] : memref<16x1040xf32, #tpu.memory_space<vmem>> -> memref<1x1024xf32, #tpu.memory_space<vmem>>
        %dma_start3A_1090 = arith.constant 0 : i32
        %dma_start3A_1091 = tpu.memref_slice %arg2[%add3A_1081, %dma_start3A_1090] : memref<49152x1024xf32, #tpu.memory_space<hbm>> -> memref<1x1024xf32, #tpu.memory_space<hbm>>
        tpu.enqueue_dma source(%dma_start3A_1091 : memref<1x1024xf32, #tpu.memory_space<hbm>>) target(%dma_start3A_1089 : memref<1x1024xf32, #tpu.memory_space<vmem>>) target_semaphore(%arg11 : memref<!tpu.dma_semaphore, #tpu.memory_space<semaphore_mem>>)
      } else {
      }
      %parallel_loop3A_865 = arith.constant 0 : i32
      %parallel_loop3A_866 = arith.constant 1024 : i32
      %parallel_loop3A_867 = arith.constant 1 : i32
      scf.for %parallel_loop3A_1002 = %parallel_loop3A_865 to %parallel_loop3A_866 step %parallel_loop3A_867  : i32 {
        %parallel_loop3A_1003 = vector.broadcast %parallel_loop3A_1002 : i32 to vector<16xi32>
        %parallel_loop3A_1004 = tpu.vector_load_idx %arg6[%iota3A, %parallel_loop3A_1003] : memref<16x1040xf32, #tpu.memory_space<vmem>>[vector<16xi32>, vector<16xi32>], vector<16xf32>,
        %parallel_loop3A_1005 = arith.constant 3.200000e+01 : f32
        %parallel_loop3A_1006 = vector.broadcast %parallel_loop3A_1005 : f32 to vector<16xf32>
        %parallel_loop3A_1007 = arith.mulf %parallel_loop3A_1004, %parallel_loop3A_1006 : vector<16xf32>
        %parallel_loop3A_1008 = arith.constant -2.560000e+02 : f32
        %parallel_loop3A_1009 = vector.broadcast %parallel_loop3A_1008 : f32 to vector<16xf32>
        %parallel_loop3A_1010 = arith.subf %parallel_loop3A_1007, %parallel_loop3A_1009 : vector<16xf32>
        %parallel_loop3A_1011 = arith.constant 0.000000e+00 : f32
        %parallel_loop3A_1012 = arith.constant 5.110000e+02 : f32
        %parallel_loop3A_1013 = vector.broadcast %parallel_loop3A_1011 : f32 to vector<16xf32>
        %parallel_loop3A_1014 = arith.maximumf %parallel_loop3A_1013, %parallel_loop3A_1010 : vector<16xf32>
        %parallel_loop3A_1015 = vector.broadcast %parallel_loop3A_1012 : f32 to vector<16xf32>
        %parallel_loop3A_1016 = arith.minimumf %parallel_loop3A_1015, %parallel_loop3A_1014 : vector<16xf32>
        %parallel_loop3A_1017 = arith.fptosi %parallel_loop3A_1016 : vector<16xf32> to vector<16xi32>
        %parallel_loop3A_1018 = arith.constant 16 : i32
        %parallel_loop3A_1019 = vector.broadcast %parallel_loop3A_1018 : i32 to vector<16xi32>
        %parallel_loop3A_1020 = arith.muli %parallel_loop3A_1017, %parallel_loop3A_1019 : vector<16xi32>
        %parallel_loop3A_1021 = arith.addi %parallel_loop3A_1020, %iota3A : vector<16xi32>
        tpu.vector_store_idx %arg8[%parallel_loop3A_1021], %broadcast_in_dim3A_3 {add = true} : memref<8192xf32, #tpu.memory_space<vmem>>[vector<16xi32>], vector<16xf32>,
      } {sc.loop_unroll_factor = 8 : i64, sc.parallel_access}
      %add3A_868 = arith.constant 3 : i32
      %add3A_869 = arith.addi %add3A_844, %add3A_868 : i32
      %lt3A_870 = arith.constant 96 : i32
      %lt3A_871 = arith.cmpi slt, %add3A_869, %lt3A_870 : i32
      %convert_element_type3A_872 = arith.extui %lt3A_871 : i1 to i32
      %cond3A_873 = arith.constant 0 : i32
      %cond3A_874 = arith.cmpi ne, %convert_element_type3A_872, %cond3A_873 : i32
      scf.if %cond3A_874 {
        %mul3A_1002 = arith.constant 16 : i32
        %mul3A_1003 = arith.muli %add3A_869, %mul3A_1002 : i32
        %add3A_1004 = arith.addi %mul3A_2, %mul3A_1003 : i32
        %add3A_1005 = arith.constant 6 : i32
        %add3A_1006 = arith.addi %add3A_1004, %add3A_1005 : i32
        %dma_start3A_1007 = arith.constant 6 : i32
        %dma_start3A_1008 = arith.constant 0 : i32
        %dma_start3A_1009 = tpu.memref_slice %arg5[%dma_start3A_1007, %dma_start3A_1008] : memref<16x1040xf32, #tpu.memory_space<vmem>> -> memref<1x1024xf32, #tpu.memory_space<vmem>>
        %dma_start3A_1010 = arith.constant 0 : i32
        %dma_start3A_1011 = tpu.memref_slice %arg2[%add3A_1006, %dma_start3A_1010] : memref<49152x1024xf32, #tpu.memory_space<hbm>> -> memref<1x1024xf32, #tpu.memory_space<hbm>>
        %dma_start3A_1012 = arith.constant 6 : i32
        %dma_start3A_1013 = arith.constant 0 : i32
        %dma_start3A_1014 = tpu.memref_slice %arg5[%dma_start3A_1012, %dma_start3A_1013] : memref<16x1040xf32, #tpu.memory_space<vmem>> -> memref<1x1024xf32, #tpu.memory_space<vmem>>
        %dma_start3A_1015 = arith.constant 0 : i32
        %dma_start3A_1016 = tpu.memref_slice %arg2[%add3A_1006, %dma_start3A_1015] : memref<49152x1024xf32, #tpu.memory_space<hbm>> -> memref<1x1024xf32, #tpu.memory_space<hbm>>
        tpu.enqueue_dma source(%dma_start3A_1016 : memref<1x1024xf32, #tpu.memory_space<hbm>>) target(%dma_start3A_1014 : memref<1x1024xf32, #tpu.memory_space<vmem>>) target_semaphore(%arg11 : memref<!tpu.dma_semaphore, #tpu.memory_space<semaphore_mem>>)
        %mul3A_1017 = arith.constant 16 : i32
        %mul3A_1018 = arith.muli %add3A_869, %mul3A_1017 : i32
        %add3A_1019 = arith.addi %mul3A_2, %mul3A_1018 : i32
        %add3A_1020 = arith.constant 7 : i32
        %add3A_1021 = arith.addi %add3A_1019, %add3A_1020 : i32
        %dma_start3A_1022 = arith.constant 7 : i32
        %dma_start3A_1023 = arith.constant 0 : i32
        %dma_start3A_1024 = tpu.memref_slice %arg5[%dma_start3A_1022, %dma_start3A_1023] : memref<16x1040xf32, #tpu.memory_space<vmem>> -> memref<1x1024xf32, #tpu.memory_space<vmem>>
        %dma_start3A_1025 = arith.constant 0 : i32
        %dma_start3A_1026 = tpu.memref_slice %arg2[%add3A_1021, %dma_start3A_1025] : memref<49152x1024xf32, #tpu.memory_space<hbm>> -> memref<1x1024xf32, #tpu.memory_space<hbm>>
        %dma_start3A_1027 = arith.constant 7 : i32
        %dma_start3A_1028 = arith.constant 0 : i32
        %dma_start3A_1029 = tpu.memref_slice %arg5[%dma_start3A_1027, %dma_start3A_1028] : memref<16x1040xf32, #tpu.memory_space<vmem>> -> memref<1x1024xf32, #tpu.memory_space<vmem>>
        %dma_start3A_1030 = arith.constant 0 : i32
        %dma_start3A_1031 = tpu.memref_slice %arg2[%add3A_1021, %dma_start3A_1030] : memref<49152x1024xf32, #tpu.memory_space<hbm>> -> memref<1x1024xf32, #tpu.memory_space<hbm>>
        tpu.enqueue_dma source(%dma_start3A_1031 : memref<1x1024xf32, #tpu.memory_space<hbm>>) target(%dma_start3A_1029 : memref<1x1024xf32, #tpu.memory_space<vmem>>) target_semaphore(%arg11 : memref<!tpu.dma_semaphore, #tpu.memory_space<semaphore_mem>>)
        %mul3A_1032 = arith.constant 16 : i32
        %mul3A_1033 = arith.muli %add3A_869, %mul3A_1032 : i32
        %add3A_1034 = arith.addi %mul3A_2, %mul3A_1033 : i32
        %add3A_1035 = arith.constant 8 : i32
        %add3A_1036 = arith.addi %add3A_1034, %add3A_1035 : i32
        %dma_start3A_1037 = arith.constant 8 : i32
        %dma_start3A_1038 = arith.constant 0 : i32
        %dma_start3A_1039 = tpu.memref_slice %arg5[%dma_start3A_1037, %dma_start3A_1038] : memref<16x1040xf32, #tpu.memory_space<vmem>> -> memref<1x1024xf32, #tpu.memory_space<vmem>>
        %dma_start3A_1040 = arith.constant 0 : i32
        %dma_start3A_1041 = tpu.memref_slice %arg2[%add3A_1036, %dma_start3A_1040] : memref<49152x1024xf32, #tpu.memory_space<hbm>> -> memref<1x1024xf32, #tpu.memory_space<hbm>>
        %dma_start3A_1042 = arith.constant 8 : i32
        %dma_start3A_1043 = arith.constant 0 : i32
        %dma_start3A_1044 = tpu.memref_slice %arg5[%dma_start3A_1042, %dma_start3A_1043] : memref<16x1040xf32, #tpu.memory_space<vmem>> -> memref<1x1024xf32, #tpu.memory_space<vmem>>
        %dma_start3A_1045 = arith.constant 0 : i32
        %dma_start3A_1046 = tpu.memref_slice %arg2[%add3A_1036, %dma_start3A_1045] : memref<49152x1024xf32, #tpu.memory_space<hbm>> -> memref<1x1024xf32, #tpu.memory_space<hbm>>
        tpu.enqueue_dma source(%dma_start3A_1046 : memref<1x1024xf32, #tpu.memory_space<hbm>>) target(%dma_start3A_1044 : memref<1x1024xf32, #tpu.memory_space<vmem>>) target_semaphore(%arg11 : memref<!tpu.dma_semaphore, #tpu.memory_space<semaphore_mem>>)
        %mul3A_1047 = arith.constant 16 : i32
        %mul3A_1048 = arith.muli %add3A_869, %mul3A_1047 : i32
        %add3A_1049 = arith.addi %mul3A_2, %mul3A_1048 : i32
        %add3A_1050 = arith.constant 9 : i32
        %add3A_1051 = arith.addi %add3A_1049, %add3A_1050 : i32
        %dma_start3A_1052 = arith.constant 9 : i32
        %dma_start3A_1053 = arith.constant 0 : i32
        %dma_start3A_1054 = tpu.memref_slice %arg5[%dma_start3A_1052, %dma_start3A_1053] : memref<16x1040xf32, #tpu.memory_space<vmem>> -> memref<1x1024xf32, #tpu.memory_space<vmem>>
        %dma_start3A_1055 = arith.constant 0 : i32
        %dma_start3A_1056 = tpu.memref_slice %arg2[%add3A_1051, %dma_start3A_1055] : memref<49152x1024xf32, #tpu.memory_space<hbm>> -> memref<1x1024xf32, #tpu.memory_space<hbm>>
        %dma_start3A_1057 = arith.constant 9 : i32
        %dma_start3A_1058 = arith.constant 0 : i32
        %dma_start3A_1059 = tpu.memref_slice %arg5[%dma_start3A_1057, %dma_start3A_1058] : memref<16x1040xf32, #tpu.memory_space<vmem>> -> memref<1x1024xf32, #tpu.memory_space<vmem>>
        %dma_start3A_1060 = arith.constant 0 : i32
        %dma_start3A_1061 = tpu.memref_slice %arg2[%add3A_1051, %dma_start3A_1060] : memref<49152x1024xf32, #tpu.memory_space<hbm>> -> memref<1x1024xf32, #tpu.memory_space<hbm>>
        tpu.enqueue_dma source(%dma_start3A_1061 : memref<1x1024xf32, #tpu.memory_space<hbm>>) target(%dma_start3A_1059 : memref<1x1024xf32, #tpu.memory_space<vmem>>) target_semaphore(%arg11 : memref<!tpu.dma_semaphore, #tpu.memory_space<semaphore_mem>>)
        %mul3A_1062 = arith.constant 16 : i32
        %mul3A_1063 = arith.muli %add3A_869, %mul3A_1062 : i32
        %add3A_1064 = arith.addi %mul3A_2, %mul3A_1063 : i32
        %add3A_1065 = arith.constant 10 : i32
        %add3A_1066 = arith.addi %add3A_1064, %add3A_1065 : i32
        %dma_start3A_1067 = arith.constant 10 : i32
        %dma_start3A_1068 = arith.constant 0 : i32
        %dma_start3A_1069 = tpu.memref_slice %arg5[%dma_start3A_1067, %dma_start3A_1068] : memref<16x1040xf32, #tpu.memory_space<vmem>> -> memref<1x1024xf32, #tpu.memory_space<vmem>>
        %dma_start3A_1070 = arith.constant 0 : i32
        %dma_start3A_1071 = tpu.memref_slice %arg2[%add3A_1066, %dma_start3A_1070] : memref<49152x1024xf32, #tpu.memory_space<hbm>> -> memref<1x1024xf32, #tpu.memory_space<hbm>>
        %dma_start3A_1072 = arith.constant 10 : i32
        %dma_start3A_1073 = arith.constant 0 : i32
        %dma_start3A_1074 = tpu.memref_slice %arg5[%dma_start3A_1072, %dma_start3A_1073] : memref<16x1040xf32, #tpu.memory_space<vmem>> -> memref<1x1024xf32, #tpu.memory_space<vmem>>
        %dma_start3A_1075 = arith.constant 0 : i32
        %dma_start3A_1076 = tpu.memref_slice %arg2[%add3A_1066, %dma_start3A_1075] : memref<49152x1024xf32, #tpu.memory_space<hbm>> -> memref<1x1024xf32, #tpu.memory_space<hbm>>
        tpu.enqueue_dma source(%dma_start3A_1076 : memref<1x1024xf32, #tpu.memory_space<hbm>>) target(%dma_start3A_1074 : memref<1x1024xf32, #tpu.memory_space<vmem>>) target_semaphore(%arg11 : memref<!tpu.dma_semaphore, #tpu.memory_space<semaphore_mem>>)
      } else {
      }
      %parallel_loop3A_875 = arith.constant 0 : i32
      %parallel_loop3A_876 = arith.constant 512 : i32
      %parallel_loop3A_877 = arith.constant 8 : i32
      %parallel_loop3A_878:3 = scf.for %parallel_loop3A_1002 = %parallel_loop3A_875 to %parallel_loop3A_876 step %parallel_loop3A_877 iter_args(%parallel_loop3A_1003 = %broadcast_in_dim3A_5, %parallel_loop3A_1004 = %broadcast_in_dim3A_5, %parallel_loop3A_1005 = %broadcast_in_dim3A_5) -> (vector<16xf32>, vector<16xf32>, vector<16xf32>)  : i32 {
        %parallel_loop3A_1006 = arith.constant 0 : i32
        %parallel_loop3A_1007 = arith.addi %parallel_loop3A_1002, %parallel_loop3A_1006 : i32
        %parallel_loop3A_1008 = arith.constant 16 : i32
        %parallel_loop3A_1009 = arith.muli %parallel_loop3A_1007, %parallel_loop3A_1008 : i32
        %parallel_loop3A_1010 = arith.index_cast %parallel_loop3A_1009 : i32 to index
        %parallel_loop3A_1011 = tpu.vector_load %arg8[%parallel_loop3A_1010] {strides = array<i32>} : memref<8192xf32, #tpu.memory_space<vmem>>, vector<16xf32>,
        %parallel_loop3A_1012 = arith.constant 0 : i32
        %parallel_loop3A_1013 = arith.addi %parallel_loop3A_1002, %parallel_loop3A_1012 : i32
        %parallel_loop3A_1014 = arith.constant 16 : i32
        %parallel_loop3A_1015 = arith.muli %parallel_loop3A_1013, %parallel_loop3A_1014 : i32
        %parallel_loop3A_1016 = arith.index_cast %parallel_loop3A_1015 : i32 to index
        %parallel_loop3A_1017 = tpu.vector_load %arg8[%parallel_loop3A_1016] {strides = array<i32>} : memref<8192xf32, #tpu.memory_space<vmem>>, vector<16xf32>,
        tpu.vector_store %arg8[%parallel_loop3A_1016], %broadcast_in_dim3A_5 {strides = array<i32>} : memref<8192xf32, #tpu.memory_space<vmem>>, vector<16xf32>,
        %parallel_loop3A_1018 = arith.constant 1 : i32
        %parallel_loop3A_1019 = arith.addi %parallel_loop3A_1002, %parallel_loop3A_1018 : i32
        %parallel_loop3A_1020 = arith.constant 16 : i32
        %parallel_loop3A_1021 = arith.muli %parallel_loop3A_1019, %parallel_loop3A_1020 : i32
        %parallel_loop3A_1022 = arith.index_cast %parallel_loop3A_1021 : i32 to index
        %parallel_loop3A_1023 = tpu.vector_load %arg8[%parallel_loop3A_1022] {strides = array<i32>} : memref<8192xf32, #tpu.memory_space<vmem>>, vector<16xf32>,
        %parallel_loop3A_1024 = arith.constant 1 : i32
        %parallel_loop3A_1025 = arith.addi %parallel_loop3A_1002, %parallel_loop3A_1024 : i32
        %parallel_loop3A_1026 = arith.constant 16 : i32
        %parallel_loop3A_1027 = arith.muli %parallel_loop3A_1025, %parallel_loop3A_1026 : i32
        %parallel_loop3A_1028 = arith.index_cast %parallel_loop3A_1027 : i32 to index
        %parallel_loop3A_1029 = tpu.vector_load %arg8[%parallel_loop3A_1028] {strides = array<i32>} : memref<8192xf32, #tpu.memory_space<vmem>>, vector<16xf32>,
        tpu.vector_store %arg8[%parallel_loop3A_1028], %broadcast_in_dim3A_5 {strides = array<i32>} : memref<8192xf32, #tpu.memory_space<vmem>>, vector<16xf32>,
        %parallel_loop3A_1030 = arith.constant 2 : i32
        %parallel_loop3A_1031 = arith.addi %parallel_loop3A_1002, %parallel_loop3A_1030 : i32
        %parallel_loop3A_1032 = arith.constant 16 : i32
        %parallel_loop3A_1033 = arith.muli %parallel_loop3A_1031, %parallel_loop3A_1032 : i32
        %parallel_loop3A_1034 = arith.index_cast %parallel_loop3A_1033 : i32 to index
        %parallel_loop3A_1035 = tpu.vector_load %arg8[%parallel_loop3A_1034] {strides = array<i32>} : memref<8192xf32, #tpu.memory_space<vmem>>, vector<16xf32>,
        %parallel_loop3A_1036 = arith.constant 2 : i32
        %parallel_loop3A_1037 = arith.addi %parallel_loop3A_1002, %parallel_loop3A_1036 : i32
        %parallel_loop3A_1038 = arith.constant 16 : i32
        %parallel_loop3A_1039 = arith.muli %parallel_loop3A_1037, %parallel_loop3A_1038 : i32
        %parallel_loop3A_1040 = arith.index_cast %parallel_loop3A_1039 : i32 to index
        %parallel_loop3A_1041 = tpu.vector_load %arg8[%parallel_loop3A_1040] {strides = array<i32>} : memref<8192xf32, #tpu.memory_space<vmem>>, vector<16xf32>,
        tpu.vector_store %arg8[%parallel_loop3A_1040], %broadcast_in_dim3A_5 {strides = array<i32>} : memref<8192xf32, #tpu.memory_space<vmem>>, vector<16xf32>,
        %parallel_loop3A_1042 = arith.constant 3 : i32
        %parallel_loop3A_1043 = arith.addi %parallel_loop3A_1002, %parallel_loop3A_1042 : i32
        %parallel_loop3A_1044 = arith.constant 16 : i32
        %parallel_loop3A_1045 = arith.muli %parallel_loop3A_1043, %parallel_loop3A_1044 : i32
        %parallel_loop3A_1046 = arith.index_cast %parallel_loop3A_1045 : i32 to index
        %parallel_loop3A_1047 = tpu.vector_load %arg8[%parallel_loop3A_1046] {strides = array<i32>} : memref<8192xf32, #tpu.memory_space<vmem>>, vector<16xf32>,
        %parallel_loop3A_1048 = arith.constant 3 : i32
        %parallel_loop3A_1049 = arith.addi %parallel_loop3A_1002, %parallel_loop3A_1048 : i32
        %parallel_loop3A_1050 = arith.constant 16 : i32
        %parallel_loop3A_1051 = arith.muli %parallel_loop3A_1049, %parallel_loop3A_1050 : i32
        %parallel_loop3A_1052 = arith.index_cast %parallel_loop3A_1051 : i32 to index
        %parallel_loop3A_1053 = tpu.vector_load %arg8[%parallel_loop3A_1052] {strides = array<i32>} : memref<8192xf32, #tpu.memory_space<vmem>>, vector<16xf32>,
        tpu.vector_store %arg8[%parallel_loop3A_1052], %broadcast_in_dim3A_5 {strides = array<i32>} : memref<8192xf32, #tpu.memory_space<vmem>>, vector<16xf32>,
        %parallel_loop3A_1054 = arith.constant 4 : i32
        %parallel_loop3A_1055 = arith.addi %parallel_loop3A_1002, %parallel_loop3A_1054 : i32
        %parallel_loop3A_1056 = arith.constant 16 : i32
        %parallel_loop3A_1057 = arith.muli %parallel_loop3A_1055, %parallel_loop3A_1056 : i32
        %parallel_loop3A_1058 = arith.index_cast %parallel_loop3A_1057 : i32 to index
        %parallel_loop3A_1059 = tpu.vector_load %arg8[%parallel_loop3A_1058] {strides = array<i32>} : memref<8192xf32, #tpu.memory_space<vmem>>, vector<16xf32>,
        %parallel_loop3A_1060 = arith.constant 4 : i32
        %parallel_loop3A_1061 = arith.addi %parallel_loop3A_1002, %parallel_loop3A_1060 : i32
        %parallel_loop3A_1062 = arith.constant 16 : i32
        %parallel_loop3A_1063 = arith.muli %parallel_loop3A_1061, %parallel_loop3A_1062 : i32
        %parallel_loop3A_1064 = arith.index_cast %parallel_loop3A_1063 : i32 to index
        %parallel_loop3A_1065 = tpu.vector_load %arg8[%parallel_loop3A_1064] {strides = array<i32>} : memref<8192xf32, #tpu.memory_space<vmem>>, vector<16xf32>,
        tpu.vector_store %arg8[%parallel_loop3A_1064], %broadcast_in_dim3A_5 {strides = array<i32>} : memref<8192xf32, #tpu.memory_space<vmem>>, vector<16xf32>,
        %parallel_loop3A_1066 = arith.constant 5 : i32
        %parallel_loop3A_1067 = arith.addi %parallel_loop3A_1002, %parallel_loop3A_1066 : i32
        %parallel_loop3A_1068 = arith.constant 16 : i32
        %parallel_loop3A_1069 = arith.muli %parallel_loop3A_1067, %parallel_loop3A_1068 : i32
        %parallel_loop3A_1070 = arith.index_cast %parallel_loop3A_1069 : i32 to index
        %parallel_loop3A_1071 = tpu.vector_load %arg8[%parallel_loop3A_1070] {strides = array<i32>} : memref<8192xf32, #tpu.memory_space<vmem>>, vector<16xf32>,
        %parallel_loop3A_1072 = arith.constant 5 : i32
        %parallel_loop3A_1073 = arith.addi %parallel_loop3A_1002, %parallel_loop3A_1072 : i32
        %parallel_loop3A_1074 = arith.constant 16 : i32
        %parallel_loop3A_1075 = arith.muli %parallel_loop3A_1073, %parallel_loop3A_1074 : i32
        %parallel_loop3A_1076 = arith.index_cast %parallel_loop3A_1075 : i32 to index
        %parallel_loop3A_1077 = tpu.vector_load %arg8[%parallel_loop3A_1076] {strides = array<i32>} : memref<8192xf32, #tpu.memory_space<vmem>>, vector<16xf32>,
        tpu.vector_store %arg8[%parallel_loop3A_1076], %broadcast_in_dim3A_5 {strides = array<i32>} : memref<8192xf32, #tpu.memory_space<vmem>>, vector<16xf32>,
        %parallel_loop3A_1078 = arith.constant 6 : i32
        %parallel_loop3A_1079 = arith.addi %parallel_loop3A_1002, %parallel_loop3A_1078 : i32
        %parallel_loop3A_1080 = arith.constant 16 : i32
        %parallel_loop3A_1081 = arith.muli %parallel_loop3A_1079, %parallel_loop3A_1080 : i32
        %parallel_loop3A_1082 = arith.index_cast %parallel_loop3A_1081 : i32 to index
        %parallel_loop3A_1083 = tpu.vector_load %arg8[%parallel_loop3A_1082] {strides = array<i32>} : memref<8192xf32, #tpu.memory_space<vmem>>, vector<16xf32>,
        %parallel_loop3A_1084 = arith.constant 6 : i32
        %parallel_loop3A_1085 = arith.addi %parallel_loop3A_1002, %parallel_loop3A_1084 : i32
        %parallel_loop3A_1086 = arith.constant 16 : i32
        %parallel_loop3A_1087 = arith.muli %parallel_loop3A_1085, %parallel_loop3A_1086 : i32
        %parallel_loop3A_1088 = arith.index_cast %parallel_loop3A_1087 : i32 to index
        %parallel_loop3A_1089 = tpu.vector_load %arg8[%parallel_loop3A_1088] {strides = array<i32>} : memref<8192xf32, #tpu.memory_space<vmem>>, vector<16xf32>,
        tpu.vector_store %arg8[%parallel_loop3A_1088], %broadcast_in_dim3A_5 {strides = array<i32>} : memref<8192xf32, #tpu.memory_space<vmem>>, vector<16xf32>,
        %parallel_loop3A_1090 = arith.constant 7 : i32
        %parallel_loop3A_1091 = arith.addi %parallel_loop3A_1002, %parallel_loop3A_1090 : i32
        %parallel_loop3A_1092 = arith.constant 16 : i32
        %parallel_loop3A_1093 = arith.muli %parallel_loop3A_1091, %parallel_loop3A_1092 : i32
        %parallel_loop3A_1094 = arith.index_cast %parallel_loop3A_1093 : i32 to index
        %parallel_loop3A_1095 = tpu.vector_load %arg8[%parallel_loop3A_1094] {strides = array<i32>} : memref<8192xf32, #tpu.memory_space<vmem>>, vector<16xf32>,
        %parallel_loop3A_1096 = arith.constant 7 : i32
        %parallel_loop3A_1097 = arith.addi %parallel_loop3A_1002, %parallel_loop3A_1096 : i32
        %parallel_loop3A_1098 = arith.constant 16 : i32
        %parallel_loop3A_1099 = arith.muli %parallel_loop3A_1097, %parallel_loop3A_1098 : i32
        %parallel_loop3A_1100 = arith.index_cast %parallel_loop3A_1099 : i32 to index
        %parallel_loop3A_1101 = tpu.vector_load %arg8[%parallel_loop3A_1100] {strides = array<i32>} : memref<8192xf32, #tpu.memory_space<vmem>>, vector<16xf32>,
        tpu.vector_store %arg8[%parallel_loop3A_1100], %broadcast_in_dim3A_5 {strides = array<i32>} : memref<8192xf32, #tpu.memory_space<vmem>>, vector<16xf32>,
        %parallel_loop3A_1102 = arith.addf %parallel_loop3A_1023, %parallel_loop3A_1011 : vector<16xf32>
        %parallel_loop3A_1103 = arith.addf %parallel_loop3A_1035, %parallel_loop3A_1023 : vector<16xf32>
        %parallel_loop3A_1104 = arith.addf %parallel_loop3A_1047, %parallel_loop3A_1035 : vector<16xf32>
        %parallel_loop3A_1105 = arith.addf %parallel_loop3A_1059, %parallel_loop3A_1047 : vector<16xf32>
        %parallel_loop3A_1106 = arith.addf %parallel_loop3A_1071, %parallel_loop3A_1059 : vector<16xf32>
        %parallel_loop3A_1107 = arith.addf %parallel_loop3A_1083, %parallel_loop3A_1071 : vector<16xf32>
        %parallel_loop3A_1108 = arith.addf %parallel_loop3A_1095, %parallel_loop3A_1083 : vector<16xf32>
        %parallel_loop3A_1109 = arith.addf %parallel_loop3A_1103, %parallel_loop3A_1011 : vector<16xf32>
        %parallel_loop3A_1110 = arith.addf %parallel_loop3A_1104, %parallel_loop3A_1102 : vector<16xf32>
        %parallel_loop3A_1111 = arith.addf %parallel_loop3A_1105, %parallel_loop3A_1103 : vector<16xf32>
        %parallel_loop3A_1112 = arith.addf %parallel_loop3A_1106, %parallel_loop3A_1104 : vector<16xf32>
        %parallel_loop3A_1113 = arith.addf %parallel_loop3A_1107, %parallel_loop3A_1105 : vector<16xf32>
        %parallel_loop3A_1114 = arith.addf %parallel_loop3A_1108, %parallel_loop3A_1106 : vector<16xf32>
        %parallel_loop3A_1115 = arith.addf %parallel_loop3A_1111, %parallel_loop3A_1011 : vector<16xf32>
        %parallel_loop3A_1116 = arith.addf %parallel_loop3A_1112, %parallel_loop3A_1102 : vector<16xf32>
        %parallel_loop3A_1117 = arith.addf %parallel_loop3A_1113, %parallel_loop3A_1109 : vector<16xf32>
        %parallel_loop3A_1118 = arith.addf %parallel_loop3A_1114, %parallel_loop3A_1110 : vector<16xf32>
        %parallel_loop3A_1119 = arith.addf %parallel_loop3A_1003, %parallel_loop3A_1011 : vector<16xf32>
        %parallel_loop3A_1120 = arith.addf %parallel_loop3A_1003, %parallel_loop3A_1102 : vector<16xf32>
        %parallel_loop3A_1121 = arith.addf %parallel_loop3A_1003, %parallel_loop3A_1109 : vector<16xf32>
        %parallel_loop3A_1122 = arith.addf %parallel_loop3A_1003, %parallel_loop3A_1110 : vector<16xf32>
        %parallel_loop3A_1123 = arith.addf %parallel_loop3A_1003, %parallel_loop3A_1115 : vector<16xf32>
        %parallel_loop3A_1124 = arith.addf %parallel_loop3A_1003, %parallel_loop3A_1116 : vector<16xf32>
        %parallel_loop3A_1125 = arith.addf %parallel_loop3A_1003, %parallel_loop3A_1117 : vector<16xf32>
        %parallel_loop3A_1126 = arith.addf %parallel_loop3A_1003, %parallel_loop3A_1118 : vector<16xf32>
        %parallel_loop3A_1127 = arith.constant 8.200000e+02 : f32
        %parallel_loop3A_1128 = vector.broadcast %parallel_loop3A_1127 : f32 to vector<16xf32>
        %parallel_loop3A_1129 = arith.cmpf olt, %parallel_loop3A_1119, %parallel_loop3A_1128 : vector<16xf32>
        %parallel_loop3A_1130 = arith.constant 1.000000e+00 : f32
        %parallel_loop3A_1131 = arith.constant 0.000000e+00 : f32
        %parallel_loop3A_1132 = vector.broadcast %parallel_loop3A_1130 : f32 to vector<16xf32>
        %parallel_loop3A_1133 = vector.broadcast %parallel_loop3A_1131 : f32 to vector<16xf32>
        %parallel_loop3A_1134 = arith.select %parallel_loop3A_1129, %parallel_loop3A_1132, %parallel_loop3A_1133 : vector<16xi1>, vector<16xf32>
        %parallel_loop3A_1135 = arith.constant 8.200000e+02 : f32
        %parallel_loop3A_1136 = vector.broadcast %parallel_loop3A_1135 : f32 to vector<16xf32>
        %parallel_loop3A_1137 = arith.cmpf olt, %parallel_loop3A_1120, %parallel_loop3A_1136 : vector<16xf32>
        %parallel_loop3A_1138 = arith.constant 1.000000e+00 : f32
        %parallel_loop3A_1139 = arith.constant 0.000000e+00 : f32
        %parallel_loop3A_1140 = vector.broadcast %parallel_loop3A_1138 : f32 to vector<16xf32>
        %parallel_loop3A_1141 = vector.broadcast %parallel_loop3A_1139 : f32 to vector<16xf32>
        %parallel_loop3A_1142 = arith.select %parallel_loop3A_1137, %parallel_loop3A_1140, %parallel_loop3A_1141 : vector<16xi1>, vector<16xf32>
        %parallel_loop3A_1143 = arith.constant 8.200000e+02 : f32
        %parallel_loop3A_1144 = vector.broadcast %parallel_loop3A_1143 : f32 to vector<16xf32>
        %parallel_loop3A_1145 = arith.cmpf olt, %parallel_loop3A_1121, %parallel_loop3A_1144 : vector<16xf32>
        %parallel_loop3A_1146 = arith.constant 1.000000e+00 : f32
        %parallel_loop3A_1147 = arith.constant 0.000000e+00 : f32
        %parallel_loop3A_1148 = vector.broadcast %parallel_loop3A_1146 : f32 to vector<16xf32>
        %parallel_loop3A_1149 = vector.broadcast %parallel_loop3A_1147 : f32 to vector<16xf32>
        %parallel_loop3A_1150 = arith.select %parallel_loop3A_1145, %parallel_loop3A_1148, %parallel_loop3A_1149 : vector<16xi1>, vector<16xf32>
        %parallel_loop3A_1151 = arith.constant 8.200000e+02 : f32
        %parallel_loop3A_1152 = vector.broadcast %parallel_loop3A_1151 : f32 to vector<16xf32>
        %parallel_loop3A_1153 = arith.cmpf olt, %parallel_loop3A_1122, %parallel_loop3A_1152 : vector<16xf32>
        %parallel_loop3A_1154 = arith.constant 1.000000e+00 : f32
        %parallel_loop3A_1155 = arith.constant 0.000000e+00 : f32
        %parallel_loop3A_1156 = vector.broadcast %parallel_loop3A_1154 : f32 to vector<16xf32>
        %parallel_loop3A_1157 = vector.broadcast %parallel_loop3A_1155 : f32 to vector<16xf32>
        %parallel_loop3A_1158 = arith.select %parallel_loop3A_1153, %parallel_loop3A_1156, %parallel_loop3A_1157 : vector<16xi1>, vector<16xf32>
        %parallel_loop3A_1159 = arith.constant 8.200000e+02 : f32
        %parallel_loop3A_1160 = vector.broadcast %parallel_loop3A_1159 : f32 to vector<16xf32>
        %parallel_loop3A_1161 = arith.cmpf olt, %parallel_loop3A_1123, %parallel_loop3A_1160 : vector<16xf32>
        %parallel_loop3A_1162 = arith.constant 1.000000e+00 : f32
        %parallel_loop3A_1163 = arith.constant 0.000000e+00 : f32
        %parallel_loop3A_1164 = vector.broadcast %parallel_loop3A_1162 : f32 to vector<16xf32>
        %parallel_loop3A_1165 = vector.broadcast %parallel_loop3A_1163 : f32 to vector<16xf32>
        %parallel_loop3A_1166 = arith.select %parallel_loop3A_1161, %parallel_loop3A_1164, %parallel_loop3A_1165 : vector<16xi1>, vector<16xf32>
        %parallel_loop3A_1167 = arith.constant 8.200000e+02 : f32
        %parallel_loop3A_1168 = vector.broadcast %parallel_loop3A_1167 : f32 to vector<16xf32>
        %parallel_loop3A_1169 = arith.cmpf olt, %parallel_loop3A_1124, %parallel_loop3A_1168 : vector<16xf32>
        %parallel_loop3A_1170 = arith.constant 1.000000e+00 : f32
        %parallel_loop3A_1171 = arith.constant 0.000000e+00 : f32
        %parallel_loop3A_1172 = vector.broadcast %parallel_loop3A_1170 : f32 to vector<16xf32>
        %parallel_loop3A_1173 = vector.broadcast %parallel_loop3A_1171 : f32 to vector<16xf32>
        %parallel_loop3A_1174 = arith.select %parallel_loop3A_1169, %parallel_loop3A_1172, %parallel_loop3A_1173 : vector<16xi1>, vector<16xf32>
        %parallel_loop3A_1175 = arith.constant 8.200000e+02 : f32
        %parallel_loop3A_1176 = vector.broadcast %parallel_loop3A_1175 : f32 to vector<16xf32>
        %parallel_loop3A_1177 = arith.cmpf olt, %parallel_loop3A_1125, %parallel_loop3A_1176 : vector<16xf32>
        %parallel_loop3A_1178 = arith.constant 1.000000e+00 : f32
        %parallel_loop3A_1179 = arith.constant 0.000000e+00 : f32
        %parallel_loop3A_1180 = vector.broadcast %parallel_loop3A_1178 : f32 to vector<16xf32>
        %parallel_loop3A_1181 = vector.broadcast %parallel_loop3A_1179 : f32 to vector<16xf32>
        %parallel_loop3A_1182 = arith.select %parallel_loop3A_1177, %parallel_loop3A_1180, %parallel_loop3A_1181 : vector<16xi1>, vector<16xf32>
        %parallel_loop3A_1183 = arith.constant 8.200000e+02 : f32
        %parallel_loop3A_1184 = vector.broadcast %parallel_loop3A_1183 : f32 to vector<16xf32>
        %parallel_loop3A_1185 = arith.cmpf olt, %parallel_loop3A_1126, %parallel_loop3A_1184 : vector<16xf32>
        %parallel_loop3A_1186 = arith.constant 1.000000e+00 : f32
        %parallel_loop3A_1187 = arith.constant 0.000000e+00 : f32
        %parallel_loop3A_1188 = vector.broadcast %parallel_loop3A_1186 : f32 to vector<16xf32>
        %parallel_loop3A_1189 = vector.broadcast %parallel_loop3A_1187 : f32 to vector<16xf32>
        %parallel_loop3A_1190 = arith.select %parallel_loop3A_1185, %parallel_loop3A_1188, %parallel_loop3A_1189 : vector<16xi1>, vector<16xf32>
        %parallel_loop3A_1191 = arith.addf %parallel_loop3A_1134, %parallel_loop3A_1142 : vector<16xf32>
        %parallel_loop3A_1192 = arith.addf %parallel_loop3A_1150, %parallel_loop3A_1158 : vector<16xf32>
        %parallel_loop3A_1193 = arith.addf %parallel_loop3A_1166, %parallel_loop3A_1174 : vector<16xf32>
        %parallel_loop3A_1194 = arith.addf %parallel_loop3A_1182, %parallel_loop3A_1190 : vector<16xf32>
        %parallel_loop3A_1195 = arith.addf %parallel_loop3A_1191, %parallel_loop3A_1192 : vector<16xf32>
        %parallel_loop3A_1196 = arith.addf %parallel_loop3A_1193, %parallel_loop3A_1194 : vector<16xf32>
        %parallel_loop3A_1197 = arith.addf %parallel_loop3A_1195, %parallel_loop3A_1196 : vector<16xf32>
        %parallel_loop3A_1198 = arith.constant 2.050000e+02 : f32
        %parallel_loop3A_1199 = vector.broadcast %parallel_loop3A_1198 : f32 to vector<16xf32>
        %parallel_loop3A_1200 = arith.cmpf olt, %parallel_loop3A_1119, %parallel_loop3A_1199 : vector<16xf32>
        %parallel_loop3A_1201 = arith.constant 1.000000e+00 : f32
        %parallel_loop3A_1202 = arith.constant 0.000000e+00 : f32
        %parallel_loop3A_1203 = vector.broadcast %parallel_loop3A_1201 : f32 to vector<16xf32>
        %parallel_loop3A_1204 = vector.broadcast %parallel_loop3A_1202 : f32 to vector<16xf32>
        %parallel_loop3A_1205 = arith.select %parallel_loop3A_1200, %parallel_loop3A_1203, %parallel_loop3A_1204 : vector<16xi1>, vector<16xf32>
        %parallel_loop3A_1206 = arith.constant 2.050000e+02 : f32
        %parallel_loop3A_1207 = vector.broadcast %parallel_loop3A_1206 : f32 to vector<16xf32>
        %parallel_loop3A_1208 = arith.cmpf olt, %parallel_loop3A_1120, %parallel_loop3A_1207 : vector<16xf32>
        %parallel_loop3A_1209 = arith.constant 1.000000e+00 : f32
        %parallel_loop3A_1210 = arith.constant 0.000000e+00 : f32
        %parallel_loop3A_1211 = vector.broadcast %parallel_loop3A_1209 : f32 to vector<16xf32>
        %parallel_loop3A_1212 = vector.broadcast %parallel_loop3A_1210 : f32 to vector<16xf32>
        %parallel_loop3A_1213 = arith.select %parallel_loop3A_1208, %parallel_loop3A_1211, %parallel_loop3A_1212 : vector<16xi1>, vector<16xf32>
        %parallel_loop3A_1214 = arith.constant 2.050000e+02 : f32
        %parallel_loop3A_1215 = vector.broadcast %parallel_loop3A_1214 : f32 to vector<16xf32>
        %parallel_loop3A_1216 = arith.cmpf olt, %parallel_loop3A_1121, %parallel_loop3A_1215 : vector<16xf32>
        %parallel_loop3A_1217 = arith.constant 1.000000e+00 : f32
        %parallel_loop3A_1218 = arith.constant 0.000000e+00 : f32
        %parallel_loop3A_1219 = vector.broadcast %parallel_loop3A_1217 : f32 to vector<16xf32>
        %parallel_loop3A_1220 = vector.broadcast %parallel_loop3A_1218 : f32 to vector<16xf32>
        %parallel_loop3A_1221 = arith.select %parallel_loop3A_1216, %parallel_loop3A_1219, %parallel_loop3A_1220 : vector<16xi1>, vector<16xf32>
        %parallel_loop3A_1222 = arith.constant 2.050000e+02 : f32
        %parallel_loop3A_1223 = vector.broadcast %parallel_loop3A_1222 : f32 to vector<16xf32>
        %parallel_loop3A_1224 = arith.cmpf olt, %parallel_loop3A_1122, %parallel_loop3A_1223 : vector<16xf32>
        %parallel_loop3A_1225 = arith.constant 1.000000e+00 : f32
        %parallel_loop3A_1226 = arith.constant 0.000000e+00 : f32
        %parallel_loop3A_1227 = vector.broadcast %parallel_loop3A_1225 : f32 to vector<16xf32>
        %parallel_loop3A_1228 = vector.broadcast %parallel_loop3A_1226 : f32 to vector<16xf32>
        %parallel_loop3A_1229 = arith.select %parallel_loop3A_1224, %parallel_loop3A_1227, %parallel_loop3A_1228 : vector<16xi1>, vector<16xf32>
        %parallel_loop3A_1230 = arith.constant 2.050000e+02 : f32
        %parallel_loop3A_1231 = vector.broadcast %parallel_loop3A_1230 : f32 to vector<16xf32>
        %parallel_loop3A_1232 = arith.cmpf olt, %parallel_loop3A_1123, %parallel_loop3A_1231 : vector<16xf32>
        %parallel_loop3A_1233 = arith.constant 1.000000e+00 : f32
        %parallel_loop3A_1234 = arith.constant 0.000000e+00 : f32
        %parallel_loop3A_1235 = vector.broadcast %parallel_loop3A_1233 : f32 to vector<16xf32>
        %parallel_loop3A_1236 = vector.broadcast %parallel_loop3A_1234 : f32 to vector<16xf32>
        %parallel_loop3A_1237 = arith.select %parallel_loop3A_1232, %parallel_loop3A_1235, %parallel_loop3A_1236 : vector<16xi1>, vector<16xf32>
        %parallel_loop3A_1238 = arith.constant 2.050000e+02 : f32
        %parallel_loop3A_1239 = vector.broadcast %parallel_loop3A_1238 : f32 to vector<16xf32>
        %parallel_loop3A_1240 = arith.cmpf olt, %parallel_loop3A_1124, %parallel_loop3A_1239 : vector<16xf32>
        %parallel_loop3A_1241 = arith.constant 1.000000e+00 : f32
        %parallel_loop3A_1242 = arith.constant 0.000000e+00 : f32
        %parallel_loop3A_1243 = vector.broadcast %parallel_loop3A_1241 : f32 to vector<16xf32>
        %parallel_loop3A_1244 = vector.broadcast %parallel_loop3A_1242 : f32 to vector<16xf32>
        %parallel_loop3A_1245 = arith.select %parallel_loop3A_1240, %parallel_loop3A_1243, %parallel_loop3A_1244 : vector<16xi1>, vector<16xf32>
        %parallel_loop3A_1246 = arith.constant 2.050000e+02 : f32
        %parallel_loop3A_1247 = vector.broadcast %parallel_loop3A_1246 : f32 to vector<16xf32>
        %parallel_loop3A_1248 = arith.cmpf olt, %parallel_loop3A_1125, %parallel_loop3A_1247 : vector<16xf32>
        %parallel_loop3A_1249 = arith.constant 1.000000e+00 : f32
        %parallel_loop3A_1250 = arith.constant 0.000000e+00 : f32
        %parallel_loop3A_1251 = vector.broadcast %parallel_loop3A_1249 : f32 to vector<16xf32>
        %parallel_loop3A_1252 = vector.broadcast %parallel_loop3A_1250 : f32 to vector<16xf32>
        %parallel_loop3A_1253 = arith.select %parallel_loop3A_1248, %parallel_loop3A_1251, %parallel_loop3A_1252 : vector<16xi1>, vector<16xf32>
        %parallel_loop3A_1254 = arith.constant 2.050000e+02 : f32
        %parallel_loop3A_1255 = vector.broadcast %parallel_loop3A_1254 : f32 to vector<16xf32>
        %parallel_loop3A_1256 = arith.cmpf olt, %parallel_loop3A_1126, %parallel_loop3A_1255 : vector<16xf32>
        %parallel_loop3A_1257 = arith.constant 1.000000e+00 : f32
        %parallel_loop3A_1258 = arith.constant 0.000000e+00 : f32
        %parallel_loop3A_1259 = vector.broadcast %parallel_loop3A_1257 : f32 to vector<16xf32>
        %parallel_loop3A_1260 = vector.broadcast %parallel_loop3A_1258 : f32 to vector<16xf32>
        %parallel_loop3A_1261 = arith.select %parallel_loop3A_1256, %parallel_loop3A_1259, %parallel_loop3A_1260 : vector<16xi1>, vector<16xf32>
        %parallel_loop3A_1262 = arith.addf %parallel_loop3A_1205, %parallel_loop3A_1213 : vector<16xf32>
        %parallel_loop3A_1263 = arith.addf %parallel_loop3A_1221, %parallel_loop3A_1229 : vector<16xf32>
        %parallel_loop3A_1264 = arith.addf %parallel_loop3A_1237, %parallel_loop3A_1245 : vector<16xf32>
        %parallel_loop3A_1265 = arith.addf %parallel_loop3A_1253, %parallel_loop3A_1261 : vector<16xf32>
        %parallel_loop3A_1266 = arith.addf %parallel_loop3A_1262, %parallel_loop3A_1263 : vector<16xf32>
        %parallel_loop3A_1267 = arith.addf %parallel_loop3A_1264, %parallel_loop3A_1265 : vector<16xf32>
        %parallel_loop3A_1268 = arith.addf %parallel_loop3A_1266, %parallel_loop3A_1267 : vector<16xf32>
        %parallel_loop3A_1269 = arith.addf %parallel_loop3A_1004, %parallel_loop3A_1197 : vector<16xf32>
        %parallel_loop3A_1270 = arith.addf %parallel_loop3A_1005, %parallel_loop3A_1268 : vector<16xf32>
        scf.yield %parallel_loop3A_1126, %parallel_loop3A_1269, %parallel_loop3A_1270 : vector<16xf32>, vector<16xf32>, vector<16xf32>
      } {sc.loop_unroll_factor = 1 : i64, sc.parallel_access}
      %mul3A_879 = arith.constant 3.125000e-02 : f32
      %mul3A_880 = vector.broadcast %mul3A_879 : f32 to vector<16xf32>
      %mul3A_881 = arith.mulf %parallel_loop3A_878#1, %mul3A_880 : vector<16xf32>
      %add3A_882 = arith.constant -8.000000e+00 : f32
      %add3A_883 = vector.broadcast %add3A_882 : f32 to vector<16xf32>
      %add3A_884 = arith.addf %add3A_883, %mul3A_881 : vector<16xf32>
      %add3A_885 = arith.constant 1.000000e+00 : f32
      %add3A_886 = vector.broadcast %add3A_885 : f32 to vector<16xf32>
      %add3A_887 = arith.addf %parallel_loop3A_878#2, %add3A_886 : vector<16xf32>
      %mul3A_888 = arith.constant 3.125000e-02 : f32
      %mul3A_889 = vector.broadcast %mul3A_888 : f32 to vector<16xf32>
      %mul3A_890 = arith.mulf %add3A_887, %mul3A_889 : vector<16xf32>
      %add3A_891 = arith.constant -8.000000e+00 : f32
      %add3A_892 = vector.broadcast %add3A_891 : f32 to vector<16xf32>
      %add3A_893 = arith.addf %add3A_892, %mul3A_890 : vector<16xf32>
      %parallel_loop3A_894 = arith.constant 0 : i32
      %parallel_loop3A_895 = arith.constant 1024 : i32
      %parallel_loop3A_896 = arith.constant 8 : i32
      %parallel_loop3A_897:2 = scf.for %parallel_loop3A_1002 = %parallel_loop3A_894 to %parallel_loop3A_895 step %parallel_loop3A_896 iter_args(%parallel_loop3A_1003 = %broadcast_in_dim3A_5, %parallel_loop3A_1004 = %broadcast_in_dim3A_5) -> (vector<16xf32>, vector<16xf32>)  : i32 {
        %parallel_loop3A_1005 = arith.constant 0 : i32
        %parallel_loop3A_1006 = arith.addi %parallel_loop3A_1002, %parallel_loop3A_1005 : i32
        %parallel_loop3A_1007 = vector.broadcast %parallel_loop3A_1006 : i32 to vector<16xi32>
        %parallel_loop3A_1008 = tpu.vector_load_idx %arg6[%iota3A, %parallel_loop3A_1007] : memref<16x1040xf32, #tpu.memory_space<vmem>>[vector<16xi32>, vector<16xi32>], vector<16xf32>,
        %parallel_loop3A_1009 = arith.subf %parallel_loop3A_1008, %add3A_884 : vector<16xf32>
        %parallel_loop3A_1010 = arith.constant 0.000000e+00 : f32
        %parallel_loop3A_1011 = vector.broadcast %parallel_loop3A_1010 : f32 to vector<16xf32>
        %parallel_loop3A_1012 = arith.maximumf %parallel_loop3A_1009, %parallel_loop3A_1011 : vector<16xf32>
        %parallel_loop3A_1013 = arith.subf %add3A_893, %parallel_loop3A_1008 : vector<16xf32>
        %parallel_loop3A_1014 = arith.constant 0.000000e+00 : f32
        %parallel_loop3A_1015 = vector.broadcast %parallel_loop3A_1014 : f32 to vector<16xf32>
        %parallel_loop3A_1016 = arith.maximumf %parallel_loop3A_1013, %parallel_loop3A_1015 : vector<16xf32>
        %parallel_loop3A_1017 = arith.constant 1 : i32
        %parallel_loop3A_1018 = arith.addi %parallel_loop3A_1002, %parallel_loop3A_1017 : i32
        %parallel_loop3A_1019 = vector.broadcast %parallel_loop3A_1018 : i32 to vector<16xi32>
        %parallel_loop3A_1020 = tpu.vector_load_idx %arg6[%iota3A, %parallel_loop3A_1019] : memref<16x1040xf32, #tpu.memory_space<vmem>>[vector<16xi32>, vector<16xi32>], vector<16xf32>,
        %parallel_loop3A_1021 = arith.subf %parallel_loop3A_1020, %add3A_884 : vector<16xf32>
        %parallel_loop3A_1022 = arith.constant 0.000000e+00 : f32
        %parallel_loop3A_1023 = vector.broadcast %parallel_loop3A_1022 : f32 to vector<16xf32>
        %parallel_loop3A_1024 = arith.maximumf %parallel_loop3A_1021, %parallel_loop3A_1023 : vector<16xf32>
        %parallel_loop3A_1025 = arith.subf %add3A_893, %parallel_loop3A_1020 : vector<16xf32>
        %parallel_loop3A_1026 = arith.constant 0.000000e+00 : f32
        %parallel_loop3A_1027 = vector.broadcast %parallel_loop3A_1026 : f32 to vector<16xf32>
        %parallel_loop3A_1028 = arith.maximumf %parallel_loop3A_1025, %parallel_loop3A_1027 : vector<16xf32>
        %parallel_loop3A_1029 = arith.constant 2 : i32
        %parallel_loop3A_1030 = arith.addi %parallel_loop3A_1002, %parallel_loop3A_1029 : i32
        %parallel_loop3A_1031 = vector.broadcast %parallel_loop3A_1030 : i32 to vector<16xi32>
        %parallel_loop3A_1032 = tpu.vector_load_idx %arg6[%iota3A, %parallel_loop3A_1031] : memref<16x1040xf32, #tpu.memory_space<vmem>>[vector<16xi32>, vector<16xi32>], vector<16xf32>,
        %parallel_loop3A_1033 = arith.subf %parallel_loop3A_1032, %add3A_884 : vector<16xf32>
        %parallel_loop3A_1034 = arith.constant 0.000000e+00 : f32
        %parallel_loop3A_1035 = vector.broadcast %parallel_loop3A_1034 : f32 to vector<16xf32>
        %parallel_loop3A_1036 = arith.maximumf %parallel_loop3A_1033, %parallel_loop3A_1035 : vector<16xf32>
        %parallel_loop3A_1037 = arith.subf %add3A_893, %parallel_loop3A_1032 : vector<16xf32>
        %parallel_loop3A_1038 = arith.constant 0.000000e+00 : f32
        %parallel_loop3A_1039 = vector.broadcast %parallel_loop3A_1038 : f32 to vector<16xf32>
        %parallel_loop3A_1040 = arith.maximumf %parallel_loop3A_1037, %parallel_loop3A_1039 : vector<16xf32>
        %parallel_loop3A_1041 = arith.constant 3 : i32
        %parallel_loop3A_1042 = arith.addi %parallel_loop3A_1002, %parallel_loop3A_1041 : i32
        %parallel_loop3A_1043 = vector.broadcast %parallel_loop3A_1042 : i32 to vector<16xi32>
        %parallel_loop3A_1044 = tpu.vector_load_idx %arg6[%iota3A, %parallel_loop3A_1043] : memref<16x1040xf32, #tpu.memory_space<vmem>>[vector<16xi32>, vector<16xi32>], vector<16xf32>,
        %parallel_loop3A_1045 = arith.subf %parallel_loop3A_1044, %add3A_884 : vector<16xf32>
        %parallel_loop3A_1046 = arith.constant 0.000000e+00 : f32
        %parallel_loop3A_1047 = vector.broadcast %parallel_loop3A_1046 : f32 to vector<16xf32>
        %parallel_loop3A_1048 = arith.maximumf %parallel_loop3A_1045, %parallel_loop3A_1047 : vector<16xf32>
        %parallel_loop3A_1049 = arith.subf %add3A_893, %parallel_loop3A_1044 : vector<16xf32>
        %parallel_loop3A_1050 = arith.constant 0.000000e+00 : f32
        %parallel_loop3A_1051 = vector.broadcast %parallel_loop3A_1050 : f32 to vector<16xf32>
        %parallel_loop3A_1052 = arith.maximumf %parallel_loop3A_1049, %parallel_loop3A_1051 : vector<16xf32>
        %parallel_loop3A_1053 = arith.constant 4 : i32
        %parallel_loop3A_1054 = arith.addi %parallel_loop3A_1002, %parallel_loop3A_1053 : i32
        %parallel_loop3A_1055 = vector.broadcast %parallel_loop3A_1054 : i32 to vector<16xi32>
        %parallel_loop3A_1056 = tpu.vector_load_idx %arg6[%iota3A, %parallel_loop3A_1055] : memref<16x1040xf32, #tpu.memory_space<vmem>>[vector<16xi32>, vector<16xi32>], vector<16xf32>,
        %parallel_loop3A_1057 = arith.subf %parallel_loop3A_1056, %add3A_884 : vector<16xf32>
        %parallel_loop3A_1058 = arith.constant 0.000000e+00 : f32
        %parallel_loop3A_1059 = vector.broadcast %parallel_loop3A_1058 : f32 to vector<16xf32>
        %parallel_loop3A_1060 = arith.maximumf %parallel_loop3A_1057, %parallel_loop3A_1059 : vector<16xf32>
        %parallel_loop3A_1061 = arith.subf %add3A_893, %parallel_loop3A_1056 : vector<16xf32>
        %parallel_loop3A_1062 = arith.constant 0.000000e+00 : f32
        %parallel_loop3A_1063 = vector.broadcast %parallel_loop3A_1062 : f32 to vector<16xf32>
        %parallel_loop3A_1064 = arith.maximumf %parallel_loop3A_1061, %parallel_loop3A_1063 : vector<16xf32>
        %parallel_loop3A_1065 = arith.constant 5 : i32
        %parallel_loop3A_1066 = arith.addi %parallel_loop3A_1002, %parallel_loop3A_1065 : i32
        %parallel_loop3A_1067 = vector.broadcast %parallel_loop3A_1066 : i32 to vector<16xi32>
        %parallel_loop3A_1068 = tpu.vector_load_idx %arg6[%iota3A, %parallel_loop3A_1067] : memref<16x1040xf32, #tpu.memory_space<vmem>>[vector<16xi32>, vector<16xi32>], vector<16xf32>,
        %parallel_loop3A_1069 = arith.subf %parallel_loop3A_1068, %add3A_884 : vector<16xf32>
        %parallel_loop3A_1070 = arith.constant 0.000000e+00 : f32
        %parallel_loop3A_1071 = vector.broadcast %parallel_loop3A_1070 : f32 to vector<16xf32>
        %parallel_loop3A_1072 = arith.maximumf %parallel_loop3A_1069, %parallel_loop3A_1071 : vector<16xf32>
        %parallel_loop3A_1073 = arith.subf %add3A_893, %parallel_loop3A_1068 : vector<16xf32>
        %parallel_loop3A_1074 = arith.constant 0.000000e+00 : f32
        %parallel_loop3A_1075 = vector.broadcast %parallel_loop3A_1074 : f32 to vector<16xf32>
        %parallel_loop3A_1076 = arith.maximumf %parallel_loop3A_1073, %parallel_loop3A_1075 : vector<16xf32>
        %parallel_loop3A_1077 = arith.constant 6 : i32
        %parallel_loop3A_1078 = arith.addi %parallel_loop3A_1002, %parallel_loop3A_1077 : i32
        %parallel_loop3A_1079 = vector.broadcast %parallel_loop3A_1078 : i32 to vector<16xi32>
        %parallel_loop3A_1080 = tpu.vector_load_idx %arg6[%iota3A, %parallel_loop3A_1079] : memref<16x1040xf32, #tpu.memory_space<vmem>>[vector<16xi32>, vector<16xi32>], vector<16xf32>,
        %parallel_loop3A_1081 = arith.subf %parallel_loop3A_1080, %add3A_884 : vector<16xf32>
        %parallel_loop3A_1082 = arith.constant 0.000000e+00 : f32
        %parallel_loop3A_1083 = vector.broadcast %parallel_loop3A_1082 : f32 to vector<16xf32>
        %parallel_loop3A_1084 = arith.maximumf %parallel_loop3A_1081, %parallel_loop3A_1083 : vector<16xf32>
        %parallel_loop3A_1085 = arith.subf %add3A_893, %parallel_loop3A_1080 : vector<16xf32>
        %parallel_loop3A_1086 = arith.constant 0.000000e+00 : f32
        %parallel_loop3A_1087 = vector.broadcast %parallel_loop3A_1086 : f32 to vector<16xf32>
        %parallel_loop3A_1088 = arith.maximumf %parallel_loop3A_1085, %parallel_loop3A_1087 : vector<16xf32>
        %parallel_loop3A_1089 = arith.constant 7 : i32
        %parallel_loop3A_1090 = arith.addi %parallel_loop3A_1002, %parallel_loop3A_1089 : i32
        %parallel_loop3A_1091 = vector.broadcast %parallel_loop3A_1090 : i32 to vector<16xi32>
        %parallel_loop3A_1092 = tpu.vector_load_idx %arg6[%iota3A, %parallel_loop3A_1091] : memref<16x1040xf32, #tpu.memory_space<vmem>>[vector<16xi32>, vector<16xi32>], vector<16xf32>,
        %parallel_loop3A_1093 = arith.subf %parallel_loop3A_1092, %add3A_884 : vector<16xf32>
        %parallel_loop3A_1094 = arith.constant 0.000000e+00 : f32
        %parallel_loop3A_1095 = vector.broadcast %parallel_loop3A_1094 : f32 to vector<16xf32>
        %parallel_loop3A_1096 = arith.maximumf %parallel_loop3A_1093, %parallel_loop3A_1095 : vector<16xf32>
        %parallel_loop3A_1097 = arith.subf %add3A_893, %parallel_loop3A_1092 : vector<16xf32>
        %parallel_loop3A_1098 = arith.constant 0.000000e+00 : f32
        %parallel_loop3A_1099 = vector.broadcast %parallel_loop3A_1098 : f32 to vector<16xf32>
        %parallel_loop3A_1100 = arith.maximumf %parallel_loop3A_1097, %parallel_loop3A_1099 : vector<16xf32>
        %parallel_loop3A_1101 = arith.addf %parallel_loop3A_1012, %parallel_loop3A_1024 : vector<16xf32>
        %parallel_loop3A_1102 = arith.addf %parallel_loop3A_1036, %parallel_loop3A_1048 : vector<16xf32>
        %parallel_loop3A_1103 = arith.addf %parallel_loop3A_1060, %parallel_loop3A_1072 : vector<16xf32>
        %parallel_loop3A_1104 = arith.addf %parallel_loop3A_1084, %parallel_loop3A_1096 : vector<16xf32>
        %parallel_loop3A_1105 = arith.addf %parallel_loop3A_1101, %parallel_loop3A_1102 : vector<16xf32>
        %parallel_loop3A_1106 = arith.addf %parallel_loop3A_1103, %parallel_loop3A_1104 : vector<16xf32>
        %parallel_loop3A_1107 = arith.addf %parallel_loop3A_1105, %parallel_loop3A_1106 : vector<16xf32>
        %parallel_loop3A_1108 = arith.addf %parallel_loop3A_1003, %parallel_loop3A_1107 : vector<16xf32>
        %parallel_loop3A_1109 = arith.addf %parallel_loop3A_1016, %parallel_loop3A_1028 : vector<16xf32>
        %parallel_loop3A_1110 = arith.addf %parallel_loop3A_1040, %parallel_loop3A_1052 : vector<16xf32>
        %parallel_loop3A_1111 = arith.addf %parallel_loop3A_1064, %parallel_loop3A_1076 : vector<16xf32>
        %parallel_loop3A_1112 = arith.addf %parallel_loop3A_1088, %parallel_loop3A_1100 : vector<16xf32>
        %parallel_loop3A_1113 = arith.addf %parallel_loop3A_1109, %parallel_loop3A_1110 : vector<16xf32>
        %parallel_loop3A_1114 = arith.addf %parallel_loop3A_1111, %parallel_loop3A_1112 : vector<16xf32>
        %parallel_loop3A_1115 = arith.addf %parallel_loop3A_1113, %parallel_loop3A_1114 : vector<16xf32>
        %parallel_loop3A_1116 = arith.addf %parallel_loop3A_1004, %parallel_loop3A_1115 : vector<16xf32>
        scf.yield %parallel_loop3A_1108, %parallel_loop3A_1116 : vector<16xf32>, vector<16xf32>
      } {sc.loop_unroll_factor = 1 : i64, sc.parallel_access}
      %add3A_898 = arith.constant 3 : i32
      %add3A_899 = arith.addi %add3A_844, %add3A_898 : i32
      %lt3A_900 = arith.constant 96 : i32
      %lt3A_901 = arith.cmpi slt, %add3A_899, %lt3A_900 : i32
      %convert_element_type3A_902 = arith.extui %lt3A_901 : i1 to i32
      %cond3A_903 = arith.constant 0 : i32
      %cond3A_904 = arith.cmpi ne, %convert_element_type3A_902, %cond3A_903 : i32
      scf.if %cond3A_904 {
        %mul3A_1002 = arith.constant 16 : i32
        %mul3A_1003 = arith.muli %add3A_899, %mul3A_1002 : i32
        %add3A_1004 = arith.addi %mul3A_2, %mul3A_1003 : i32
        %add3A_1005 = arith.constant 11 : i32
        %add3A_1006 = arith.addi %add3A_1004, %add3A_1005 : i32
        %dma_start3A_1007 = arith.constant 11 : i32
        %dma_start3A_1008 = arith.constant 0 : i32
        %dma_start3A_1009 = tpu.memref_slice %arg5[%dma_start3A_1007, %dma_start3A_1008] : memref<16x1040xf32, #tpu.memory_space<vmem>> -> memref<1x1024xf32, #tpu.memory_space<vmem>>
        %dma_start3A_1010 = arith.constant 0 : i32
        %dma_start3A_1011 = tpu.memref_slice %arg2[%add3A_1006, %dma_start3A_1010] : memref<49152x1024xf32, #tpu.memory_space<hbm>> -> memref<1x1024xf32, #tpu.memory_space<hbm>>
        %dma_start3A_1012 = arith.constant 11 : i32
        %dma_start3A_1013 = arith.constant 0 : i32
        %dma_start3A_1014 = tpu.memref_slice %arg5[%dma_start3A_1012, %dma_start3A_1013] : memref<16x1040xf32, #tpu.memory_space<vmem>> -> memref<1x1024xf32, #tpu.memory_space<vmem>>
        %dma_start3A_1015 = arith.constant 0 : i32
        %dma_start3A_1016 = tpu.memref_slice %arg2[%add3A_1006, %dma_start3A_1015] : memref<49152x1024xf32, #tpu.memory_space<hbm>> -> memref<1x1024xf32, #tpu.memory_space<hbm>>
        tpu.enqueue_dma source(%dma_start3A_1016 : memref<1x1024xf32, #tpu.memory_space<hbm>>) target(%dma_start3A_1014 : memref<1x1024xf32, #tpu.memory_space<vmem>>) target_semaphore(%arg11 : memref<!tpu.dma_semaphore, #tpu.memory_space<semaphore_mem>>)
        %mul3A_1017 = arith.constant 16 : i32
        %mul3A_1018 = arith.muli %add3A_899, %mul3A_1017 : i32
        %add3A_1019 = arith.addi %mul3A_2, %mul3A_1018 : i32
        %add3A_1020 = arith.constant 12 : i32
        %add3A_1021 = arith.addi %add3A_1019, %add3A_1020 : i32
        %dma_start3A_1022 = arith.constant 12 : i32
        %dma_start3A_1023 = arith.constant 0 : i32
        %dma_start3A_1024 = tpu.memref_slice %arg5[%dma_start3A_1022, %dma_start3A_1023] : memref<16x1040xf32, #tpu.memory_space<vmem>> -> memref<1x1024xf32, #tpu.memory_space<vmem>>
        %dma_start3A_1025 = arith.constant 0 : i32
        %dma_start3A_1026 = tpu.memref_slice %arg2[%add3A_1021, %dma_start3A_1025] : memref<49152x1024xf32, #tpu.memory_space<hbm>> -> memref<1x1024xf32, #tpu.memory_space<hbm>>
        %dma_start3A_1027 = arith.constant 12 : i32
        %dma_start3A_1028 = arith.constant 0 : i32
        %dma_start3A_1029 = tpu.memref_slice %arg5[%dma_start3A_1027, %dma_start3A_1028] : memref<16x1040xf32, #tpu.memory_space<vmem>> -> memref<1x1024xf32, #tpu.memory_space<vmem>>
        %dma_start3A_1030 = arith.constant 0 : i32
        %dma_start3A_1031 = tpu.memref_slice %arg2[%add3A_1021, %dma_start3A_1030] : memref<49152x1024xf32, #tpu.memory_space<hbm>> -> memref<1x1024xf32, #tpu.memory_space<hbm>>
        tpu.enqueue_dma source(%dma_start3A_1031 : memref<1x1024xf32, #tpu.memory_space<hbm>>) target(%dma_start3A_1029 : memref<1x1024xf32, #tpu.memory_space<vmem>>) target_semaphore(%arg11 : memref<!tpu.dma_semaphore, #tpu.memory_space<semaphore_mem>>)
        %mul3A_1032 = arith.constant 16 : i32
        %mul3A_1033 = arith.muli %add3A_899, %mul3A_1032 : i32
        %add3A_1034 = arith.addi %mul3A_2, %mul3A_1033 : i32
        %add3A_1035 = arith.constant 13 : i32
        %add3A_1036 = arith.addi %add3A_1034, %add3A_1035 : i32
        %dma_start3A_1037 = arith.constant 13 : i32
        %dma_start3A_1038 = arith.constant 0 : i32
        %dma_start3A_1039 = tpu.memref_slice %arg5[%dma_start3A_1037, %dma_start3A_1038] : memref<16x1040xf32, #tpu.memory_space<vmem>> -> memref<1x1024xf32, #tpu.memory_space<vmem>>
        %dma_start3A_1040 = arith.constant 0 : i32
        %dma_start3A_1041 = tpu.memref_slice %arg2[%add3A_1036, %dma_start3A_1040] : memref<49152x1024xf32, #tpu.memory_space<hbm>> -> memref<1x1024xf32, #tpu.memory_space<hbm>>
        %dma_start3A_1042 = arith.constant 13 : i32
        %dma_start3A_1043 = arith.constant 0 : i32
        %dma_start3A_1044 = tpu.memref_slice %arg5[%dma_start3A_1042, %dma_start3A_1043] : memref<16x1040xf32, #tpu.memory_space<vmem>> -> memref<1x1024xf32, #tpu.memory_space<vmem>>
        %dma_start3A_1045 = arith.constant 0 : i32
        %dma_start3A_1046 = tpu.memref_slice %arg2[%add3A_1036, %dma_start3A_1045] : memref<49152x1024xf32, #tpu.memory_space<hbm>> -> memref<1x1024xf32, #tpu.memory_space<hbm>>
        tpu.enqueue_dma source(%dma_start3A_1046 : memref<1x1024xf32, #tpu.memory_space<hbm>>) target(%dma_start3A_1044 : memref<1x1024xf32, #tpu.memory_space<vmem>>) target_semaphore(%arg11 : memref<!tpu.dma_semaphore, #tpu.memory_space<semaphore_mem>>)
        %mul3A_1047 = arith.constant 16 : i32
        %mul3A_1048 = arith.muli %add3A_899, %mul3A_1047 : i32
        %add3A_1049 = arith.addi %mul3A_2, %mul3A_1048 : i32
        %add3A_1050 = arith.constant 14 : i32
        %add3A_1051 = arith.addi %add3A_1049, %add3A_1050 : i32
        %dma_start3A_1052 = arith.constant 14 : i32
        %dma_start3A_1053 = arith.constant 0 : i32
        %dma_start3A_1054 = tpu.memref_slice %arg5[%dma_start3A_1052, %dma_start3A_1053] : memref<16x1040xf32, #tpu.memory_space<vmem>> -> memref<1x1024xf32, #tpu.memory_space<vmem>>
        %dma_start3A_1055 = arith.constant 0 : i32
        %dma_start3A_1056 = tpu.memref_slice %arg2[%add3A_1051, %dma_start3A_1055] : memref<49152x1024xf32, #tpu.memory_space<hbm>> -> memref<1x1024xf32, #tpu.memory_space<hbm>>
        %dma_start3A_1057 = arith.constant 14 : i32
        %dma_start3A_1058 = arith.constant 0 : i32
        %dma_start3A_1059 = tpu.memref_slice %arg5[%dma_start3A_1057, %dma_start3A_1058] : memref<16x1040xf32, #tpu.memory_space<vmem>> -> memref<1x1024xf32, #tpu.memory_space<vmem>>
        %dma_start3A_1060 = arith.constant 0 : i32
        %dma_start3A_1061 = tpu.memref_slice %arg2[%add3A_1051, %dma_start3A_1060] : memref<49152x1024xf32, #tpu.memory_space<hbm>> -> memref<1x1024xf32, #tpu.memory_space<hbm>>
        tpu.enqueue_dma source(%dma_start3A_1061 : memref<1x1024xf32, #tpu.memory_space<hbm>>) target(%dma_start3A_1059 : memref<1x1024xf32, #tpu.memory_space<vmem>>) target_semaphore(%arg11 : memref<!tpu.dma_semaphore, #tpu.memory_space<semaphore_mem>>)
        %mul3A_1062 = arith.constant 16 : i32
        %mul3A_1063 = arith.muli %add3A_899, %mul3A_1062 : i32
        %add3A_1064 = arith.addi %mul3A_2, %mul3A_1063 : i32
        %add3A_1065 = arith.constant 15 : i32
        %add3A_1066 = arith.addi %add3A_1064, %add3A_1065 : i32
        %dma_start3A_1067 = arith.constant 15 : i32
        %dma_start3A_1068 = arith.constant 0 : i32
        %dma_start3A_1069 = tpu.memref_slice %arg5[%dma_start3A_1067, %dma_start3A_1068] : memref<16x1040xf32, #tpu.memory_space<vmem>> -> memref<1x1024xf32, #tpu.memory_space<vmem>>
        %dma_start3A_1070 = arith.constant 0 : i32
        %dma_start3A_1071 = tpu.memref_slice %arg2[%add3A_1066, %dma_start3A_1070] : memref<49152x1024xf32, #tpu.memory_space<hbm>> -> memref<1x1024xf32, #tpu.memory_space<hbm>>
        %dma_start3A_1072 = arith.constant 15 : i32
        %dma_start3A_1073 = arith.constant 0 : i32
        %dma_start3A_1074 = tpu.memref_slice %arg5[%dma_start3A_1072, %dma_start3A_1073] : memref<16x1040xf32, #tpu.memory_space<vmem>> -> memref<1x1024xf32, #tpu.memory_space<vmem>>
        %dma_start3A_1075 = arith.constant 0 : i32
        %dma_start3A_1076 = tpu.memref_slice %arg2[%add3A_1066, %dma_start3A_1075] : memref<49152x1024xf32, #tpu.memory_space<hbm>> -> memref<1x1024xf32, #tpu.memory_space<hbm>>
        tpu.enqueue_dma source(%dma_start3A_1076 : memref<1x1024xf32, #tpu.memory_space<hbm>>) target(%dma_start3A_1074 : memref<1x1024xf32, #tpu.memory_space<vmem>>) target_semaphore(%arg11 : memref<!tpu.dma_semaphore, #tpu.memory_space<semaphore_mem>>)
      } else {
      }
      %mul3A_905 = arith.constant 0.00487804879 : f32
      %mul3A_906 = vector.broadcast %mul3A_905 : f32 to vector<16xf32>
      %mul3A_907 = arith.mulf %parallel_loop3A_897#0, %mul3A_906 : vector<16xf32>
      %add3A_908 = arith.addf %add3A_884, %mul3A_907 : vector<16xf32>
      %mul3A_909 = arith.constant 0.00487804879 : f32
      %mul3A_910 = vector.broadcast %mul3A_909 : f32 to vector<16xf32>
      %mul3A_911 = arith.mulf %parallel_loop3A_897#1, %mul3A_910 : vector<16xf32>
      %sub3A_912 = arith.subf %add3A_893, %mul3A_911 : vector<16xf32>
      %mul3A_913 = arith.constant 0.699999988 : f32
      %mul3A_914 = vector.broadcast %mul3A_913 : f32 to vector<16xf32>
      %mul3A_915 = arith.mulf %mul3A_914, %sub3A_912 : vector<16xf32>
      %add3A_916 = arith.addf %add3A_908, %mul3A_915 : vector<16xf32>
      %mul3A_917 = arith.constant 16 : i32
      %mul3A_918 = arith.muli %add3A_844, %mul3A_917 : i32
      %swap3A_919 = arith.index_cast %mul3A_918 : i32 to index
      %swap3A_920 = tpu.vector_load %arg9[%swap3A_919] {strides = array<i32>} : memref<1536xf32, #tpu.memory_space<vmem>>, vector<16xf32>,
      tpu.vector_store %arg9[%swap3A_919], %add3A_916 {strides = array<i32>} : memref<1536xf32, #tpu.memory_space<vmem>>, vector<16xf32>,
      %mul3A_921 = arith.constant 4 : i32
      %mul3A_922 = arith.muli %scan3A_685, %mul3A_921 : i32
      %add3A_923 = arith.constant 3 : i32
      %add3A_924 = arith.addi %mul3A_922, %add3A_923 : i32
      %mul3A_925 = arith.constant 16 : i32
      %mul3A_926 = arith.muli %add3A_924, %mul3A_925 : i32
      %add3A_927 = arith.addi %mul3A_2, %mul3A_926 : i32
      %dma_wait3A_928 = arith.constant 0 : i32
      %dma_wait3A_929 = arith.constant 0 : i32
      %dma_wait3A_930 = tpu.memref_slice %arg7[%dma_wait3A_928, %dma_wait3A_929] : memref<16x1040xf32, #tpu.memory_space<vmem>> -> memref<16x1024xf32, #tpu.memory_space<vmem>>
      %dma_wait3A_931 = arith.constant 0 : i32
      %dma_wait3A_932 = tpu.memref_slice %arg2[%add3A_927, %dma_wait3A_931] : memref<49152x1024xf32, #tpu.memory_space<hbm>> -> memref<16x1024xf32, #tpu.memory_space<hbm>>
      %dma_wait3A_933 = arith.constant 0 : i32
      %dma_wait3A_934 = arith.constant 0 : i32
      %dma_wait3A_935 = tpu.memref_slice %arg7[%dma_wait3A_933, %dma_wait3A_934] : memref<16x1040xf32, #tpu.memory_space<vmem>> -> memref<16x1024xf32, #tpu.memory_space<vmem>>
      %dma_wait3A_936 = arith.constant 0 : i32
      %dma_wait3A_937 = tpu.memref_slice %arg2[%add3A_927, %dma_wait3A_936] : memref<49152x1024xf32, #tpu.memory_space<hbm>> -> memref<16x1024xf32, #tpu.memory_space<hbm>>
      tpu.wait_dma2 semaphore(%arg13 : memref<!tpu.dma_semaphore, #tpu.memory_space<semaphore_mem>>) src(%dma_wait3A_937 : memref<16x1024xf32, #tpu.memory_space<hbm>>) dst(%dma_wait3A_935 : memref<16x1024xf32, #tpu.memory_space<vmem>>)
      %add3A_938 = arith.constant 3 : i32
      %add3A_939 = arith.addi %add3A_924, %add3A_938 : i32
      %lt3A_940 = arith.constant 96 : i32
      %lt3A_941 = arith.cmpi slt, %add3A_939, %lt3A_940 : i32
      %convert_element_type3A_942 = arith.extui %lt3A_941 : i1 to i32
      %cond3A_943 = arith.constant 0 : i32
      %cond3A_944 = arith.cmpi ne, %convert_element_type3A_942, %cond3A_943 : i32
      scf.if %cond3A_944 {
        %mul3A_1002 = arith.constant 16 : i32
        %mul3A_1003 = arith.muli %add3A_939, %mul3A_1002 : i32
        %add3A_1004 = arith.addi %mul3A_2, %mul3A_1003 : i32
        %add3A_1005 = arith.constant 0 : i32
        %add3A_1006 = arith.addi %add3A_1004, %add3A_1005 : i32
        %dma_start3A_1007 = arith.constant 0 : i32
        %dma_start3A_1008 = arith.constant 0 : i32
        %dma_start3A_1009 = tpu.memref_slice %arg6[%dma_start3A_1007, %dma_start3A_1008] : memref<16x1040xf32, #tpu.memory_space<vmem>> -> memref<1x1024xf32, #tpu.memory_space<vmem>>
        %dma_start3A_1010 = arith.constant 0 : i32
        %dma_start3A_1011 = tpu.memref_slice %arg2[%add3A_1006, %dma_start3A_1010] : memref<49152x1024xf32, #tpu.memory_space<hbm>> -> memref<1x1024xf32, #tpu.memory_space<hbm>>
        %dma_start3A_1012 = arith.constant 0 : i32
        %dma_start3A_1013 = arith.constant 0 : i32
        %dma_start3A_1014 = tpu.memref_slice %arg6[%dma_start3A_1012, %dma_start3A_1013] : memref<16x1040xf32, #tpu.memory_space<vmem>> -> memref<1x1024xf32, #tpu.memory_space<vmem>>
        %dma_start3A_1015 = arith.constant 0 : i32
        %dma_start3A_1016 = tpu.memref_slice %arg2[%add3A_1006, %dma_start3A_1015] : memref<49152x1024xf32, #tpu.memory_space<hbm>> -> memref<1x1024xf32, #tpu.memory_space<hbm>>
        tpu.enqueue_dma source(%dma_start3A_1016 : memref<1x1024xf32, #tpu.memory_space<hbm>>) target(%dma_start3A_1014 : memref<1x1024xf32, #tpu.memory_space<vmem>>) target_semaphore(%arg12 : memref<!tpu.dma_semaphore, #tpu.memory_space<semaphore_mem>>)
        %mul3A_1017 = arith.constant 16 : i32
        %mul3A_1018 = arith.muli %add3A_939, %mul3A_1017 : i32
        %add3A_1019 = arith.addi %mul3A_2, %mul3A_1018 : i32
        %add3A_1020 = arith.constant 1 : i32
        %add3A_1021 = arith.addi %add3A_1019, %add3A_1020 : i32
        %dma_start3A_1022 = arith.constant 1 : i32
        %dma_start3A_1023 = arith.constant 0 : i32
        %dma_start3A_1024 = tpu.memref_slice %arg6[%dma_start3A_1022, %dma_start3A_1023] : memref<16x1040xf32, #tpu.memory_space<vmem>> -> memref<1x1024xf32, #tpu.memory_space<vmem>>
        %dma_start3A_1025 = arith.constant 0 : i32
        %dma_start3A_1026 = tpu.memref_slice %arg2[%add3A_1021, %dma_start3A_1025] : memref<49152x1024xf32, #tpu.memory_space<hbm>> -> memref<1x1024xf32, #tpu.memory_space<hbm>>
        %dma_start3A_1027 = arith.constant 1 : i32
        %dma_start3A_1028 = arith.constant 0 : i32
        %dma_start3A_1029 = tpu.memref_slice %arg6[%dma_start3A_1027, %dma_start3A_1028] : memref<16x1040xf32, #tpu.memory_space<vmem>> -> memref<1x1024xf32, #tpu.memory_space<vmem>>
        %dma_start3A_1030 = arith.constant 0 : i32
        %dma_start3A_1031 = tpu.memref_slice %arg2[%add3A_1021, %dma_start3A_1030] : memref<49152x1024xf32, #tpu.memory_space<hbm>> -> memref<1x1024xf32, #tpu.memory_space<hbm>>
        tpu.enqueue_dma source(%dma_start3A_1031 : memref<1x1024xf32, #tpu.memory_space<hbm>>) target(%dma_start3A_1029 : memref<1x1024xf32, #tpu.memory_space<vmem>>) target_semaphore(%arg12 : memref<!tpu.dma_semaphore, #tpu.memory_space<semaphore_mem>>)
        %mul3A_1032 = arith.constant 16 : i32
        %mul3A_1033 = arith.muli %add3A_939, %mul3A_1032 : i32
        %add3A_1034 = arith.addi %mul3A_2, %mul3A_1033 : i32
        %add3A_1035 = arith.constant 2 : i32
        %add3A_1036 = arith.addi %add3A_1034, %add3A_1035 : i32
        %dma_start3A_1037 = arith.constant 2 : i32
        %dma_start3A_1038 = arith.constant 0 : i32
        %dma_start3A_1039 = tpu.memref_slice %arg6[%dma_start3A_1037, %dma_start3A_1038] : memref<16x1040xf32, #tpu.memory_space<vmem>> -> memref<1x1024xf32, #tpu.memory_space<vmem>>
        %dma_start3A_1040 = arith.constant 0 : i32
        %dma_start3A_1041 = tpu.memref_slice %arg2[%add3A_1036, %dma_start3A_1040] : memref<49152x1024xf32, #tpu.memory_space<hbm>> -> memref<1x1024xf32, #tpu.memory_space<hbm>>
        %dma_start3A_1042 = arith.constant 2 : i32
        %dma_start3A_1043 = arith.constant 0 : i32
        %dma_start3A_1044 = tpu.memref_slice %arg6[%dma_start3A_1042, %dma_start3A_1043] : memref<16x1040xf32, #tpu.memory_space<vmem>> -> memref<1x1024xf32, #tpu.memory_space<vmem>>
        %dma_start3A_1045 = arith.constant 0 : i32
        %dma_start3A_1046 = tpu.memref_slice %arg2[%add3A_1036, %dma_start3A_1045] : memref<49152x1024xf32, #tpu.memory_space<hbm>> -> memref<1x1024xf32, #tpu.memory_space<hbm>>
        tpu.enqueue_dma source(%dma_start3A_1046 : memref<1x1024xf32, #tpu.memory_space<hbm>>) target(%dma_start3A_1044 : memref<1x1024xf32, #tpu.memory_space<vmem>>) target_semaphore(%arg12 : memref<!tpu.dma_semaphore, #tpu.memory_space<semaphore_mem>>)
        %mul3A_1047 = arith.constant 16 : i32
        %mul3A_1048 = arith.muli %add3A_939, %mul3A_1047 : i32
        %add3A_1049 = arith.addi %mul3A_2, %mul3A_1048 : i32
        %add3A_1050 = arith.constant 3 : i32
        %add3A_1051 = arith.addi %add3A_1049, %add3A_1050 : i32
        %dma_start3A_1052 = arith.constant 3 : i32
        %dma_start3A_1053 = arith.constant 0 : i32
        %dma_start3A_1054 = tpu.memref_slice %arg6[%dma_start3A_1052, %dma_start3A_1053] : memref<16x1040xf32, #tpu.memory_space<vmem>> -> memref<1x1024xf32, #tpu.memory_space<vmem>>
        %dma_start3A_1055 = arith.constant 0 : i32
        %dma_start3A_1056 = tpu.memref_slice %arg2[%add3A_1051, %dma_start3A_1055] : memref<49152x1024xf32, #tpu.memory_space<hbm>> -> memref<1x1024xf32, #tpu.memory_space<hbm>>
        %dma_start3A_1057 = arith.constant 3 : i32
        %dma_start3A_1058 = arith.constant 0 : i32
        %dma_start3A_1059 = tpu.memref_slice %arg6[%dma_start3A_1057, %dma_start3A_1058] : memref<16x1040xf32, #tpu.memory_space<vmem>> -> memref<1x1024xf32, #tpu.memory_space<vmem>>
        %dma_start3A_1060 = arith.constant 0 : i32
        %dma_start3A_1061 = tpu.memref_slice %arg2[%add3A_1051, %dma_start3A_1060] : memref<49152x1024xf32, #tpu.memory_space<hbm>> -> memref<1x1024xf32, #tpu.memory_space<hbm>>
        tpu.enqueue_dma source(%dma_start3A_1061 : memref<1x1024xf32, #tpu.memory_space<hbm>>) target(%dma_start3A_1059 : memref<1x1024xf32, #tpu.memory_space<vmem>>) target_semaphore(%arg12 : memref<!tpu.dma_semaphore, #tpu.memory_space<semaphore_mem>>)
        %mul3A_1062 = arith.constant 16 : i32
        %mul3A_1063 = arith.muli %add3A_939, %mul3A_1062 : i32
        %add3A_1064 = arith.addi %mul3A_2, %mul3A_1063 : i32
        %add3A_1065 = arith.constant 4 : i32
        %add3A_1066 = arith.addi %add3A_1064, %add3A_1065 : i32
        %dma_start3A_1067 = arith.constant 4 : i32
        %dma_start3A_1068 = arith.constant 0 : i32
        %dma_start3A_1069 = tpu.memref_slice %arg6[%dma_start3A_1067, %dma_start3A_1068] : memref<16x1040xf32, #tpu.memory_space<vmem>> -> memref<1x1024xf32, #tpu.memory_space<vmem>>
        %dma_start3A_1070 = arith.constant 0 : i32
        %dma_start3A_1071 = tpu.memref_slice %arg2[%add3A_1066, %dma_start3A_1070] : memref<49152x1024xf32, #tpu.memory_space<hbm>> -> memref<1x1024xf32, #tpu.memory_space<hbm>>
        %dma_start3A_1072 = arith.constant 4 : i32
        %dma_start3A_1073 = arith.constant 0 : i32
        %dma_start3A_1074 = tpu.memref_slice %arg6[%dma_start3A_1072, %dma_start3A_1073] : memref<16x1040xf32, #tpu.memory_space<vmem>> -> memref<1x1024xf32, #tpu.memory_space<vmem>>
        %dma_start3A_1075 = arith.constant 0 : i32
        %dma_start3A_1076 = tpu.memref_slice %arg2[%add3A_1066, %dma_start3A_1075] : memref<49152x1024xf32, #tpu.memory_space<hbm>> -> memref<1x1024xf32, #tpu.memory_space<hbm>>
        tpu.enqueue_dma source(%dma_start3A_1076 : memref<1x1024xf32, #tpu.memory_space<hbm>>) target(%dma_start3A_1074 : memref<1x1024xf32, #tpu.memory_space<vmem>>) target_semaphore(%arg12 : memref<!tpu.dma_semaphore, #tpu.memory_space<semaphore_mem>>)
        %mul3A_1077 = arith.constant 16 : i32
        %mul3A_1078 = arith.muli %add3A_939, %mul3A_1077 : i32
        %add3A_1079 = arith.addi %mul3A_2, %mul3A_1078 : i32
        %add3A_1080 = arith.constant 5 : i32
        %add3A_1081 = arith.addi %add3A_1079, %add3A_1080 : i32
        %dma_start3A_1082 = arith.constant 5 : i32
        %dma_start3A_1083 = arith.constant 0 : i32
        %dma_start3A_1084 = tpu.memref_slice %arg6[%dma_start3A_1082, %dma_start3A_1083] : memref<16x1040xf32, #tpu.memory_space<vmem>> -> memref<1x1024xf32, #tpu.memory_space<vmem>>
        %dma_start3A_1085 = arith.constant 0 : i32
        %dma_start3A_1086 = tpu.memref_slice %arg2[%add3A_1081, %dma_start3A_1085] : memref<49152x1024xf32, #tpu.memory_space<hbm>> -> memref<1x1024xf32, #tpu.memory_space<hbm>>
        %dma_start3A_1087 = arith.constant 5 : i32
        %dma_start3A_1088 = arith.constant 0 : i32
        %dma_start3A_1089 = tpu.memref_slice %arg6[%dma_start3A_1087, %dma_start3A_1088] : memref<16x1040xf32, #tpu.memory_space<vmem>> -> memref<1x1024xf32, #tpu.memory_space<vmem>>
        %dma_start3A_1090 = arith.constant 0 : i32
        %dma_start3A_1091 = tpu.memref_slice %arg2[%add3A_1081, %dma_start3A_1090] : memref<49152x1024xf32, #tpu.memory_space<hbm>> -> memref<1x1024xf32, #tpu.memory_space<hbm>>
        tpu.enqueue_dma source(%dma_start3A_1091 : memref<1x1024xf32, #tpu.memory_space<hbm>>) target(%dma_start3A_1089 : memref<1x1024xf32, #tpu.memory_space<vmem>>) target_semaphore(%arg12 : memref<!tpu.dma_semaphore, #tpu.memory_space<semaphore_mem>>)
      } else {
      }
      %parallel_loop3A_945 = arith.constant 0 : i32
      %parallel_loop3A_946 = arith.constant 1024 : i32
      %parallel_loop3A_947 = arith.constant 1 : i32
      scf.for %parallel_loop3A_1002 = %parallel_loop3A_945 to %parallel_loop3A_946 step %parallel_loop3A_947  : i32 {
        %parallel_loop3A_1003 = vector.broadcast %parallel_loop3A_1002 : i32 to vector<16xi32>
        %parallel_loop3A_1004 = tpu.vector_load_idx %arg7[%iota3A, %parallel_loop3A_1003] : memref<16x1040xf32, #tpu.memory_space<vmem>>[vector<16xi32>, vector<16xi32>], vector<16xf32>,
        %parallel_loop3A_1005 = arith.constant 3.200000e+01 : f32
        %parallel_loop3A_1006 = vector.broadcast %parallel_loop3A_1005 : f32 to vector<16xf32>
        %parallel_loop3A_1007 = arith.mulf %parallel_loop3A_1004, %parallel_loop3A_1006 : vector<16xf32>
        %parallel_loop3A_1008 = arith.constant -2.560000e+02 : f32
        %parallel_loop3A_1009 = vector.broadcast %parallel_loop3A_1008 : f32 to vector<16xf32>
        %parallel_loop3A_1010 = arith.subf %parallel_loop3A_1007, %parallel_loop3A_1009 : vector<16xf32>
        %parallel_loop3A_1011 = arith.constant 0.000000e+00 : f32
        %parallel_loop3A_1012 = arith.constant 5.110000e+02 : f32
        %parallel_loop3A_1013 = vector.broadcast %parallel_loop3A_1011 : f32 to vector<16xf32>
        %parallel_loop3A_1014 = arith.maximumf %parallel_loop3A_1013, %parallel_loop3A_1010 : vector<16xf32>
        %parallel_loop3A_1015 = vector.broadcast %parallel_loop3A_1012 : f32 to vector<16xf32>
        %parallel_loop3A_1016 = arith.minimumf %parallel_loop3A_1015, %parallel_loop3A_1014 : vector<16xf32>
        %parallel_loop3A_1017 = arith.fptosi %parallel_loop3A_1016 : vector<16xf32> to vector<16xi32>
        %parallel_loop3A_1018 = arith.constant 16 : i32
        %parallel_loop3A_1019 = vector.broadcast %parallel_loop3A_1018 : i32 to vector<16xi32>
        %parallel_loop3A_1020 = arith.muli %parallel_loop3A_1017, %parallel_loop3A_1019 : vector<16xi32>
        %parallel_loop3A_1021 = arith.addi %parallel_loop3A_1020, %iota3A : vector<16xi32>
        tpu.vector_store_idx %arg8[%parallel_loop3A_1021], %broadcast_in_dim3A_3 {add = true} : memref<8192xf32, #tpu.memory_space<vmem>>[vector<16xi32>], vector<16xf32>,
      } {sc.loop_unroll_factor = 8 : i64, sc.parallel_access}
      %add3A_948 = arith.constant 3 : i32
      %add3A_949 = arith.addi %add3A_924, %add3A_948 : i32
      %lt3A_950 = arith.constant 96 : i32
      %lt3A_951 = arith.cmpi slt, %add3A_949, %lt3A_950 : i32
      %convert_element_type3A_952 = arith.extui %lt3A_951 : i1 to i32
      %cond3A_953 = arith.constant 0 : i32
      %cond3A_954 = arith.cmpi ne, %convert_element_type3A_952, %cond3A_953 : i32
      scf.if %cond3A_954 {
        %mul3A_1002 = arith.constant 16 : i32
        %mul3A_1003 = arith.muli %add3A_949, %mul3A_1002 : i32
        %add3A_1004 = arith.addi %mul3A_2, %mul3A_1003 : i32
        %add3A_1005 = arith.constant 6 : i32
        %add3A_1006 = arith.addi %add3A_1004, %add3A_1005 : i32
        %dma_start3A_1007 = arith.constant 6 : i32
        %dma_start3A_1008 = arith.constant 0 : i32
        %dma_start3A_1009 = tpu.memref_slice %arg6[%dma_start3A_1007, %dma_start3A_1008] : memref<16x1040xf32, #tpu.memory_space<vmem>> -> memref<1x1024xf32, #tpu.memory_space<vmem>>
        %dma_start3A_1010 = arith.constant 0 : i32
        %dma_start3A_1011 = tpu.memref_slice %arg2[%add3A_1006, %dma_start3A_1010] : memref<49152x1024xf32, #tpu.memory_space<hbm>> -> memref<1x1024xf32, #tpu.memory_space<hbm>>
        %dma_start3A_1012 = arith.constant 6 : i32
        %dma_start3A_1013 = arith.constant 0 : i32
        %dma_start3A_1014 = tpu.memref_slice %arg6[%dma_start3A_1012, %dma_start3A_1013] : memref<16x1040xf32, #tpu.memory_space<vmem>> -> memref<1x1024xf32, #tpu.memory_space<vmem>>
        %dma_start3A_1015 = arith.constant 0 : i32
        %dma_start3A_1016 = tpu.memref_slice %arg2[%add3A_1006, %dma_start3A_1015] : memref<49152x1024xf32, #tpu.memory_space<hbm>> -> memref<1x1024xf32, #tpu.memory_space<hbm>>
        tpu.enqueue_dma source(%dma_start3A_1016 : memref<1x1024xf32, #tpu.memory_space<hbm>>) target(%dma_start3A_1014 : memref<1x1024xf32, #tpu.memory_space<vmem>>) target_semaphore(%arg12 : memref<!tpu.dma_semaphore, #tpu.memory_space<semaphore_mem>>)
        %mul3A_1017 = arith.constant 16 : i32
        %mul3A_1018 = arith.muli %add3A_949, %mul3A_1017 : i32
        %add3A_1019 = arith.addi %mul3A_2, %mul3A_1018 : i32
        %add3A_1020 = arith.constant 7 : i32
        %add3A_1021 = arith.addi %add3A_1019, %add3A_1020 : i32
        %dma_start3A_1022 = arith.constant 7 : i32
        %dma_start3A_1023 = arith.constant 0 : i32
        %dma_start3A_1024 = tpu.memref_slice %arg6[%dma_start3A_1022, %dma_start3A_1023] : memref<16x1040xf32, #tpu.memory_space<vmem>> -> memref<1x1024xf32, #tpu.memory_space<vmem>>
        %dma_start3A_1025 = arith.constant 0 : i32
        %dma_start3A_1026 = tpu.memref_slice %arg2[%add3A_1021, %dma_start3A_1025] : memref<49152x1024xf32, #tpu.memory_space<hbm>> -> memref<1x1024xf32, #tpu.memory_space<hbm>>
        %dma_start3A_1027 = arith.constant 7 : i32
        %dma_start3A_1028 = arith.constant 0 : i32
        %dma_start3A_1029 = tpu.memref_slice %arg6[%dma_start3A_1027, %dma_start3A_1028] : memref<16x1040xf32, #tpu.memory_space<vmem>> -> memref<1x1024xf32, #tpu.memory_space<vmem>>
        %dma_start3A_1030 = arith.constant 0 : i32
        %dma_start3A_1031 = tpu.memref_slice %arg2[%add3A_1021, %dma_start3A_1030] : memref<49152x1024xf32, #tpu.memory_space<hbm>> -> memref<1x1024xf32, #tpu.memory_space<hbm>>
        tpu.enqueue_dma source(%dma_start3A_1031 : memref<1x1024xf32, #tpu.memory_space<hbm>>) target(%dma_start3A_1029 : memref<1x1024xf32, #tpu.memory_space<vmem>>) target_semaphore(%arg12 : memref<!tpu.dma_semaphore, #tpu.memory_space<semaphore_mem>>)
        %mul3A_1032 = arith.constant 16 : i32
        %mul3A_1033 = arith.muli %add3A_949, %mul3A_1032 : i32
        %add3A_1034 = arith.addi %mul3A_2, %mul3A_1033 : i32
        %add3A_1035 = arith.constant 8 : i32
        %add3A_1036 = arith.addi %add3A_1034, %add3A_1035 : i32
        %dma_start3A_1037 = arith.constant 8 : i32
        %dma_start3A_1038 = arith.constant 0 : i32
        %dma_start3A_1039 = tpu.memref_slice %arg6[%dma_start3A_1037, %dma_start3A_1038] : memref<16x1040xf32, #tpu.memory_space<vmem>> -> memref<1x1024xf32, #tpu.memory_space<vmem>>
        %dma_start3A_1040 = arith.constant 0 : i32
        %dma_start3A_1041 = tpu.memref_slice %arg2[%add3A_1036, %dma_start3A_1040] : memref<49152x1024xf32, #tpu.memory_space<hbm>> -> memref<1x1024xf32, #tpu.memory_space<hbm>>
        %dma_start3A_1042 = arith.constant 8 : i32
        %dma_start3A_1043 = arith.constant 0 : i32
        %dma_start3A_1044 = tpu.memref_slice %arg6[%dma_start3A_1042, %dma_start3A_1043] : memref<16x1040xf32, #tpu.memory_space<vmem>> -> memref<1x1024xf32, #tpu.memory_space<vmem>>
        %dma_start3A_1045 = arith.constant 0 : i32
        %dma_start3A_1046 = tpu.memref_slice %arg2[%add3A_1036, %dma_start3A_1045] : memref<49152x1024xf32, #tpu.memory_space<hbm>> -> memref<1x1024xf32, #tpu.memory_space<hbm>>
        tpu.enqueue_dma source(%dma_start3A_1046 : memref<1x1024xf32, #tpu.memory_space<hbm>>) target(%dma_start3A_1044 : memref<1x1024xf32, #tpu.memory_space<vmem>>) target_semaphore(%arg12 : memref<!tpu.dma_semaphore, #tpu.memory_space<semaphore_mem>>)
        %mul3A_1047 = arith.constant 16 : i32
        %mul3A_1048 = arith.muli %add3A_949, %mul3A_1047 : i32
        %add3A_1049 = arith.addi %mul3A_2, %mul3A_1048 : i32
        %add3A_1050 = arith.constant 9 : i32
        %add3A_1051 = arith.addi %add3A_1049, %add3A_1050 : i32
        %dma_start3A_1052 = arith.constant 9 : i32
        %dma_start3A_1053 = arith.constant 0 : i32
        %dma_start3A_1054 = tpu.memref_slice %arg6[%dma_start3A_1052, %dma_start3A_1053] : memref<16x1040xf32, #tpu.memory_space<vmem>> -> memref<1x1024xf32, #tpu.memory_space<vmem>>
        %dma_start3A_1055 = arith.constant 0 : i32
        %dma_start3A_1056 = tpu.memref_slice %arg2[%add3A_1051, %dma_start3A_1055] : memref<49152x1024xf32, #tpu.memory_space<hbm>> -> memref<1x1024xf32, #tpu.memory_space<hbm>>
        %dma_start3A_1057 = arith.constant 9 : i32
        %dma_start3A_1058 = arith.constant 0 : i32
        %dma_start3A_1059 = tpu.memref_slice %arg6[%dma_start3A_1057, %dma_start3A_1058] : memref<16x1040xf32, #tpu.memory_space<vmem>> -> memref<1x1024xf32, #tpu.memory_space<vmem>>
        %dma_start3A_1060 = arith.constant 0 : i32
        %dma_start3A_1061 = tpu.memref_slice %arg2[%add3A_1051, %dma_start3A_1060] : memref<49152x1024xf32, #tpu.memory_space<hbm>> -> memref<1x1024xf32, #tpu.memory_space<hbm>>
        tpu.enqueue_dma source(%dma_start3A_1061 : memref<1x1024xf32, #tpu.memory_space<hbm>>) target(%dma_start3A_1059 : memref<1x1024xf32, #tpu.memory_space<vmem>>) target_semaphore(%arg12 : memref<!tpu.dma_semaphore, #tpu.memory_space<semaphore_mem>>)
        %mul3A_1062 = arith.constant 16 : i32
        %mul3A_1063 = arith.muli %add3A_949, %mul3A_1062 : i32
        %add3A_1064 = arith.addi %mul3A_2, %mul3A_1063 : i32
        %add3A_1065 = arith.constant 10 : i32
        %add3A_1066 = arith.addi %add3A_1064, %add3A_1065 : i32
        %dma_start3A_1067 = arith.constant 10 : i32
        %dma_start3A_1068 = arith.constant 0 : i32
        %dma_start3A_1069 = tpu.memref_slice %arg6[%dma_start3A_1067, %dma_start3A_1068] : memref<16x1040xf32, #tpu.memory_space<vmem>> -> memref<1x1024xf32, #tpu.memory_space<vmem>>
        %dma_start3A_1070 = arith.constant 0 : i32
        %dma_start3A_1071 = tpu.memref_slice %arg2[%add3A_1066, %dma_start3A_1070] : memref<49152x1024xf32, #tpu.memory_space<hbm>> -> memref<1x1024xf32, #tpu.memory_space<hbm>>
        %dma_start3A_1072 = arith.constant 10 : i32
        %dma_start3A_1073 = arith.constant 0 : i32
        %dma_start3A_1074 = tpu.memref_slice %arg6[%dma_start3A_1072, %dma_start3A_1073] : memref<16x1040xf32, #tpu.memory_space<vmem>> -> memref<1x1024xf32, #tpu.memory_space<vmem>>
        %dma_start3A_1075 = arith.constant 0 : i32
        %dma_start3A_1076 = tpu.memref_slice %arg2[%add3A_1066, %dma_start3A_1075] : memref<49152x1024xf32, #tpu.memory_space<hbm>> -> memref<1x1024xf32, #tpu.memory_space<hbm>>
        tpu.enqueue_dma source(%dma_start3A_1076 : memref<1x1024xf32, #tpu.memory_space<hbm>>) target(%dma_start3A_1074 : memref<1x1024xf32, #tpu.memory_space<vmem>>) target_semaphore(%arg12 : memref<!tpu.dma_semaphore, #tpu.memory_space<semaphore_mem>>)
      } else {
      }
      %parallel_loop3A_955 = arith.constant 0 : i32
      %parallel_loop3A_956 = arith.constant 512 : i32
      %parallel_loop3A_957 = arith.constant 8 : i32
      %parallel_loop3A_958:3 = scf.for %parallel_loop3A_1002 = %parallel_loop3A_955 to %parallel_loop3A_956 step %parallel_loop3A_957 iter_args(%parallel_loop3A_1003 = %broadcast_in_dim3A_5, %parallel_loop3A_1004 = %broadcast_in_dim3A_5, %parallel_loop3A_1005 = %broadcast_in_dim3A_5) -> (vector<16xf32>, vector<16xf32>, vector<16xf32>)  : i32 {
        %parallel_loop3A_1006 = arith.constant 0 : i32
        %parallel_loop3A_1007 = arith.addi %parallel_loop3A_1002, %parallel_loop3A_1006 : i32
        %parallel_loop3A_1008 = arith.constant 16 : i32
        %parallel_loop3A_1009 = arith.muli %parallel_loop3A_1007, %parallel_loop3A_1008 : i32
        %parallel_loop3A_1010 = arith.index_cast %parallel_loop3A_1009 : i32 to index
        %parallel_loop3A_1011 = tpu.vector_load %arg8[%parallel_loop3A_1010] {strides = array<i32>} : memref<8192xf32, #tpu.memory_space<vmem>>, vector<16xf32>,
        %parallel_loop3A_1012 = arith.constant 0 : i32
        %parallel_loop3A_1013 = arith.addi %parallel_loop3A_1002, %parallel_loop3A_1012 : i32
        %parallel_loop3A_1014 = arith.constant 16 : i32
        %parallel_loop3A_1015 = arith.muli %parallel_loop3A_1013, %parallel_loop3A_1014 : i32
        %parallel_loop3A_1016 = arith.index_cast %parallel_loop3A_1015 : i32 to index
        %parallel_loop3A_1017 = tpu.vector_load %arg8[%parallel_loop3A_1016] {strides = array<i32>} : memref<8192xf32, #tpu.memory_space<vmem>>, vector<16xf32>,
        tpu.vector_store %arg8[%parallel_loop3A_1016], %broadcast_in_dim3A_5 {strides = array<i32>} : memref<8192xf32, #tpu.memory_space<vmem>>, vector<16xf32>,
        %parallel_loop3A_1018 = arith.constant 1 : i32
        %parallel_loop3A_1019 = arith.addi %parallel_loop3A_1002, %parallel_loop3A_1018 : i32
        %parallel_loop3A_1020 = arith.constant 16 : i32
        %parallel_loop3A_1021 = arith.muli %parallel_loop3A_1019, %parallel_loop3A_1020 : i32
        %parallel_loop3A_1022 = arith.index_cast %parallel_loop3A_1021 : i32 to index
        %parallel_loop3A_1023 = tpu.vector_load %arg8[%parallel_loop3A_1022] {strides = array<i32>} : memref<8192xf32, #tpu.memory_space<vmem>>, vector<16xf32>,
        %parallel_loop3A_1024 = arith.constant 1 : i32
        %parallel_loop3A_1025 = arith.addi %parallel_loop3A_1002, %parallel_loop3A_1024 : i32
        %parallel_loop3A_1026 = arith.constant 16 : i32
        %parallel_loop3A_1027 = arith.muli %parallel_loop3A_1025, %parallel_loop3A_1026 : i32
        %parallel_loop3A_1028 = arith.index_cast %parallel_loop3A_1027 : i32 to index
        %parallel_loop3A_1029 = tpu.vector_load %arg8[%parallel_loop3A_1028] {strides = array<i32>} : memref<8192xf32, #tpu.memory_space<vmem>>, vector<16xf32>,
        tpu.vector_store %arg8[%parallel_loop3A_1028], %broadcast_in_dim3A_5 {strides = array<i32>} : memref<8192xf32, #tpu.memory_space<vmem>>, vector<16xf32>,
        %parallel_loop3A_1030 = arith.constant 2 : i32
        %parallel_loop3A_1031 = arith.addi %parallel_loop3A_1002, %parallel_loop3A_1030 : i32
        %parallel_loop3A_1032 = arith.constant 16 : i32
        %parallel_loop3A_1033 = arith.muli %parallel_loop3A_1031, %parallel_loop3A_1032 : i32
        %parallel_loop3A_1034 = arith.index_cast %parallel_loop3A_1033 : i32 to index
        %parallel_loop3A_1035 = tpu.vector_load %arg8[%parallel_loop3A_1034] {strides = array<i32>} : memref<8192xf32, #tpu.memory_space<vmem>>, vector<16xf32>,
        %parallel_loop3A_1036 = arith.constant 2 : i32
        %parallel_loop3A_1037 = arith.addi %parallel_loop3A_1002, %parallel_loop3A_1036 : i32
        %parallel_loop3A_1038 = arith.constant 16 : i32
        %parallel_loop3A_1039 = arith.muli %parallel_loop3A_1037, %parallel_loop3A_1038 : i32
        %parallel_loop3A_1040 = arith.index_cast %parallel_loop3A_1039 : i32 to index
        %parallel_loop3A_1041 = tpu.vector_load %arg8[%parallel_loop3A_1040] {strides = array<i32>} : memref<8192xf32, #tpu.memory_space<vmem>>, vector<16xf32>,
        tpu.vector_store %arg8[%parallel_loop3A_1040], %broadcast_in_dim3A_5 {strides = array<i32>} : memref<8192xf32, #tpu.memory_space<vmem>>, vector<16xf32>,
        %parallel_loop3A_1042 = arith.constant 3 : i32
        %parallel_loop3A_1043 = arith.addi %parallel_loop3A_1002, %parallel_loop3A_1042 : i32
        %parallel_loop3A_1044 = arith.constant 16 : i32
        %parallel_loop3A_1045 = arith.muli %parallel_loop3A_1043, %parallel_loop3A_1044 : i32
        %parallel_loop3A_1046 = arith.index_cast %parallel_loop3A_1045 : i32 to index
        %parallel_loop3A_1047 = tpu.vector_load %arg8[%parallel_loop3A_1046] {strides = array<i32>} : memref<8192xf32, #tpu.memory_space<vmem>>, vector<16xf32>,
        %parallel_loop3A_1048 = arith.constant 3 : i32
        %parallel_loop3A_1049 = arith.addi %parallel_loop3A_1002, %parallel_loop3A_1048 : i32
        %parallel_loop3A_1050 = arith.constant 16 : i32
        %parallel_loop3A_1051 = arith.muli %parallel_loop3A_1049, %parallel_loop3A_1050 : i32
        %parallel_loop3A_1052 = arith.index_cast %parallel_loop3A_1051 : i32 to index
        %parallel_loop3A_1053 = tpu.vector_load %arg8[%parallel_loop3A_1052] {strides = array<i32>} : memref<8192xf32, #tpu.memory_space<vmem>>, vector<16xf32>,
        tpu.vector_store %arg8[%parallel_loop3A_1052], %broadcast_in_dim3A_5 {strides = array<i32>} : memref<8192xf32, #tpu.memory_space<vmem>>, vector<16xf32>,
        %parallel_loop3A_1054 = arith.constant 4 : i32
        %parallel_loop3A_1055 = arith.addi %parallel_loop3A_1002, %parallel_loop3A_1054 : i32
        %parallel_loop3A_1056 = arith.constant 16 : i32
        %parallel_loop3A_1057 = arith.muli %parallel_loop3A_1055, %parallel_loop3A_1056 : i32
        %parallel_loop3A_1058 = arith.index_cast %parallel_loop3A_1057 : i32 to index
        %parallel_loop3A_1059 = tpu.vector_load %arg8[%parallel_loop3A_1058] {strides = array<i32>} : memref<8192xf32, #tpu.memory_space<vmem>>, vector<16xf32>,
        %parallel_loop3A_1060 = arith.constant 4 : i32
        %parallel_loop3A_1061 = arith.addi %parallel_loop3A_1002, %parallel_loop3A_1060 : i32
        %parallel_loop3A_1062 = arith.constant 16 : i32
        %parallel_loop3A_1063 = arith.muli %parallel_loop3A_1061, %parallel_loop3A_1062 : i32
        %parallel_loop3A_1064 = arith.index_cast %parallel_loop3A_1063 : i32 to index
        %parallel_loop3A_1065 = tpu.vector_load %arg8[%parallel_loop3A_1064] {strides = array<i32>} : memref<8192xf32, #tpu.memory_space<vmem>>, vector<16xf32>,
        tpu.vector_store %arg8[%parallel_loop3A_1064], %broadcast_in_dim3A_5 {strides = array<i32>} : memref<8192xf32, #tpu.memory_space<vmem>>, vector<16xf32>,
        %parallel_loop3A_1066 = arith.constant 5 : i32
        %parallel_loop3A_1067 = arith.addi %parallel_loop3A_1002, %parallel_loop3A_1066 : i32
        %parallel_loop3A_1068 = arith.constant 16 : i32
        %parallel_loop3A_1069 = arith.muli %parallel_loop3A_1067, %parallel_loop3A_1068 : i32
        %parallel_loop3A_1070 = arith.index_cast %parallel_loop3A_1069 : i32 to index
        %parallel_loop3A_1071 = tpu.vector_load %arg8[%parallel_loop3A_1070] {strides = array<i32>} : memref<8192xf32, #tpu.memory_space<vmem>>, vector<16xf32>,
        %parallel_loop3A_1072 = arith.constant 5 : i32
        %parallel_loop3A_1073 = arith.addi %parallel_loop3A_1002, %parallel_loop3A_1072 : i32
        %parallel_loop3A_1074 = arith.constant 16 : i32
        %parallel_loop3A_1075 = arith.muli %parallel_loop3A_1073, %parallel_loop3A_1074 : i32
        %parallel_loop3A_1076 = arith.index_cast %parallel_loop3A_1075 : i32 to index
        %parallel_loop3A_1077 = tpu.vector_load %arg8[%parallel_loop3A_1076] {strides = array<i32>} : memref<8192xf32, #tpu.memory_space<vmem>>, vector<16xf32>,
        tpu.vector_store %arg8[%parallel_loop3A_1076], %broadcast_in_dim3A_5 {strides = array<i32>} : memref<8192xf32, #tpu.memory_space<vmem>>, vector<16xf32>,
        %parallel_loop3A_1078 = arith.constant 6 : i32
        %parallel_loop3A_1079 = arith.addi %parallel_loop3A_1002, %parallel_loop3A_1078 : i32
        %parallel_loop3A_1080 = arith.constant 16 : i32
        %parallel_loop3A_1081 = arith.muli %parallel_loop3A_1079, %parallel_loop3A_1080 : i32
        %parallel_loop3A_1082 = arith.index_cast %parallel_loop3A_1081 : i32 to index
        %parallel_loop3A_1083 = tpu.vector_load %arg8[%parallel_loop3A_1082] {strides = array<i32>} : memref<8192xf32, #tpu.memory_space<vmem>>, vector<16xf32>,
        %parallel_loop3A_1084 = arith.constant 6 : i32
        %parallel_loop3A_1085 = arith.addi %parallel_loop3A_1002, %parallel_loop3A_1084 : i32
        %parallel_loop3A_1086 = arith.constant 16 : i32
        %parallel_loop3A_1087 = arith.muli %parallel_loop3A_1085, %parallel_loop3A_1086 : i32
        %parallel_loop3A_1088 = arith.index_cast %parallel_loop3A_1087 : i32 to index
        %parallel_loop3A_1089 = tpu.vector_load %arg8[%parallel_loop3A_1088] {strides = array<i32>} : memref<8192xf32, #tpu.memory_space<vmem>>, vector<16xf32>,
        tpu.vector_store %arg8[%parallel_loop3A_1088], %broadcast_in_dim3A_5 {strides = array<i32>} : memref<8192xf32, #tpu.memory_space<vmem>>, vector<16xf32>,
        %parallel_loop3A_1090 = arith.constant 7 : i32
        %parallel_loop3A_1091 = arith.addi %parallel_loop3A_1002, %parallel_loop3A_1090 : i32
        %parallel_loop3A_1092 = arith.constant 16 : i32
        %parallel_loop3A_1093 = arith.muli %parallel_loop3A_1091, %parallel_loop3A_1092 : i32
        %parallel_loop3A_1094 = arith.index_cast %parallel_loop3A_1093 : i32 to index
        %parallel_loop3A_1095 = tpu.vector_load %arg8[%parallel_loop3A_1094] {strides = array<i32>} : memref<8192xf32, #tpu.memory_space<vmem>>, vector<16xf32>,
        %parallel_loop3A_1096 = arith.constant 7 : i32
        %parallel_loop3A_1097 = arith.addi %parallel_loop3A_1002, %parallel_loop3A_1096 : i32
        %parallel_loop3A_1098 = arith.constant 16 : i32
        %parallel_loop3A_1099 = arith.muli %parallel_loop3A_1097, %parallel_loop3A_1098 : i32
        %parallel_loop3A_1100 = arith.index_cast %parallel_loop3A_1099 : i32 to index
        %parallel_loop3A_1101 = tpu.vector_load %arg8[%parallel_loop3A_1100] {strides = array<i32>} : memref<8192xf32, #tpu.memory_space<vmem>>, vector<16xf32>,
        tpu.vector_store %arg8[%parallel_loop3A_1100], %broadcast_in_dim3A_5 {strides = array<i32>} : memref<8192xf32, #tpu.memory_space<vmem>>, vector<16xf32>,
        %parallel_loop3A_1102 = arith.addf %parallel_loop3A_1023, %parallel_loop3A_1011 : vector<16xf32>
        %parallel_loop3A_1103 = arith.addf %parallel_loop3A_1035, %parallel_loop3A_1023 : vector<16xf32>
        %parallel_loop3A_1104 = arith.addf %parallel_loop3A_1047, %parallel_loop3A_1035 : vector<16xf32>
        %parallel_loop3A_1105 = arith.addf %parallel_loop3A_1059, %parallel_loop3A_1047 : vector<16xf32>
        %parallel_loop3A_1106 = arith.addf %parallel_loop3A_1071, %parallel_loop3A_1059 : vector<16xf32>
        %parallel_loop3A_1107 = arith.addf %parallel_loop3A_1083, %parallel_loop3A_1071 : vector<16xf32>
        %parallel_loop3A_1108 = arith.addf %parallel_loop3A_1095, %parallel_loop3A_1083 : vector<16xf32>
        %parallel_loop3A_1109 = arith.addf %parallel_loop3A_1103, %parallel_loop3A_1011 : vector<16xf32>
        %parallel_loop3A_1110 = arith.addf %parallel_loop3A_1104, %parallel_loop3A_1102 : vector<16xf32>
        %parallel_loop3A_1111 = arith.addf %parallel_loop3A_1105, %parallel_loop3A_1103 : vector<16xf32>
        %parallel_loop3A_1112 = arith.addf %parallel_loop3A_1106, %parallel_loop3A_1104 : vector<16xf32>
        %parallel_loop3A_1113 = arith.addf %parallel_loop3A_1107, %parallel_loop3A_1105 : vector<16xf32>
        %parallel_loop3A_1114 = arith.addf %parallel_loop3A_1108, %parallel_loop3A_1106 : vector<16xf32>
        %parallel_loop3A_1115 = arith.addf %parallel_loop3A_1111, %parallel_loop3A_1011 : vector<16xf32>
        %parallel_loop3A_1116 = arith.addf %parallel_loop3A_1112, %parallel_loop3A_1102 : vector<16xf32>
        %parallel_loop3A_1117 = arith.addf %parallel_loop3A_1113, %parallel_loop3A_1109 : vector<16xf32>
        %parallel_loop3A_1118 = arith.addf %parallel_loop3A_1114, %parallel_loop3A_1110 : vector<16xf32>
        %parallel_loop3A_1119 = arith.addf %parallel_loop3A_1003, %parallel_loop3A_1011 : vector<16xf32>
        %parallel_loop3A_1120 = arith.addf %parallel_loop3A_1003, %parallel_loop3A_1102 : vector<16xf32>
        %parallel_loop3A_1121 = arith.addf %parallel_loop3A_1003, %parallel_loop3A_1109 : vector<16xf32>
        %parallel_loop3A_1122 = arith.addf %parallel_loop3A_1003, %parallel_loop3A_1110 : vector<16xf32>
        %parallel_loop3A_1123 = arith.addf %parallel_loop3A_1003, %parallel_loop3A_1115 : vector<16xf32>
        %parallel_loop3A_1124 = arith.addf %parallel_loop3A_1003, %parallel_loop3A_1116 : vector<16xf32>
        %parallel_loop3A_1125 = arith.addf %parallel_loop3A_1003, %parallel_loop3A_1117 : vector<16xf32>
        %parallel_loop3A_1126 = arith.addf %parallel_loop3A_1003, %parallel_loop3A_1118 : vector<16xf32>
        %parallel_loop3A_1127 = arith.constant 8.200000e+02 : f32
        %parallel_loop3A_1128 = vector.broadcast %parallel_loop3A_1127 : f32 to vector<16xf32>
        %parallel_loop3A_1129 = arith.cmpf olt, %parallel_loop3A_1119, %parallel_loop3A_1128 : vector<16xf32>
        %parallel_loop3A_1130 = arith.constant 1.000000e+00 : f32
        %parallel_loop3A_1131 = arith.constant 0.000000e+00 : f32
        %parallel_loop3A_1132 = vector.broadcast %parallel_loop3A_1130 : f32 to vector<16xf32>
        %parallel_loop3A_1133 = vector.broadcast %parallel_loop3A_1131 : f32 to vector<16xf32>
        %parallel_loop3A_1134 = arith.select %parallel_loop3A_1129, %parallel_loop3A_1132, %parallel_loop3A_1133 : vector<16xi1>, vector<16xf32>
        %parallel_loop3A_1135 = arith.constant 8.200000e+02 : f32
        %parallel_loop3A_1136 = vector.broadcast %parallel_loop3A_1135 : f32 to vector<16xf32>
        %parallel_loop3A_1137 = arith.cmpf olt, %parallel_loop3A_1120, %parallel_loop3A_1136 : vector<16xf32>
        %parallel_loop3A_1138 = arith.constant 1.000000e+00 : f32
        %parallel_loop3A_1139 = arith.constant 0.000000e+00 : f32
        %parallel_loop3A_1140 = vector.broadcast %parallel_loop3A_1138 : f32 to vector<16xf32>
        %parallel_loop3A_1141 = vector.broadcast %parallel_loop3A_1139 : f32 to vector<16xf32>
        %parallel_loop3A_1142 = arith.select %parallel_loop3A_1137, %parallel_loop3A_1140, %parallel_loop3A_1141 : vector<16xi1>, vector<16xf32>
        %parallel_loop3A_1143 = arith.constant 8.200000e+02 : f32
        %parallel_loop3A_1144 = vector.broadcast %parallel_loop3A_1143 : f32 to vector<16xf32>
        %parallel_loop3A_1145 = arith.cmpf olt, %parallel_loop3A_1121, %parallel_loop3A_1144 : vector<16xf32>
        %parallel_loop3A_1146 = arith.constant 1.000000e+00 : f32
        %parallel_loop3A_1147 = arith.constant 0.000000e+00 : f32
        %parallel_loop3A_1148 = vector.broadcast %parallel_loop3A_1146 : f32 to vector<16xf32>
        %parallel_loop3A_1149 = vector.broadcast %parallel_loop3A_1147 : f32 to vector<16xf32>
        %parallel_loop3A_1150 = arith.select %parallel_loop3A_1145, %parallel_loop3A_1148, %parallel_loop3A_1149 : vector<16xi1>, vector<16xf32>
        %parallel_loop3A_1151 = arith.constant 8.200000e+02 : f32
        %parallel_loop3A_1152 = vector.broadcast %parallel_loop3A_1151 : f32 to vector<16xf32>
        %parallel_loop3A_1153 = arith.cmpf olt, %parallel_loop3A_1122, %parallel_loop3A_1152 : vector<16xf32>
        %parallel_loop3A_1154 = arith.constant 1.000000e+00 : f32
        %parallel_loop3A_1155 = arith.constant 0.000000e+00 : f32
        %parallel_loop3A_1156 = vector.broadcast %parallel_loop3A_1154 : f32 to vector<16xf32>
        %parallel_loop3A_1157 = vector.broadcast %parallel_loop3A_1155 : f32 to vector<16xf32>
        %parallel_loop3A_1158 = arith.select %parallel_loop3A_1153, %parallel_loop3A_1156, %parallel_loop3A_1157 : vector<16xi1>, vector<16xf32>
        %parallel_loop3A_1159 = arith.constant 8.200000e+02 : f32
        %parallel_loop3A_1160 = vector.broadcast %parallel_loop3A_1159 : f32 to vector<16xf32>
        %parallel_loop3A_1161 = arith.cmpf olt, %parallel_loop3A_1123, %parallel_loop3A_1160 : vector<16xf32>
        %parallel_loop3A_1162 = arith.constant 1.000000e+00 : f32
        %parallel_loop3A_1163 = arith.constant 0.000000e+00 : f32
        %parallel_loop3A_1164 = vector.broadcast %parallel_loop3A_1162 : f32 to vector<16xf32>
        %parallel_loop3A_1165 = vector.broadcast %parallel_loop3A_1163 : f32 to vector<16xf32>
        %parallel_loop3A_1166 = arith.select %parallel_loop3A_1161, %parallel_loop3A_1164, %parallel_loop3A_1165 : vector<16xi1>, vector<16xf32>
        %parallel_loop3A_1167 = arith.constant 8.200000e+02 : f32
        %parallel_loop3A_1168 = vector.broadcast %parallel_loop3A_1167 : f32 to vector<16xf32>
        %parallel_loop3A_1169 = arith.cmpf olt, %parallel_loop3A_1124, %parallel_loop3A_1168 : vector<16xf32>
        %parallel_loop3A_1170 = arith.constant 1.000000e+00 : f32
        %parallel_loop3A_1171 = arith.constant 0.000000e+00 : f32
        %parallel_loop3A_1172 = vector.broadcast %parallel_loop3A_1170 : f32 to vector<16xf32>
        %parallel_loop3A_1173 = vector.broadcast %parallel_loop3A_1171 : f32 to vector<16xf32>
        %parallel_loop3A_1174 = arith.select %parallel_loop3A_1169, %parallel_loop3A_1172, %parallel_loop3A_1173 : vector<16xi1>, vector<16xf32>
        %parallel_loop3A_1175 = arith.constant 8.200000e+02 : f32
        %parallel_loop3A_1176 = vector.broadcast %parallel_loop3A_1175 : f32 to vector<16xf32>
        %parallel_loop3A_1177 = arith.cmpf olt, %parallel_loop3A_1125, %parallel_loop3A_1176 : vector<16xf32>
        %parallel_loop3A_1178 = arith.constant 1.000000e+00 : f32
        %parallel_loop3A_1179 = arith.constant 0.000000e+00 : f32
        %parallel_loop3A_1180 = vector.broadcast %parallel_loop3A_1178 : f32 to vector<16xf32>
        %parallel_loop3A_1181 = vector.broadcast %parallel_loop3A_1179 : f32 to vector<16xf32>
        %parallel_loop3A_1182 = arith.select %parallel_loop3A_1177, %parallel_loop3A_1180, %parallel_loop3A_1181 : vector<16xi1>, vector<16xf32>
        %parallel_loop3A_1183 = arith.constant 8.200000e+02 : f32
        %parallel_loop3A_1184 = vector.broadcast %parallel_loop3A_1183 : f32 to vector<16xf32>
        %parallel_loop3A_1185 = arith.cmpf olt, %parallel_loop3A_1126, %parallel_loop3A_1184 : vector<16xf32>
        %parallel_loop3A_1186 = arith.constant 1.000000e+00 : f32
        %parallel_loop3A_1187 = arith.constant 0.000000e+00 : f32
        %parallel_loop3A_1188 = vector.broadcast %parallel_loop3A_1186 : f32 to vector<16xf32>
        %parallel_loop3A_1189 = vector.broadcast %parallel_loop3A_1187 : f32 to vector<16xf32>
        %parallel_loop3A_1190 = arith.select %parallel_loop3A_1185, %parallel_loop3A_1188, %parallel_loop3A_1189 : vector<16xi1>, vector<16xf32>
        %parallel_loop3A_1191 = arith.addf %parallel_loop3A_1134, %parallel_loop3A_1142 : vector<16xf32>
        %parallel_loop3A_1192 = arith.addf %parallel_loop3A_1150, %parallel_loop3A_1158 : vector<16xf32>
        %parallel_loop3A_1193 = arith.addf %parallel_loop3A_1166, %parallel_loop3A_1174 : vector<16xf32>
        %parallel_loop3A_1194 = arith.addf %parallel_loop3A_1182, %parallel_loop3A_1190 : vector<16xf32>
        %parallel_loop3A_1195 = arith.addf %parallel_loop3A_1191, %parallel_loop3A_1192 : vector<16xf32>
        %parallel_loop3A_1196 = arith.addf %parallel_loop3A_1193, %parallel_loop3A_1194 : vector<16xf32>
        %parallel_loop3A_1197 = arith.addf %parallel_loop3A_1195, %parallel_loop3A_1196 : vector<16xf32>
        %parallel_loop3A_1198 = arith.constant 2.050000e+02 : f32
        %parallel_loop3A_1199 = vector.broadcast %parallel_loop3A_1198 : f32 to vector<16xf32>
        %parallel_loop3A_1200 = arith.cmpf olt, %parallel_loop3A_1119, %parallel_loop3A_1199 : vector<16xf32>
        %parallel_loop3A_1201 = arith.constant 1.000000e+00 : f32
        %parallel_loop3A_1202 = arith.constant 0.000000e+00 : f32
        %parallel_loop3A_1203 = vector.broadcast %parallel_loop3A_1201 : f32 to vector<16xf32>
        %parallel_loop3A_1204 = vector.broadcast %parallel_loop3A_1202 : f32 to vector<16xf32>
        %parallel_loop3A_1205 = arith.select %parallel_loop3A_1200, %parallel_loop3A_1203, %parallel_loop3A_1204 : vector<16xi1>, vector<16xf32>
        %parallel_loop3A_1206 = arith.constant 2.050000e+02 : f32
        %parallel_loop3A_1207 = vector.broadcast %parallel_loop3A_1206 : f32 to vector<16xf32>
        %parallel_loop3A_1208 = arith.cmpf olt, %parallel_loop3A_1120, %parallel_loop3A_1207 : vector<16xf32>
        %parallel_loop3A_1209 = arith.constant 1.000000e+00 : f32
        %parallel_loop3A_1210 = arith.constant 0.000000e+00 : f32
        %parallel_loop3A_1211 = vector.broadcast %parallel_loop3A_1209 : f32 to vector<16xf32>
        %parallel_loop3A_1212 = vector.broadcast %parallel_loop3A_1210 : f32 to vector<16xf32>
        %parallel_loop3A_1213 = arith.select %parallel_loop3A_1208, %parallel_loop3A_1211, %parallel_loop3A_1212 : vector<16xi1>, vector<16xf32>
        %parallel_loop3A_1214 = arith.constant 2.050000e+02 : f32
        %parallel_loop3A_1215 = vector.broadcast %parallel_loop3A_1214 : f32 to vector<16xf32>
        %parallel_loop3A_1216 = arith.cmpf olt, %parallel_loop3A_1121, %parallel_loop3A_1215 : vector<16xf32>
        %parallel_loop3A_1217 = arith.constant 1.000000e+00 : f32
        %parallel_loop3A_1218 = arith.constant 0.000000e+00 : f32
        %parallel_loop3A_1219 = vector.broadcast %parallel_loop3A_1217 : f32 to vector<16xf32>
        %parallel_loop3A_1220 = vector.broadcast %parallel_loop3A_1218 : f32 to vector<16xf32>
        %parallel_loop3A_1221 = arith.select %parallel_loop3A_1216, %parallel_loop3A_1219, %parallel_loop3A_1220 : vector<16xi1>, vector<16xf32>
        %parallel_loop3A_1222 = arith.constant 2.050000e+02 : f32
        %parallel_loop3A_1223 = vector.broadcast %parallel_loop3A_1222 : f32 to vector<16xf32>
        %parallel_loop3A_1224 = arith.cmpf olt, %parallel_loop3A_1122, %parallel_loop3A_1223 : vector<16xf32>
        %parallel_loop3A_1225 = arith.constant 1.000000e+00 : f32
        %parallel_loop3A_1226 = arith.constant 0.000000e+00 : f32
        %parallel_loop3A_1227 = vector.broadcast %parallel_loop3A_1225 : f32 to vector<16xf32>
        %parallel_loop3A_1228 = vector.broadcast %parallel_loop3A_1226 : f32 to vector<16xf32>
        %parallel_loop3A_1229 = arith.select %parallel_loop3A_1224, %parallel_loop3A_1227, %parallel_loop3A_1228 : vector<16xi1>, vector<16xf32>
        %parallel_loop3A_1230 = arith.constant 2.050000e+02 : f32
        %parallel_loop3A_1231 = vector.broadcast %parallel_loop3A_1230 : f32 to vector<16xf32>
        %parallel_loop3A_1232 = arith.cmpf olt, %parallel_loop3A_1123, %parallel_loop3A_1231 : vector<16xf32>
        %parallel_loop3A_1233 = arith.constant 1.000000e+00 : f32
        %parallel_loop3A_1234 = arith.constant 0.000000e+00 : f32
        %parallel_loop3A_1235 = vector.broadcast %parallel_loop3A_1233 : f32 to vector<16xf32>
        %parallel_loop3A_1236 = vector.broadcast %parallel_loop3A_1234 : f32 to vector<16xf32>
        %parallel_loop3A_1237 = arith.select %parallel_loop3A_1232, %parallel_loop3A_1235, %parallel_loop3A_1236 : vector<16xi1>, vector<16xf32>
        %parallel_loop3A_1238 = arith.constant 2.050000e+02 : f32
        %parallel_loop3A_1239 = vector.broadcast %parallel_loop3A_1238 : f32 to vector<16xf32>
        %parallel_loop3A_1240 = arith.cmpf olt, %parallel_loop3A_1124, %parallel_loop3A_1239 : vector<16xf32>
        %parallel_loop3A_1241 = arith.constant 1.000000e+00 : f32
        %parallel_loop3A_1242 = arith.constant 0.000000e+00 : f32
        %parallel_loop3A_1243 = vector.broadcast %parallel_loop3A_1241 : f32 to vector<16xf32>
        %parallel_loop3A_1244 = vector.broadcast %parallel_loop3A_1242 : f32 to vector<16xf32>
        %parallel_loop3A_1245 = arith.select %parallel_loop3A_1240, %parallel_loop3A_1243, %parallel_loop3A_1244 : vector<16xi1>, vector<16xf32>
        %parallel_loop3A_1246 = arith.constant 2.050000e+02 : f32
        %parallel_loop3A_1247 = vector.broadcast %parallel_loop3A_1246 : f32 to vector<16xf32>
        %parallel_loop3A_1248 = arith.cmpf olt, %parallel_loop3A_1125, %parallel_loop3A_1247 : vector<16xf32>
        %parallel_loop3A_1249 = arith.constant 1.000000e+00 : f32
        %parallel_loop3A_1250 = arith.constant 0.000000e+00 : f32
        %parallel_loop3A_1251 = vector.broadcast %parallel_loop3A_1249 : f32 to vector<16xf32>
        %parallel_loop3A_1252 = vector.broadcast %parallel_loop3A_1250 : f32 to vector<16xf32>
        %parallel_loop3A_1253 = arith.select %parallel_loop3A_1248, %parallel_loop3A_1251, %parallel_loop3A_1252 : vector<16xi1>, vector<16xf32>
        %parallel_loop3A_1254 = arith.constant 2.050000e+02 : f32
        %parallel_loop3A_1255 = vector.broadcast %parallel_loop3A_1254 : f32 to vector<16xf32>
        %parallel_loop3A_1256 = arith.cmpf olt, %parallel_loop3A_1126, %parallel_loop3A_1255 : vector<16xf32>
        %parallel_loop3A_1257 = arith.constant 1.000000e+00 : f32
        %parallel_loop3A_1258 = arith.constant 0.000000e+00 : f32
        %parallel_loop3A_1259 = vector.broadcast %parallel_loop3A_1257 : f32 to vector<16xf32>
        %parallel_loop3A_1260 = vector.broadcast %parallel_loop3A_1258 : f32 to vector<16xf32>
        %parallel_loop3A_1261 = arith.select %parallel_loop3A_1256, %parallel_loop3A_1259, %parallel_loop3A_1260 : vector<16xi1>, vector<16xf32>
        %parallel_loop3A_1262 = arith.addf %parallel_loop3A_1205, %parallel_loop3A_1213 : vector<16xf32>
        %parallel_loop3A_1263 = arith.addf %parallel_loop3A_1221, %parallel_loop3A_1229 : vector<16xf32>
        %parallel_loop3A_1264 = arith.addf %parallel_loop3A_1237, %parallel_loop3A_1245 : vector<16xf32>
        %parallel_loop3A_1265 = arith.addf %parallel_loop3A_1253, %parallel_loop3A_1261 : vector<16xf32>
        %parallel_loop3A_1266 = arith.addf %parallel_loop3A_1262, %parallel_loop3A_1263 : vector<16xf32>
        %parallel_loop3A_1267 = arith.addf %parallel_loop3A_1264, %parallel_loop3A_1265 : vector<16xf32>
        %parallel_loop3A_1268 = arith.addf %parallel_loop3A_1266, %parallel_loop3A_1267 : vector<16xf32>
        %parallel_loop3A_1269 = arith.addf %parallel_loop3A_1004, %parallel_loop3A_1197 : vector<16xf32>
        %parallel_loop3A_1270 = arith.addf %parallel_loop3A_1005, %parallel_loop3A_1268 : vector<16xf32>
        scf.yield %parallel_loop3A_1126, %parallel_loop3A_1269, %parallel_loop3A_1270 : vector<16xf32>, vector<16xf32>, vector<16xf32>
      } {sc.loop_unroll_factor = 1 : i64, sc.parallel_access}
      %mul3A_959 = arith.constant 3.125000e-02 : f32
      %mul3A_960 = vector.broadcast %mul3A_959 : f32 to vector<16xf32>
      %mul3A_961 = arith.mulf %parallel_loop3A_958#1, %mul3A_960 : vector<16xf32>
      %add3A_962 = arith.constant -8.000000e+00 : f32
      %add3A_963 = vector.broadcast %add3A_962 : f32 to vector<16xf32>
      %add3A_964 = arith.addf %add3A_963, %mul3A_961 : vector<16xf32>
      %add3A_965 = arith.constant 1.000000e+00 : f32
      %add3A_966 = vector.broadcast %add3A_965 : f32 to vector<16xf32>
      %add3A_967 = arith.addf %parallel_loop3A_958#2, %add3A_966 : vector<16xf32>
      %mul3A_968 = arith.constant 3.125000e-02 : f32
      %mul3A_969 = vector.broadcast %mul3A_968 : f32 to vector<16xf32>
      %mul3A_970 = arith.mulf %add3A_967, %mul3A_969 : vector<16xf32>
      %add3A_971 = arith.constant -8.000000e+00 : f32
      %add3A_972 = vector.broadcast %add3A_971 : f32 to vector<16xf32>
      %add3A_973 = arith.addf %add3A_972, %mul3A_970 : vector<16xf32>
      %parallel_loop3A_974 = arith.constant 0 : i32
      %parallel_loop3A_975 = arith.constant 1024 : i32
      %parallel_loop3A_976 = arith.constant 8 : i32
      %parallel_loop3A_977:2 = scf.for %parallel_loop3A_1002 = %parallel_loop3A_974 to %parallel_loop3A_975 step %parallel_loop3A_976 iter_args(%parallel_loop3A_1003 = %broadcast_in_dim3A_5, %parallel_loop3A_1004 = %broadcast_in_dim3A_5) -> (vector<16xf32>, vector<16xf32>)  : i32 {
        %parallel_loop3A_1005 = arith.constant 0 : i32
        %parallel_loop3A_1006 = arith.addi %parallel_loop3A_1002, %parallel_loop3A_1005 : i32
        %parallel_loop3A_1007 = vector.broadcast %parallel_loop3A_1006 : i32 to vector<16xi32>
        %parallel_loop3A_1008 = tpu.vector_load_idx %arg7[%iota3A, %parallel_loop3A_1007] : memref<16x1040xf32, #tpu.memory_space<vmem>>[vector<16xi32>, vector<16xi32>], vector<16xf32>,
        %parallel_loop3A_1009 = arith.subf %parallel_loop3A_1008, %add3A_964 : vector<16xf32>
        %parallel_loop3A_1010 = arith.constant 0.000000e+00 : f32
        %parallel_loop3A_1011 = vector.broadcast %parallel_loop3A_1010 : f32 to vector<16xf32>
        %parallel_loop3A_1012 = arith.maximumf %parallel_loop3A_1009, %parallel_loop3A_1011 : vector<16xf32>
        %parallel_loop3A_1013 = arith.subf %add3A_973, %parallel_loop3A_1008 : vector<16xf32>
        %parallel_loop3A_1014 = arith.constant 0.000000e+00 : f32
        %parallel_loop3A_1015 = vector.broadcast %parallel_loop3A_1014 : f32 to vector<16xf32>
        %parallel_loop3A_1016 = arith.maximumf %parallel_loop3A_1013, %parallel_loop3A_1015 : vector<16xf32>
        %parallel_loop3A_1017 = arith.constant 1 : i32
        %parallel_loop3A_1018 = arith.addi %parallel_loop3A_1002, %parallel_loop3A_1017 : i32
        %parallel_loop3A_1019 = vector.broadcast %parallel_loop3A_1018 : i32 to vector<16xi32>
        %parallel_loop3A_1020 = tpu.vector_load_idx %arg7[%iota3A, %parallel_loop3A_1019] : memref<16x1040xf32, #tpu.memory_space<vmem>>[vector<16xi32>, vector<16xi32>], vector<16xf32>,
        %parallel_loop3A_1021 = arith.subf %parallel_loop3A_1020, %add3A_964 : vector<16xf32>
        %parallel_loop3A_1022 = arith.constant 0.000000e+00 : f32
        %parallel_loop3A_1023 = vector.broadcast %parallel_loop3A_1022 : f32 to vector<16xf32>
        %parallel_loop3A_1024 = arith.maximumf %parallel_loop3A_1021, %parallel_loop3A_1023 : vector<16xf32>
        %parallel_loop3A_1025 = arith.subf %add3A_973, %parallel_loop3A_1020 : vector<16xf32>
        %parallel_loop3A_1026 = arith.constant 0.000000e+00 : f32
        %parallel_loop3A_1027 = vector.broadcast %parallel_loop3A_1026 : f32 to vector<16xf32>
        %parallel_loop3A_1028 = arith.maximumf %parallel_loop3A_1025, %parallel_loop3A_1027 : vector<16xf32>
        %parallel_loop3A_1029 = arith.constant 2 : i32
        %parallel_loop3A_1030 = arith.addi %parallel_loop3A_1002, %parallel_loop3A_1029 : i32
        %parallel_loop3A_1031 = vector.broadcast %parallel_loop3A_1030 : i32 to vector<16xi32>
        %parallel_loop3A_1032 = tpu.vector_load_idx %arg7[%iota3A, %parallel_loop3A_1031] : memref<16x1040xf32, #tpu.memory_space<vmem>>[vector<16xi32>, vector<16xi32>], vector<16xf32>,
        %parallel_loop3A_1033 = arith.subf %parallel_loop3A_1032, %add3A_964 : vector<16xf32>
        %parallel_loop3A_1034 = arith.constant 0.000000e+00 : f32
        %parallel_loop3A_1035 = vector.broadcast %parallel_loop3A_1034 : f32 to vector<16xf32>
        %parallel_loop3A_1036 = arith.maximumf %parallel_loop3A_1033, %parallel_loop3A_1035 : vector<16xf32>
        %parallel_loop3A_1037 = arith.subf %add3A_973, %parallel_loop3A_1032 : vector<16xf32>
        %parallel_loop3A_1038 = arith.constant 0.000000e+00 : f32
        %parallel_loop3A_1039 = vector.broadcast %parallel_loop3A_1038 : f32 to vector<16xf32>
        %parallel_loop3A_1040 = arith.maximumf %parallel_loop3A_1037, %parallel_loop3A_1039 : vector<16xf32>
        %parallel_loop3A_1041 = arith.constant 3 : i32
        %parallel_loop3A_1042 = arith.addi %parallel_loop3A_1002, %parallel_loop3A_1041 : i32
        %parallel_loop3A_1043 = vector.broadcast %parallel_loop3A_1042 : i32 to vector<16xi32>
        %parallel_loop3A_1044 = tpu.vector_load_idx %arg7[%iota3A, %parallel_loop3A_1043] : memref<16x1040xf32, #tpu.memory_space<vmem>>[vector<16xi32>, vector<16xi32>], vector<16xf32>,
        %parallel_loop3A_1045 = arith.subf %parallel_loop3A_1044, %add3A_964 : vector<16xf32>
        %parallel_loop3A_1046 = arith.constant 0.000000e+00 : f32
        %parallel_loop3A_1047 = vector.broadcast %parallel_loop3A_1046 : f32 to vector<16xf32>
        %parallel_loop3A_1048 = arith.maximumf %parallel_loop3A_1045, %parallel_loop3A_1047 : vector<16xf32>
        %parallel_loop3A_1049 = arith.subf %add3A_973, %parallel_loop3A_1044 : vector<16xf32>
        %parallel_loop3A_1050 = arith.constant 0.000000e+00 : f32
        %parallel_loop3A_1051 = vector.broadcast %parallel_loop3A_1050 : f32 to vector<16xf32>
        %parallel_loop3A_1052 = arith.maximumf %parallel_loop3A_1049, %parallel_loop3A_1051 : vector<16xf32>
        %parallel_loop3A_1053 = arith.constant 4 : i32
        %parallel_loop3A_1054 = arith.addi %parallel_loop3A_1002, %parallel_loop3A_1053 : i32
        %parallel_loop3A_1055 = vector.broadcast %parallel_loop3A_1054 : i32 to vector<16xi32>
        %parallel_loop3A_1056 = tpu.vector_load_idx %arg7[%iota3A, %parallel_loop3A_1055] : memref<16x1040xf32, #tpu.memory_space<vmem>>[vector<16xi32>, vector<16xi32>], vector<16xf32>,
        %parallel_loop3A_1057 = arith.subf %parallel_loop3A_1056, %add3A_964 : vector<16xf32>
        %parallel_loop3A_1058 = arith.constant 0.000000e+00 : f32
        %parallel_loop3A_1059 = vector.broadcast %parallel_loop3A_1058 : f32 to vector<16xf32>
        %parallel_loop3A_1060 = arith.maximumf %parallel_loop3A_1057, %parallel_loop3A_1059 : vector<16xf32>
        %parallel_loop3A_1061 = arith.subf %add3A_973, %parallel_loop3A_1056 : vector<16xf32>
        %parallel_loop3A_1062 = arith.constant 0.000000e+00 : f32
        %parallel_loop3A_1063 = vector.broadcast %parallel_loop3A_1062 : f32 to vector<16xf32>
        %parallel_loop3A_1064 = arith.maximumf %parallel_loop3A_1061, %parallel_loop3A_1063 : vector<16xf32>
        %parallel_loop3A_1065 = arith.constant 5 : i32
        %parallel_loop3A_1066 = arith.addi %parallel_loop3A_1002, %parallel_loop3A_1065 : i32
        %parallel_loop3A_1067 = vector.broadcast %parallel_loop3A_1066 : i32 to vector<16xi32>
        %parallel_loop3A_1068 = tpu.vector_load_idx %arg7[%iota3A, %parallel_loop3A_1067] : memref<16x1040xf32, #tpu.memory_space<vmem>>[vector<16xi32>, vector<16xi32>], vector<16xf32>,
        %parallel_loop3A_1069 = arith.subf %parallel_loop3A_1068, %add3A_964 : vector<16xf32>
        %parallel_loop3A_1070 = arith.constant 0.000000e+00 : f32
        %parallel_loop3A_1071 = vector.broadcast %parallel_loop3A_1070 : f32 to vector<16xf32>
        %parallel_loop3A_1072 = arith.maximumf %parallel_loop3A_1069, %parallel_loop3A_1071 : vector<16xf32>
        %parallel_loop3A_1073 = arith.subf %add3A_973, %parallel_loop3A_1068 : vector<16xf32>
        %parallel_loop3A_1074 = arith.constant 0.000000e+00 : f32
        %parallel_loop3A_1075 = vector.broadcast %parallel_loop3A_1074 : f32 to vector<16xf32>
        %parallel_loop3A_1076 = arith.maximumf %parallel_loop3A_1073, %parallel_loop3A_1075 : vector<16xf32>
        %parallel_loop3A_1077 = arith.constant 6 : i32
        %parallel_loop3A_1078 = arith.addi %parallel_loop3A_1002, %parallel_loop3A_1077 : i32
        %parallel_loop3A_1079 = vector.broadcast %parallel_loop3A_1078 : i32 to vector<16xi32>
        %parallel_loop3A_1080 = tpu.vector_load_idx %arg7[%iota3A, %parallel_loop3A_1079] : memref<16x1040xf32, #tpu.memory_space<vmem>>[vector<16xi32>, vector<16xi32>], vector<16xf32>,
        %parallel_loop3A_1081 = arith.subf %parallel_loop3A_1080, %add3A_964 : vector<16xf32>
        %parallel_loop3A_1082 = arith.constant 0.000000e+00 : f32
        %parallel_loop3A_1083 = vector.broadcast %parallel_loop3A_1082 : f32 to vector<16xf32>
        %parallel_loop3A_1084 = arith.maximumf %parallel_loop3A_1081, %parallel_loop3A_1083 : vector<16xf32>
        %parallel_loop3A_1085 = arith.subf %add3A_973, %parallel_loop3A_1080 : vector<16xf32>
        %parallel_loop3A_1086 = arith.constant 0.000000e+00 : f32
        %parallel_loop3A_1087 = vector.broadcast %parallel_loop3A_1086 : f32 to vector<16xf32>
        %parallel_loop3A_1088 = arith.maximumf %parallel_loop3A_1085, %parallel_loop3A_1087 : vector<16xf32>
        %parallel_loop3A_1089 = arith.constant 7 : i32
        %parallel_loop3A_1090 = arith.addi %parallel_loop3A_1002, %parallel_loop3A_1089 : i32
        %parallel_loop3A_1091 = vector.broadcast %parallel_loop3A_1090 : i32 to vector<16xi32>
        %parallel_loop3A_1092 = tpu.vector_load_idx %arg7[%iota3A, %parallel_loop3A_1091] : memref<16x1040xf32, #tpu.memory_space<vmem>>[vector<16xi32>, vector<16xi32>], vector<16xf32>,
        %parallel_loop3A_1093 = arith.subf %parallel_loop3A_1092, %add3A_964 : vector<16xf32>
        %parallel_loop3A_1094 = arith.constant 0.000000e+00 : f32
        %parallel_loop3A_1095 = vector.broadcast %parallel_loop3A_1094 : f32 to vector<16xf32>
        %parallel_loop3A_1096 = arith.maximumf %parallel_loop3A_1093, %parallel_loop3A_1095 : vector<16xf32>
        %parallel_loop3A_1097 = arith.subf %add3A_973, %parallel_loop3A_1092 : vector<16xf32>
        %parallel_loop3A_1098 = arith.constant 0.000000e+00 : f32
        %parallel_loop3A_1099 = vector.broadcast %parallel_loop3A_1098 : f32 to vector<16xf32>
        %parallel_loop3A_1100 = arith.maximumf %parallel_loop3A_1097, %parallel_loop3A_1099 : vector<16xf32>
        %parallel_loop3A_1101 = arith.addf %parallel_loop3A_1012, %parallel_loop3A_1024 : vector<16xf32>
        %parallel_loop3A_1102 = arith.addf %parallel_loop3A_1036, %parallel_loop3A_1048 : vector<16xf32>
        %parallel_loop3A_1103 = arith.addf %parallel_loop3A_1060, %parallel_loop3A_1072 : vector<16xf32>
        %parallel_loop3A_1104 = arith.addf %parallel_loop3A_1084, %parallel_loop3A_1096 : vector<16xf32>
        %parallel_loop3A_1105 = arith.addf %parallel_loop3A_1101, %parallel_loop3A_1102 : vector<16xf32>
        %parallel_loop3A_1106 = arith.addf %parallel_loop3A_1103, %parallel_loop3A_1104 : vector<16xf32>
        %parallel_loop3A_1107 = arith.addf %parallel_loop3A_1105, %parallel_loop3A_1106 : vector<16xf32>
        %parallel_loop3A_1108 = arith.addf %parallel_loop3A_1003, %parallel_loop3A_1107 : vector<16xf32>
        %parallel_loop3A_1109 = arith.addf %parallel_loop3A_1016, %parallel_loop3A_1028 : vector<16xf32>
        %parallel_loop3A_1110 = arith.addf %parallel_loop3A_1040, %parallel_loop3A_1052 : vector<16xf32>
        %parallel_loop3A_1111 = arith.addf %parallel_loop3A_1064, %parallel_loop3A_1076 : vector<16xf32>
        %parallel_loop3A_1112 = arith.addf %parallel_loop3A_1088, %parallel_loop3A_1100 : vector<16xf32>
        %parallel_loop3A_1113 = arith.addf %parallel_loop3A_1109, %parallel_loop3A_1110 : vector<16xf32>
        %parallel_loop3A_1114 = arith.addf %parallel_loop3A_1111, %parallel_loop3A_1112 : vector<16xf32>
        %parallel_loop3A_1115 = arith.addf %parallel_loop3A_1113, %parallel_loop3A_1114 : vector<16xf32>
        %parallel_loop3A_1116 = arith.addf %parallel_loop3A_1004, %parallel_loop3A_1115 : vector<16xf32>
        scf.yield %parallel_loop3A_1108, %parallel_loop3A_1116 : vector<16xf32>, vector<16xf32>
      } {sc.loop_unroll_factor = 1 : i64, sc.parallel_access}
      %add3A_978 = arith.constant 3 : i32
      %add3A_979 = arith.addi %add3A_924, %add3A_978 : i32
      %lt3A_980 = arith.constant 96 : i32
      %lt3A_981 = arith.cmpi slt, %add3A_979, %lt3A_980 : i32
      %convert_element_type3A_982 = arith.extui %lt3A_981 : i1 to i32
      %cond3A_983 = arith.constant 0 : i32
      %cond3A_984 = arith.cmpi ne, %convert_element_type3A_982, %cond3A_983 : i32
      scf.if %cond3A_984 {
        %mul3A_1002 = arith.constant 16 : i32
        %mul3A_1003 = arith.muli %add3A_979, %mul3A_1002 : i32
        %add3A_1004 = arith.addi %mul3A_2, %mul3A_1003 : i32
        %add3A_1005 = arith.constant 11 : i32
        %add3A_1006 = arith.addi %add3A_1004, %add3A_1005 : i32
        %dma_start3A_1007 = arith.constant 11 : i32
        %dma_start3A_1008 = arith.constant 0 : i32
        %dma_start3A_1009 = tpu.memref_slice %arg6[%dma_start3A_1007, %dma_start3A_1008] : memref<16x1040xf32, #tpu.memory_space<vmem>> -> memref<1x1024xf32, #tpu.memory_space<vmem>>
        %dma_start3A_1010 = arith.constant 0 : i32
        %dma_start3A_1011 = tpu.memref_slice %arg2[%add3A_1006, %dma_start3A_1010] : memref<49152x1024xf32, #tpu.memory_space<hbm>> -> memref<1x1024xf32, #tpu.memory_space<hbm>>
        %dma_start3A_1012 = arith.constant 11 : i32
        %dma_start3A_1013 = arith.constant 0 : i32
        %dma_start3A_1014 = tpu.memref_slice %arg6[%dma_start3A_1012, %dma_start3A_1013] : memref<16x1040xf32, #tpu.memory_space<vmem>> -> memref<1x1024xf32, #tpu.memory_space<vmem>>
        %dma_start3A_1015 = arith.constant 0 : i32
        %dma_start3A_1016 = tpu.memref_slice %arg2[%add3A_1006, %dma_start3A_1015] : memref<49152x1024xf32, #tpu.memory_space<hbm>> -> memref<1x1024xf32, #tpu.memory_space<hbm>>
        tpu.enqueue_dma source(%dma_start3A_1016 : memref<1x1024xf32, #tpu.memory_space<hbm>>) target(%dma_start3A_1014 : memref<1x1024xf32, #tpu.memory_space<vmem>>) target_semaphore(%arg12 : memref<!tpu.dma_semaphore, #tpu.memory_space<semaphore_mem>>)
        %mul3A_1017 = arith.constant 16 : i32
        %mul3A_1018 = arith.muli %add3A_979, %mul3A_1017 : i32
        %add3A_1019 = arith.addi %mul3A_2, %mul3A_1018 : i32
        %add3A_1020 = arith.constant 12 : i32
        %add3A_1021 = arith.addi %add3A_1019, %add3A_1020 : i32
        %dma_start3A_1022 = arith.constant 12 : i32
        %dma_start3A_1023 = arith.constant 0 : i32
        %dma_start3A_1024 = tpu.memref_slice %arg6[%dma_start3A_1022, %dma_start3A_1023] : memref<16x1040xf32, #tpu.memory_space<vmem>> -> memref<1x1024xf32, #tpu.memory_space<vmem>>
        %dma_start3A_1025 = arith.constant 0 : i32
        %dma_start3A_1026 = tpu.memref_slice %arg2[%add3A_1021, %dma_start3A_1025] : memref<49152x1024xf32, #tpu.memory_space<hbm>> -> memref<1x1024xf32, #tpu.memory_space<hbm>>
        %dma_start3A_1027 = arith.constant 12 : i32
        %dma_start3A_1028 = arith.constant 0 : i32
        %dma_start3A_1029 = tpu.memref_slice %arg6[%dma_start3A_1027, %dma_start3A_1028] : memref<16x1040xf32, #tpu.memory_space<vmem>> -> memref<1x1024xf32, #tpu.memory_space<vmem>>
        %dma_start3A_1030 = arith.constant 0 : i32
        %dma_start3A_1031 = tpu.memref_slice %arg2[%add3A_1021, %dma_start3A_1030] : memref<49152x1024xf32, #tpu.memory_space<hbm>> -> memref<1x1024xf32, #tpu.memory_space<hbm>>
        tpu.enqueue_dma source(%dma_start3A_1031 : memref<1x1024xf32, #tpu.memory_space<hbm>>) target(%dma_start3A_1029 : memref<1x1024xf32, #tpu.memory_space<vmem>>) target_semaphore(%arg12 : memref<!tpu.dma_semaphore, #tpu.memory_space<semaphore_mem>>)
        %mul3A_1032 = arith.constant 16 : i32
        %mul3A_1033 = arith.muli %add3A_979, %mul3A_1032 : i32
        %add3A_1034 = arith.addi %mul3A_2, %mul3A_1033 : i32
        %add3A_1035 = arith.constant 13 : i32
        %add3A_1036 = arith.addi %add3A_1034, %add3A_1035 : i32
        %dma_start3A_1037 = arith.constant 13 : i32
        %dma_start3A_1038 = arith.constant 0 : i32
        %dma_start3A_1039 = tpu.memref_slice %arg6[%dma_start3A_1037, %dma_start3A_1038] : memref<16x1040xf32, #tpu.memory_space<vmem>> -> memref<1x1024xf32, #tpu.memory_space<vmem>>
        %dma_start3A_1040 = arith.constant 0 : i32
        %dma_start3A_1041 = tpu.memref_slice %arg2[%add3A_1036, %dma_start3A_1040] : memref<49152x1024xf32, #tpu.memory_space<hbm>> -> memref<1x1024xf32, #tpu.memory_space<hbm>>
        %dma_start3A_1042 = arith.constant 13 : i32
        %dma_start3A_1043 = arith.constant 0 : i32
        %dma_start3A_1044 = tpu.memref_slice %arg6[%dma_start3A_1042, %dma_start3A_1043] : memref<16x1040xf32, #tpu.memory_space<vmem>> -> memref<1x1024xf32, #tpu.memory_space<vmem>>
        %dma_start3A_1045 = arith.constant 0 : i32
        %dma_start3A_1046 = tpu.memref_slice %arg2[%add3A_1036, %dma_start3A_1045] : memref<49152x1024xf32, #tpu.memory_space<hbm>> -> memref<1x1024xf32, #tpu.memory_space<hbm>>
        tpu.enqueue_dma source(%dma_start3A_1046 : memref<1x1024xf32, #tpu.memory_space<hbm>>) target(%dma_start3A_1044 : memref<1x1024xf32, #tpu.memory_space<vmem>>) target_semaphore(%arg12 : memref<!tpu.dma_semaphore, #tpu.memory_space<semaphore_mem>>)
        %mul3A_1047 = arith.constant 16 : i32
        %mul3A_1048 = arith.muli %add3A_979, %mul3A_1047 : i32
        %add3A_1049 = arith.addi %mul3A_2, %mul3A_1048 : i32
        %add3A_1050 = arith.constant 14 : i32
        %add3A_1051 = arith.addi %add3A_1049, %add3A_1050 : i32
        %dma_start3A_1052 = arith.constant 14 : i32
        %dma_start3A_1053 = arith.constant 0 : i32
        %dma_start3A_1054 = tpu.memref_slice %arg6[%dma_start3A_1052, %dma_start3A_1053] : memref<16x1040xf32, #tpu.memory_space<vmem>> -> memref<1x1024xf32, #tpu.memory_space<vmem>>
        %dma_start3A_1055 = arith.constant 0 : i32
        %dma_start3A_1056 = tpu.memref_slice %arg2[%add3A_1051, %dma_start3A_1055] : memref<49152x1024xf32, #tpu.memory_space<hbm>> -> memref<1x1024xf32, #tpu.memory_space<hbm>>
        %dma_start3A_1057 = arith.constant 14 : i32
        %dma_start3A_1058 = arith.constant 0 : i32
        %dma_start3A_1059 = tpu.memref_slice %arg6[%dma_start3A_1057, %dma_start3A_1058] : memref<16x1040xf32, #tpu.memory_space<vmem>> -> memref<1x1024xf32, #tpu.memory_space<vmem>>
        %dma_start3A_1060 = arith.constant 0 : i32
        %dma_start3A_1061 = tpu.memref_slice %arg2[%add3A_1051, %dma_start3A_1060] : memref<49152x1024xf32, #tpu.memory_space<hbm>> -> memref<1x1024xf32, #tpu.memory_space<hbm>>
        tpu.enqueue_dma source(%dma_start3A_1061 : memref<1x1024xf32, #tpu.memory_space<hbm>>) target(%dma_start3A_1059 : memref<1x1024xf32, #tpu.memory_space<vmem>>) target_semaphore(%arg12 : memref<!tpu.dma_semaphore, #tpu.memory_space<semaphore_mem>>)
        %mul3A_1062 = arith.constant 16 : i32
        %mul3A_1063 = arith.muli %add3A_979, %mul3A_1062 : i32
        %add3A_1064 = arith.addi %mul3A_2, %mul3A_1063 : i32
        %add3A_1065 = arith.constant 15 : i32
        %add3A_1066 = arith.addi %add3A_1064, %add3A_1065 : i32
        %dma_start3A_1067 = arith.constant 15 : i32
        %dma_start3A_1068 = arith.constant 0 : i32
        %dma_start3A_1069 = tpu.memref_slice %arg6[%dma_start3A_1067, %dma_start3A_1068] : memref<16x1040xf32, #tpu.memory_space<vmem>> -> memref<1x1024xf32, #tpu.memory_space<vmem>>
        %dma_start3A_1070 = arith.constant 0 : i32
        %dma_start3A_1071 = tpu.memref_slice %arg2[%add3A_1066, %dma_start3A_1070] : memref<49152x1024xf32, #tpu.memory_space<hbm>> -> memref<1x1024xf32, #tpu.memory_space<hbm>>
        %dma_start3A_1072 = arith.constant 15 : i32
        %dma_start3A_1073 = arith.constant 0 : i32
        %dma_start3A_1074 = tpu.memref_slice %arg6[%dma_start3A_1072, %dma_start3A_1073] : memref<16x1040xf32, #tpu.memory_space<vmem>> -> memref<1x1024xf32, #tpu.memory_space<vmem>>
        %dma_start3A_1075 = arith.constant 0 : i32
        %dma_start3A_1076 = tpu.memref_slice %arg2[%add3A_1066, %dma_start3A_1075] : memref<49152x1024xf32, #tpu.memory_space<hbm>> -> memref<1x1024xf32, #tpu.memory_space<hbm>>
        tpu.enqueue_dma source(%dma_start3A_1076 : memref<1x1024xf32, #tpu.memory_space<hbm>>) target(%dma_start3A_1074 : memref<1x1024xf32, #tpu.memory_space<vmem>>) target_semaphore(%arg12 : memref<!tpu.dma_semaphore, #tpu.memory_space<semaphore_mem>>)
      } else {
      }
      %mul3A_985 = arith.constant 0.00487804879 : f32
      %mul3A_986 = vector.broadcast %mul3A_985 : f32 to vector<16xf32>
      %mul3A_987 = arith.mulf %parallel_loop3A_977#0, %mul3A_986 : vector<16xf32>
      %add3A_988 = arith.addf %add3A_964, %mul3A_987 : vector<16xf32>
      %mul3A_989 = arith.constant 0.00487804879 : f32
      %mul3A_990 = vector.broadcast %mul3A_989 : f32 to vector<16xf32>
      %mul3A_991 = arith.mulf %parallel_loop3A_977#1, %mul3A_990 : vector<16xf32>
      %sub3A_992 = arith.subf %add3A_973, %mul3A_991 : vector<16xf32>
      %mul3A_993 = arith.constant 0.699999988 : f32
      %mul3A_994 = vector.broadcast %mul3A_993 : f32 to vector<16xf32>
      %mul3A_995 = arith.mulf %mul3A_994, %sub3A_992 : vector<16xf32>
      %add3A_996 = arith.addf %add3A_988, %mul3A_995 : vector<16xf32>
      %mul3A_997 = arith.constant 16 : i32
      %mul3A_998 = arith.muli %add3A_924, %mul3A_997 : i32
      %swap3A_999 = arith.index_cast %mul3A_998 : i32 to index
      %swap3A_1000 = tpu.vector_load %arg9[%swap3A_999] {strides = array<i32>} : memref<1536xf32, #tpu.memory_space<vmem>>, vector<16xf32>,
      tpu.vector_store %arg9[%swap3A_999], %add3A_996 {strides = array<i32>} : memref<1536xf32, #tpu.memory_space<vmem>>, vector<16xf32>,
      %scan3A_1001 = arith.constant 0 : i32
      scf.yield %scan3A_1001 : i32
    }
    %scan3A_684 = arith.constant 24 : i32
    "tpu.region"() ({
      %run_scoped3A = tpu.sem_alloc : memref<!tpu.dma_semaphore, #tpu.memory_space<semaphore_mem>>
      %dma_start3A_685 = tpu.memref_slice %arg3[%mul3A_2] : memref<49152xf32, #tpu.memory_space<hbm>> -> memref<1536xf32, #tpu.memory_space<hbm>>
      %dma_start3A_686 = tpu.memref_slice %arg3[%mul3A_2] : memref<49152xf32, #tpu.memory_space<hbm>> -> memref<1536xf32, #tpu.memory_space<hbm>>
      tpu.enqueue_dma source(%arg9 : memref<1536xf32, #tpu.memory_space<vmem>>) target(%dma_start3A_686 : memref<1536xf32, #tpu.memory_space<hbm>>) target_semaphore(%run_scoped3A : memref<!tpu.dma_semaphore, #tpu.memory_space<semaphore_mem>>)
      %dma_wait3A = tpu.memref_slice %arg3[%mul3A_2] : memref<49152xf32, #tpu.memory_space<hbm>> -> memref<1536xf32, #tpu.memory_space<hbm>>
      %dma_wait3A_687 = tpu.memref_slice %arg3[%mul3A_2] : memref<49152xf32, #tpu.memory_space<hbm>> -> memref<1536xf32, #tpu.memory_space<hbm>>
      tpu.wait_dma2 semaphore(%run_scoped3A : memref<!tpu.dma_semaphore, #tpu.memory_space<semaphore_mem>>) src(%arg9 : memref<1536xf32, #tpu.memory_space<vmem>>) dst(%dma_wait3A_687 : memref<1536xf32, #tpu.memory_space<hbm>>)
      tpu.yield
    }) : () -> ()
    return
  }
}

</mosaic_0001>

<sc_bundles>
// kernel: _wildcat_sc.3.cloned.1.call-start
scs
__scs_entry_jumppad:
0x0: {  	(pc) =	sbr.rel $0x88, $3  }
0x1: {  	(tag) =	ssettag $0x0;
	lr =	simm.s32 $0x1  }
0x2: {  	[smem:$0x3FA0] =	sst lr;
	_ =	strace $0xD0000000  }
0x3: {  	_ = 	snop  }
0x4: {  	_ = 	snop  }
0x5: {  	_ = 	snop  }
0x6: {  	_ = 	snop  }
0x7: {  	_ = 	snop  }
__scs_overlays_trampoline_lowered:
0x8: {  	[smem:$0x3FAF] =	sst s0  }
0x9: {  	[smem:$0x3FB0] =	sst s1  }
0xa: {  	[smem:$0x3FB1] =	sst s2  }
0xb: {  	[smem:$0x3FB2] =	sst s3  }
0xc: {  	[smem:$0x3FB3] =	sst s4  }
0xd: {  	[smem:$0x3FB4] =	sst s5  }
0xe: {  	[smem:$0x3FB5] =	sst s6  }
0xf: {  	[smem:$0x3FB6] =	sst s7  }
0x10: {  	[smem:$0x3FB7] =	sst s8  }
0x11: {  	[smem:$0x3FB8] =	sst s9;
	s0 =	simm.s32 @!p0 $0x0  }
0x12: {  	s1 =	sld [smem:$0x3F9E];
	s0 =	simm.s32 @p0 $0x1  }
0x13: {  	[smem:$0x3FB9] =	sst s0;
	s0 =	simm.s32 @!p1 $0x0  }
0x14: {  	s2 =	sld [smem:$0x3F9D];
	s0 =	simm.s32 @p1 $0x1  }
0x15: {  	[smem:$0x3FBA] =	sst s0;
	s0 =	simm.s32 @!p2 $0x0  }
0x16: {  	s3 =	sld [smem:$0x3FDB];
	s0 =	simm.s32 @p2 $0x1  }
0x17: {  	s4 =	simm.s32 $0x1BF5;
	[smem:$0x3FBC] =	sst s0  }
0x18: {  	s0 =	sld [smem:$0x3F9F];
	_ =	swait.ge [sflag:s4], $0x0  }
0x19: {  	s7 =	sld [smem:$0x3FA0]  }
0x1a: {  	s8 =	sadd.s32 $0xFFFFE003, lr  }
0x1b: {  	s9 =	sadd.s32 $0xFFFFFEF7, lr;
	s5 =	simm.s32 $0xFFFFFFFF;
	p2 =	slt.u32 s8, $0xFFFFF086  }
0x1c: {  	p1 =	slt.u32 s9, $0xF7A;
	s5 =	simm.s32 @!p2 $0x0  }
0x1d: {  	s5 =	simm.s32 @p1 $0x1;
	p0 =	seq.s32 s7, s2  }
0x1e: {  	s7 =	smul.u32 @!p0 $0xF7A, s2;
	p2 =	seq.s32 @!p0 s5, $0x0  }
0x1f: {  	s9 =	smul.u32 $0xF7A, s1;
	s8 =	simm.s32 @!p0 $0x1BF5;
	p2 =	por !p2, p0  }
0x20: {  	[sflag:s8] =	ssyncset.s32 @!p0 $0xFFFFF086;
	s6 =	sadd.s32 @!p0 s3, s7;
	s7 =	simm.s32 @!p0 $0x108  }
0x21: {  	s3 =	sadd.s32 s3, s9;
	s6 =	sadd.s32 @!p0 $0x88, s6;
	s7 =	simm.s32 @p2 $0x1082  }
0x22: {  	[simem:s7], [sflag:s8] =	dma.local @!p0 [hbm:s6], $0xF7A  }
0x23: {  	s9 =	sor.u32 $0xD0000000, s2;
	s6 =	simm.s32 $0x108;
	_ =	swait.ge @!p0 [sflag:s8], $0x0  }
0x24: {  	s3 =	sadd.s32 $0x88, s3;
	s6 =	simm.s32 @!p1 $0x1082;
	[sflag:s4] =	ssyncset.s32 $0xFFFFF086  }
0x25: {  	[simem:s6], [sflag:s4] =	dma.local [hbm:s3], $0xF7A  }
0x26: {  	[smem:$0x3FA0] =	sst s1;
	(tag) =	ssettag s2;
	_ =	strace s9  }
0x27: {  	s1 =	sld [smem:$0x3FB0]  }
0x28: {  	s2 =	sld [smem:$0x3FB1]  }
0x29: {  	s4 =	sld [smem:$0x3FB3]  }
0x2a: {  	p0 =	seq.s32 s5, $0x0;
	s5 =	sld [smem:$0x3FB4]  }
0x2b: {  	s6 =	sld [smem:$0x3FB5]  }
0x2c: {  	s7 =	sld [smem:$0x3FB6]  }
0x2d: {  	s3 =	simm.s32 $0x108;
	s8 =	sld [smem:$0x3FB7]  }
0x2e: {  	s3 =	simm.s32 @!p0 $0x1082;
	s9 =	sld [smem:$0x3FB8]  }
0x2f: {  	lr =	sadd.s32 s0, s3;
	s0 =	sld [smem:$0x3FAF]  }
0x30: {  	s3 =	sld [smem:$0x3FB2]  }
0x31: {  	[smem:$0x3FBB] =	sst s10  }
0x32: {  	s10 =	sld [smem:$0x3FB9];
	_ =	sdelay $0x3  }
0x33: {  	p0 =	seq.s32 s10, $0x1;
	s10 =	sld [smem:$0x3FBB];
	_ =	sdelay $0x3  }
0x34: {  	[smem:$0x3FBB] =	sst s10  }
0x35: {  	s10 =	sld [smem:$0x3FBA];
	_ =	sdelay $0x3  }
0x36: {  	p1 =	seq.s32 s10, $0x1;
	s10 =	sld [smem:$0x3FBB];
	_ =	sdelay $0x3  }
0x37: {  	[smem:$0x3FBB] =	sst s10  }
0x38: {  	s10 =	sld [smem:$0x3FBC]  }
0x39: {  	_ = 	snop;
	(pc) =	sbr.ind lr, $3  }
0x3a: {  	_ = 	snop  }
0x3b: {  	_ = 	snop  }
0x3c: {  	p2 =	seq.s32 s10, $0x1;
	s10 =	sld [smem:$0x3FBB]  }
0x3d: {  	_ =	shalt  }
0x3e: {  	_ =	shalt  }
0x3f: {  	_ =	shalt  }
0x40: {  	_ =	shalt  }
0x41: {  	_ =	shalt  }
0x42: {  	_ =	shalt  }
0x43: {  	_ =	shalt  }
0x44: {  	_ =	shalt  }
0x45: {  	_ =	shalt  }
0x46: {  	_ =	shalt  }
0x47: {  	_ =	shalt  }
0x48: {  	_ =	shalt  }
0x49: {  	_ =	shalt  }
0x4a: {  	_ =	shalt  }
0x4b: {  	_ =	shalt  }
0x4c: {  	_ =	shalt  }
0x4d: {  	_ =	shalt  }
0x4e: {  	_ =	shalt  }
0x4f: {  	_ =	shalt  }
0x50: {  	_ =	shalt  }
0x51: {  	_ =	shalt  }
0x52: {  	_ =	shalt  }
0x53: {  	_ =	shalt  }
0x54: {  	_ =	shalt  }
0x55: {  	_ =	shalt  }
0x56: {  	_ =	shalt  }
0x57: {  	_ =	shalt  }
0x58: {  	_ =	shalt  }
0x59: {  	_ =	shalt  }
0x5a: {  	_ =	shalt  }
0x5b: {  	_ =	shalt  }
0x5c: {  	_ =	shalt  }
0x5d: {  	_ =	shalt  }
0x5e: {  	_ =	shalt  }
0x5f: {  	_ =	shalt  }
0x60: {  	_ =	shalt  }
0x61: {  	_ =	shalt  }
0x62: {  	_ =	shalt  }
0x63: {  	_ =	shalt  }
0x64: {  	_ =	shalt  }
0x65: {  	_ =	shalt  }
0x66: {  	_ =	shalt  }
0x67: {  	_ =	shalt  }
0x68: {  	_ =	shalt  }
0x69: {  	_ =	shalt  }
0x6a: {  	_ =	shalt  }
0x6b: {  	_ =	shalt  }
0x6c: {  	_ =	shalt  }
0x6d: {  	_ =	shalt  }
0x6e: {  	_ =	shalt  }
0x6f: {  	_ =	shalt  }
0x70: {  	_ =	shalt  }
0x71: {  	_ =	shalt  }
0x72: {  	_ =	shalt  }
0x73: {  	_ =	shalt  }
0x74: {  	_ =	shalt  }
0x75: {  	_ =	shalt  }
0x76: {  	_ =	shalt  }
0x77: {  	_ =	shalt  }
0x78: {  	_ =	shalt  }
0x79: {  	_ =	shalt  }
0x7a: {  	_ =	shalt  }
0x7b: {  	_ =	shalt  }
0x7c: {  	_ =	shalt  }
0x7d: {  	_ =	shalt  }
0x7e: {  	_ =	shalt  }
0x7f: {  	_ =	shalt  }
0x80: {  	_ =	shalt  }
0x81: {  	_ =	shalt  }
0x82: {  	_ =	shalt  }
0x83: {  	_ =	shalt  }
0x84: {  	_ =	shalt  }
0x85: {  	_ =	shalt  }
0x86: {  	_ =	shalt  }
0x87: {  	_ =	shalt  }
.Lfunc_end0:
.L_simem_size_0:
called_computation.1_lowered:
.L_overlay_start_0:
0x88: {  	s2 =	sld [smem:$0x3FD9]  }
0x89: {  	s3 =	sld [smem:$0x3FFE];
	_ =	sdelay $0x1  }
0x8a: {  	s1 =	srdreg.scid  }
0x8b: {  	s0 =	sand.u32 $0x1, s1  }
0x8c: {  	s17 =	sshll.u32 s0, $0xA;
	s2 =	sadd.s32 s3, s2  }
0x8d: {  	s2 =	sadd.s32 s2, s17  }
0x8e: {  	[smem:$0x3FC7] =	sst s2  }
0x8f: {  	_ = 	snop  }
0x90: {  	s2 =	sld [smem:$0x3FD0];
	(tm) =	ssettm $0x1  }
0x91: {  	s18 =	sld [smem:$0x3FFB];
	_ =	sdelay $0x3  }
0x92: {  	_ =	strace s18  }
0x93: {  	s3 =	sld [smem:$0x3FFC];
	_ =	sdelay $0x3  }
0x94: {  	_ =	strace s3  }
0x95: {  	s3 =	sld [smem:$0x3FFD];
	_ =	sdelay $0x3  }
0x96: {  	_ =	strace s3  }
0x97: {  	_ =	strace $0x8FFFFFFF  }
0x98: {  	s19 =	sld [smem:$0x3FDB];
	_ =	sdelay $0x1  }
0x99: {  	s4 =	simm.s32 $_scs_section_size  }
0x9a: {  	s5 =	simm.s32 $_size__tile_overlayer_lowered;
	s6 =	simm.s32 $_tile_overlayer_lowered  }
0x9b: {  	s22 =	simm.s32 $0x1BFF;
	s21 =	sshll.u32 s6, $0x1;
	s3 =	sadd.s32 s4, s19  }
0x9c: {  	s7 =	simm.s32 $0x0;
	s20 =	sshll.u32 s5, $0x1;
	s5 =	sadd.s32 s21, s3  }
0x9d: {  	[timem:s7], [sflag:s22] =	dma.local [hbm:s5], s20  }
0x9e: {  	_ =	swait.ge [sflag:s22], s20  }
0x9f: {  	s4 =	ssub.s32 $0x0, s20;
	[sflag:s22] =	ssyncset.done $0x0  }
0xa0: {  	[sflag:s22] =	ssyncadd.s32 s4;
	_ =	sdelay $0x1  }
0xa1: {  	s23 =	simm.s32 $0x1B8B  }
0xa2: {  	_ =	swait.ge [sflag:s23], $0x1  }
0xa3: {  	[sflag:s23] =	ssyncset.done $0x0  }
0xa4: {  	s25 =	simm.s32 $0x1B8E;
	s24 =	sld [smem:$0x3FFE];
	[sflag:s23] =	ssyncadd.s32 $0xFFFFFFFF  }
0xa5: {  	s26 =	simm.s32 $execute0_lowered;
	[smem:$0x3FD2] =	sst s25  }
0xa6: {  	s5 =	sshll.u32 s26, $0x1;
	_ =	strace $0x80000049;
	[dreg:$0x1] =	wrdreg $0xFFFFFFFF  }
0xa7: {  	s28 =	simm.s32 $_size_execute0_lowered;
	s3 =	sadd.s32 s3, s5;
	[dreg:$0x0] =	wrdreg $0x0  }
0xa8: {  	s5 =	sshll.u32 s28, $0x1;
	[dreg:$0x2] =	wrdreg s3  }
0xa9: {  	[dreg:$0x3] =	wrdreg s5  }
0xaa: {  	[dreg:$0x4] =	wrdreg $0xC0  }
0xab: {  	_ =	task [dreg:s7], $0x5FFFF  }
0xac: {  	[dreg:$0x1] =	wrdreg $0xFFFFFFFF  }
0xad: {  	[dreg:$0x0] =	wrdreg $0x60  }
0xae: {  	[dreg:$0x2] =	wrdreg s24  }
0xaf: {  	[dreg:$0x3] =	wrdreg s2  }
0xb0: {  	[dreg:$0x4] =	wrdreg $0x9  }
0xb1: {  	_ =	task.clear_ibuf [dreg:s7], $0x5FFFF;
	_ =	strace $0x90000049  }
0xb2: {  	s29 =	simm.s32 $0x9;
	_ =	strace $0x8000004B  }
0xb3: {  	_ =	swait.ge [sflag:s29], $0x1  }
0xb4: {  	[sflag:s29] =	ssyncadd.s32 $0xFFFFFFFF  }
0xb5: {  	_ =	strace $0x9000004B  }
0xb6: {  	_ =	sfence  }
0xb7: {  	s30 =	sld [smem:$0x0];
	_ =	sdelay $0x2  }
0xb8: {  	s31 =	sshll.u32 s1, $0xD;
	s1 =	sshrl.u32 s1, $0x2  }
0xb9: {  	s3 =	sand.u32 $0x4000, s31;
	s1 =	sadd.s32 s1, s30  }
0xba: {  	s0 =	sor.u32 s3, s0;
	s1 =	sshll.u32 s1, $0x11  }
0xbb: {  	s0 =	sor.u32 s1, s0  }
0xbc: {  	s0 =	sadd.s32 $0x8F2B, s0  }
0xbd: {  	[sflag:s0] =	ssyncadd.remote.s32 $0x1  }
0xbe: {  	_ =	sfence.sel $0xFFFF  }
0xbf: {  	[dreg:$0x0] =	wrdreg $0xFFFFFFFF;
	(pc) =	sbr.abs _section_cstart, $3  }
0xc0: {  	[dreg:$0x1] =	wrdreg $0xFFFFFFFF  }
0xc1: {  	_ =	task.clear_ibuf [dreg:s7], $0x2FFFF;
	_ =	strace $0x9FFFFFFF  }
0xc2: {  	(tm) =	ssettm $0x7FFFFFFF  }
0xc3: {  	_ =	shalt  }
tec
execute0_lowered:
.L_overlay_start_1:
0x0: {  	(tag) =	ssettag $0x1  }
0x1: {  	s1 =	srdreg.scid;
	s2 =	stileid.u32  }
0x2: {  	s0 =	rddreg [dreg:$0x0];
	s1 =	sand.u32 $0x1, s1;
	s3 =	sshll.u32 s2, $0x1  }
0x3: {  	s5 =	rddreg [dreg:$0x1];
	s7 =	sor.u32 s1, s3;
	s1 =	ssub.s32 $0x2, s1  }
0x4: {  	s2 =	simm.s32 $0x0;
	s3 =	smul.u32 $0x30000, s7;
	s6 =	sshrl.u32 s1, $0x1  }
0x5: {  	s9 =	sadd.s32 $0x980, s0;
	s1 =	ssub.s32 s1, s6;
	s6 =	sadd.s32 $0x880, s0  }
0x6: {  	[smem:$0x7FF] =	sst s2;
	s7 =	smul.u32 $0xC0, s7;
	s8 =	sadd.s32 s3, s6  }
0x7: {  	_ =	strace $0x8000004A;
	s24 =	sadd.s32 s3, s9;
	[dreg:$0x4] =	wrdreg s8  }
0x8: {  	s5 =	sadd.s32 s5, s7;
	[dreg:$0x6] =	wrdreg s24  }
0x9: {  	s12 =	sadd.s32 $0xA00, s0;
	s25 =	smax.u32 s1, $0x1;
	[dreg:$0x7] =	wrdreg s5  }
0xa: {  	s13 =	sadd.s32 $0xA80, s0;
	s26 =	sadd.s32 s3, s12;
	[dreg:$0x8] =	wrdreg s25  }
0xb: {  	s14 =	sadd.s32 $0xB00, s0;
	s29 =	sadd.s32 s3, s13;
	[dreg:$0x9] =	wrdreg s26  }
0xc: {  	s15 =	sadd.s32 $0xB80, s0;
	s30 =	sadd.s32 s3, s14;
	[dreg:$0xa] =	wrdreg s29  }
0xd: {  	s16 =	sadd.s32 $0xC00, s0;
	s31 =	sadd.s32 s3, s15;
	[dreg:$0xb] =	wrdreg s30  }
0xe: {  	s18 =	sadd.s32 $0xD00, s0;
	s1 =	sadd.s32 s3, s16;
	[dreg:$0xc] =	wrdreg s31  }
0xf: {  	s20 =	sadd.s32 $0xE00, s0;
	s7 =	sadd.s32 s3, s18;
	[dreg:$0xd] =	wrdreg s1  }
0x10: {  	s4 =	sadd.s32 $0x800, s0;
	s22 =	sadd.s32 s3, s20;
	[dreg:$0xf] =	wrdreg s7  }
0x11: {  	s17 =	sadd.s32 $0xC80, s0;
	s10 =	sadd.s32 s4, s3;
	[dreg:$0x11] =	wrdreg s22  }
0x12: {  	s21 =	sadd.s32 $0xE80, s0;
	s5 =	sadd.s32 s3, s17;
	[dreg:$0x3] =	wrdreg s10  }
0x13: {  	s23 =	sadd.s32 $0xF00, s0;
	s25 =	sadd.s32 s3, s21;
	[dreg:$0xe] =	wrdreg s5  }
0x14: {  	s26 =	sadd.s32 s3, s23;
	[dreg:$0x12] =	wrdreg s25  }
0x15: {  	s30 =	sadd.s32 $0x800, s10;
	[dreg:$0x13] =	wrdreg s26  }
0x16: {  	s31 =	sadd.s32 $0x880, s10;
	[dreg:$0x15] =	wrdreg s30  }
0x17: {  	s1 =	sadd.s32 $0x900, s10;
	[dreg:$0x16] =	wrdreg s31  }
0x18: {  	s7 =	sadd.s32 $0xA00, s10;
	[dreg:$0x17] =	wrdreg s1  }
0x19: {  	s8 =	sadd.s32 $0x900, s0;
	s22 =	sadd.s32 $0xB00, s10;
	[dreg:$0x19] =	wrdreg s7  }
0x1a: {  	s24 =	sadd.s32 $0xF80, s0;
	s11 =	sadd.s32 s3, s8;
	[dreg:$0x1b] =	wrdreg s22  }
0x1b: {  	s29 =	sadd.s32 s3, s24;
	[dreg:$0x5] =	wrdreg s11  }
0x1c: {  	s5 =	sadd.s32 $0x980, s10;
	[dreg:$0x14] =	wrdreg s29  }
0x1d: {  	s25 =	sadd.s32 $0xB80, s10;
	[dreg:$0x18] =	wrdreg s5  }
0x1e: {  	s26 =	sadd.s32 $0xC00, s10;
	[dreg:$0x1c] =	wrdreg s25  }
0x1f: {  	s30 =	sadd.s32 $0xD00, s10;
	[dreg:$0x1d] =	wrdreg s26  }
0x20: {  	s31 =	sadd.s32 $0xD80, s10;
	[dreg:$0x1f] =	wrdreg s30  }
0x21: {  	s1 =	sadd.s32 $0xE00, s10;
	[smem:$0x7E9] =	sst s31  }
0x22: {  	s7 =	sadd.s32 $0xF00, s10;
	[smem:$0x7EA] =	sst s1  }
0x23: {  	s19 =	sadd.s32 $0xD80, s0;
	s22 =	sadd.s32 $0x1000, s10;
	[smem:$0x7EC] =	sst s7  }
0x24: {  	s11 =	sadd.s32 s3, s19;
	[smem:$0x7EE] =	sst s22  }
0x25: {  	s29 =	sadd.s32 $0xC80, s10;
	[dreg:$0x10] =	wrdreg s11  }
0x26: {  	s5 =	sadd.s32 $0xE80, s10;
	[dreg:$0x1e] =	wrdreg s29  }
0x27: {  	s25 =	sadd.s32 $0x1080, s10;
	[smem:$0x7EB] =	sst s5  }
0x28: {  	s26 =	sadd.s32 $0x1100, s10;
	[smem:$0x7EF] =	sst s25  }
0x29: {  	s30 =	sadd.s32 $0x1200, s10;
	[smem:$0x7F0] =	sst s26  }
0x2a: {  	s31 =	sadd.s32 $0x1280, s10;
	[smem:$0x7F2] =	sst s30  }
0x2b: {  	s1 =	sadd.s32 $0x1300, s10;
	[smem:$0x7F3] =	sst s31  }
0x2c: {  	s7 =	sadd.s32 $0x1400, s10;
	[smem:$0x7F4] =	sst s1  }
0x2d: {  	s22 =	sadd.s32 $0x1500, s10;
	[smem:$0x7F6] =	sst s7  }
0x2e: {  	s11 =	sadd.s32 $0xA80, s10;
	[smem:$0x7F8] =	sst s22  }
0x2f: {  	s29 =	sadd.s32 $0x1180, s10;
	[dreg:$0x1a] =	wrdreg s11  }
0x30: {  	s5 =	sadd.s32 $0x1380, s10;
	[smem:$0x7F1] =	sst s29  }
0x31: {  	s25 =	sadd.s32 $0x1580, s10;
	[smem:$0x7F5] =	sst s5  }
0x32: {  	s26 =	sadd.s32 $0x1600, s10;
	[smem:$0x7F9] =	sst s25  }
0x33: {  	v0 =	vlaneseq.u32;
	s30 =	sadd.s32 $0x1700, s10;
	[smem:$0x7FA] =	sst s26  }
0x34: {  	s28 =	simm.s32 $0x4;
	v1 =	vmul.u32 $0x410, v0;
	s31 =	sadd.s32 $0x1780, s10;
	[smem:$0x7FC] =	sst s30  }
0x35: {  	s1 =	simm.s32 $0x10400;
	s11 =	sadd.s32 $0xF80, s10;
	[smem:$0x7FD] =	sst s31  }
0x36: {  	v2 =	vimm.f32 $0.0e+00;
	v3 =	vimm.f32 $1.000000000e+00;
	v4 =	vor.u32 $0x1, v1;
	s7 =	simm.s32 $0x0;
	s29 =	sadd.s32 $0x1680, s10;
	[smem:$0x7ED] =	sst s11  }
0x37: {  	v5 =	vor.u32 $0x2, v1;
	v6 =	vor.u32 $0x3, v1;
	v7 =	vor.u32 $0x4, v1;
	s25 =	simm.s32 $0xC300;
	s11 =	sadd.s32 $0x1480, s10;
	[smem:$0x7FB] =	sst s29  }
0x38: {  	v8 =	vor.u32 $0x5, v1;
	v9 =	vor.u32 $0x6, v1;
	v10 =	vor.u32 $0x7, v1;
	s10 =	simm.s32 $0x4100;
	[smem:$0x7F7] =	sst s11;
	s11 =	simm.s32 $0x8200  }
.LBB2_1:
0x39: {  	[smem:$0x7E8] =	sst s7;
	s0 =	simm.s32 $0x10440  }
0x3a: {  	[tilespmem:s0+$0xFFFFFFC0] =	vst v2  }
0x3b: {  	[tilespmem:s0+$0x30] =	vst v2  }
0x3c: {  	[tilespmem:s0+$0x20] =	vst v2  }
0x3d: {  	[tilespmem:s0+$0x10] =	vst v2  }
0x3e: {  	[tilespmem:s0+$0x0] =	vst v2  }
0x3f: {  	[tilespmem:s0+$0xFFFFFFF0] =	vst v2  }
0x40: {  	s5 =	simm.s32 $0x0;
	[tilespmem:s0+$0xFFFFFFE0] =	vst v2  }
.LBB2_2:
0x41: {  	s5 =	sadd.s32 $0x8, s5;
	[tilespmem:s0+$0xFFFFFFD0] =	vst v2;
	s0 =	sadd.s32 $0x80, s0  }
0x42: {  	[tilespmem:s0+$0xFFFFFFC0] =	vst v2;
	p0 =	slt.u32 s5, $0x1F8  }
0x43: {  	[tilespmem:s0+$0x30] =	vst v2  }
.Ltmp0:
0x44: {  	[tilespmem:s0+$0x20] =	vst v2;
	(pc) =	sbr.rel @p0 .LBB2_2-.Ltmp0, $4  }
0x45: {  	[tilespmem:s0+$0x10] =	vst v2  }
0x46: {  	[tilespmem:s0+$0x0] =	vst v2  }
0x47: {  	[tilespmem:s0+$0xFFFFFFF0] =	vst v2  }
0x48: {  	[tilespmem:s0+$0xFFFFFFE0] =	vst v2  }
0x49: {  	[tilespmem:s0+$0xFFFFFFD0] =	vst v2  }
0x4a: {  	s0 =	rddreg [dreg:$0x3]  }
0x4b: {  	s29 =	simm.s32 $0x0;
	s26 =	rddreg [dreg:$0x4]  }
0x4c: {  	[tilespmem:s29], [sflag:$0x1] =	stream.linear.gather [hbm4b:s0+s29], $0x400, $0x38;
	[tilespmem:$0x12A00] =	vst v63  }
0x4d: {  	s5 =	simm.s32 $0x410;
	s30 =	rddreg [dreg:$0x5]  }
0x4e: {  	[tilespmem:s5], [sflag:$0x1] =	stream.linear.gather [hbm4b:s26+s29], $0x400, $0x38;
	[tilespmem:$0x12A00] =	vst v63  }
0x4f: {  	s31 =	simm.s32 $0x820;
	s22 =	rddreg [dreg:$0x9]  }
0x50: {  	[tilespmem:s31], [sflag:$0x1] =	stream.linear.gather [hbm4b:s30+s29], $0x400, $0x38;
	[tilespmem:$0x12A00] =	vst v63  }
0x51: {  	s7 =	simm.s32 $0xC30;
	s5 =	rddreg [dreg:$0x6]  }
0x52: {  	[tilespmem:s7], [sflag:$0x1] =	stream.linear.gather [hbm4b:s5+s29], $0x400, $0x38;
	[tilespmem:$0x12A00] =	vst v63  }
0x53: {  	s26 =	simm.s32 $0x1040;
	s30 =	rddreg [dreg:$0xa]  }
0x54: {  	[tilespmem:s26], [sflag:$0x1] =	stream.linear.gather [hbm4b:s22+s29], $0x400, $0x38;
	[tilespmem:$0x12A00] =	vst v63  }
0x55: {  	s31 =	simm.s32 $0x1450;
	s5 =	rddreg [dreg:$0xb]  }
0x56: {  	[tilespmem:s31], [sflag:$0x1] =	stream.linear.gather [hbm4b:s30+s29], $0x400, $0x38;
	[tilespmem:$0x12A00] =	vst v63  }
0x57: {  	s7 =	simm.s32 $0x1860;
	s22 =	rddreg [dreg:$0xc]  }
0x58: {  	[tilespmem:s7], [sflag:$0x1] =	stream.linear.gather [hbm4b:s5+s29], $0x400, $0x38;
	[tilespmem:$0x12A00] =	vst v63  }
0x59: {  	s26 =	simm.s32 $0x1C70;
	s30 =	rddreg [dreg:$0xd]  }
0x5a: {  	[tilespmem:s26], [sflag:$0x1] =	stream.linear.gather [hbm4b:s22+s29], $0x400, $0x38;
	[tilespmem:$0x12A00] =	vst v63  }
0x5b: {  	s31 =	simm.s32 $0x2080;
	s5 =	rddreg [dreg:$0xe]  }
0x5c: {  	[tilespmem:s31], [sflag:$0x1] =	stream.linear.gather [hbm4b:s30+s29], $0x400, $0x38;
	[tilespmem:$0x12A00] =	vst v63  }
0x5d: {  	s7 =	simm.s32 $0x2490;
	s22 =	rddreg [dreg:$0xf]  }
0x5e: {  	[tilespmem:s7], [sflag:$0x1] =	stream.linear.gather [hbm4b:s5+s29], $0x400, $0x38;
	[tilespmem:$0x12A00] =	vst v63  }
0x5f: {  	s26 =	simm.s32 $0x28A0;
	s30 =	rddreg [dreg:$0x10]  }
0x60: {  	[tilespmem:s26], [sflag:$0x1] =	stream.linear.gather [hbm4b:s22+s29], $0x400, $0x38;
	[tilespmem:$0x12A00] =	vst v63  }
0x61: {  	s31 =	simm.s32 $0x2CB0;
	s5 =	rddreg [dreg:$0x11]  }
0x62: {  	[tilespmem:s31], [sflag:$0x1] =	stream.linear.gather [hbm4b:s30+s29], $0x400, $0x38;
	[tilespmem:$0x12A00] =	vst v63  }
0x63: {  	s7 =	simm.s32 $0x30C0;
	s22 =	rddreg [dreg:$0x12]  }
0x64: {  	[tilespmem:s7], [sflag:$0x1] =	stream.linear.gather [hbm4b:s5+s29], $0x400, $0x38;
	[tilespmem:$0x12A00] =	vst v63  }
0x65: {  	s26 =	simm.s32 $0x34D0;
	s30 =	rddreg [dreg:$0x13]  }
0x66: {  	[tilespmem:s26], [sflag:$0x1] =	stream.linear.gather [hbm4b:s22+s29], $0x400, $0x38;
	[tilespmem:$0x12A00] =	vst v63  }
0x67: {  	s31 =	simm.s32 $0x38E0;
	s7 =	rddreg [dreg:$0x14]  }
0x68: {  	[tilespmem:s31], [sflag:$0x1] =	stream.linear.gather [hbm4b:s30+s29], $0x400, $0x38;
	[tilespmem:$0x12A00] =	vst v63  }
0x69: {  	s5 =	rddreg [dreg:$0x17];
	s22 =	simm.s32 $0x3CF0  }
0x6a: {  	[tilespmem:s22], [sflag:$0x1] =	stream.linear.gather [hbm4b:s7+s29], $0x400, $0x38;
	[tilespmem:$0x12A00] =	vst v63  }
0x6b: {  	s26 =	rddreg [dreg:$0x15]  }
0x6c: {  	[tilespmem:s10], [sflag:$0x2] =	stream.linear.gather [hbm4b:s26+s29], $0x400, $0x38;
	[tilespmem:$0x12A00] =	vst v63  }
0x6d: {  	s30 =	rddreg [dreg:$0x16];
	s31 =	simm.s32 $0x4510  }
0x6e: {  	[tilespmem:s31], [sflag:$0x2] =	stream.linear.gather [hbm4b:s30+s29], $0x400, $0x38;
	[tilespmem:$0x12A00] =	vst v63  }
0x6f: {  	s7 =	simm.s32 $0x4920;
	s22 =	rddreg [dreg:$0x18]  }
0x70: {  	[tilespmem:s7], [sflag:$0x2] =	stream.linear.gather [hbm4b:s5+s29], $0x400, $0x38;
	[tilespmem:$0x12A00] =	vst v63  }
0x71: {  	s26 =	simm.s32 $0x4D30;
	s30 =	rddreg [dreg:$0x19]  }
0x72: {  	[tilespmem:s26], [sflag:$0x2] =	stream.linear.gather [hbm4b:s22+s29], $0x400, $0x38;
	[tilespmem:$0x12A00] =	vst v63  }
0x73: {  	s31 =	simm.s32 $0x5140;
	s5 =	rddreg [dreg:$0x1a]  }
0x74: {  	[tilespmem:s31], [sflag:$0x2] =	stream.linear.gather [hbm4b:s30+s29], $0x400, $0x38;
	[tilespmem:$0x12A00] =	vst v63  }
0x75: {  	s7 =	simm.s32 $0x5550;
	s22 =	rddreg [dreg:$0x1b]  }
0x76: {  	[tilespmem:s7], [sflag:$0x2] =	stream.linear.gather [hbm4b:s5+s29], $0x400, $0x38;
	[tilespmem:$0x12A00] =	vst v63  }
0x77: {  	s26 =	simm.s32 $0x5960;
	s30 =	rddreg [dreg:$0x1c]  }
0x78: {  	[tilespmem:s26], [sflag:$0x2] =	stream.linear.gather [hbm4b:s22+s29], $0x400, $0x38;
	[tilespmem:$0x12A00] =	vst v63  }
0x79: {  	s31 =	simm.s32 $0x5D70;
	s5 =	rddreg [dreg:$0x1d]  }
0x7a: {  	[tilespmem:s31], [sflag:$0x2] =	stream.linear.gather [hbm4b:s30+s29], $0x400, $0x38;
	[tilespmem:$0x12A00] =	vst v63  }
0x7b: {  	s7 =	simm.s32 $0x6180;
	s22 =	rddreg [dreg:$0x1e]  }
0x7c: {  	[tilespmem:s7], [sflag:$0x2] =	stream.linear.gather [hbm4b:s5+s29], $0x400, $0x38;
	[tilespmem:$0x12A00] =	vst v63  }
0x7d: {  	s26 =	simm.s32 $0x6590;
	s30 =	rddreg [dreg:$0x1f]  }
0x7e: {  	[tilespmem:s26], [sflag:$0x2] =	stream.linear.gather [hbm4b:s22+s29], $0x400, $0x38;
	[tilespmem:$0x12A00] =	vst v63  }
0x7f: {  	s31 =	simm.s32 $0x69A0;
	s5 =	sld [smem:$0x7E9]  }
0x80: {  	[tilespmem:s31], [sflag:$0x2] =	stream.linear.gather [hbm4b:s30+s29], $0x400, $0x38;
	[tilespmem:$0x12A00] =	vst v63  }
0x81: {  	s7 =	simm.s32 $0x6DB0;
	s22 =	sld [smem:$0x7EA]  }
0x82: {  	[tilespmem:s7], [sflag:$0x2] =	stream.linear.gather [hbm4b:s5+s29], $0x400, $0x38;
	[tilespmem:$0x12A00] =	vst v63  }
0x83: {  	s26 =	simm.s32 $0x71C0;
	s30 =	sld [smem:$0x7EB]  }
0x84: {  	[tilespmem:s26], [sflag:$0x2] =	stream.linear.gather [hbm4b:s22+s29], $0x400, $0x38;
	[tilespmem:$0x12A00] =	vst v63  }
0x85: {  	s31 =	simm.s32 $0x75D0;
	s7 =	sld [smem:$0x7EC]  }
0x86: {  	[tilespmem:s31], [sflag:$0x2] =	stream.linear.gather [hbm4b:s30+s29], $0x400, $0x38;
	[tilespmem:$0x12A00] =	vst v63  }
0x87: {  	s22 =	simm.s32 $0x79E0;
	s26 =	sld [smem:$0x7ED]  }
0x88: {  	[tilespmem:s22], [sflag:$0x2] =	stream.linear.gather [hbm4b:s7+s29], $0x400, $0x38;
	[tilespmem:$0x12A00] =	vst v63  }
0x89: {  	s30 =	simm.s32 $0x7DF0;
	s31 =	sld [smem:$0x7EE]  }
0x8a: {  	[tilespmem:s30], [sflag:$0x2] =	stream.linear.gather [hbm4b:s26+s29], $0x400, $0x38;
	[tilespmem:$0x12A00] =	vst v63  }
0x8b: {  	s5 =	sld [smem:$0x7EF]  }
0x8c: {  	[tilespmem:s11], [sflag:$0x3] =	stream.linear.gather [hbm4b:s31+s29], $0x400, $0x38;
	[tilespmem:$0x12A00] =	vst v63  }
0x8d: {  	s7 =	simm.s32 $0x8610;
	s22 =	sld [smem:$0x7F0]  }
0x8e: {  	[tilespmem:s7], [sflag:$0x3] =	stream.linear.gather [hbm4b:s5+s29], $0x400, $0x38;
	[tilespmem:$0x12A00] =	vst v63  }
0x8f: {  	s26 =	simm.s32 $0x8A20;
	s30 =	sld [smem:$0x7F1]  }
0x90: {  	[tilespmem:s26], [sflag:$0x3] =	stream.linear.gather [hbm4b:s22+s29], $0x400, $0x38;
	[tilespmem:$0x12A00] =	vst v63  }
0x91: {  	s31 =	simm.s32 $0x8E30;
	s5 =	sld [smem:$0x7F2]  }
0x92: {  	[tilespmem:s31], [sflag:$0x3] =	stream.linear.gather [hbm4b:s30+s29], $0x400, $0x38;
	[tilespmem:$0x12A00] =	vst v63  }
0x93: {  	s7 =	simm.s32 $0x9240;
	s22 =	sld [smem:$0x7F3]  }
0x94: {  	[tilespmem:s7], [sflag:$0x3] =	stream.linear.gather [hbm4b:s5+s29], $0x400, $0x38;
	[tilespmem:$0x12A00] =	vst v63  }
0x95: {  	s26 =	simm.s32 $0x9650;
	s30 =	sld [smem:$0x7F4]  }
0x96: {  	[tilespmem:s26], [sflag:$0x3] =	stream.linear.gather [hbm4b:s22+s29], $0x400, $0x38;
	[tilespmem:$0x12A00] =	vst v63  }
0x97: {  	s31 =	simm.s32 $0x9A60;
	s5 =	sld [smem:$0x7F5]  }
0x98: {  	[tilespmem:s31], [sflag:$0x3] =	stream.linear.gather [hbm4b:s30+s29], $0x400, $0x38;
	[tilespmem:$0x12A00] =	vst v63  }
0x99: {  	s7 =	simm.s32 $0x9E70;
	s22 =	sld [smem:$0x7F6]  }
0x9a: {  	[tilespmem:s7], [sflag:$0x3] =	stream.linear.gather [hbm4b:s5+s29], $0x400, $0x38;
	[tilespmem:$0x12A00] =	vst v63  }
0x9b: {  	s26 =	simm.s32 $0xA280;
	s30 =	sld [smem:$0x7F7]  }
0x9c: {  	[tilespmem:s26], [sflag:$0x3] =	stream.linear.gather [hbm4b:s22+s29], $0x400, $0x38;
	[tilespmem:$0x12A00] =	vst v63  }
0x9d: {  	s31 =	simm.s32 $0xA690;
	s5 =	sld [smem:$0x7F8]  }
0x9e: {  	[tilespmem:s31], [sflag:$0x3] =	stream.linear.gather [hbm4b:s30+s29], $0x400, $0x38;
	[tilespmem:$0x12A00] =	vst v63  }
0x9f: {  	s7 =	simm.s32 $0xAAA0;
	s22 =	sld [smem:$0x7F9]  }
0xa0: {  	[tilespmem:s7], [sflag:$0x3] =	stream.linear.gather [hbm4b:s5+s29], $0x400, $0x38;
	[tilespmem:$0x12A00] =	vst v63  }
0xa1: {  	s26 =	simm.s32 $0xAEB0;
	s30 =	sld [smem:$0x7FA]  }
0xa2: {  	[tilespmem:s26], [sflag:$0x3] =	stream.linear.gather [hbm4b:s22+s29], $0x400, $0x38;
	[tilespmem:$0x12A00] =	vst v63  }
0xa3: {  	s31 =	simm.s32 $0xB2C0;
	s5 =	sld [smem:$0x7FB]  }
0xa4: {  	[tilespmem:s31], [sflag:$0x3] =	stream.linear.gather [hbm4b:s30+s29], $0x400, $0x38;
	[tilespmem:$0x12A00] =	vst v63  }
0xa5: {  	s7 =	simm.s32 $0xB6D0;
	s22 =	sld [smem:$0x7FC]  }
0xa6: {  	[tilespmem:s7], [sflag:$0x3] =	stream.linear.gather [hbm4b:s5+s29], $0x400, $0x38;
	[tilespmem:$0x12A00] =	vst v63  }
0xa7: {  	s26 =	simm.s32 $0xBAE0;
	s30 =	sld [smem:$0x7FD]  }
0xa8: {  	[tilespmem:s26], [sflag:$0x3] =	stream.linear.gather [hbm4b:s22+s29], $0x400, $0x38;
	[tilespmem:$0x12A00] =	vst v63  }
0xa9: {  	s31 =	simm.s32 $0xBEF0  }
0xaa: {  	[tilespmem:s31], [sflag:$0x3] =	stream.linear.gather [hbm4b:s30+s29], $0x400, $0x38;
	[tilespmem:$0x12A00] =	vst v63  }
.LBB2_4:
0xab: {  	s30 =	sshllo.u32 s29, $0x2;
	s5 =	simm.s32 $0x1  }
0xac: {  	_ =	swait.ge [sflag:s5], $0x4000;
	s0 =	sshll.u32 s30, $0xB  }
0xad: {  	[sflag:s5] =	ssyncset.done $0x0;
	s0 =	sadd.s32 s3, s0  }
0xae: {  	s22 =	simm.s32 $0x0;
	[sflag:s5] =	ssyncadd.s32 $0xFFFFC000;
	s7 =	sadd.s32 s4, s0  }
0xaf: {  	[tilespmem:s25], [sflag:$0x4] =	stream.linear.gather [hbm4b:s7+s2], $0x400, $0x38;
	[tilespmem:$0x12A00] =	vst v63  }
0xb0: {  	s26 =	simm.s32 $0xC710;
	v11 =	vmov s22;
	s7 =	sadd.s32 s0, s6  }
0xb1: {  	v11 =	vshrl.u32 v11, $0x3;
	[tilespmem:s26], [sflag:$0x4] =	stream.linear.gather [hbm4b:s7+s2], $0x400, $0x38;
	[tilespmem:$0x12A00] =	vst v63  }
0xb2: {  	s22 =	sadd.s32 s0, s8;
	v11 =	vshll.u32 v11, $0x3;
	s26 =	simm.s32 $0xCB20  }
0xb3: {  	v11 =	vbroadcast v11, $0x0;
	[tilespmem:s26], [sflag:$0x4] =	stream.linear.gather [hbm4b:s22+s2], $0x400, $0x38;
	[tilespmem:$0x12A00] =	vst v63  }
0xb4: {  	s22 =	sadd.s32 s0, s9;
	s26 =	simm.s32 $0xCF30  }
0xb5: {  	v12 =	vadd.s32 v10, v11;
	[tilespmem:s26], [sflag:$0x4] =	stream.linear.gather [hbm4b:s22+s2], $0x400, $0x38;
	[tilespmem:$0x12A00] =	vst v63  }
0xb6: {  	v13 =	vadd.s32 v1, v11;
	s22 =	sadd.s32 s0, s12;
	s26 =	simm.s32 $0xD340  }
0xb7: {  	v14 =	vadd.s32 v4, v11;
	[tilespmem:s26], [sflag:$0x4] =	stream.linear.gather [hbm4b:s22+s2], $0x400, $0x38;
	[tilespmem:$0x12A00] =	vst v63  }
0xb8: {  	v15 =	vadd.s32 v5, v11;
	s22 =	sadd.s32 s0, s13;
	s26 =	simm.s32 $0xD750  }
0xb9: {  	v16 =	vadd.s32 v6, v11;
	[tilespmem:s26], [sflag:$0x4] =	stream.linear.gather [hbm4b:s22+s2], $0x400, $0x38;
	[tilespmem:$0x12A00] =	vst v63  }
0xba: {  	v17 =	vadd.s32 v7, v11;
	v12 =	vld.idx.msk [tilespmem:v12+s2+$0x0], $0xffff  }
0xbb: {  	v18 =	vadd.s32 v8, v11;
	v13 =	vld.idx.msk [tilespmem:v13+s2+$0x0], $0xffff  }
0xbc: {  	v11 =	vadd.s32 v9, v11;
	v14 =	vld.idx.msk [tilespmem:v14+s2+$0x0], $0xffff  }
0xbd: {  	v15 =	vld.idx.msk [tilespmem:v15+s2+$0x0], $0xffff  }
0xbe: {  	v16 =	vld.idx.msk [tilespmem:v16+s2+$0x0], $0xffff  }
0xbf: {  	v17 =	vld.idx.msk [tilespmem:v17+s2+$0x0], $0xffff  }
0xc0: {  	v18 =	vld.idx.msk [tilespmem:v18+s2+$0x0], $0xffff  }
0xc1: {  	v11 =	vld.idx.msk [tilespmem:v11+s2+$0x0], $0xffff;
	v12 =	vmul.f32 $3.200000000e+01, v12;
	_ =	sdelay $0x1  }
0xc2: {  	s7 =	simm.s32 $0x8;
	v13 =	vmul.f32 $3.200000000e+01, v13;
	v14 =	vmul.f32 $3.200000000e+01, v14;
	v12 =	vadd.f32 $2.560000000e+02, v12  }
0xc3: {  	v19 =	vmov s7;
	v15 =	vmul.f32 $3.200000000e+01, v15;
	v16 =	vmul.f32 $3.200000000e+01, v16  }
0xc4: {  	v17 =	vmul.f32 $3.200000000e+01, v17;
	v18 =	vmul.f32 $3.200000000e+01, v18;
	v12 =	vmax.f32 v12, $0.0e+00  }
0xc5: {  	v11 =	vmul.f32 $3.200000000e+01, v11;
	v13 =	vadd.f32 $2.560000000e+02, v13;
	v12 =	vmin.f32 v12, $5.110000000e+02  }
0xc6: {  	v14 =	vadd.f32 $2.560000000e+02, v14;
	v15 =	vadd.f32 $2.560000000e+02, v15;
	v12 =	vtrunc.f32 v12  }
0xc7: {  	v16 =	vadd.f32 $2.560000000e+02, v16;
	v17 =	vadd.f32 $2.560000000e+02, v17;
	v12 =	vcvt.f32.s32 v12  }
0xc8: {  	v18 =	vadd.f32 $2.560000000e+02, v18;
	v11 =	vadd.f32 $2.560000000e+02, v11;
	v13 =	vmax.f32 v13, $0.0e+00  }
0xc9: {  	v14 =	vmax.f32 v14, $0.0e+00;
	v15 =	vmax.f32 v15, $0.0e+00;
	v12 =	vshll.u32 v12, $0x4  }
0xca: {  	v16 =	vmax.f32 v16, $0.0e+00;
	v20 =	vor.u32 v0, v12;
	v12 =	vshrl.u32 v19, $0x3  }
0xcb: {  	v17 =	vmax.f32 v17, $0.0e+00;
	v18 =	vmax.f32 v18, $0.0e+00;
	v12 =	vshll.u32 v12, $0x3  }
0xcc: {  	v11 =	vmax.f32 v11, $0.0e+00;
	v13 =	vmin.f32 v13, $5.110000000e+02;
	v12 =	vbroadcast v12, $0x0  }
0xcd: {  	v14 =	vmin.f32 v14, $5.110000000e+02;
	v15 =	vmin.f32 v15, $5.110000000e+02;
	v16 =	vmin.f32 v16, $5.110000000e+02  }
0xce: {  	v17 =	vmin.f32 v17, $5.110000000e+02;
	v18 =	vmin.f32 v18, $5.110000000e+02;
	v19 =	vadd.s32 v10, v12  }
0xcf: {  	v11 =	vmin.f32 v11, $5.110000000e+02;
	v13 =	vtrunc.f32 v13;
	v21 =	vadd.s32 v1, v12  }
0xd0: {  	v14 =	vtrunc.f32 v14;
	v15 =	vtrunc.f32 v15;
	v22 =	vadd.s32 v4, v12  }
0xd1: {  	v16 =	vtrunc.f32 v16;
	v17 =	vtrunc.f32 v17;
	v23 =	vadd.s32 v5, v12  }
0xd2: {  	v18 =	vtrunc.f32 v18;
	v11 =	vtrunc.f32 v11;
	v24 =	vadd.s32 v6, v12  }
0xd3: {  	v13 =	vcvt.f32.s32 v13;
	v11 =	vcvt.f32.s32 v11;
	v26 =	vadd.s32 v8, v12;
	v19 =	vld.idx.msk [tilespmem:v19+s2+$0x0], $0xffff  }
0xd4: {  	v25 =	vadd.s32 v7, v12;
	v27 =	vadd.s32 v9, v12;
	v12 =	vcvt.f32.s32 v14;
	v21 =	vld.idx.msk [tilespmem:v21+s2+$0x0], $0xffff  }
0xd5: {  	v14 =	vcvt.f32.s32 v15;
	v15 =	vld.idx.msk [tilespmem:v22+s2+$0x0], $0xffff;
	v22 =	vshll.u32 v13, $0x4;
	v13 =	vcvt.f32.s32 v16  }
0xd6: {  	v18 =	vcvt.f32.s32 v18;
	v11 =	vshll.u32 v11, $0x4;
	v16 =	vcvt.f32.s32 v17;
	v17 =	vld.idx.msk [tilespmem:v23+s2+$0x0], $0xffff  }
0xd7: {  	v14 =	vshll.u32 v14, $0x4;
	v23 =	vshll.u32 v12, $0x4;
	v24 =	vld.idx.msk [tilespmem:v24+s2+$0x0], $0xffff;
	v28 =	vshll.u32 v13, $0x4  }
0xd8: {  	v12 =	vshll.u32 v16, $0x4;
	v13 =	vshll.u32 v18, $0x4;
	v18 =	vld.idx.msk [tilespmem:v26+s2+$0x0], $0xffff;
	v16 =	vmul.f32 $3.200000000e+01, v19  }
0xd9: {  	v60 =	vor.u32 v0, v14;
	v25 =	vld.idx.msk [tilespmem:v25+s2+$0x0], $0xffff;
	v23 =	vor.u32 v0, v23;
	v19 =	vmul.f32 $3.200000000e+01, v21  }
0xda: {  	v21 =	vor.u32 v0, v22;
	v22 =	vld.idx.msk [tilespmem:v27+s2+$0x0], $0xffff;
	v15 =	vmul.f32 $3.200000000e+01, v15;
	v16 =	vadd.f32 $2.560000000e+02, v16  }
0xdb: {  	v14 =	vor.u32 v0, v28;
	v17 =	vmul.f32 $3.200000000e+01, v17;
	v19 =	vadd.f32 $2.560000000e+02, v19  }
0xdc: {  	v61 =	vadd.f32 $2.560000000e+02, v15;
	v15 =	vmul.f32 $3.200000000e+01, v24;
	v62 =	vmax.f32 v16, $0.0e+00  }
0xdd: {  	[tilespmem:v20+s1+$0x0] =	vst.idx.add.f32.msk $0xffff, v3;
	v63 =	vmul.f32 $3.200000000e+01, v18;
	v16 =	vadd.f32 $2.560000000e+02, v17;
	v20 =	vmin.f32 v62, $5.110000000e+02  }
0xde: {  	[tilespmem:v60+s1+$0x0] =	vst.idx.add.f32.msk $0xffff, v3;
	v17 =	vmul.f32 $3.200000000e+01, v25;
	v15 =	vadd.f32 $2.560000000e+02, v15;
	v18 =	vtrunc.f32 v20  }
0xdf: {  	v19 =	vmax.f32 v19, $0.0e+00;
	[tilespmem:v21+s1+$0x0] =	vst.idx.add.f32.msk $0xffff, v3;
	v21 =	vmul.f32 $3.200000000e+01, v22;
	v22 =	vcvt.f32.s32 v18  }
0xe0: {  	s31 =	sshll.u32 s29, $0x2;
	[tilespmem:v23+s1+$0x0] =	vst.idx.add.f32.msk $0xffff, v3;
	v17 =	vadd.f32 $2.560000000e+02, v17;
	v20 =	vadd.f32 $2.560000000e+02, v63;
	v18 =	vmax.f32 v61, $0.0e+00  }
.LBB2_5:
0xe1: {  	s7 =	sadd.s32 $0x8, s7;
	v16 =	vmax.f32 v16, $0.0e+00;
	v21 =	vadd.f32 $2.560000000e+02, v21;
	v22 =	vshll.u32 v22, $0x4;
	[tilespmem:v14+s1+$0x0] =	vst.idx.add.f32.msk $0xffff, v3  }
0xe2: {  	v15 =	vmax.f32 v15, $0.0e+00;
	v14 =	vmov s7;
	p0 =	slt.u32 s7, $0x3F8;
	v22 =	vor.u32 v0, v22  }
0xe3: {  	v17 =	vmax.f32 v17, $0.0e+00;
	v20 =	vmax.f32 v20, $0.0e+00;
	v14 =	vshrl.u32 v14, $0x3  }
0xe4: {  	v19 =	vmin.f32 v19, $5.110000000e+02;
	v21 =	vmax.f32 v21, $0.0e+00;
	v14 =	vshll.u32 v14, $0x3  }
0xe5: {  	v18 =	vmin.f32 v18, $5.110000000e+02;
	v16 =	vmin.f32 v16, $5.110000000e+02;
	v14 =	vbroadcast v14, $0x0  }
0xe6: {  	v15 =	vmin.f32 v15, $5.110000000e+02;
	v17 =	vmin.f32 v17, $5.110000000e+02;
	v20 =	vmin.f32 v20, $5.110000000e+02  }
0xe7: {  	v21 =	vmin.f32 v21, $5.110000000e+02;
	v23 =	vadd.s32 v1, v14;
	v24 =	vadd.s32 v10, v14;
	[tilespmem:v22+s1+$0x0] =	vst.idx.add.f32.msk $0xffff, v3  }
0xe8: {  	v22 =	vadd.s32 v4, v14;
	v25 =	vadd.s32 v5, v14;
	v26 =	vadd.s32 v6, v14  }
0xe9: {  	v27 =	vadd.s32 v7, v14;
	v28 =	vadd.s32 v8, v14;
	v14 =	vadd.s32 v9, v14  }
0xea: {  	v29 =	vor.u32 v0, v12;
	v19 =	vtrunc.f32 v19;
	v18 =	vtrunc.f32 v18  }
0xeb: {  	v12 =	vtrunc.f32 v16;
	v15 =	vtrunc.f32 v15;
	v16 =	vor.u32 v0, v13  }
0xec: {  	v17 =	vtrunc.f32 v17;
	v20 =	vtrunc.f32 v20;
	v13 =	vld.idx.msk [tilespmem:v24+s2+$0x0], $0xffff;
	v24 =	vor.u32 v0, v11  }
0xed: {  	v11 =	vcvt.f32.s32 v19;
	v19 =	vtrunc.f32 v21;
	v23 =	vld.idx.msk [tilespmem:v23+s2+$0x0], $0xffff  }
0xee: {  	v18 =	vcvt.f32.s32 v18;
	v12 =	vcvt.f32.s32 v12;
	v21 =	vld.idx.msk [tilespmem:v22+s2+$0x0], $0xffff  }
0xef: {  	v22 =	vld.idx.msk [tilespmem:v25+s2+$0x0], $0xffff;
	v25 =	vshll.u32 v11, $0x4;
	v11 =	vcvt.f32.s32 v15;
	v15 =	vcvt.f32.s32 v17  }
0xf0: {  	v18 =	vshll.u32 v18, $0x4;
	v20 =	vcvt.f32.s32 v20;
	v19 =	vcvt.f32.s32 v19;
	v17 =	vld.idx.msk [tilespmem:v26+s2+$0x0], $0xffff  }
0xf1: {  	v26 =	vld.idx.msk [tilespmem:v27+s2+$0x0], $0xffff;
	v27 =	vshll.u32 v12, $0x4;
	v30 =	vshll.u32 v11, $0x4;
	v12 =	vshll.u32 v15, $0x4  }
0xf2: {  	v15 =	vmul.f32 $3.200000000e+01, v13;
	v13 =	vshll.u32 v20, $0x4;
	v11 =	vshll.u32 v19, $0x4;
	v28 =	vld.idx.msk [tilespmem:v28+s2+$0x0], $0xffff  }
0xf3: {  	v18 =	vor.u32 v0, v18;
	v19 =	vmul.f32 $3.200000000e+01, v23;
	v23 =	vor.u32 v0, v25;
	v20 =	vld.idx.msk [tilespmem:v14+s2+$0x0], $0xffff  }
0xf4: {  	v25 =	vor.u32 v0, v27;
	v21 =	vmul.f32 $3.200000000e+01, v21;
	v15 =	vadd.f32 $2.560000000e+02, v15;
	[tilespmem:v29+s1+$0x0] =	vst.idx.add.f32.msk $0xffff, v3  }
0xf5: {  	v14 =	vor.u32 v0, v30;
	v19 =	vadd.f32 $2.560000000e+02, v19;
	v22 =	vmul.f32 $3.200000000e+01, v22;
	[tilespmem:v16+s1+$0x0] =	vst.idx.add.f32.msk $0xffff, v3  }
.Ltmp1:
0xf6: {  	v27 =	vadd.f32 $2.560000000e+02, v21;
	v17 =	vmul.f32 $3.200000000e+01, v17;
	v15 =	vmax.f32 v15, $0.0e+00;
	[tilespmem:v24+s1+$0x0] =	vst.idx.add.f32.msk $0xffff, v3;
	(pc) =	sbr.rel @p0 .LBB2_5-.Ltmp1, $4  }
0xf7: {  	v16 =	vadd.f32 $2.560000000e+02, v22;
	v21 =	vmul.f32 $3.200000000e+01, v26;
	v22 =	vmin.f32 v15, $5.110000000e+02  }
0xf8: {  	v15 =	vadd.f32 $2.560000000e+02, v17;
	v24 =	vmul.f32 $3.200000000e+01, v28;
	v22 =	vtrunc.f32 v22;
	[tilespmem:v23+s1+$0x0] =	vst.idx.add.f32.msk $0xffff, v3  }
0xf9: {  	v17 =	vadd.f32 $2.560000000e+02, v21;
	v21 =	vmul.f32 $3.200000000e+01, v20;
	v22 =	vcvt.f32.s32 v22;
	[tilespmem:v18+s1+$0x0] =	vst.idx.add.f32.msk $0xffff, v3  }
0xfa: {  	v19 =	vmax.f32 v19, $0.0e+00;
	v18 =	vmax.f32 v27, $0.0e+00;
	v20 =	vadd.f32 $2.560000000e+02, v24;
	[tilespmem:v25+s1+$0x0] =	vst.idx.add.f32.msk $0xffff, v3  }
0xfb: {  	v16 =	vmax.f32 v16, $0.0e+00;
	v22 =	vshll.u32 v22, $0x4  }
0xfc: {  	v21 =	vadd.f32 $2.560000000e+02, v21;
	v15 =	vmax.f32 v15, $0.0e+00;
	v17 =	vmax.f32 v17, $0.0e+00  }
0xfd: {  	v19 =	vmin.f32 v19, $5.110000000e+02;
	v18 =	vmin.f32 v18, $5.110000000e+02;
	v12 =	vor.u32 v0, v12  }
0xfe: {  	v13 =	vor.u32 v0, v13;
	v11 =	vor.u32 v0, v11;
	v22 =	vor.u32 v0, v22  }
0xff: {  	v20 =	vmax.f32 v20, $0.0e+00;
	v16 =	vmin.f32 v16, $5.110000000e+02;
	v15 =	vmin.f32 v15, $5.110000000e+02  }
0x100: {  	v17 =	vmin.f32 v17, $5.110000000e+02;
	v19 =	vtrunc.f32 v19;
	v18 =	vtrunc.f32 v18  }
0x101: {  	v21 =	vmax.f32 v21, $0.0e+00;
	v16 =	vtrunc.f32 v16;
	v15 =	vtrunc.f32 v15  }
0x102: {  	v20 =	vmin.f32 v20, $5.110000000e+02;
	v17 =	vtrunc.f32 v17;
	v19 =	vcvt.f32.s32 v19  }
0x103: {  	v18 =	vcvt.f32.s32 v18;
	v21 =	vmin.f32 v21, $5.110000000e+02;
	v20 =	vtrunc.f32 v20  }
0x104: {  	[tilespmem:v14+s1+$0x0] =	vst.idx.add.f32.msk $0xffff, v3;
	v16 =	vcvt.f32.s32 v16;
	v14 =	vcvt.f32.s32 v15;
	v19 =	vshll.u32 v19, $0x4  }
0x105: {  	v17 =	vcvt.f32.s32 v17;
	v15 =	vshll.u32 v18, $0x4;
	v18 =	vor.u32 v0, v19  }
0x106: {  	v21 =	vtrunc.f32 v21;
	v16 =	vshll.u32 v16, $0x4;
	v15 =	vor.u32 v0, v15;
	[tilespmem:v12+s1+$0x0] =	vst.idx.add.f32.msk $0xffff, v3  }
0x107: {  	v19 =	vcvt.f32.s32 v20;
	v14 =	vshll.u32 v14, $0x4;
	[tilespmem:v13+s1+$0x0] =	vst.idx.add.f32.msk $0xffff, v3;
	v16 =	vor.u32 v0, v16  }
0x108: {  	v12 =	vcvt.f32.s32 v21;
	v17 =	vshll.u32 v17, $0x4;
	[tilespmem:v11+s1+$0x0] =	vst.idx.add.f32.msk $0xffff, v3;
	v14 =	vor.u32 v0, v14  }
0x109: {  	[tilespmem:v22+s1+$0x0] =	vst.idx.add.f32.msk $0xffff, v3;
	v11 =	vor.u32 v0, v17;
	v13 =	vshll.u32 v19, $0x4  }
0x10a: {  	v12 =	vshll.u32 v12, $0x4;
	v13 =	vor.u32 v0, v13;
	[tilespmem:v18+s1+$0x0] =	vst.idx.add.f32.msk $0xffff, v3  }
0x10b: {  	v12 =	vor.u32 v0, v12;
	[tilespmem:v15+s1+$0x0] =	vst.idx.add.f32.msk $0xffff, v3  }
0x10c: {  	[tilespmem:v16+s1+$0x0] =	vst.idx.add.f32.msk $0xffff, v3  }
0x10d: {  	[tilespmem:v14+s1+$0x0] =	vst.idx.add.f32.msk $0xffff, v3  }
0x10e: {  	[tilespmem:v11+s1+$0x0] =	vst.idx.add.f32.msk $0xffff, v3  }
0x10f: {  	[tilespmem:v13+s1+$0x0] =	vst.idx.add.f32.msk $0xffff, v3  }
0x110: {  	s5 =	sadd.s32 s0, s14;
	s7 =	simm.s32 $0xDB60;
	[tilespmem:v12+s1+$0x0] =	vst.idx.add.f32.msk $0xffff, v3  }
0x111: {  	[tilespmem:s7], [sflag:$0x4] =	stream.linear.gather [hbm4b:s5+s2], $0x400, $0x38;
	[tilespmem:$0x12A00] =	vst v63  }
0x112: {  	s22 =	sadd.s32 s0, s15;
	s26 =	simm.s32 $0xDF70  }
0x113: {  	[tilespmem:s26], [sflag:$0x4] =	stream.linear.gather [hbm4b:s22+s2], $0x400, $0x38;
	[tilespmem:$0x12A00] =	vst v63  }
0x114: {  	s22 =	sadd.s32 s0, s16;
	s26 =	simm.s32 $0xE380  }
0x115: {  	[tilespmem:s26], [sflag:$0x4] =	stream.linear.gather [hbm4b:s22+s2], $0x400, $0x38;
	[tilespmem:$0x12A00] =	vst v63  }
0x116: {  	s22 =	sadd.s32 s0, s17;
	s26 =	simm.s32 $0xE790  }
0x117: {  	[tilespmem:s26], [sflag:$0x4] =	stream.linear.gather [hbm4b:s22+s2], $0x400, $0x38;
	[tilespmem:$0x12A00] =	vst v63  }
0x118: {  	s7 =	simm.s32 $0x10440;
	s22 =	sadd.s32 s0, s18;
	s26 =	simm.s32 $0xEBA0  }
0x119: {  	[tilespmem:s26], [sflag:$0x4] =	stream.linear.gather [hbm4b:s22+s2], $0x400, $0x38;
	[tilespmem:$0x12A00] =	vst v63  }
0x11a: {  	v12 =	vld [tilespmem:s7+$0xFFFFFFD0]  }
0x11b: {  	v13 =	vld [tilespmem:s7+$0x30]  }
0x11c: {  	v15 =	vld [tilespmem:s7+$0x0]  }
0x11d: {  	v17 =	vld [tilespmem:s7+$0xFFFFFFC0]  }
0x11e: {  	v14 =	vld [tilespmem:s7+$0x20]  }
0x11f: {  	v16 =	vld [tilespmem:s7+$0xFFFFFFE0]  }
0x120: {  	v18 =	vld [tilespmem:s7+$0x10]  }
0x121: {  	v19 =	vld [tilespmem:s7+$0xFFFFFFF0]  }
0x122: {  	v11 =	vimm.f32 $0.0e+00  }
0x123: {  	v20 =	vadd.f32 v17, v11  }
0x124: {  	v13 =	vadd.f32 v13, v14;
	v21 =	vadd.f32 v16, v12  }
0x125: {  	v12 =	vadd.f32 v12, v17;
	v22 =	vadd.f32 v14, v18  }
0x126: {  	v24 =	vadd.f32 v18, v15;
	v18 =	vadd.f32 v19, v16  }
0x127: {  	v15 =	vadd.f32 v15, v19;
	vm0 =	vlt.f32 v20, $8.200000000e+02;
	v23 =	vadd.f32 v21, v17  }
0x128: {  	vm12 =	vlt.f32 v20, $2.050000000e+02;
	v20 =	vadd.f32 v12, v11;
	v25 =	vadd.f32 v24, v18  }
0x129: {  	v26 =	vadd.f32 v18, v12;
	v21 =	vadd.f32 v15, v21  }
0x12a: {  	v13 =	vadd.f32 v13, v24;
	v14 =	vsel vm0, $0x3F800000, v2;
	v16 =	vsel vm12, $0x3F800000, v2  }
0x12b: {  	v19 =	vadd.f32 v23, v11;
	vm13 =	vlt.f32 v20, $8.200000000e+02;
	v12 =	vadd.f32 v25, v12  }
0x12c: {  	[tilespmem:s7+$0xFFFFFFD0] =	vst v2;
	v24 =	vadd.f32 v26, v11;
	v25 =	vadd.f32 v21, v17;
	vm1 =	vlt.f32 v20, $2.050000000e+02  }
0x12d: {  	[tilespmem:s7+$0x30] =	vst v2;
	v21 =	vadd.f32 v13, v26;
	v13 =	vimm.f32 $0.0e+00;
	v18 =	vsel vm13, $0x3F800000, v2  }
0x12e: {  	[tilespmem:s7+$0x0] =	vst v2;
	vm14 =	vlt.f32 v19, $2.050000000e+02;
	vm2 =	vlt.f32 v19, $8.200000000e+02;
	v17 =	vadd.f32 v12, v11  }
0x12f: {  	[tilespmem:s7+$0xFFFFFFC0] =	vst v2;
	v12 =	vadd.f32 v22, v15;
	vm3 =	vlt.f32 v24, $8.200000000e+02;
	vm15 =	vlt.f32 v24, $2.050000000e+02  }
0x130: {  	[tilespmem:s7+$0x20] =	vst v2;
	v24 =	vsel vm1, $0x3F800000, v2;
	v15 =	vsel vm2, $0x3F800000, v2;
	v20 =	vsel vm3, $0x3F800000, v2  }
0x131: {  	[tilespmem:s7+$0xFFFFFFE0] =	vst v2;
	v19 =	vsel vm14, $0x3F800000, v2;
	v22 =	vadd.f32 v12, v23;
	v15 =	vadd.f32 v20, v15  }
0x132: {  	s5 =	simm.s32 $0x104C0;
	s22 =	simm.s32 $0x0;
	[tilespmem:s7+$0x10] =	vst v2;
	v23 =	vsel vm15, $0x3F800000, v2;
	v20 =	vadd.f32 v25, v11;
	v12 =	vimm.f32 $0.0e+00  }
.LBB2_7:
0x133: {  	v25 =	vld [tilespmem:s5+$0xFFFFFFD0];
	s22 =	sadd.s32 $0x8, s22;
	[tilespmem:s7+$0xFFFFFFF0] =	vst v2;
	vm0 =	vlt.f32 v17, $2.050000000e+02;
	v16 =	vadd.f32 v24, v16;
	v19 =	vadd.f32 v23, v19;
	s7 =	smov.u32 s5  }
0x134: {  	v22 =	vadd.f32 v22, v11;
	v14 =	vadd.f32 v18, v14;
	[tilespmem:s5+$0xFFFFFFD0] =	vst v2;
	v23 =	vld [tilespmem:s5+$0x30];
	p0 =	slt.u32 s22, $0x1F8;
	vm1 =	vlt.f32 v20, $8.200000000e+02  }
0x135: {  	v11 =	vadd.f32 v21, v11;
	vm2 =	vlt.f32 v20, $2.050000000e+02;
	v20 =	vsel vm0, $0x3F800000, v2;
	v18 =	vld [tilespmem:s5+$0x0];
	[tilespmem:s5+$0x30] =	vst v2  }
0x136: {  	vm0 =	vlt.f32 v22, $8.200000000e+02;
	v24 =	vsel vm2, $0x3F800000, v2;
	vm2 =	vlt.f32 v22, $2.050000000e+02;
	v21 =	vld [tilespmem:s5+$0xFFFFFFC0];
	[tilespmem:s5+$0x0] =	vst v2  }
0x137: {  	vm3 =	vlt.f32 v17, $8.200000000e+02;
	vm4 =	vlt.f32 v11, $8.200000000e+02;
	v17 =	vadd.f32 v20, v24;
	[tilespmem:s5+$0xFFFFFFC0] =	vst v2;
	v22 =	vld [tilespmem:s5+$0x20]  }
0x138: {  	v26 =	vsel vm3, $0x3F800000, v2;
	v24 =	vsel vm1, $0x3F800000, v2;
	vm1 =	vlt.f32 v11, $2.050000000e+02;
	v20 =	vld [tilespmem:s5+$0xFFFFFFE0];
	[tilespmem:s5+$0x20] =	vst v2  }
0x139: {  	v24 =	vadd.f32 v26, v24;
	v26 =	vsel vm2, $0x3F800000, v2;
	v28 =	vsel vm1, $0x3F800000, v2;
	[tilespmem:s5+$0xFFFFFFE0] =	vst v2;
	v27 =	vld [tilespmem:s5+$0x10]  }
0x13a: {  	v30 =	vsel vm0, $0x3F800000, v2;
	v26 =	vadd.f32 v28, v26;
	v28 =	vadd.f32 v19, v16;
	v29 =	vld [tilespmem:s5+$0xFFFFFFF0];
	[tilespmem:s5+$0x10] =	vst v2  }
0x13b: {  	v15 =	vadd.f32 v15, v14;
	v19 =	vsel vm4, $0x3F800000, v2;
	v16 =	vadd.f32 v21, v11  }
0x13c: {  	v19 =	vadd.f32 v19, v30;
	v23 =	vadd.f32 v23, v22  }
0x13d: {  	v26 =	vadd.f32 v26, v17;
	v30 =	vadd.f32 v20, v25;
	vm0 =	vlt.f32 v16, $8.200000000e+02  }
0x13e: {  	v17 =	vadd.f32 v25, v21;
	v22 =	vadd.f32 v22, v27;
	v14 =	vsel vm0, $0x3F800000, v2  }
0x13f: {  	vm0 =	vlt.f32 v16, $2.050000000e+02;
	v25 =	vadd.f32 v18, v29;
	v31 =	vadd.f32 v30, v21  }
0x140: {  	v32 =	vadd.f32 v17, v11;
	v27 =	vadd.f32 v27, v18  }
0x141: {  	v19 =	vadd.f32 v19, v24;
	v20 =	vadd.f32 v29, v20;
	v16 =	vsel vm0, $0x3F800000, v2  }
0x142: {  	vm0 =	vlt.f32 v32, $8.200000000e+02;
	v24 =	vadd.f32 v25, v30;
	v29 =	vadd.f32 v31, v11  }
0x143: {  	v15 =	vadd.f32 v19, v15;
	v18 =	vsel vm0, $0x3F800000, v2;
	v30 =	vadd.f32 v27, v20  }
0x144: {  	v20 =	vadd.f32 v20, v17;
	v27 =	vadd.f32 v23, v27;
	vm0 =	vlt.f32 v29, $2.050000000e+02  }
0x145: {  	vm1 =	vlt.f32 v32, $2.050000000e+02;
	v24 =	vadd.f32 v24, v21;
	v17 =	vadd.f32 v30, v17  }
0x146: {  	v12 =	vadd.f32 v15, v12;
	v21 =	vadd.f32 v20, v11;
	vm2 =	vlt.f32 v29, $8.200000000e+02  }
.Ltmp2:
0x147: {  	v15 =	vadd.f32 v26, v28;
	v19 =	vsel vm0, $0x3F800000, v2;
	v17 =	vadd.f32 v17, v11;
	(pc) =	sbr.rel @p0 .LBB2_7-.Ltmp2, $4  }
0x148: {  	v22 =	vadd.f32 v22, v25;
	vm0 =	vlt.f32 v21, $8.200000000e+02;
	vm3 =	vlt.f32 v21, $2.050000000e+02  }
0x149: {  	v13 =	vadd.f32 v15, v13;
	v21 =	vsel vm2, $0x3F800000, v2;
	v23 =	vsel vm0, $0x3F800000, v2  }
0x14a: {  	v22 =	vadd.f32 v22, v31;
	v15 =	vadd.f32 v23, v21;
	v23 =	vsel vm3, $0x3F800000, v2  }
0x14b: {  	s5 =	sadd.s32 $0x80, s5;
	v21 =	vadd.f32 v27, v20;
	v20 =	vadd.f32 v24, v11;
	v24 =	vsel vm1, $0x3F800000, v2  }
0x14c: {  	vm0 =	vlt.f32 v17, $2.050000000e+02;
	v16 =	vadd.f32 v24, v16;
	v19 =	vadd.f32 v23, v19  }
0x14d: {  	s5 =	simm.s32 $0x0;
	v22 =	vadd.f32 v22, v11;
	v14 =	vadd.f32 v18, v14;
	vm3 =	vlt.f32 v17, $8.200000000e+02  }
0x14e: {  	v25 =	vmov s5;
	vm1 =	vlt.f32 v20, $8.200000000e+02;
	v11 =	vadd.f32 v21, v11  }
0x14f: {  	vm2 =	vlt.f32 v20, $2.050000000e+02;
	v18 =	vsel vm0, $0x3F800000, v2;
	v21 =	vsel vm3, $0x3F800000, v2  }
0x150: {  	v20 =	vsel vm2, $0x3F800000, v2;
	vm14 =	vlt.f32 v22, $2.050000000e+02;
	vm4 =	vlt.f32 v11, $2.050000000e+02  }
0x151: {  	v17 =	vsel vm14, $0x3F800000, v2;
	vm15 =	vlt.f32 v11, $8.200000000e+02;
	v11 =	vsel vm4, $0x3F800000, v2  }
0x152: {  	v18 =	vadd.f32 v18, v20;
	v11 =	vadd.f32 v11, v17;
	v17 =	vshrl.u32 v25, $0x3  }
0x153: {  	vm13 =	vlt.f32 v22, $8.200000000e+02;
	v16 =	vadd.f32 v19, v16;
	v17 =	vshll.u32 v17, $0x3  }
0x154: {  	v20 =	vsel vm1, $0x3F800000, v2;
	v11 =	vadd.f32 v11, v18;
	v17 =	vbroadcast v17, $0x0  }
0x155: {  	v19 =	vsel vm13, $0x3F800000, v2;
	v18 =	vadd.f32 v21, v20  }
0x156: {  	v20 =	vsel vm15, $0x3F800000, v2;
	v11 =	vadd.f32 v11, v16;
	v16 =	vadd.s32 v1, v17  }
0x157: {  	v14 =	vadd.f32 v15, v14;
	v19 =	vadd.f32 v20, v19;
	v15 =	vadd.s32 v4, v17  }
0x158: {  	[tilespmem:s7+$0xFFFFFFF0] =	vst v2;
	s7 =	simm.s32 $0x8;
	v20 =	vadd.s32 v9, v17  }
0x159: {  	v23 =	vmov s7;
	v18 =	vadd.f32 v19, v18;
	v19 =	vadd.s32 v6, v17  }
0x15a: {  	v23 =	vshrl.u32 v23, $0x3;
	v11 =	vadd.f32 v11, v13  }
0x15b: {  	v23 =	vshll.u32 v23, $0x3;
	v13 =	vadd.s32 v7, v17;
	v14 =	vadd.f32 v18, v14;
	v16 =	vld.idx.msk [tilespmem:v16+s2+$0x0], $0xffff  }
0x15c: {  	v23 =	vbroadcast v23, $0x0;
	v11 =	vadd.f32 $1.000000000e+00, v11;
	v15 =	vld.idx.msk [tilespmem:v15+s2+$0x0], $0xffff  }
0x15d: {  	v18 =	vadd.s32 v8, v17;
	v12 =	vadd.f32 v14, v12;
	v20 =	vld.idx.msk [tilespmem:v20+s2+$0x0], $0xffff  }
0x15e: {  	v30 =	vadd.s32 v1, v23;
	v14 =	vadd.s32 v5, v17;
	v11 =	vmul.f32 $3.125000000e-02, v11;
	v19 =	vld.idx.msk [tilespmem:v19+s2+$0x0], $0xffff  }
0x15f: {  	v32 =	vadd.s32 v4, v23;
	v17 =	vadd.s32 v10, v17;
	v12 =	vmul.f32 $3.125000000e-02, v12  }
0x160: {  	v33 =	vadd.s32 v6, v23;
	v34 =	vadd.s32 v7, v23;
	v21 =	vld.idx.msk [tilespmem:v13+s2+$0x0], $0xffff;
	v11 =	vadd.f32 $-8.000000000e+00, v11  }
0x161: {  	v37 =	vadd.s32 v8, v23;
	v38 =	vadd.s32 v9, v23;
	v12 =	vadd.f32 $-8.000000000e+00, v12  }
0x162: {  	v39 =	vadd.s32 v5, v23;
	v18 =	vld.idx.msk [tilespmem:v18+s2+$0x0], $0xffff;
	v22 =	vsub.f32 v11, v16;
	v24 =	vsub.f32 v11, v15  }
0x163: {  	v63 =	vadd.s32 v10, v23;
	v14 =	vld.idx.msk [tilespmem:v14+s2+$0x0], $0xffff;
	v29 =	vsub.f32 v11, v20;
	v26 =	vsub.f32 v19, v12  }
0x164: {  	v13 =	vimm.f32 $0.0e+00;
	v31 =	vld.idx.msk [tilespmem:v17+s2+$0x0], $0xffff;
	v17 =	vsub.f32 v20, v12;
	v35 =	vsub.f32 v16, v12  }
0x165: {  	v19 =	vsub.f32 v11, v19;
	v22 =	vmax.f32 v22, $0.0e+00;
	v25 =	vsub.f32 v11, v21  }
0x166: {  	v24 =	vmax.f32 v24, $0.0e+00;
	v28 =	vsub.f32 v21, v12;
	v36 =	vmax.f32 v29, $0.0e+00  }
0x167: {  	v29 =	vsub.f32 v15, v12;
	v27 =	vsub.f32 v11, v18;
	v21 =	vmax.f32 v17, $0.0e+00  }
0x168: {  	v18 =	vsub.f32 v18, v12;
	v17 =	vld.idx.msk [tilespmem:v30+s2+$0x0], $0xffff;
	v24 =	vadd.f32 v24, v22;
	v25 =	vmax.f32 v25, $0.0e+00  }
0x169: {  	v20 =	vsub.f32 v14, v12;
	v27 =	vmax.f32 v27, $0.0e+00;
	v23 =	vsub.f32 v31, v12  }
0x16a: {  	v15 =	vld.idx.msk [tilespmem:v32+s2+$0x0], $0xffff;
	v41 =	vmax.f32 v28, $0.0e+00;
	v14 =	vsub.f32 v11, v14;
	v16 =	vadd.f32 v27, v25  }
0x16b: {  	v25 =	vld.idx.msk [tilespmem:v34+s2+$0x0], $0xffff;
	v27 =	vmax.f32 v29, $0.0e+00;
	v34 =	vmax.f32 v19, $0.0e+00;
	v40 =	vmax.f32 v20, $0.0e+00  }
0x16c: {  	v20 =	vsub.f32 v11, v31;
	v31 =	vmax.f32 v18, $0.0e+00;
	v18 =	vld.idx.msk [tilespmem:v33+s2+$0x0], $0xffff;
	v29 =	vmax.f32 v23, $0.0e+00  }
0x16d: {  	v23 =	vld.idx.msk [tilespmem:v37+s2+$0x0], $0xffff;
	v30 =	vmax.f32 v14, $0.0e+00;
	v14 =	vmax.f32 v26, $0.0e+00;
	v22 =	vsub.f32 v11, v17  }
0x16e: {  	v28 =	vld.idx.msk [tilespmem:v38+s2+$0x0], $0xffff;
	v31 =	vadd.f32 v31, v41;
	v32 =	vadd.f32 v14, v40;
	v20 =	vmax.f32 v20, $0.0e+00  }
0x16f: {  	v33 =	vmax.f32 v35, $0.0e+00;
	v26 =	vadd.f32 v20, v36;
	v36 =	vsub.f32 v11, v15;
	v20 =	vld.idx.msk [tilespmem:v63+s2+$0x0], $0xffff  }
0x170: {  	v14 =	vimm.f32 $0.0e+00;
	v19 =	vmax.f32 v22, $0.0e+00;
	v22 =	vld.idx.msk [tilespmem:v39+s2+$0x0], $0xffff;
	v35 =	vsub.f32 v11, v25  }
.LBB2_9:
0x171: {  	s7 =	sadd.s32 $0x8, s7;
	v36 =	vmax.f32 v36, $0.0e+00;
	v37 =	vsub.f32 v18, v12;
	v21 =	vadd.f32 v29, v21  }
0x172: {  	v38 =	vsub.f32 v11, v23;
	v30 =	vadd.f32 v34, v30;
	v29 =	vmov s7;
	p0 =	slt.u32 s7, $0x3F8  }
0x173: {  	v34 =	vsub.f32 v25, v12;
	v25 =	vmax.f32 v35, $0.0e+00;
	v29 =	vshrl.u32 v29, $0x3  }
0x174: {  	v27 =	vadd.f32 v27, v33;
	v35 =	vsub.f32 v11, v28;
	v29 =	vshll.u32 v29, $0x3  }
0x175: {  	v28 =	vsub.f32 v28, v12;
	v31 =	vadd.f32 v21, v31;
	v29 =	vbroadcast v29, $0x0  }
0x176: {  	v38 =	vmax.f32 v38, $0.0e+00;
	v27 =	vadd.f32 v32, v27;
	v33 =	vsub.f32 v22, v12  }
0x177: {  	v24 =	vadd.f32 v30, v24;
	v32 =	vadd.s32 v1, v29;
	v39 =	vadd.s32 v4, v29  }
0x178: {  	v26 =	vadd.f32 v26, v16;
	v30 =	vadd.s32 v6, v29;
	v40 =	vadd.s32 v7, v29  }
0x179: {  	v41 =	vsub.f32 v17, v12;
	v21 =	vmax.f32 v28, $0.0e+00;
	v35 =	vmax.f32 v35, $0.0e+00  }
0x17a: {  	v23 =	vsub.f32 v23, v12;
	v27 =	vadd.f32 v31, v27;
	v28 =	vadd.s32 v8, v29  }
0x17b: {  	v42 =	vsub.f32 v15, v12;
	v16 =	vadd.f32 v38, v25;
	v31 =	vadd.s32 v9, v29  }
0x17c: {  	v38 =	vmax.f32 v33, $0.0e+00;
	v33 =	vsub.f32 v11, v18;
	v17 =	vld.idx.msk [tilespmem:v32+s2+$0x0], $0xffff;
	v32 =	vadd.s32 v5, v29  }
0x17d: {  	v15 =	vld.idx.msk [tilespmem:v39+s2+$0x0], $0xffff;
	v39 =	vadd.s32 v10, v29;
	v29 =	vsub.f32 v20, v12;
	v20 =	vsub.f32 v11, v20  }
0x17e: {  	v26 =	vadd.f32 v26, v24;
	v13 =	vadd.f32 v27, v13;
	v25 =	vld.idx.msk [tilespmem:v40+s2+$0x0], $0xffff;
	v40 =	vmax.f32 v23, $0.0e+00  }
0x17f: {  	v43 =	vmax.f32 v34, $0.0e+00;
	v22 =	vsub.f32 v11, v22;
	v18 =	vld.idx.msk [tilespmem:v30+s2+$0x0], $0xffff;
	v44 =	vmax.f32 v20, $0.0e+00  }
.Ltmp3:
0x180: {  	v24 =	vadd.f32 v36, v19;
	v27 =	vmax.f32 v42, $0.0e+00;
	v29 =	vmax.f32 v29, $0.0e+00;
	v23 =	vld.idx.msk [tilespmem:v28+s2+$0x0], $0xffff;
	(pc) =	sbr.rel @p0 .LBB2_9-.Ltmp3, $4  }
0x181: {  	v37 =	vmax.f32 v37, $0.0e+00;
	v14 =	vadd.f32 v26, v14;
	v30 =	vmax.f32 v22, $0.0e+00;
	v28 =	vld.idx.msk [tilespmem:v31+s2+$0x0], $0xffff  }
0x182: {  	v34 =	vmax.f32 v33, $0.0e+00;
	v26 =	vadd.f32 v44, v35;
	v19 =	vsub.f32 v11, v17;
	v20 =	vld.idx.msk [tilespmem:v39+s2+$0x0], $0xffff  }
0x183: {  	v33 =	vmax.f32 v41, $0.0e+00;
	v31 =	vadd.f32 v40, v43;
	v36 =	vsub.f32 v11, v15  }
0x184: {  	v19 =	vmax.f32 v19, $0.0e+00;
	v35 =	vsub.f32 v11, v25;
	v22 =	vld.idx.msk [tilespmem:v32+s2+$0x0], $0xffff;
	v32 =	vadd.f32 v37, v38  }
0x185: {  	v37 =	vsub.f32 v18, v12  }
0x186: {  	v21 =	vadd.f32 v29, v21;
	v40 =	vsub.f32 v11, v23  }
0x187: {  	v30 =	vadd.f32 v34, v30;
	v25 =	vsub.f32 v25, v12  }
0x188: {  	v27 =	vadd.f32 v27, v33;
	v16 =	vadd.f32 v26, v16  }
0x189: {  	v17 =	vsub.f32 v17, v12;
	v23 =	vsub.f32 v23, v12  }
0x18a: {  	v15 =	vsub.f32 v15, v12;
	v18 =	vsub.f32 v11, v18  }
0x18b: {  	v42 =	vmax.f32 v36, $0.0e+00;
	v41 =	vsub.f32 v11, v28;
	v43 =	vsub.f32 v28, v12  }
0x18c: {  	v19 =	vadd.f32 v42, v19;
	v21 =	vadd.f32 v21, v31  }
0x18d: {  	v44 =	vmax.f32 v35, $0.0e+00;
	v27 =	vadd.f32 v32, v27;
	v24 =	vadd.f32 v30, v24  }
0x18e: {  	v29 =	vmax.f32 v40, $0.0e+00;
	v50 =	vsub.f32 v20, v12;
	v20 =	vsub.f32 v11, v20  }
0x18f: {  	v23 =	vmax.f32 v23, $0.0e+00;
	v51 =	vmax.f32 v25, $0.0e+00;
	v15 =	vmax.f32 v15, $0.0e+00  }
0x190: {  	v53 =	vmax.f32 v37, $0.0e+00;
	v17 =	vmax.f32 v17, $0.0e+00;
	v48 =	vadd.f32 v29, v44  }
0x191: {  	v18 =	vmax.f32 v18, $0.0e+00;
	v23 =	vadd.f32 v23, v51;
	v15 =	vadd.f32 v15, v17  }
0x192: {  	v46 =	vmax.f32 v43, $0.0e+00;
	v45 =	vsub.f32 v22, v12;
	v22 =	vsub.f32 v11, v22  }
0x193: {  	v47 =	vmax.f32 v41, $0.0e+00;
	v21 =	vadd.f32 v21, v27;
	v16 =	vadd.f32 v16, v24  }
0x194: {  	v20 =	vmax.f32 v20, $0.0e+00;
	v52 =	vmax.f32 v50, $0.0e+00;
	v22 =	vmax.f32 v22, $0.0e+00  }
0x195: {  	v20 =	vadd.f32 v20, v47;
	v49 =	vmax.f32 v45, $0.0e+00;
	v18 =	vadd.f32 v18, v22  }
0x196: {  	v54 =	vadd.f32 v53, v49;
	v22 =	vadd.f32 v52, v46  }
0x197: {  	v17 =	vadd.f32 v18, v19;
	v18 =	vadd.f32 v20, v48  }
0x198: {  	v14 =	vadd.f32 v16, v14;
	v16 =	vadd.f32 v22, v23  }
0x199: {  	v15 =	vadd.f32 v54, v15;
	v17 =	vadd.f32 v18, v17  }
0x19a: {  	s5 =	sadd.s32 s0, s19;
	s7 =	simm.s32 $0xEFB0;
	v13 =	vadd.f32 v21, v13  }
0x19b: {  	[tilespmem:s7], [sflag:$0x4] =	stream.linear.gather [hbm4b:s5+s2], $0x400, $0x38;
	v15 =	vadd.f32 v16, v15;
	v14 =	vadd.f32 v17, v14;
	[tilespmem:$0x12A00] =	vst v63  }
0x19c: {  	s22 =	sadd.s32 s0, s20;
	s26 =	simm.s32 $0xF3C0  }
0x19d: {  	[tilespmem:s26], [sflag:$0x4] =	stream.linear.gather [hbm4b:s22+s2], $0x400, $0x38;
	v13 =	vadd.f32 v15, v13;
	v14 =	vmul.f32 $4.878048790e-03, v14;
	[tilespmem:$0x12A00] =	vst v63  }
0x19e: {  	s22 =	sadd.s32 s0, s21;
	s26 =	simm.s32 $0xF7D0  }
0x19f: {  	[tilespmem:s26], [sflag:$0x4] =	stream.linear.gather [hbm4b:s22+s2], $0x400, $0x38;
	v13 =	vmul.f32 $4.878048790e-03, v13;
	v11 =	vsub.f32 v11, v14;
	[tilespmem:$0x12A00] =	vst v63  }
0x1a0: {  	s22 =	sadd.s32 s0, s23;
	s26 =	simm.s32 $0xFBE0  }
0x1a1: {  	[tilespmem:s26], [sflag:$0x4] =	stream.linear.gather [hbm4b:s22+s2], $0x400, $0x38;
	v12 =	vadd.f32 v13, v12;
	v11 =	vmul.f32 $6.999999880e-01, v11;
	[tilespmem:$0x12A00] =	vst v63  }
0x1a2: {  	s26 =	sshll.u32 s29, $0x6  }
0x1a3: {  	s7 =	sadd.s32 s0, s24;
	s22 =	simm.s32 $0xFFF0;
	s0 =	sand.u32 $0x3FFFFFC0, s26;
	v11 =	vadd.f32 v11, v12  }
0x1a4: {  	[tilespmem:s22], [sflag:$0x4] =	stream.linear.gather [hbm4b:s7+s2], $0x400, $0x38;
	[tilespmem:$0x12A00] =	vst v63  }
0x1a5: {  	p0 =	seq.s32 s29, $0x17;
	s5 =	sadd.s32 $0x4, s31;
	s22 =	simm.s32 $0x2;
	[tilespmem:s0+$0x12400] =	vst v11  }
0x1a6: {  	s5 =	sshll.u32 @!p0 s5, $0xB;
	_ =	swait.ge [sflag:s22], $0x4000  }
0x1a7: {  	s7 =	sadd.s32 @!p0 s3, s5;
	[sflag:s22] =	ssyncset.done $0x0  }
0x1a8: {  	s5 =	sadd.s32 @!p0 s4, s7;
	[sflag:s22] =	ssyncadd.s32 $0xFFFFC000;
	s22 =	simm.s32 @!p0 $0x0  }
0x1a9: {  	[tilespmem:s22], [sflag:$0x1] =	stream.linear.gather @!p0 [hbm4b:s5+s22], $0x400, $0x38;
	[tilespmem:$0x12A00] =	vst v63  }
0x1aa: {  	s5 =	simm.s32 $0x0  }
0x1ab: {  	s26 =	sadd.s32 @!p0 s7, s6;
	v11 =	vmov s5;
	s5 =	simm.s32 @!p0 $0x410  }
0x1ac: {  	[tilespmem:s5], [sflag:$0x1] =	stream.linear.gather @!p0 [hbm4b:s26+s22], $0x400, $0x38;
	v11 =	vshrl.u32 v11, $0x3;
	[tilespmem:$0x12A00] =	vst v63  }
0x1ad: {  	s5 =	sadd.s32 @!p0 s7, s8;
	s26 =	simm.s32 @!p0 $0x820;
	v11 =	vshll.u32 v11, $0x3  }
0x1ae: {  	[tilespmem:s26], [sflag:$0x1] =	stream.linear.gather @!p0 [hbm4b:s5+s22], $0x400, $0x38;
	v11 =	vbroadcast v11, $0x0;
	[tilespmem:$0x12A00] =	vst v63  }
0x1af: {  	s5 =	sadd.s32 @!p0 s7, s9;
	s26 =	simm.s32 @!p0 $0xC30  }
0x1b0: {  	[tilespmem:s26], [sflag:$0x1] =	stream.linear.gather @!p0 [hbm4b:s5+s22], $0x400, $0x38;
	v12 =	vadd.s32 v10, v11;
	[tilespmem:$0x12A00] =	vst v63  }
0x1b1: {  	s5 =	sadd.s32 @!p0 s7, s12;
	s26 =	simm.s32 @!p0 $0x1040;
	v13 =	vadd.s32 v1, v11  }
0x1b2: {  	v14 =	vadd.s32 v4, v11;
	[tilespmem:s26], [sflag:$0x1] =	stream.linear.gather @!p0 [hbm4b:s5+s22], $0x400, $0x38;
	[tilespmem:$0x12A00] =	vst v63  }
0x1b3: {  	v15 =	vadd.s32 v5, v11;
	s5 =	sadd.s32 @!p0 s7, s13;
	s26 =	simm.s32 @!p0 $0x1450  }
0x1b4: {  	v16 =	vadd.s32 v6, v11;
	[tilespmem:s26], [sflag:$0x1] =	stream.linear.gather @!p0 [hbm4b:s5+s22], $0x400, $0x38;
	[tilespmem:$0x12A00] =	vst v63  }
0x1b5: {  	v17 =	vadd.s32 v7, v11;
	v12 =	vld.idx.msk [tilespmem:v12+s10+$0x0], $0xffff  }
0x1b6: {  	v18 =	vadd.s32 v8, v11;
	v13 =	vld.idx.msk [tilespmem:v13+s10+$0x0], $0xffff  }
0x1b7: {  	v11 =	vadd.s32 v9, v11;
	v14 =	vld.idx.msk [tilespmem:v14+s10+$0x0], $0xffff  }
0x1b8: {  	v15 =	vld.idx.msk [tilespmem:v15+s10+$0x0], $0xffff  }
0x1b9: {  	v16 =	vld.idx.msk [tilespmem:v16+s10+$0x0], $0xffff  }
0x1ba: {  	v17 =	vld.idx.msk [tilespmem:v17+s10+$0x0], $0xffff  }
0x1bb: {  	v18 =	vld.idx.msk [tilespmem:v18+s10+$0x0], $0xffff  }
0x1bc: {  	v11 =	vld.idx.msk [tilespmem:v11+s10+$0x0], $0xffff;
	v12 =	vmul.f32 $3.200000000e+01, v12;
	_ =	sdelay $0x1  }
0x1bd: {  	v13 =	vmul.f32 $3.200000000e+01, v13;
	v12 =	vadd.f32 $2.560000000e+02, v12  }
0x1be: {  	v14 =	vmul.f32 $3.200000000e+01, v14;
	v15 =	vmul.f32 $3.200000000e+01, v15  }
0x1bf: {  	v16 =	vmul.f32 $3.200000000e+01, v16;
	v17 =	vmul.f32 $3.200000000e+01, v17;
	v12 =	vmax.f32 v12, $0.0e+00  }
0x1c0: {  	v18 =	vmul.f32 $3.200000000e+01, v18;
	v11 =	vmul.f32 $3.200000000e+01, v11;
	v12 =	vmin.f32 v12, $5.110000000e+02  }
0x1c1: {  	v13 =	vadd.f32 $2.560000000e+02, v13;
	v14 =	vadd.f32 $2.560000000e+02, v14;
	v12 =	vtrunc.f32 v12  }
0x1c2: {  	s22 =	simm.s32 $0x8;
	v15 =	vadd.f32 $2.560000000e+02, v15;
	v16 =	vadd.f32 $2.560000000e+02, v16;
	v12 =	vcvt.f32.s32 v12  }
0x1c3: {  	v19 =	vmov s22;
	v17 =	vadd.f32 $2.560000000e+02, v17;
	v18 =	vadd.f32 $2.560000000e+02, v18  }
0x1c4: {  	v11 =	vadd.f32 $2.560000000e+02, v11;
	v13 =	vmax.f32 v13, $0.0e+00;
	v12 =	vshll.u32 v12, $0x4  }
0x1c5: {  	v14 =	vmax.f32 v14, $0.0e+00;
	v20 =	vor.u32 v0, v12;
	v12 =	vshrl.u32 v19, $0x3  }
0x1c6: {  	v15 =	vmax.f32 v15, $0.0e+00;
	v16 =	vmax.f32 v16, $0.0e+00;
	v12 =	vshll.u32 v12, $0x3  }
0x1c7: {  	v17 =	vmax.f32 v17, $0.0e+00;
	v18 =	vmax.f32 v18, $0.0e+00;
	v12 =	vbroadcast v12, $0x0  }
0x1c8: {  	v11 =	vmax.f32 v11, $0.0e+00;
	v13 =	vmin.f32 v13, $5.110000000e+02;
	v14 =	vmin.f32 v14, $5.110000000e+02  }
0x1c9: {  	v15 =	vmin.f32 v15, $5.110000000e+02;
	v16 =	vmin.f32 v16, $5.110000000e+02;
	v19 =	vadd.s32 v10, v12  }
0x1ca: {  	v17 =	vmin.f32 v17, $5.110000000e+02;
	v18 =	vmin.f32 v18, $5.110000000e+02;
	v21 =	vadd.s32 v1, v12  }
0x1cb: {  	v11 =	vmin.f32 v11, $5.110000000e+02;
	v13 =	vtrunc.f32 v13;
	v22 =	vadd.s32 v4, v12  }
0x1cc: {  	v14 =	vtrunc.f32 v14;
	v15 =	vtrunc.f32 v15;
	v23 =	vadd.s32 v5, v12  }
0x1cd: {  	v16 =	vtrunc.f32 v16;
	v17 =	vtrunc.f32 v17;
	v55 =	vadd.s32 v6, v12  }
0x1ce: {  	v18 =	vtrunc.f32 v18;
	v11 =	vtrunc.f32 v11;
	v56 =	vadd.s32 v7, v12;
	v19 =	vld.idx.msk [tilespmem:v19+s10+$0x0], $0xffff  }
0x1cf: {  	v13 =	vcvt.f32.s32 v13;
	v11 =	vcvt.f32.s32 v11;
	v57 =	vadd.s32 v8, v12;
	v21 =	vld.idx.msk [tilespmem:v21+s10+$0x0], $0xffff  }
0x1d0: {  	v58 =	vadd.s32 v9, v12;
	v12 =	vcvt.f32.s32 v14;
	v14 =	vcvt.f32.s32 v15;
	v15 =	vld.idx.msk [tilespmem:v22+s10+$0x0], $0xffff  }
0x1d1: {  	v22 =	vshll.u32 v13, $0x4;
	v13 =	vcvt.f32.s32 v16;
	v16 =	vcvt.f32.s32 v17;
	v17 =	vld.idx.msk [tilespmem:v23+s10+$0x0], $0xffff  }
0x1d2: {  	v18 =	vcvt.f32.s32 v18;
	v11 =	vshll.u32 v11, $0x4;
	v24 =	vld.idx.msk [tilespmem:v55+s10+$0x0], $0xffff  }
0x1d3: {  	v14 =	vshll.u32 v14, $0x4;
	v23 =	vshll.u32 v12, $0x4;
	v12 =	vshll.u32 v16, $0x4;
	v16 =	vld.idx.msk [tilespmem:v56+s10+$0x0], $0xffff  }
0x1d4: {  	v59 =	vshll.u32 v13, $0x4;
	v13 =	vshll.u32 v18, $0x4;
	v18 =	vld.idx.msk [tilespmem:v57+s10+$0x0], $0xffff;
	v19 =	vmul.f32 $3.200000000e+01, v19  }
0x1d5: {  	v61 =	vor.u32 v0, v14;
	v60 =	vld.idx.msk [tilespmem:v58+s10+$0x0], $0xffff;
	v22 =	vor.u32 v0, v22;
	v21 =	vmul.f32 $3.200000000e+01, v21  }
0x1d6: {  	v23 =	vor.u32 v0, v23;
	v15 =	vmul.f32 $3.200000000e+01, v15;
	v19 =	vadd.f32 $2.560000000e+02, v19  }
0x1d7: {  	v14 =	vor.u32 v0, v59;
	v17 =	vmul.f32 $3.200000000e+01, v17;
	v62 =	vadd.f32 $2.560000000e+02, v21  }
0x1d8: {  	v63 =	vadd.f32 $2.560000000e+02, v15;
	v15 =	vmul.f32 $3.200000000e+01, v24;
	v19 =	vmax.f32 v19, $0.0e+00  }
0x1d9: {  	[tilespmem:v20+s1+$0x0] =	vst.idx.add.f32.msk $0xffff, v3;
	v16 =	vmul.f32 $3.200000000e+01, v16;
	v20 =	vmul.f32 $3.200000000e+01, v18;
	v19 =	vmin.f32 v19, $5.110000000e+02  }
0x1da: {  	[tilespmem:v61+s1+$0x0] =	vst.idx.add.f32.msk $0xffff, v3;
	v17 =	vadd.f32 $2.560000000e+02, v17;
	v21 =	vmul.f32 $3.200000000e+01, v60;
	v19 =	vtrunc.f32 v19  }
0x1db: {  	[tilespmem:v22+s1+$0x0] =	vst.idx.add.f32.msk $0xffff, v3;
	v15 =	vadd.f32 $2.560000000e+02, v15;
	v18 =	vadd.f32 $2.560000000e+02, v16;
	v22 =	vcvt.f32.s32 v19  }
0x1dc: {  	[tilespmem:v23+s1+$0x0] =	vst.idx.add.f32.msk $0xffff, v3;
	v16 =	vmax.f32 v63, $0.0e+00;
	v20 =	vadd.f32 $2.560000000e+02, v20;
	v19 =	vmax.f32 v62, $0.0e+00  }
.LBB2_11:
0x1dd: {  	s22 =	sadd.s32 $0x8, s22;
	v17 =	vmax.f32 v17, $0.0e+00;
	v21 =	vadd.f32 $2.560000000e+02, v21;
	v22 =	vshll.u32 v22, $0x4;
	[tilespmem:v14+s1+$0x0] =	vst.idx.add.f32.msk $0xffff, v3  }
0x1de: {  	v15 =	vmax.f32 v15, $0.0e+00;
	v14 =	vmov s22;
	p1 =	slt.u32 s22, $0x3F8;
	v22 =	vor.u32 v0, v22  }
0x1df: {  	v18 =	vmax.f32 v18, $0.0e+00;
	v20 =	vmax.f32 v20, $0.0e+00;
	v14 =	vshrl.u32 v14, $0x3  }
0x1e0: {  	v19 =	vmin.f32 v19, $5.110000000e+02;
	v21 =	vmax.f32 v21, $0.0e+00;
	v14 =	vshll.u32 v14, $0x3  }
0x1e1: {  	v16 =	vmin.f32 v16, $5.110000000e+02;
	v17 =	vmin.f32 v17, $5.110000000e+02;
	v14 =	vbroadcast v14, $0x0  }
0x1e2: {  	v15 =	vmin.f32 v15, $5.110000000e+02;
	v18 =	vmin.f32 v18, $5.110000000e+02;
	v20 =	vmin.f32 v20, $5.110000000e+02  }
0x1e3: {  	v21 =	vmin.f32 v21, $5.110000000e+02;
	v23 =	vadd.s32 v1, v14;
	v24 =	vadd.s32 v10, v14;
	[tilespmem:v22+s1+$0x0] =	vst.idx.add.f32.msk $0xffff, v3  }
0x1e4: {  	v22 =	vadd.s32 v4, v14;
	v25 =	vadd.s32 v5, v14;
	v26 =	vadd.s32 v6, v14  }
0x1e5: {  	v27 =	vadd.s32 v7, v14;
	v28 =	vadd.s32 v8, v14;
	v14 =	vadd.s32 v9, v14  }
0x1e6: {  	v29 =	vor.u32 v0, v12;
	v19 =	vtrunc.f32 v19;
	v16 =	vtrunc.f32 v16  }
0x1e7: {  	v12 =	vtrunc.f32 v17;
	v15 =	vtrunc.f32 v15;
	v17 =	vor.u32 v0, v13  }
0x1e8: {  	v18 =	vtrunc.f32 v18;
	v20 =	vtrunc.f32 v20;
	v13 =	vld.idx.msk [tilespmem:v24+s10+$0x0], $0xffff;
	v24 =	vor.u32 v0, v11  }
0x1e9: {  	v11 =	vcvt.f32.s32 v19;
	v19 =	vtrunc.f32 v21;
	v23 =	vld.idx.msk [tilespmem:v23+s10+$0x0], $0xffff  }
0x1ea: {  	v16 =	vcvt.f32.s32 v16;
	v12 =	vcvt.f32.s32 v12;
	v21 =	vld.idx.msk [tilespmem:v22+s10+$0x0], $0xffff  }
0x1eb: {  	v22 =	vld.idx.msk [tilespmem:v25+s10+$0x0], $0xffff;
	v25 =	vshll.u32 v11, $0x4;
	v11 =	vcvt.f32.s32 v15;
	v15 =	vcvt.f32.s32 v18  }
0x1ec: {  	v16 =	vshll.u32 v16, $0x4;
	v20 =	vcvt.f32.s32 v20;
	v19 =	vcvt.f32.s32 v19;
	v18 =	vld.idx.msk [tilespmem:v26+s10+$0x0], $0xffff  }
0x1ed: {  	v26 =	vld.idx.msk [tilespmem:v27+s10+$0x0], $0xffff;
	v27 =	vshll.u32 v12, $0x4;
	v30 =	vshll.u32 v11, $0x4;
	v12 =	vshll.u32 v15, $0x4  }
0x1ee: {  	v15 =	vmul.f32 $3.200000000e+01, v13;
	v13 =	vshll.u32 v20, $0x4;
	v11 =	vshll.u32 v19, $0x4;
	v28 =	vld.idx.msk [tilespmem:v28+s10+$0x0], $0xffff  }
0x1ef: {  	v16 =	vor.u32 v0, v16;
	v19 =	vmul.f32 $3.200000000e+01, v23;
	v23 =	vor.u32 v0, v25;
	v20 =	vld.idx.msk [tilespmem:v14+s10+$0x0], $0xffff  }
0x1f0: {  	v25 =	vor.u32 v0, v27;
	v21 =	vmul.f32 $3.200000000e+01, v21;
	v15 =	vadd.f32 $2.560000000e+02, v15;
	[tilespmem:v29+s1+$0x0] =	vst.idx.add.f32.msk $0xffff, v3  }
0x1f1: {  	v14 =	vor.u32 v0, v30;
	v19 =	vadd.f32 $2.560000000e+02, v19;
	v22 =	vmul.f32 $3.200000000e+01, v22;
	[tilespmem:v17+s1+$0x0] =	vst.idx.add.f32.msk $0xffff, v3  }
.Ltmp4:
0x1f2: {  	v27 =	vadd.f32 $2.560000000e+02, v21;
	v18 =	vmul.f32 $3.200000000e+01, v18;
	v15 =	vmax.f32 v15, $0.0e+00;
	[tilespmem:v24+s1+$0x0] =	vst.idx.add.f32.msk $0xffff, v3;
	(pc) =	sbr.rel @p1 .LBB2_11-.Ltmp4, $4  }
0x1f3: {  	v17 =	vadd.f32 $2.560000000e+02, v22;
	v21 =	vmul.f32 $3.200000000e+01, v26;
	v22 =	vmin.f32 v15, $5.110000000e+02  }
0x1f4: {  	v15 =	vadd.f32 $2.560000000e+02, v18;
	v24 =	vmul.f32 $3.200000000e+01, v28;
	v22 =	vtrunc.f32 v22;
	[tilespmem:v23+s1+$0x0] =	vst.idx.add.f32.msk $0xffff, v3  }
0x1f5: {  	v18 =	vadd.f32 $2.560000000e+02, v21;
	v21 =	vmul.f32 $3.200000000e+01, v20;
	v22 =	vcvt.f32.s32 v22;
	[tilespmem:v16+s1+$0x0] =	vst.idx.add.f32.msk $0xffff, v3  }
0x1f6: {  	v19 =	vmax.f32 v19, $0.0e+00;
	v16 =	vmax.f32 v27, $0.0e+00;
	v20 =	vadd.f32 $2.560000000e+02, v24;
	[tilespmem:v25+s1+$0x0] =	vst.idx.add.f32.msk $0xffff, v3  }
0x1f7: {  	v17 =	vmax.f32 v17, $0.0e+00;
	v22 =	vshll.u32 v22, $0x4  }
0x1f8: {  	v21 =	vadd.f32 $2.560000000e+02, v21;
	v15 =	vmax.f32 v15, $0.0e+00;
	v18 =	vmax.f32 v18, $0.0e+00  }
0x1f9: {  	v19 =	vmin.f32 v19, $5.110000000e+02;
	v16 =	vmin.f32 v16, $5.110000000e+02;
	v12 =	vor.u32 v0, v12  }
0x1fa: {  	v13 =	vor.u32 v0, v13;
	v11 =	vor.u32 v0, v11;
	v22 =	vor.u32 v0, v22  }
0x1fb: {  	v20 =	vmax.f32 v20, $0.0e+00;
	v17 =	vmin.f32 v17, $5.110000000e+02;
	v15 =	vmin.f32 v15, $5.110000000e+02  }
0x1fc: {  	v18 =	vmin.f32 v18, $5.110000000e+02;
	v19 =	vtrunc.f32 v19;
	v16 =	vtrunc.f32 v16  }
0x1fd: {  	v21 =	vmax.f32 v21, $0.0e+00;
	v17 =	vtrunc.f32 v17;
	v15 =	vtrunc.f32 v15  }
0x1fe: {  	v20 =	vmin.f32 v20, $5.110000000e+02;
	v18 =	vtrunc.f32 v18;
	v19 =	vcvt.f32.s32 v19  }
0x1ff: {  	v16 =	vcvt.f32.s32 v16;
	v21 =	vmin.f32 v21, $5.110000000e+02;
	v20 =	vtrunc.f32 v20  }
0x200: {  	[tilespmem:v14+s1+$0x0] =	vst.idx.add.f32.msk $0xffff, v3;
	v17 =	vcvt.f32.s32 v17;
	v14 =	vcvt.f32.s32 v15;
	v19 =	vshll.u32 v19, $0x4  }
0x201: {  	v18 =	vcvt.f32.s32 v18;
	v15 =	vshll.u32 v16, $0x4;
	v16 =	vor.u32 v0, v19  }
0x202: {  	v21 =	vtrunc.f32 v21;
	v17 =	vshll.u32 v17, $0x4;
	v15 =	vor.u32 v0, v15;
	[tilespmem:v12+s1+$0x0] =	vst.idx.add.f32.msk $0xffff, v3  }
0x203: {  	v19 =	vcvt.f32.s32 v20;
	v14 =	vshll.u32 v14, $0x4;
	[tilespmem:v13+s1+$0x0] =	vst.idx.add.f32.msk $0xffff, v3;
	v17 =	vor.u32 v0, v17  }
0x204: {  	v12 =	vcvt.f32.s32 v21;
	v18 =	vshll.u32 v18, $0x4;
	[tilespmem:v11+s1+$0x0] =	vst.idx.add.f32.msk $0xffff, v3;
	v14 =	vor.u32 v0, v14  }
0x205: {  	[tilespmem:v22+s1+$0x0] =	vst.idx.add.f32.msk $0xffff, v3;
	v11 =	vor.u32 v0, v18;
	v13 =	vshll.u32 v19, $0x4  }
0x206: {  	v12 =	vshll.u32 v12, $0x4;
	v13 =	vor.u32 v0, v13;
	[tilespmem:v16+s1+$0x0] =	vst.idx.add.f32.msk $0xffff, v3  }
0x207: {  	v12 =	vor.u32 v0, v12;
	[tilespmem:v15+s1+$0x0] =	vst.idx.add.f32.msk $0xffff, v3  }
0x208: {  	[tilespmem:v17+s1+$0x0] =	vst.idx.add.f32.msk $0xffff, v3  }
0x209: {  	[tilespmem:v14+s1+$0x0] =	vst.idx.add.f32.msk $0xffff, v3  }
0x20a: {  	[tilespmem:v11+s1+$0x0] =	vst.idx.add.f32.msk $0xffff, v3  }
0x20b: {  	[tilespmem:v13+s1+$0x0] =	vst.idx.add.f32.msk $0xffff, v3  }
0x20c: {  	s5 =	sadd.s32 @!p0 s7, s14;
	s22 =	simm.s32 @!p0 $0x0;
	s26 =	simm.s32 @!p0 $0x1860;
	[tilespmem:v12+s1+$0x0] =	vst.idx.add.f32.msk $0xffff, v3  }
0x20d: {  	[tilespmem:s26], [sflag:$0x1] =	stream.linear.gather @!p0 [hbm4b:s5+s22], $0x400, $0x38;
	[tilespmem:$0x12A00] =	vst v63  }
0x20e: {  	s5 =	sadd.s32 @!p0 s7, s15;
	s26 =	simm.s32 @!p0 $0x1C70  }
0x20f: {  	[tilespmem:s26], [sflag:$0x1] =	stream.linear.gather @!p0 [hbm4b:s5+s22], $0x400, $0x38;
	[tilespmem:$0x12A00] =	vst v63  }
0x210: {  	s5 =	sadd.s32 @!p0 s7, s16;
	s26 =	simm.s32 @!p0 $0x2080  }
0x211: {  	[tilespmem:s26], [sflag:$0x1] =	stream.linear.gather @!p0 [hbm4b:s5+s22], $0x400, $0x38;
	[tilespmem:$0x12A00] =	vst v63  }
0x212: {  	s5 =	sadd.s32 @!p0 s7, s17;
	s26 =	simm.s32 @!p0 $0x2490  }
0x213: {  	[tilespmem:s26], [sflag:$0x1] =	stream.linear.gather @!p0 [hbm4b:s5+s22], $0x400, $0x38;
	[tilespmem:$0x12A00] =	vst v63  }
0x214: {  	s5 =	sadd.s32 @!p0 s7, s18;
	s26 =	simm.s32 @!p0 $0x28A0  }
0x215: {  	[tilespmem:s26], [sflag:$0x1] =	stream.linear.gather @!p0 [hbm4b:s5+s22], $0x400, $0x38;
	[tilespmem:$0x12A00] =	vst v63  }
0x216: {  	s22 =	simm.s32 $0x10440  }
0x217: {  	v12 =	vld [tilespmem:s22+$0xFFFFFFD0]  }
0x218: {  	v13 =	vld [tilespmem:s22+$0x30]  }
0x219: {  	v15 =	vld [tilespmem:s22+$0x0]  }
0x21a: {  	v17 =	vld [tilespmem:s22+$0xFFFFFFC0]  }
0x21b: {  	v14 =	vld [tilespmem:s22+$0x20]  }
0x21c: {  	v16 =	vld [tilespmem:s22+$0xFFFFFFE0]  }
0x21d: {  	v18 =	vld [tilespmem:s22+$0x10]  }
0x21e: {  	v19 =	vld [tilespmem:s22+$0xFFFFFFF0]  }
0x21f: {  	v11 =	vimm.f32 $0.0e+00  }
0x220: {  	v20 =	vadd.f32 v17, v11  }
0x221: {  	v13 =	vadd.f32 v13, v14;
	v21 =	vadd.f32 v16, v12  }
0x222: {  	v12 =	vadd.f32 v12, v17;
	v22 =	vadd.f32 v14, v18  }
0x223: {  	v24 =	vadd.f32 v18, v15;
	v18 =	vadd.f32 v19, v16  }
0x224: {  	v15 =	vadd.f32 v15, v19;
	vm0 =	vlt.f32 v20, $8.200000000e+02;
	v23 =	vadd.f32 v21, v17  }
0x225: {  	vm12 =	vlt.f32 v20, $2.050000000e+02;
	v20 =	vadd.f32 v12, v11;
	v25 =	vadd.f32 v24, v18  }
0x226: {  	v26 =	vadd.f32 v18, v12;
	v21 =	vadd.f32 v15, v21  }
0x227: {  	v13 =	vadd.f32 v13, v24;
	v14 =	vsel vm0, $0x3F800000, v2;
	v16 =	vsel vm12, $0x3F800000, v2  }
0x228: {  	v19 =	vadd.f32 v23, v11;
	vm13 =	vlt.f32 v20, $8.200000000e+02;
	v12 =	vadd.f32 v25, v12  }
0x229: {  	[tilespmem:s22+$0xFFFFFFD0] =	vst v2;
	v24 =	vadd.f32 v26, v11;
	v25 =	vadd.f32 v21, v17;
	vm1 =	vlt.f32 v20, $2.050000000e+02  }
0x22a: {  	[tilespmem:s22+$0x30] =	vst v2;
	v21 =	vadd.f32 v13, v26;
	v13 =	vimm.f32 $0.0e+00;
	v18 =	vsel vm13, $0x3F800000, v2  }
0x22b: {  	[tilespmem:s22+$0x0] =	vst v2;
	vm14 =	vlt.f32 v19, $2.050000000e+02;
	vm2 =	vlt.f32 v19, $8.200000000e+02;
	v17 =	vadd.f32 v12, v11  }
0x22c: {  	[tilespmem:s22+$0xFFFFFFC0] =	vst v2;
	v12 =	vadd.f32 v22, v15;
	vm3 =	vlt.f32 v24, $8.200000000e+02;
	vm15 =	vlt.f32 v24, $2.050000000e+02  }
0x22d: {  	[tilespmem:s22+$0x20] =	vst v2;
	v24 =	vsel vm1, $0x3F800000, v2;
	v15 =	vsel vm2, $0x3F800000, v2;
	v20 =	vsel vm3, $0x3F800000, v2  }
0x22e: {  	[tilespmem:s22+$0xFFFFFFE0] =	vst v2;
	v19 =	vsel vm14, $0x3F800000, v2;
	v22 =	vadd.f32 v12, v23;
	v15 =	vadd.f32 v20, v15  }
0x22f: {  	s5 =	simm.s32 $0x0;
	s26 =	simm.s32 $0x104C0;
	[tilespmem:s22+$0x10] =	vst v2;
	v23 =	vsel vm15, $0x3F800000, v2;
	v20 =	vadd.f32 v25, v11;
	v12 =	vimm.f32 $0.0e+00  }
.LBB2_13:
0x230: {  	v25 =	vld [tilespmem:s26+$0xFFFFFFD0];
	s5 =	sadd.s32 $0x8, s5;
	[tilespmem:s22+$0xFFFFFFF0] =	vst v2;
	vm0 =	vlt.f32 v17, $2.050000000e+02;
	v16 =	vadd.f32 v24, v16;
	v19 =	vadd.f32 v23, v19;
	s22 =	smov.u32 s26  }
0x231: {  	v22 =	vadd.f32 v22, v11;
	v14 =	vadd.f32 v18, v14;
	[tilespmem:s26+$0xFFFFFFD0] =	vst v2;
	v23 =	vld [tilespmem:s26+$0x30];
	p1 =	slt.u32 s5, $0x1F8;
	vm1 =	vlt.f32 v20, $8.200000000e+02  }
0x232: {  	v11 =	vadd.f32 v21, v11;
	vm2 =	vlt.f32 v20, $2.050000000e+02;
	v20 =	vsel vm0, $0x3F800000, v2;
	v18 =	vld [tilespmem:s26+$0x0];
	[tilespmem:s26+$0x30] =	vst v2  }
0x233: {  	vm0 =	vlt.f32 v22, $8.200000000e+02;
	v24 =	vsel vm2, $0x3F800000, v2;
	vm2 =	vlt.f32 v22, $2.050000000e+02;
	v21 =	vld [tilespmem:s26+$0xFFFFFFC0];
	[tilespmem:s26+$0x0] =	vst v2  }
0x234: {  	vm3 =	vlt.f32 v17, $8.200000000e+02;
	vm4 =	vlt.f32 v11, $8.200000000e+02;
	v17 =	vadd.f32 v20, v24;
	[tilespmem:s26+$0xFFFFFFC0] =	vst v2;
	v22 =	vld [tilespmem:s26+$0x20]  }
0x235: {  	v26 =	vsel vm3, $0x3F800000, v2;
	v24 =	vsel vm1, $0x3F800000, v2;
	vm1 =	vlt.f32 v11, $2.050000000e+02;
	v20 =	vld [tilespmem:s26+$0xFFFFFFE0];
	[tilespmem:s26+$0x20] =	vst v2  }
0x236: {  	v24 =	vadd.f32 v26, v24;
	v26 =	vsel vm2, $0x3F800000, v2;
	v28 =	vsel vm1, $0x3F800000, v2;
	[tilespmem:s26+$0xFFFFFFE0] =	vst v2;
	v27 =	vld [tilespmem:s26+$0x10]  }
0x237: {  	v30 =	vsel vm0, $0x3F800000, v2;
	v26 =	vadd.f32 v28, v26;
	v28 =	vadd.f32 v19, v16;
	v29 =	vld [tilespmem:s26+$0xFFFFFFF0];
	[tilespmem:s26+$0x10] =	vst v2  }
0x238: {  	v15 =	vadd.f32 v15, v14;
	v19 =	vsel vm4, $0x3F800000, v2;
	v16 =	vadd.f32 v21, v11  }
0x239: {  	v19 =	vadd.f32 v19, v30;
	v23 =	vadd.f32 v23, v22  }
0x23a: {  	v26 =	vadd.f32 v26, v17;
	v30 =	vadd.f32 v20, v25;
	vm0 =	vlt.f32 v16, $8.200000000e+02  }
0x23b: {  	v17 =	vadd.f32 v25, v21;
	v22 =	vadd.f32 v22, v27;
	v14 =	vsel vm0, $0x3F800000, v2  }
0x23c: {  	vm0 =	vlt.f32 v16, $2.050000000e+02;
	v25 =	vadd.f32 v18, v29;
	v31 =	vadd.f32 v30, v21  }
0x23d: {  	v32 =	vadd.f32 v17, v11;
	v27 =	vadd.f32 v27, v18  }
0x23e: {  	v19 =	vadd.f32 v19, v24;
	v20 =	vadd.f32 v29, v20;
	v16 =	vsel vm0, $0x3F800000, v2  }
0x23f: {  	vm0 =	vlt.f32 v32, $8.200000000e+02;
	v24 =	vadd.f32 v25, v30;
	v29 =	vadd.f32 v31, v11  }
0x240: {  	v15 =	vadd.f32 v19, v15;
	v18 =	vsel vm0, $0x3F800000, v2;
	v30 =	vadd.f32 v27, v20  }
0x241: {  	v20 =	vadd.f32 v20, v17;
	v27 =	vadd.f32 v23, v27;
	vm0 =	vlt.f32 v29, $2.050000000e+02  }
0x242: {  	vm1 =	vlt.f32 v32, $2.050000000e+02;
	v24 =	vadd.f32 v24, v21;
	v17 =	vadd.f32 v30, v17  }
0x243: {  	v12 =	vadd.f32 v15, v12;
	v21 =	vadd.f32 v20, v11;
	vm2 =	vlt.f32 v29, $8.200000000e+02  }
.Ltmp5:
0x244: {  	v15 =	vadd.f32 v26, v28;
	v19 =	vsel vm0, $0x3F800000, v2;
	v17 =	vadd.f32 v17, v11;
	(pc) =	sbr.rel @p1 .LBB2_13-.Ltmp5, $4  }
0x245: {  	v22 =	vadd.f32 v22, v25;
	vm0 =	vlt.f32 v21, $8.200000000e+02;
	vm3 =	vlt.f32 v21, $2.050000000e+02  }
0x246: {  	v13 =	vadd.f32 v15, v13;
	v21 =	vsel vm2, $0x3F800000, v2;
	v23 =	vsel vm0, $0x3F800000, v2  }
0x247: {  	v22 =	vadd.f32 v22, v31;
	v15 =	vadd.f32 v23, v21;
	v23 =	vsel vm3, $0x3F800000, v2  }
0x248: {  	s26 =	sadd.s32 $0x80, s26;
	v21 =	vadd.f32 v27, v20;
	v20 =	vadd.f32 v24, v11;
	v24 =	vsel vm1, $0x3F800000, v2  }
0x249: {  	vm0 =	vlt.f32 v17, $2.050000000e+02;
	v16 =	vadd.f32 v24, v16;
	v19 =	vadd.f32 v23, v19  }
0x24a: {  	s5 =	simm.s32 $0x0;
	v22 =	vadd.f32 v22, v11;
	v14 =	vadd.f32 v18, v14;
	vm3 =	vlt.f32 v17, $8.200000000e+02  }
0x24b: {  	v25 =	vmov s5;
	vm1 =	vlt.f32 v20, $8.200000000e+02;
	v11 =	vadd.f32 v21, v11  }
0x24c: {  	vm2 =	vlt.f32 v20, $2.050000000e+02;
	v18 =	vsel vm0, $0x3F800000, v2;
	v21 =	vsel vm3, $0x3F800000, v2  }
0x24d: {  	v20 =	vsel vm2, $0x3F800000, v2;
	vm14 =	vlt.f32 v22, $2.050000000e+02;
	vm4 =	vlt.f32 v11, $2.050000000e+02  }
0x24e: {  	v17 =	vsel vm14, $0x3F800000, v2;
	vm15 =	vlt.f32 v11, $8.200000000e+02;
	v11 =	vsel vm4, $0x3F800000, v2  }
0x24f: {  	v18 =	vadd.f32 v18, v20;
	v11 =	vadd.f32 v11, v17;
	v17 =	vshrl.u32 v25, $0x3  }
0x250: {  	vm13 =	vlt.f32 v22, $8.200000000e+02;
	v16 =	vadd.f32 v19, v16;
	v17 =	vshll.u32 v17, $0x3  }
0x251: {  	v20 =	vsel vm1, $0x3F800000, v2;
	v11 =	vadd.f32 v11, v18;
	v17 =	vbroadcast v17, $0x0  }
0x252: {  	v19 =	vsel vm13, $0x3F800000, v2;
	v18 =	vadd.f32 v21, v20  }
0x253: {  	v20 =	vsel vm15, $0x3F800000, v2;
	v11 =	vadd.f32 v11, v16;
	v16 =	vadd.s32 v1, v17  }
0x254: {  	v14 =	vadd.f32 v15, v14;
	v19 =	vadd.f32 v20, v19;
	v15 =	vadd.s32 v4, v17  }
0x255: {  	[tilespmem:s22+$0xFFFFFFF0] =	vst v2;
	s22 =	simm.s32 $0x8;
	v20 =	vadd.s32 v9, v17  }
0x256: {  	v23 =	vmov s22;
	v18 =	vadd.f32 v19, v18;
	v19 =	vadd.s32 v6, v17  }
0x257: {  	v23 =	vshrl.u32 v23, $0x3;
	v11 =	vadd.f32 v11, v13;
	v13 =	vadd.s32 v7, v17  }
0x258: {  	v23 =	vshll.u32 v23, $0x3;
	v14 =	vadd.f32 v18, v14;
	v16 =	vld.idx.msk [tilespmem:v16+s10+$0x0], $0xffff  }
0x259: {  	v23 =	vbroadcast v23, $0x0;
	v11 =	vadd.f32 $1.000000000e+00, v11;
	v15 =	vld.idx.msk [tilespmem:v15+s10+$0x0], $0xffff  }
0x25a: {  	v18 =	vadd.s32 v8, v17;
	v12 =	vadd.f32 v14, v12;
	v20 =	vld.idx.msk [tilespmem:v20+s10+$0x0], $0xffff  }
0x25b: {  	v30 =	vadd.s32 v1, v23;
	v14 =	vadd.s32 v5, v17;
	v11 =	vmul.f32 $3.125000000e-02, v11;
	v19 =	vld.idx.msk [tilespmem:v19+s10+$0x0], $0xffff  }
0x25c: {  	v32 =	vadd.s32 v4, v23;
	v17 =	vadd.s32 v10, v17;
	v21 =	vld.idx.msk [tilespmem:v13+s10+$0x0], $0xffff;
	v13 =	vmul.f32 $3.125000000e-02, v12  }
0x25d: {  	v33 =	vadd.s32 v6, v23;
	v34 =	vadd.s32 v7, v23;
	v12 =	vadd.f32 $-8.000000000e+00, v11  }
0x25e: {  	v37 =	vadd.s32 v8, v23;
	v38 =	vadd.s32 v9, v23;
	v11 =	vadd.f32 $-8.000000000e+00, v13  }
0x25f: {  	v39 =	vadd.s32 v5, v23;
	v18 =	vld.idx.msk [tilespmem:v18+s10+$0x0], $0xffff;
	v22 =	vsub.f32 v12, v16;
	v24 =	vsub.f32 v12, v15  }
0x260: {  	v63 =	vadd.s32 v10, v23;
	v14 =	vld.idx.msk [tilespmem:v14+s10+$0x0], $0xffff;
	v29 =	vsub.f32 v12, v20;
	v26 =	vsub.f32 v19, v11  }
0x261: {  	v13 =	vimm.f32 $0.0e+00;
	v31 =	vld.idx.msk [tilespmem:v17+s10+$0x0], $0xffff;
	v17 =	vsub.f32 v20, v11;
	v35 =	vsub.f32 v16, v11  }
0x262: {  	v19 =	vsub.f32 v12, v19;
	v22 =	vmax.f32 v22, $0.0e+00;
	v25 =	vsub.f32 v12, v21  }
0x263: {  	v24 =	vmax.f32 v24, $0.0e+00;
	v28 =	vsub.f32 v21, v11;
	v36 =	vmax.f32 v29, $0.0e+00  }
0x264: {  	v29 =	vsub.f32 v15, v11;
	v27 =	vsub.f32 v12, v18;
	v21 =	vmax.f32 v17, $0.0e+00  }
0x265: {  	v18 =	vsub.f32 v18, v11;
	v17 =	vld.idx.msk [tilespmem:v30+s10+$0x0], $0xffff;
	v24 =	vadd.f32 v24, v22;
	v25 =	vmax.f32 v25, $0.0e+00  }
0x266: {  	v20 =	vsub.f32 v14, v11;
	v27 =	vmax.f32 v27, $0.0e+00;
	v23 =	vsub.f32 v31, v11  }
0x267: {  	v15 =	vld.idx.msk [tilespmem:v32+s10+$0x0], $0xffff;
	v41 =	vmax.f32 v28, $0.0e+00;
	v14 =	vsub.f32 v12, v14;
	v16 =	vadd.f32 v27, v25  }
0x268: {  	v25 =	vld.idx.msk [tilespmem:v34+s10+$0x0], $0xffff;
	v27 =	vmax.f32 v29, $0.0e+00;
	v34 =	vmax.f32 v19, $0.0e+00;
	v40 =	vmax.f32 v20, $0.0e+00  }
0x269: {  	v20 =	vsub.f32 v12, v31;
	v31 =	vmax.f32 v18, $0.0e+00;
	v18 =	vld.idx.msk [tilespmem:v33+s10+$0x0], $0xffff;
	v29 =	vmax.f32 v23, $0.0e+00  }
0x26a: {  	v23 =	vld.idx.msk [tilespmem:v37+s10+$0x0], $0xffff;
	v30 =	vmax.f32 v14, $0.0e+00;
	v14 =	vmax.f32 v26, $0.0e+00;
	v22 =	vsub.f32 v12, v17  }
0x26b: {  	v28 =	vld.idx.msk [tilespmem:v38+s10+$0x0], $0xffff;
	v31 =	vadd.f32 v31, v41;
	v32 =	vadd.f32 v14, v40;
	v20 =	vmax.f32 v20, $0.0e+00  }
0x26c: {  	v33 =	vmax.f32 v35, $0.0e+00;
	v26 =	vadd.f32 v20, v36;
	v36 =	vsub.f32 v12, v15;
	v20 =	vld.idx.msk [tilespmem:v63+s10+$0x0], $0xffff  }
0x26d: {  	v14 =	vimm.f32 $0.0e+00;
	v19 =	vmax.f32 v22, $0.0e+00;
	v22 =	vld.idx.msk [tilespmem:v39+s10+$0x0], $0xffff;
	v35 =	vsub.f32 v12, v25  }
.LBB2_15:
0x26e: {  	s22 =	sadd.s32 $0x8, s22;
	v36 =	vmax.f32 v36, $0.0e+00;
	v37 =	vsub.f32 v18, v11;
	v21 =	vadd.f32 v29, v21  }
0x26f: {  	v38 =	vsub.f32 v12, v23;
	v30 =	vadd.f32 v34, v30;
	v29 =	vmov s22;
	p1 =	slt.u32 s22, $0x3F8  }
0x270: {  	v34 =	vsub.f32 v25, v11;
	v25 =	vmax.f32 v35, $0.0e+00;
	v29 =	vshrl.u32 v29, $0x3  }
0x271: {  	v27 =	vadd.f32 v27, v33;
	v35 =	vsub.f32 v12, v28;
	v29 =	vshll.u32 v29, $0x3  }
0x272: {  	v28 =	vsub.f32 v28, v11;
	v31 =	vadd.f32 v21, v31;
	v29 =	vbroadcast v29, $0x0  }
0x273: {  	v38 =	vmax.f32 v38, $0.0e+00;
	v27 =	vadd.f32 v32, v27;
	v33 =	vsub.f32 v22, v11  }
0x274: {  	v24 =	vadd.f32 v30, v24;
	v32 =	vadd.s32 v1, v29;
	v39 =	vadd.s32 v4, v29  }
0x275: {  	v26 =	vadd.f32 v26, v16;
	v30 =	vadd.s32 v6, v29;
	v40 =	vadd.s32 v7, v29  }
0x276: {  	v41 =	vsub.f32 v17, v11;
	v21 =	vmax.f32 v28, $0.0e+00;
	v35 =	vmax.f32 v35, $0.0e+00  }
0x277: {  	v23 =	vsub.f32 v23, v11;
	v27 =	vadd.f32 v31, v27;
	v28 =	vadd.s32 v8, v29  }
0x278: {  	v42 =	vsub.f32 v15, v11;
	v16 =	vadd.f32 v38, v25;
	v31 =	vadd.s32 v9, v29  }
0x279: {  	v38 =	vmax.f32 v33, $0.0e+00;
	v33 =	vsub.f32 v12, v18;
	v17 =	vld.idx.msk [tilespmem:v32+s10+$0x0], $0xffff;
	v32 =	vadd.s32 v5, v29  }
0x27a: {  	v15 =	vld.idx.msk [tilespmem:v39+s10+$0x0], $0xffff;
	v39 =	vadd.s32 v10, v29;
	v29 =	vsub.f32 v20, v11;
	v20 =	vsub.f32 v12, v20  }
0x27b: {  	v26 =	vadd.f32 v26, v24;
	v13 =	vadd.f32 v27, v13;
	v25 =	vld.idx.msk [tilespmem:v40+s10+$0x0], $0xffff;
	v40 =	vmax.f32 v23, $0.0e+00  }
0x27c: {  	v43 =	vmax.f32 v34, $0.0e+00;
	v22 =	vsub.f32 v12, v22;
	v18 =	vld.idx.msk [tilespmem:v30+s10+$0x0], $0xffff;
	v44 =	vmax.f32 v20, $0.0e+00  }
.Ltmp6:
0x27d: {  	v24 =	vadd.f32 v36, v19;
	v27 =	vmax.f32 v42, $0.0e+00;
	v29 =	vmax.f32 v29, $0.0e+00;
	v23 =	vld.idx.msk [tilespmem:v28+s10+$0x0], $0xffff;
	(pc) =	sbr.rel @p1 .LBB2_15-.Ltmp6, $4  }
0x27e: {  	v37 =	vmax.f32 v37, $0.0e+00;
	v14 =	vadd.f32 v26, v14;
	v30 =	vmax.f32 v22, $0.0e+00;
	v28 =	vld.idx.msk [tilespmem:v31+s10+$0x0], $0xffff  }
0x27f: {  	v34 =	vmax.f32 v33, $0.0e+00;
	v26 =	vadd.f32 v44, v35;
	v19 =	vsub.f32 v12, v17;
	v20 =	vld.idx.msk [tilespmem:v39+s10+$0x0], $0xffff  }
0x280: {  	v33 =	vmax.f32 v41, $0.0e+00;
	v31 =	vadd.f32 v40, v43;
	v36 =	vsub.f32 v12, v15  }
0x281: {  	v19 =	vmax.f32 v19, $0.0e+00;
	v35 =	vsub.f32 v12, v25;
	v22 =	vld.idx.msk [tilespmem:v32+s10+$0x0], $0xffff;
	v32 =	vadd.f32 v37, v38  }
0x282: {  	v37 =	vsub.f32 v18, v11  }
0x283: {  	v21 =	vadd.f32 v29, v21;
	v40 =	vsub.f32 v12, v23  }
0x284: {  	v30 =	vadd.f32 v34, v30;
	v25 =	vsub.f32 v25, v11  }
0x285: {  	v27 =	vadd.f32 v27, v33;
	v16 =	vadd.f32 v26, v16  }
0x286: {  	v17 =	vsub.f32 v17, v11;
	v23 =	vsub.f32 v23, v11  }
0x287: {  	v15 =	vsub.f32 v15, v11;
	v18 =	vsub.f32 v12, v18  }
0x288: {  	v42 =	vmax.f32 v36, $0.0e+00;
	v41 =	vsub.f32 v12, v28;
	v43 =	vsub.f32 v28, v11  }
0x289: {  	v19 =	vadd.f32 v42, v19;
	v21 =	vadd.f32 v21, v31  }
0x28a: {  	v44 =	vmax.f32 v35, $0.0e+00;
	v27 =	vadd.f32 v32, v27;
	v24 =	vadd.f32 v30, v24  }
0x28b: {  	v29 =	vmax.f32 v40, $0.0e+00;
	v50 =	vsub.f32 v20, v11;
	v20 =	vsub.f32 v12, v20  }
0x28c: {  	v23 =	vmax.f32 v23, $0.0e+00;
	v51 =	vmax.f32 v25, $0.0e+00;
	v15 =	vmax.f32 v15, $0.0e+00  }
0x28d: {  	v53 =	vmax.f32 v37, $0.0e+00;
	v17 =	vmax.f32 v17, $0.0e+00;
	v48 =	vadd.f32 v29, v44  }
0x28e: {  	v18 =	vmax.f32 v18, $0.0e+00;
	v23 =	vadd.f32 v23, v51;
	v15 =	vadd.f32 v15, v17  }
0x28f: {  	v46 =	vmax.f32 v43, $0.0e+00;
	v45 =	vsub.f32 v22, v11;
	v22 =	vsub.f32 v12, v22  }
0x290: {  	v47 =	vmax.f32 v41, $0.0e+00;
	v21 =	vadd.f32 v21, v27;
	v16 =	vadd.f32 v16, v24  }
0x291: {  	v20 =	vmax.f32 v20, $0.0e+00;
	v52 =	vmax.f32 v50, $0.0e+00;
	v22 =	vmax.f32 v22, $0.0e+00  }
0x292: {  	v20 =	vadd.f32 v20, v47;
	v49 =	vmax.f32 v45, $0.0e+00;
	v18 =	vadd.f32 v18, v22  }
0x293: {  	v54 =	vadd.f32 v53, v49;
	v22 =	vadd.f32 v52, v46  }
0x294: {  	v17 =	vadd.f32 v18, v19;
	v18 =	vadd.f32 v20, v48  }
0x295: {  	v14 =	vadd.f32 v16, v14;
	v16 =	vadd.f32 v22, v23  }
0x296: {  	v15 =	vadd.f32 v54, v15;
	v17 =	vadd.f32 v18, v17  }
0x297: {  	v13 =	vadd.f32 v21, v13  }
0x298: {  	s5 =	sadd.s32 @!p0 s7, s19;
	s22 =	simm.s32 @!p0 $0x0;
	s26 =	simm.s32 @!p0 $0x2CB0;
	v15 =	vadd.f32 v16, v15;
	v14 =	vadd.f32 v17, v14  }
0x299: {  	[tilespmem:s26], [sflag:$0x1] =	stream.linear.gather @!p0 [hbm4b:s5+s22], $0x400, $0x38;
	[tilespmem:$0x12A00] =	vst v63  }
0x29a: {  	s5 =	sadd.s32 @!p0 s7, s20;
	s26 =	simm.s32 @!p0 $0x30C0;
	v13 =	vadd.f32 v15, v13;
	v14 =	vmul.f32 $4.878048790e-03, v14  }
0x29b: {  	[tilespmem:s26], [sflag:$0x1] =	stream.linear.gather @!p0 [hbm4b:s5+s22], $0x400, $0x38;
	[tilespmem:$0x12A00] =	vst v63  }
0x29c: {  	s5 =	sadd.s32 @!p0 s7, s21;
	s26 =	simm.s32 @!p0 $0x34D0;
	v13 =	vmul.f32 $4.878048790e-03, v13;
	v12 =	vsub.f32 v12, v14  }
0x29d: {  	[tilespmem:s26], [sflag:$0x1] =	stream.linear.gather @!p0 [hbm4b:s5+s22], $0x400, $0x38;
	[tilespmem:$0x12A00] =	vst v63  }
0x29e: {  	s5 =	sadd.s32 @!p0 s7, s23;
	s26 =	simm.s32 @!p0 $0x38E0;
	v11 =	vadd.f32 v13, v11;
	v12 =	vmul.f32 $6.999999880e-01, v12  }
0x29f: {  	[tilespmem:s26], [sflag:$0x1] =	stream.linear.gather @!p0 [hbm4b:s5+s22], $0x400, $0x38;
	[tilespmem:$0x12A00] =	vst v63  }
0x2a0: {  	s5 =	sadd.s32 @!p0 s7, s24;
	s7 =	simm.s32 @!p0 $0x3CF0;
	v11 =	vadd.f32 v12, v11  }
0x2a1: {  	[tilespmem:s7], [sflag:$0x1] =	stream.linear.gather @!p0 [hbm4b:s5+s22], $0x400, $0x38;
	[tilespmem:$0x12A00] =	vst v63  }
0x2a2: {  	s26 =	simm.s32 $0x3;
	s5 =	sadd.s32 $0x5, s31;
	[tilespmem:s0+$0x12410] =	vst v11  }
0x2a3: {  	s5 =	sshll.u32 @!p0 s5, $0xB;
	_ =	swait.ge [sflag:s26], $0x4000  }
0x2a4: {  	s7 =	sadd.s32 @!p0 s3, s5;
	[sflag:s26] =	ssyncset.done $0x0  }
0x2a5: {  	s5 =	sadd.s32 @!p0 s4, s7;
	[sflag:s26] =	ssyncadd.s32 $0xFFFFC000;
	s26 =	simm.s32 @!p0 $0x4100  }
0x2a6: {  	[tilespmem:s26], [sflag:$0x2] =	stream.linear.gather @!p0 [hbm4b:s5+s22], $0x400, $0x38;
	[tilespmem:$0x12A00] =	vst v63  }
0x2a7: {  	s5 =	simm.s32 $0x0  }
0x2a8: {  	s26 =	sadd.s32 @!p0 s7, s6;
	v11 =	vmov s5;
	s5 =	simm.s32 @!p0 $0x4510  }
0x2a9: {  	[tilespmem:s5], [sflag:$0x2] =	stream.linear.gather @!p0 [hbm4b:s26+s22], $0x400, $0x38;
	v11 =	vshrl.u32 v11, $0x3;
	[tilespmem:$0x12A00] =	vst v63  }
0x2aa: {  	s5 =	sadd.s32 @!p0 s7, s8;
	s26 =	simm.s32 @!p0 $0x4920;
	v11 =	vshll.u32 v11, $0x3  }
0x2ab: {  	[tilespmem:s26], [sflag:$0x2] =	stream.linear.gather @!p0 [hbm4b:s5+s22], $0x400, $0x38;
	v11 =	vbroadcast v11, $0x0;
	[tilespmem:$0x12A00] =	vst v63  }
0x2ac: {  	s5 =	sadd.s32 @!p0 s7, s9;
	s26 =	simm.s32 @!p0 $0x4D30  }
0x2ad: {  	[tilespmem:s26], [sflag:$0x2] =	stream.linear.gather @!p0 [hbm4b:s5+s22], $0x400, $0x38;
	v12 =	vadd.s32 v10, v11;
	[tilespmem:$0x12A00] =	vst v63  }
0x2ae: {  	s5 =	sadd.s32 @!p0 s7, s12;
	s26 =	simm.s32 @!p0 $0x5140;
	v13 =	vadd.s32 v1, v11  }
0x2af: {  	v14 =	vadd.s32 v4, v11;
	[tilespmem:s26], [sflag:$0x2] =	stream.linear.gather @!p0 [hbm4b:s5+s22], $0x400, $0x38;
	[tilespmem:$0x12A00] =	vst v63  }
0x2b0: {  	v15 =	vadd.s32 v5, v11;
	s5 =	sadd.s32 @!p0 s7, s13;
	s26 =	simm.s32 @!p0 $0x5550  }
0x2b1: {  	v16 =	vadd.s32 v6, v11;
	[tilespmem:s26], [sflag:$0x2] =	stream.linear.gather @!p0 [hbm4b:s5+s22], $0x400, $0x38;
	[tilespmem:$0x12A00] =	vst v63  }
0x2b2: {  	v17 =	vadd.s32 v7, v11;
	v12 =	vld.idx.msk [tilespmem:v12+s11+$0x0], $0xffff  }
0x2b3: {  	v18 =	vadd.s32 v8, v11;
	v13 =	vld.idx.msk [tilespmem:v13+s11+$0x0], $0xffff  }
0x2b4: {  	v11 =	vadd.s32 v9, v11;
	v14 =	vld.idx.msk [tilespmem:v14+s11+$0x0], $0xffff  }
0x2b5: {  	v15 =	vld.idx.msk [tilespmem:v15+s11+$0x0], $0xffff  }
0x2b6: {  	v16 =	vld.idx.msk [tilespmem:v16+s11+$0x0], $0xffff  }
0x2b7: {  	v17 =	vld.idx.msk [tilespmem:v17+s11+$0x0], $0xffff  }
0x2b8: {  	v18 =	vld.idx.msk [tilespmem:v18+s11+$0x0], $0xffff  }
0x2b9: {  	v11 =	vld.idx.msk [tilespmem:v11+s11+$0x0], $0xffff;
	v12 =	vmul.f32 $3.200000000e+01, v12;
	_ =	sdelay $0x1  }
0x2ba: {  	v13 =	vmul.f32 $3.200000000e+01, v13;
	v12 =	vadd.f32 $2.560000000e+02, v12  }
0x2bb: {  	v14 =	vmul.f32 $3.200000000e+01, v14;
	v15 =	vmul.f32 $3.200000000e+01, v15  }
0x2bc: {  	v16 =	vmul.f32 $3.200000000e+01, v16;
	v17 =	vmul.f32 $3.200000000e+01, v17;
	v12 =	vmax.f32 v12, $0.0e+00  }
0x2bd: {  	v18 =	vmul.f32 $3.200000000e+01, v18;
	v11 =	vmul.f32 $3.200000000e+01, v11;
	v12 =	vmin.f32 v12, $5.110000000e+02  }
0x2be: {  	v13 =	vadd.f32 $2.560000000e+02, v13;
	v14 =	vadd.f32 $2.560000000e+02, v14;
	v12 =	vtrunc.f32 v12  }
0x2bf: {  	s22 =	simm.s32 $0x8;
	v15 =	vadd.f32 $2.560000000e+02, v15;
	v16 =	vadd.f32 $2.560000000e+02, v16;
	v12 =	vcvt.f32.s32 v12  }
0x2c0: {  	v19 =	vmov s22;
	v17 =	vadd.f32 $2.560000000e+02, v17;
	v18 =	vadd.f32 $2.560000000e+02, v18  }
0x2c1: {  	v11 =	vadd.f32 $2.560000000e+02, v11;
	v13 =	vmax.f32 v13, $0.0e+00;
	v12 =	vshll.u32 v12, $0x4  }
0x2c2: {  	v14 =	vmax.f32 v14, $0.0e+00;
	v20 =	vor.u32 v0, v12;
	v12 =	vshrl.u32 v19, $0x3  }
0x2c3: {  	v15 =	vmax.f32 v15, $0.0e+00;
	v16 =	vmax.f32 v16, $0.0e+00;
	v12 =	vshll.u32 v12, $0x3  }
0x2c4: {  	v17 =	vmax.f32 v17, $0.0e+00;
	v18 =	vmax.f32 v18, $0.0e+00;
	v12 =	vbroadcast v12, $0x0  }
0x2c5: {  	v11 =	vmax.f32 v11, $0.0e+00;
	v13 =	vmin.f32 v13, $5.110000000e+02;
	v14 =	vmin.f32 v14, $5.110000000e+02  }
0x2c6: {  	v15 =	vmin.f32 v15, $5.110000000e+02;
	v16 =	vmin.f32 v16, $5.110000000e+02;
	v19 =	vadd.s32 v10, v12  }
0x2c7: {  	v17 =	vmin.f32 v17, $5.110000000e+02;
	v18 =	vmin.f32 v18, $5.110000000e+02;
	v21 =	vadd.s32 v1, v12  }
0x2c8: {  	v11 =	vmin.f32 v11, $5.110000000e+02;
	v13 =	vtrunc.f32 v13;
	v22 =	vadd.s32 v4, v12  }
0x2c9: {  	v14 =	vtrunc.f32 v14;
	v15 =	vtrunc.f32 v15;
	v23 =	vadd.s32 v5, v12  }
0x2ca: {  	v16 =	vtrunc.f32 v16;
	v17 =	vtrunc.f32 v17;
	v55 =	vadd.s32 v6, v12  }
0x2cb: {  	v18 =	vtrunc.f32 v18;
	v11 =	vtrunc.f32 v11;
	v56 =	vadd.s32 v7, v12;
	v19 =	vld.idx.msk [tilespmem:v19+s11+$0x0], $0xffff  }
0x2cc: {  	v13 =	vcvt.f32.s32 v13;
	v11 =	vcvt.f32.s32 v11;
	v57 =	vadd.s32 v8, v12;
	v21 =	vld.idx.msk [tilespmem:v21+s11+$0x0], $0xffff  }
0x2cd: {  	v58 =	vadd.s32 v9, v12;
	v12 =	vcvt.f32.s32 v14;
	v14 =	vcvt.f32.s32 v15;
	v15 =	vld.idx.msk [tilespmem:v22+s11+$0x0], $0xffff  }
0x2ce: {  	v22 =	vshll.u32 v13, $0x4;
	v13 =	vcvt.f32.s32 v16;
	v16 =	vcvt.f32.s32 v17;
	v17 =	vld.idx.msk [tilespmem:v23+s11+$0x0], $0xffff  }
0x2cf: {  	v18 =	vcvt.f32.s32 v18;
	v11 =	vshll.u32 v11, $0x4;
	v24 =	vld.idx.msk [tilespmem:v55+s11+$0x0], $0xffff  }
0x2d0: {  	v14 =	vshll.u32 v14, $0x4;
	v23 =	vshll.u32 v12, $0x4;
	v12 =	vshll.u32 v16, $0x4;
	v16 =	vld.idx.msk [tilespmem:v56+s11+$0x0], $0xffff  }
0x2d1: {  	v59 =	vshll.u32 v13, $0x4;
	v13 =	vshll.u32 v18, $0x4;
	v18 =	vld.idx.msk [tilespmem:v57+s11+$0x0], $0xffff;
	v19 =	vmul.f32 $3.200000000e+01, v19  }
0x2d2: {  	v61 =	vor.u32 v0, v14;
	v60 =	vld.idx.msk [tilespmem:v58+s11+$0x0], $0xffff;
	v22 =	vor.u32 v0, v22;
	v21 =	vmul.f32 $3.200000000e+01, v21  }
0x2d3: {  	v23 =	vor.u32 v0, v23;
	v15 =	vmul.f32 $3.200000000e+01, v15;
	v19 =	vadd.f32 $2.560000000e+02, v19  }
0x2d4: {  	v14 =	vor.u32 v0, v59;
	v17 =	vmul.f32 $3.200000000e+01, v17;
	v62 =	vadd.f32 $2.560000000e+02, v21  }
0x2d5: {  	v63 =	vadd.f32 $2.560000000e+02, v15;
	v15 =	vmul.f32 $3.200000000e+01, v24;
	v19 =	vmax.f32 v19, $0.0e+00  }
0x2d6: {  	[tilespmem:v20+s1+$0x0] =	vst.idx.add.f32.msk $0xffff, v3;
	v16 =	vmul.f32 $3.200000000e+01, v16;
	v20 =	vmul.f32 $3.200000000e+01, v18;
	v19 =	vmin.f32 v19, $5.110000000e+02  }
0x2d7: {  	[tilespmem:v61+s1+$0x0] =	vst.idx.add.f32.msk $0xffff, v3;
	v17 =	vadd.f32 $2.560000000e+02, v17;
	v21 =	vmul.f32 $3.200000000e+01, v60;
	v19 =	vtrunc.f32 v19  }
0x2d8: {  	[tilespmem:v22+s1+$0x0] =	vst.idx.add.f32.msk $0xffff, v3;
	v15 =	vadd.f32 $2.560000000e+02, v15;
	v18 =	vadd.f32 $2.560000000e+02, v16;
	v22 =	vcvt.f32.s32 v19  }
0x2d9: {  	[tilespmem:v23+s1+$0x0] =	vst.idx.add.f32.msk $0xffff, v3;
	v16 =	vmax.f32 v63, $0.0e+00;
	v20 =	vadd.f32 $2.560000000e+02, v20;
	v19 =	vmax.f32 v62, $0.0e+00  }
.LBB2_17:
0x2da: {  	s22 =	sadd.s32 $0x8, s22;
	v17 =	vmax.f32 v17, $0.0e+00;
	v21 =	vadd.f32 $2.560000000e+02, v21;
	v22 =	vshll.u32 v22, $0x4;
	[tilespmem:v14+s1+$0x0] =	vst.idx.add.f32.msk $0xffff, v3  }
0x2db: {  	v15 =	vmax.f32 v15, $0.0e+00;
	v14 =	vmov s22;
	p1 =	slt.u32 s22, $0x3F8;
	v22 =	vor.u32 v0, v22  }
0x2dc: {  	v18 =	vmax.f32 v18, $0.0e+00;
	v20 =	vmax.f32 v20, $0.0e+00;
	v14 =	vshrl.u32 v14, $0x3  }
0x2dd: {  	v19 =	vmin.f32 v19, $5.110000000e+02;
	v21 =	vmax.f32 v21, $0.0e+00;
	v14 =	vshll.u32 v14, $0x3  }
0x2de: {  	v16 =	vmin.f32 v16, $5.110000000e+02;
	v17 =	vmin.f32 v17, $5.110000000e+02;
	v14 =	vbroadcast v14, $0x0  }
0x2df: {  	v15 =	vmin.f32 v15, $5.110000000e+02;
	v18 =	vmin.f32 v18, $5.110000000e+02;
	v20 =	vmin.f32 v20, $5.110000000e+02  }
0x2e0: {  	v21 =	vmin.f32 v21, $5.110000000e+02;
	v23 =	vadd.s32 v1, v14;
	v24 =	vadd.s32 v10, v14;
	[tilespmem:v22+s1+$0x0] =	vst.idx.add.f32.msk $0xffff, v3  }
0x2e1: {  	v22 =	vadd.s32 v4, v14;
	v25 =	vadd.s32 v5, v14;
	v26 =	vadd.s32 v6, v14  }
0x2e2: {  	v27 =	vadd.s32 v7, v14;
	v28 =	vadd.s32 v8, v14;
	v14 =	vadd.s32 v9, v14  }
0x2e3: {  	v29 =	vor.u32 v0, v12;
	v19 =	vtrunc.f32 v19;
	v16 =	vtrunc.f32 v16  }
0x2e4: {  	v12 =	vtrunc.f32 v17;
	v15 =	vtrunc.f32 v15;
	v17 =	vor.u32 v0, v13  }
0x2e5: {  	v18 =	vtrunc.f32 v18;
	v20 =	vtrunc.f32 v20;
	v13 =	vld.idx.msk [tilespmem:v24+s11+$0x0], $0xffff;
	v24 =	vor.u32 v0, v11  }
0x2e6: {  	v11 =	vcvt.f32.s32 v19;
	v19 =	vtrunc.f32 v21;
	v23 =	vld.idx.msk [tilespmem:v23+s11+$0x0], $0xffff  }
0x2e7: {  	v16 =	vcvt.f32.s32 v16;
	v12 =	vcvt.f32.s32 v12;
	v21 =	vld.idx.msk [tilespmem:v22+s11+$0x0], $0xffff  }
0x2e8: {  	v22 =	vld.idx.msk [tilespmem:v25+s11+$0x0], $0xffff;
	v25 =	vshll.u32 v11, $0x4;
	v11 =	vcvt.f32.s32 v15;
	v15 =	vcvt.f32.s32 v18  }
0x2e9: {  	v16 =	vshll.u32 v16, $0x4;
	v20 =	vcvt.f32.s32 v20;
	v19 =	vcvt.f32.s32 v19;
	v18 =	vld.idx.msk [tilespmem:v26+s11+$0x0], $0xffff  }
0x2ea: {  	v26 =	vld.idx.msk [tilespmem:v27+s11+$0x0], $0xffff;
	v27 =	vshll.u32 v12, $0x4;
	v30 =	vshll.u32 v11, $0x4;
	v12 =	vshll.u32 v15, $0x4  }
0x2eb: {  	v15 =	vmul.f32 $3.200000000e+01, v13;
	v13 =	vshll.u32 v20, $0x4;
	v11 =	vshll.u32 v19, $0x4;
	v28 =	vld.idx.msk [tilespmem:v28+s11+$0x0], $0xffff  }
0x2ec: {  	v16 =	vor.u32 v0, v16;
	v19 =	vmul.f32 $3.200000000e+01, v23;
	v23 =	vor.u32 v0, v25;
	v20 =	vld.idx.msk [tilespmem:v14+s11+$0x0], $0xffff  }
0x2ed: {  	v25 =	vor.u32 v0, v27;
	v21 =	vmul.f32 $3.200000000e+01, v21;
	v15 =	vadd.f32 $2.560000000e+02, v15;
	[tilespmem:v29+s1+$0x0] =	vst.idx.add.f32.msk $0xffff, v3  }
0x2ee: {  	v14 =	vor.u32 v0, v30;
	v19 =	vadd.f32 $2.560000000e+02, v19;
	v22 =	vmul.f32 $3.200000000e+01, v22;
	[tilespmem:v17+s1+$0x0] =	vst.idx.add.f32.msk $0xffff, v3  }
.Ltmp7:
0x2ef: {  	v27 =	vadd.f32 $2.560000000e+02, v21;
	v18 =	vmul.f32 $3.200000000e+01, v18;
	v15 =	vmax.f32 v15, $0.0e+00;
	[tilespmem:v24+s1+$0x0] =	vst.idx.add.f32.msk $0xffff, v3;
	(pc) =	sbr.rel @p1 .LBB2_17-.Ltmp7, $4  }
0x2f0: {  	v17 =	vadd.f32 $2.560000000e+02, v22;
	v21 =	vmul.f32 $3.200000000e+01, v26;
	v22 =	vmin.f32 v15, $5.110000000e+02  }
0x2f1: {  	v15 =	vadd.f32 $2.560000000e+02, v18;
	v24 =	vmul.f32 $3.200000000e+01, v28;
	v22 =	vtrunc.f32 v22;
	[tilespmem:v23+s1+$0x0] =	vst.idx.add.f32.msk $0xffff, v3  }
0x2f2: {  	v18 =	vadd.f32 $2.560000000e+02, v21;
	v21 =	vmul.f32 $3.200000000e+01, v20;
	v22 =	vcvt.f32.s32 v22;
	[tilespmem:v16+s1+$0x0] =	vst.idx.add.f32.msk $0xffff, v3  }
0x2f3: {  	v19 =	vmax.f32 v19, $0.0e+00;
	v16 =	vmax.f32 v27, $0.0e+00;
	v20 =	vadd.f32 $2.560000000e+02, v24;
	[tilespmem:v25+s1+$0x0] =	vst.idx.add.f32.msk $0xffff, v3  }
0x2f4: {  	v17 =	vmax.f32 v17, $0.0e+00;
	v22 =	vshll.u32 v22, $0x4  }
0x2f5: {  	v21 =	vadd.f32 $2.560000000e+02, v21;
	v15 =	vmax.f32 v15, $0.0e+00;
	v18 =	vmax.f32 v18, $0.0e+00  }
0x2f6: {  	v19 =	vmin.f32 v19, $5.110000000e+02;
	v16 =	vmin.f32 v16, $5.110000000e+02;
	v12 =	vor.u32 v0, v12  }
0x2f7: {  	v13 =	vor.u32 v0, v13;
	v11 =	vor.u32 v0, v11;
	v22 =	vor.u32 v0, v22  }
0x2f8: {  	v20 =	vmax.f32 v20, $0.0e+00;
	v17 =	vmin.f32 v17, $5.110000000e+02;
	v15 =	vmin.f32 v15, $5.110000000e+02  }
0x2f9: {  	v18 =	vmin.f32 v18, $5.110000000e+02;
	v19 =	vtrunc.f32 v19;
	v16 =	vtrunc.f32 v16  }
0x2fa: {  	v21 =	vmax.f32 v21, $0.0e+00;
	v17 =	vtrunc.f32 v17;
	v15 =	vtrunc.f32 v15  }
0x2fb: {  	v20 =	vmin.f32 v20, $5.110000000e+02;
	v18 =	vtrunc.f32 v18;
	v19 =	vcvt.f32.s32 v19  }
0x2fc: {  	v16 =	vcvt.f32.s32 v16;
	v21 =	vmin.f32 v21, $5.110000000e+02;
	v20 =	vtrunc.f32 v20  }
0x2fd: {  	[tilespmem:v14+s1+$0x0] =	vst.idx.add.f32.msk $0xffff, v3;
	v17 =	vcvt.f32.s32 v17;
	v14 =	vcvt.f32.s32 v15;
	v19 =	vshll.u32 v19, $0x4  }
0x2fe: {  	v18 =	vcvt.f32.s32 v18;
	v15 =	vshll.u32 v16, $0x4;
	v16 =	vor.u32 v0, v19  }
0x2ff: {  	v21 =	vtrunc.f32 v21;
	v17 =	vshll.u32 v17, $0x4;
	v15 =	vor.u32 v0, v15;
	[tilespmem:v12+s1+$0x0] =	vst.idx.add.f32.msk $0xffff, v3  }
0x300: {  	v19 =	vcvt.f32.s32 v20;
	v14 =	vshll.u32 v14, $0x4;
	[tilespmem:v13+s1+$0x0] =	vst.idx.add.f32.msk $0xffff, v3;
	v17 =	vor.u32 v0, v17  }
0x301: {  	v12 =	vcvt.f32.s32 v21;
	v18 =	vshll.u32 v18, $0x4;
	[tilespmem:v11+s1+$0x0] =	vst.idx.add.f32.msk $0xffff, v3;
	v14 =	vor.u32 v0, v14  }
0x302: {  	[tilespmem:v22+s1+$0x0] =	vst.idx.add.f32.msk $0xffff, v3;
	v11 =	vor.u32 v0, v18;
	v13 =	vshll.u32 v19, $0x4  }
0x303: {  	v12 =	vshll.u32 v12, $0x4;
	v13 =	vor.u32 v0, v13;
	[tilespmem:v16+s1+$0x0] =	vst.idx.add.f32.msk $0xffff, v3  }
0x304: {  	v12 =	vor.u32 v0, v12;
	[tilespmem:v15+s1+$0x0] =	vst.idx.add.f32.msk $0xffff, v3  }
0x305: {  	[tilespmem:v17+s1+$0x0] =	vst.idx.add.f32.msk $0xffff, v3  }
0x306: {  	[tilespmem:v14+s1+$0x0] =	vst.idx.add.f32.msk $0xffff, v3  }
0x307: {  	[tilespmem:v11+s1+$0x0] =	vst.idx.add.f32.msk $0xffff, v3  }
0x308: {  	[tilespmem:v13+s1+$0x0] =	vst.idx.add.f32.msk $0xffff, v3  }
0x309: {  	s5 =	sadd.s32 @!p0 s7, s14;
	s22 =	simm.s32 @!p0 $0x0;
	s26 =	simm.s32 @!p0 $0x5960;
	[tilespmem:v12+s1+$0x0] =	vst.idx.add.f32.msk $0xffff, v3  }
0x30a: {  	[tilespmem:s26], [sflag:$0x2] =	stream.linear.gather @!p0 [hbm4b:s5+s22], $0x400, $0x38;
	[tilespmem:$0x12A00] =	vst v63  }
0x30b: {  	s5 =	sadd.s32 @!p0 s7, s15;
	s26 =	simm.s32 @!p0 $0x5D70  }
0x30c: {  	[tilespmem:s26], [sflag:$0x2] =	stream.linear.gather @!p0 [hbm4b:s5+s22], $0x400, $0x38;
	[tilespmem:$0x12A00] =	vst v63  }
0x30d: {  	s5 =	sadd.s32 @!p0 s7, s16;
	s26 =	simm.s32 @!p0 $0x6180  }
0x30e: {  	[tilespmem:s26], [sflag:$0x2] =	stream.linear.gather @!p0 [hbm4b:s5+s22], $0x400, $0x38;
	[tilespmem:$0x12A00] =	vst v63  }
0x30f: {  	s5 =	sadd.s32 @!p0 s7, s17;
	s26 =	simm.s32 @!p0 $0x6590  }
0x310: {  	[tilespmem:s26], [sflag:$0x2] =	stream.linear.gather @!p0 [hbm4b:s5+s22], $0x400, $0x38;
	[tilespmem:$0x12A00] =	vst v63  }
0x311: {  	s5 =	sadd.s32 @!p0 s7, s18;
	s26 =	simm.s32 @!p0 $0x69A0  }
0x312: {  	[tilespmem:s26], [sflag:$0x2] =	stream.linear.gather @!p0 [hbm4b:s5+s22], $0x400, $0x38;
	[tilespmem:$0x12A00] =	vst v63  }
0x313: {  	s22 =	simm.s32 $0x10440  }
0x314: {  	v12 =	vld [tilespmem:s22+$0xFFFFFFD0]  }
0x315: {  	v13 =	vld [tilespmem:s22+$0x30]  }
0x316: {  	v15 =	vld [tilespmem:s22+$0x0]  }
0x317: {  	v17 =	vld [tilespmem:s22+$0xFFFFFFC0]  }
0x318: {  	v14 =	vld [tilespmem:s22+$0x20]  }
0x319: {  	v16 =	vld [tilespmem:s22+$0xFFFFFFE0]  }
0x31a: {  	v18 =	vld [tilespmem:s22+$0x10]  }
0x31b: {  	v19 =	vld [tilespmem:s22+$0xFFFFFFF0]  }
0x31c: {  	v11 =	vimm.f32 $0.0e+00  }
0x31d: {  	v20 =	vadd.f32 v17, v11  }
0x31e: {  	v13 =	vadd.f32 v13, v14;
	v21 =	vadd.f32 v16, v12  }
0x31f: {  	v12 =	vadd.f32 v12, v17;
	v22 =	vadd.f32 v14, v18  }
0x320: {  	v24 =	vadd.f32 v18, v15;
	v18 =	vadd.f32 v19, v16  }
0x321: {  	v15 =	vadd.f32 v15, v19;
	vm0 =	vlt.f32 v20, $8.200000000e+02;
	v23 =	vadd.f32 v21, v17  }
0x322: {  	vm12 =	vlt.f32 v20, $2.050000000e+02;
	v20 =	vadd.f32 v12, v11;
	v25 =	vadd.f32 v24, v18  }
0x323: {  	v26 =	vadd.f32 v18, v12;
	v21 =	vadd.f32 v15, v21  }
0x324: {  	v13 =	vadd.f32 v13, v24;
	v14 =	vsel vm0, $0x3F800000, v2;
	v16 =	vsel vm12, $0x3F800000, v2  }
0x325: {  	v19 =	vadd.f32 v23, v11;
	vm13 =	vlt.f32 v20, $8.200000000e+02;
	v12 =	vadd.f32 v25, v12  }
0x326: {  	[tilespmem:s22+$0xFFFFFFD0] =	vst v2;
	v24 =	vadd.f32 v26, v11;
	v25 =	vadd.f32 v21, v17;
	vm1 =	vlt.f32 v20, $2.050000000e+02  }
0x327: {  	[tilespmem:s22+$0x30] =	vst v2;
	v21 =	vadd.f32 v13, v26;
	v13 =	vimm.f32 $0.0e+00;
	v18 =	vsel vm13, $0x3F800000, v2  }
0x328: {  	[tilespmem:s22+$0x0] =	vst v2;
	vm14 =	vlt.f32 v19, $2.050000000e+02;
	vm2 =	vlt.f32 v19, $8.200000000e+02;
	v17 =	vadd.f32 v12, v11  }
0x329: {  	[tilespmem:s22+$0xFFFFFFC0] =	vst v2;
	v12 =	vadd.f32 v22, v15;
	vm3 =	vlt.f32 v24, $8.200000000e+02;
	vm15 =	vlt.f32 v24, $2.050000000e+02  }
0x32a: {  	[tilespmem:s22+$0x20] =	vst v2;
	v24 =	vsel vm1, $0x3F800000, v2;
	v15 =	vsel vm2, $0x3F800000, v2;
	v20 =	vsel vm3, $0x3F800000, v2  }
0x32b: {  	[tilespmem:s22+$0xFFFFFFE0] =	vst v2;
	v19 =	vsel vm14, $0x3F800000, v2;
	v22 =	vadd.f32 v12, v23;
	v15 =	vadd.f32 v20, v15  }
0x32c: {  	s5 =	simm.s32 $0x0;
	s26 =	simm.s32 $0x104C0;
	[tilespmem:s22+$0x10] =	vst v2;
	v23 =	vsel vm15, $0x3F800000, v2;
	v20 =	vadd.f32 v25, v11;
	v12 =	vimm.f32 $0.0e+00  }
.LBB2_19:
0x32d: {  	v25 =	vld [tilespmem:s26+$0xFFFFFFD0];
	s5 =	sadd.s32 $0x8, s5;
	[tilespmem:s22+$0xFFFFFFF0] =	vst v2;
	vm0 =	vlt.f32 v17, $2.050000000e+02;
	v16 =	vadd.f32 v24, v16;
	v19 =	vadd.f32 v23, v19;
	s22 =	smov.u32 s26  }
0x32e: {  	v22 =	vadd.f32 v22, v11;
	v14 =	vadd.f32 v18, v14;
	[tilespmem:s26+$0xFFFFFFD0] =	vst v2;
	v23 =	vld [tilespmem:s26+$0x30];
	p1 =	slt.u32 s5, $0x1F8;
	vm1 =	vlt.f32 v20, $8.200000000e+02  }
0x32f: {  	v11 =	vadd.f32 v21, v11;
	vm2 =	vlt.f32 v20, $2.050000000e+02;
	v20 =	vsel vm0, $0x3F800000, v2;
	v18 =	vld [tilespmem:s26+$0x0];
	[tilespmem:s26+$0x30] =	vst v2  }
0x330: {  	vm0 =	vlt.f32 v22, $8.200000000e+02;
	v24 =	vsel vm2, $0x3F800000, v2;
	vm2 =	vlt.f32 v22, $2.050000000e+02;
	v21 =	vld [tilespmem:s26+$0xFFFFFFC0];
	[tilespmem:s26+$0x0] =	vst v2  }
0x331: {  	vm3 =	vlt.f32 v17, $8.200000000e+02;
	vm4 =	vlt.f32 v11, $8.200000000e+02;
	v17 =	vadd.f32 v20, v24;
	[tilespmem:s26+$0xFFFFFFC0] =	vst v2;
	v22 =	vld [tilespmem:s26+$0x20]  }
0x332: {  	v26 =	vsel vm3, $0x3F800000, v2;
	v24 =	vsel vm1, $0x3F800000, v2;
	vm1 =	vlt.f32 v11, $2.050000000e+02;
	v20 =	vld [tilespmem:s26+$0xFFFFFFE0];
	[tilespmem:s26+$0x20] =	vst v2  }
0x333: {  	v24 =	vadd.f32 v26, v24;
	v26 =	vsel vm2, $0x3F800000, v2;
	v28 =	vsel vm1, $0x3F800000, v2;
	[tilespmem:s26+$0xFFFFFFE0] =	vst v2;
	v27 =	vld [tilespmem:s26+$0x10]  }
0x334: {  	v30 =	vsel vm0, $0x3F800000, v2;
	v26 =	vadd.f32 v28, v26;
	v28 =	vadd.f32 v19, v16;
	v29 =	vld [tilespmem:s26+$0xFFFFFFF0];
	[tilespmem:s26+$0x10] =	vst v2  }
0x335: {  	v15 =	vadd.f32 v15, v14;
	v19 =	vsel vm4, $0x3F800000, v2;
	v16 =	vadd.f32 v21, v11  }
0x336: {  	v19 =	vadd.f32 v19, v30;
	v23 =	vadd.f32 v23, v22  }
0x337: {  	v26 =	vadd.f32 v26, v17;
	v30 =	vadd.f32 v20, v25;
	vm0 =	vlt.f32 v16, $8.200000000e+02  }
0x338: {  	v17 =	vadd.f32 v25, v21;
	v22 =	vadd.f32 v22, v27;
	v14 =	vsel vm0, $0x3F800000, v2  }
0x339: {  	vm0 =	vlt.f32 v16, $2.050000000e+02;
	v25 =	vadd.f32 v18, v29;
	v31 =	vadd.f32 v30, v21  }
0x33a: {  	v32 =	vadd.f32 v17, v11;
	v27 =	vadd.f32 v27, v18  }
0x33b: {  	v19 =	vadd.f32 v19, v24;
	v20 =	vadd.f32 v29, v20;
	v16 =	vsel vm0, $0x3F800000, v2  }
0x33c: {  	vm0 =	vlt.f32 v32, $8.200000000e+02;
	v24 =	vadd.f32 v25, v30;
	v29 =	vadd.f32 v31, v11  }
0x33d: {  	v15 =	vadd.f32 v19, v15;
	v18 =	vsel vm0, $0x3F800000, v2;
	v30 =	vadd.f32 v27, v20  }
0x33e: {  	v20 =	vadd.f32 v20, v17;
	v27 =	vadd.f32 v23, v27;
	vm0 =	vlt.f32 v29, $2.050000000e+02  }
0x33f: {  	vm1 =	vlt.f32 v32, $2.050000000e+02;
	v24 =	vadd.f32 v24, v21;
	v17 =	vadd.f32 v30, v17  }
0x340: {  	v12 =	vadd.f32 v15, v12;
	v21 =	vadd.f32 v20, v11;
	vm2 =	vlt.f32 v29, $8.200000000e+02  }
.Ltmp8:
0x341: {  	v15 =	vadd.f32 v26, v28;
	v19 =	vsel vm0, $0x3F800000, v2;
	v17 =	vadd.f32 v17, v11;
	(pc) =	sbr.rel @p1 .LBB2_19-.Ltmp8, $4  }
0x342: {  	v22 =	vadd.f32 v22, v25;
	vm0 =	vlt.f32 v21, $8.200000000e+02;
	vm3 =	vlt.f32 v21, $2.050000000e+02  }
0x343: {  	v13 =	vadd.f32 v15, v13;
	v21 =	vsel vm2, $0x3F800000, v2;
	v23 =	vsel vm0, $0x3F800000, v2  }
0x344: {  	v22 =	vadd.f32 v22, v31;
	v15 =	vadd.f32 v23, v21;
	v23 =	vsel vm3, $0x3F800000, v2  }
0x345: {  	s26 =	sadd.s32 $0x80, s26;
	v21 =	vadd.f32 v27, v20;
	v20 =	vadd.f32 v24, v11;
	v24 =	vsel vm1, $0x3F800000, v2  }
0x346: {  	vm0 =	vlt.f32 v17, $2.050000000e+02;
	v16 =	vadd.f32 v24, v16;
	v19 =	vadd.f32 v23, v19  }
0x347: {  	s5 =	simm.s32 $0x0;
	v22 =	vadd.f32 v22, v11;
	v14 =	vadd.f32 v18, v14;
	vm3 =	vlt.f32 v17, $8.200000000e+02  }
0x348: {  	v25 =	vmov s5;
	vm1 =	vlt.f32 v20, $8.200000000e+02;
	v11 =	vadd.f32 v21, v11  }
0x349: {  	vm2 =	vlt.f32 v20, $2.050000000e+02;
	v18 =	vsel vm0, $0x3F800000, v2;
	v21 =	vsel vm3, $0x3F800000, v2  }
0x34a: {  	v20 =	vsel vm2, $0x3F800000, v2;
	vm14 =	vlt.f32 v22, $2.050000000e+02;
	vm4 =	vlt.f32 v11, $2.050000000e+02  }
0x34b: {  	v17 =	vsel vm14, $0x3F800000, v2;
	vm15 =	vlt.f32 v11, $8.200000000e+02;
	v11 =	vsel vm4, $0x3F800000, v2  }
0x34c: {  	v18 =	vadd.f32 v18, v20;
	v11 =	vadd.f32 v11, v17;
	v17 =	vshrl.u32 v25, $0x3  }
0x34d: {  	vm13 =	vlt.f32 v22, $8.200000000e+02;
	v16 =	vadd.f32 v19, v16;
	v17 =	vshll.u32 v17, $0x3  }
0x34e: {  	v20 =	vsel vm1, $0x3F800000, v2;
	v11 =	vadd.f32 v11, v18;
	v17 =	vbroadcast v17, $0x0  }
0x34f: {  	v19 =	vsel vm13, $0x3F800000, v2;
	v18 =	vadd.f32 v21, v20  }
0x350: {  	v20 =	vsel vm15, $0x3F800000, v2;
	v11 =	vadd.f32 v11, v16;
	v16 =	vadd.s32 v1, v17  }
0x351: {  	v14 =	vadd.f32 v15, v14;
	v19 =	vadd.f32 v20, v19;
	v15 =	vadd.s32 v4, v17  }
0x352: {  	[tilespmem:s22+$0xFFFFFFF0] =	vst v2;
	s22 =	simm.s32 $0x8;
	v20 =	vadd.s32 v9, v17  }
0x353: {  	v23 =	vmov s22;
	v18 =	vadd.f32 v19, v18;
	v19 =	vadd.s32 v6, v17  }
0x354: {  	v23 =	vshrl.u32 v23, $0x3;
	v11 =	vadd.f32 v11, v13;
	v13 =	vadd.s32 v7, v17  }
0x355: {  	v23 =	vshll.u32 v23, $0x3;
	v14 =	vadd.f32 v18, v14;
	v16 =	vld.idx.msk [tilespmem:v16+s11+$0x0], $0xffff  }
0x356: {  	v23 =	vbroadcast v23, $0x0;
	v11 =	vadd.f32 $1.000000000e+00, v11;
	v15 =	vld.idx.msk [tilespmem:v15+s11+$0x0], $0xffff  }
0x357: {  	v18 =	vadd.s32 v8, v17;
	v12 =	vadd.f32 v14, v12;
	v20 =	vld.idx.msk [tilespmem:v20+s11+$0x0], $0xffff  }
0x358: {  	v30 =	vadd.s32 v1, v23;
	v14 =	vadd.s32 v5, v17;
	v11 =	vmul.f32 $3.125000000e-02, v11;
	v19 =	vld.idx.msk [tilespmem:v19+s11+$0x0], $0xffff  }
0x359: {  	v32 =	vadd.s32 v4, v23;
	v17 =	vadd.s32 v10, v17;
	v21 =	vld.idx.msk [tilespmem:v13+s11+$0x0], $0xffff;
	v13 =	vmul.f32 $3.125000000e-02, v12  }
0x35a: {  	v33 =	vadd.s32 v6, v23;
	v34 =	vadd.s32 v7, v23;
	v12 =	vadd.f32 $-8.000000000e+00, v11  }
0x35b: {  	v37 =	vadd.s32 v8, v23;
	v38 =	vadd.s32 v9, v23;
	v11 =	vadd.f32 $-8.000000000e+00, v13  }
0x35c: {  	v39 =	vadd.s32 v5, v23;
	v18 =	vld.idx.msk [tilespmem:v18+s11+$0x0], $0xffff;
	v22 =	vsub.f32 v12, v16;
	v24 =	vsub.f32 v12, v15  }
0x35d: {  	v63 =	vadd.s32 v10, v23;
	v14 =	vld.idx.msk [tilespmem:v14+s11+$0x0], $0xffff;
	v29 =	vsub.f32 v12, v20;
	v26 =	vsub.f32 v19, v11  }
0x35e: {  	v13 =	vimm.f32 $0.0e+00;
	v31 =	vld.idx.msk [tilespmem:v17+s11+$0x0], $0xffff;
	v17 =	vsub.f32 v20, v11;
	v35 =	vsub.f32 v16, v11  }
0x35f: {  	v19 =	vsub.f32 v12, v19;
	v22 =	vmax.f32 v22, $0.0e+00;
	v25 =	vsub.f32 v12, v21  }
0x360: {  	v24 =	vmax.f32 v24, $0.0e+00;
	v28 =	vsub.f32 v21, v11;
	v36 =	vmax.f32 v29, $0.0e+00  }
0x361: {  	v29 =	vsub.f32 v15, v11;
	v27 =	vsub.f32 v12, v18;
	v21 =	vmax.f32 v17, $0.0e+00  }
0x362: {  	v18 =	vsub.f32 v18, v11;
	v17 =	vld.idx.msk [tilespmem:v30+s11+$0x0], $0xffff;
	v24 =	vadd.f32 v24, v22;
	v25 =	vmax.f32 v25, $0.0e+00  }
0x363: {  	v20 =	vsub.f32 v14, v11;
	v27 =	vmax.f32 v27, $0.0e+00;
	v23 =	vsub.f32 v31, v11  }
0x364: {  	v15 =	vld.idx.msk [tilespmem:v32+s11+$0x0], $0xffff;
	v41 =	vmax.f32 v28, $0.0e+00;
	v14 =	vsub.f32 v12, v14;
	v16 =	vadd.f32 v27, v25  }
0x365: {  	v25 =	vld.idx.msk [tilespmem:v34+s11+$0x0], $0xffff;
	v27 =	vmax.f32 v29, $0.0e+00;
	v34 =	vmax.f32 v19, $0.0e+00;
	v40 =	vmax.f32 v20, $0.0e+00  }
0x366: {  	v20 =	vsub.f32 v12, v31;
	v31 =	vmax.f32 v18, $0.0e+00;
	v18 =	vld.idx.msk [tilespmem:v33+s11+$0x0], $0xffff;
	v29 =	vmax.f32 v23, $0.0e+00  }
0x367: {  	v23 =	vld.idx.msk [tilespmem:v37+s11+$0x0], $0xffff;
	v30 =	vmax.f32 v14, $0.0e+00;
	v14 =	vmax.f32 v26, $0.0e+00;
	v22 =	vsub.f32 v12, v17  }
0x368: {  	v28 =	vld.idx.msk [tilespmem:v38+s11+$0x0], $0xffff;
	v31 =	vadd.f32 v31, v41;
	v32 =	vadd.f32 v14, v40;
	v20 =	vmax.f32 v20, $0.0e+00  }
0x369: {  	v33 =	vmax.f32 v35, $0.0e+00;
	v26 =	vadd.f32 v20, v36;
	v36 =	vsub.f32 v12, v15;
	v20 =	vld.idx.msk [tilespmem:v63+s11+$0x0], $0xffff  }
0x36a: {  	v14 =	vimm.f32 $0.0e+00;
	v19 =	vmax.f32 v22, $0.0e+00;
	v22 =	vld.idx.msk [tilespmem:v39+s11+$0x0], $0xffff;
	v35 =	vsub.f32 v12, v25  }
.LBB2_21:
0x36b: {  	s22 =	sadd.s32 $0x8, s22;
	v36 =	vmax.f32 v36, $0.0e+00;
	v37 =	vsub.f32 v18, v11;
	v21 =	vadd.f32 v29, v21  }
0x36c: {  	v38 =	vsub.f32 v12, v23;
	v30 =	vadd.f32 v34, v30;
	v29 =	vmov s22;
	p1 =	slt.u32 s22, $0x3F8  }
0x36d: {  	v34 =	vsub.f32 v25, v11;
	v25 =	vmax.f32 v35, $0.0e+00;
	v29 =	vshrl.u32 v29, $0x3  }
0x36e: {  	v27 =	vadd.f32 v27, v33;
	v35 =	vsub.f32 v12, v28;
	v29 =	vshll.u32 v29, $0x3  }
0x36f: {  	v28 =	vsub.f32 v28, v11;
	v31 =	vadd.f32 v21, v31;
	v29 =	vbroadcast v29, $0x0  }
0x370: {  	v38 =	vmax.f32 v38, $0.0e+00;
	v27 =	vadd.f32 v32, v27;
	v33 =	vsub.f32 v22, v11  }
0x371: {  	v24 =	vadd.f32 v30, v24;
	v32 =	vadd.s32 v1, v29;
	v39 =	vadd.s32 v4, v29  }
0x372: {  	v26 =	vadd.f32 v26, v16;
	v30 =	vadd.s32 v6, v29;
	v40 =	vadd.s32 v7, v29  }
0x373: {  	v41 =	vsub.f32 v17, v11;
	v21 =	vmax.f32 v28, $0.0e+00;
	v35 =	vmax.f32 v35, $0.0e+00  }
0x374: {  	v23 =	vsub.f32 v23, v11;
	v27 =	vadd.f32 v31, v27;
	v28 =	vadd.s32 v8, v29  }
0x375: {  	v42 =	vsub.f32 v15, v11;
	v16 =	vadd.f32 v38, v25;
	v31 =	vadd.s32 v9, v29  }
0x376: {  	v38 =	vmax.f32 v33, $0.0e+00;
	v33 =	vsub.f32 v12, v18;
	v17 =	vld.idx.msk [tilespmem:v32+s11+$0x0], $0xffff;
	v32 =	vadd.s32 v5, v29  }
0x377: {  	v15 =	vld.idx.msk [tilespmem:v39+s11+$0x0], $0xffff;
	v39 =	vadd.s32 v10, v29;
	v29 =	vsub.f32 v20, v11;
	v20 =	vsub.f32 v12, v20  }
0x378: {  	v26 =	vadd.f32 v26, v24;
	v13 =	vadd.f32 v27, v13;
	v25 =	vld.idx.msk [tilespmem:v40+s11+$0x0], $0xffff;
	v40 =	vmax.f32 v23, $0.0e+00  }
0x379: {  	v43 =	vmax.f32 v34, $0.0e+00;
	v22 =	vsub.f32 v12, v22;
	v18 =	vld.idx.msk [tilespmem:v30+s11+$0x0], $0xffff;
	v44 =	vmax.f32 v20, $0.0e+00  }
.Ltmp9:
0x37a: {  	v24 =	vadd.f32 v36, v19;
	v27 =	vmax.f32 v42, $0.0e+00;
	v29 =	vmax.f32 v29, $0.0e+00;
	v23 =	vld.idx.msk [tilespmem:v28+s11+$0x0], $0xffff;
	(pc) =	sbr.rel @p1 .LBB2_21-.Ltmp9, $4  }
0x37b: {  	v37 =	vmax.f32 v37, $0.0e+00;
	v14 =	vadd.f32 v26, v14;
	v30 =	vmax.f32 v22, $0.0e+00;
	v28 =	vld.idx.msk [tilespmem:v31+s11+$0x0], $0xffff  }
0x37c: {  	v34 =	vmax.f32 v33, $0.0e+00;
	v26 =	vadd.f32 v44, v35;
	v19 =	vsub.f32 v12, v17;
	v20 =	vld.idx.msk [tilespmem:v39+s11+$0x0], $0xffff  }
0x37d: {  	v33 =	vmax.f32 v41, $0.0e+00;
	v31 =	vadd.f32 v40, v43;
	v36 =	vsub.f32 v12, v15  }
0x37e: {  	v19 =	vmax.f32 v19, $0.0e+00;
	v35 =	vsub.f32 v12, v25;
	v22 =	vld.idx.msk [tilespmem:v32+s11+$0x0], $0xffff;
	v32 =	vadd.f32 v37, v38  }
0x37f: {  	v37 =	vsub.f32 v18, v11  }
0x380: {  	v21 =	vadd.f32 v29, v21;
	v40 =	vsub.f32 v12, v23  }
0x381: {  	v30 =	vadd.f32 v34, v30;
	v25 =	vsub.f32 v25, v11  }
0x382: {  	v27 =	vadd.f32 v27, v33;
	v16 =	vadd.f32 v26, v16  }
0x383: {  	v17 =	vsub.f32 v17, v11;
	v23 =	vsub.f32 v23, v11  }
0x384: {  	v15 =	vsub.f32 v15, v11;
	v18 =	vsub.f32 v12, v18  }
0x385: {  	v42 =	vmax.f32 v36, $0.0e+00;
	v41 =	vsub.f32 v12, v28;
	v43 =	vsub.f32 v28, v11  }
0x386: {  	v19 =	vadd.f32 v42, v19;
	v21 =	vadd.f32 v21, v31  }
0x387: {  	v44 =	vmax.f32 v35, $0.0e+00;
	v27 =	vadd.f32 v32, v27;
	v24 =	vadd.f32 v30, v24  }
0x388: {  	v29 =	vmax.f32 v40, $0.0e+00;
	v50 =	vsub.f32 v20, v11;
	v20 =	vsub.f32 v12, v20  }
0x389: {  	v23 =	vmax.f32 v23, $0.0e+00;
	v51 =	vmax.f32 v25, $0.0e+00;
	v15 =	vmax.f32 v15, $0.0e+00  }
0x38a: {  	v53 =	vmax.f32 v37, $0.0e+00;
	v17 =	vmax.f32 v17, $0.0e+00;
	v48 =	vadd.f32 v29, v44  }
0x38b: {  	v18 =	vmax.f32 v18, $0.0e+00;
	v23 =	vadd.f32 v23, v51;
	v15 =	vadd.f32 v15, v17  }
0x38c: {  	v46 =	vmax.f32 v43, $0.0e+00;
	v45 =	vsub.f32 v22, v11;
	v22 =	vsub.f32 v12, v22  }
0x38d: {  	v47 =	vmax.f32 v41, $0.0e+00;
	v21 =	vadd.f32 v21, v27;
	v16 =	vadd.f32 v16, v24  }
0x38e: {  	v20 =	vmax.f32 v20, $0.0e+00;
	v52 =	vmax.f32 v50, $0.0e+00;
	v22 =	vmax.f32 v22, $0.0e+00  }
0x38f: {  	v20 =	vadd.f32 v20, v47;
	v49 =	vmax.f32 v45, $0.0e+00;
	v18 =	vadd.f32 v18, v22  }
0x390: {  	v54 =	vadd.f32 v53, v49;
	v22 =	vadd.f32 v52, v46  }
0x391: {  	v17 =	vadd.f32 v18, v19;
	v18 =	vadd.f32 v20, v48  }
0x392: {  	v14 =	vadd.f32 v16, v14;
	v16 =	vadd.f32 v22, v23  }
0x393: {  	v15 =	vadd.f32 v54, v15;
	v17 =	vadd.f32 v18, v17  }
0x394: {  	v13 =	vadd.f32 v21, v13  }
0x395: {  	s5 =	sadd.s32 @!p0 s7, s19;
	s22 =	simm.s32 @!p0 $0x0;
	s26 =	simm.s32 @!p0 $0x6DB0;
	v15 =	vadd.f32 v16, v15;
	v14 =	vadd.f32 v17, v14  }
0x396: {  	[tilespmem:s26], [sflag:$0x2] =	stream.linear.gather @!p0 [hbm4b:s5+s22], $0x400, $0x38;
	[tilespmem:$0x12A00] =	vst v63  }
0x397: {  	s5 =	sadd.s32 @!p0 s7, s20;
	s26 =	simm.s32 @!p0 $0x71C0;
	v13 =	vadd.f32 v15, v13;
	v14 =	vmul.f32 $4.878048790e-03, v14  }
0x398: {  	[tilespmem:s26], [sflag:$0x2] =	stream.linear.gather @!p0 [hbm4b:s5+s22], $0x400, $0x38;
	[tilespmem:$0x12A00] =	vst v63  }
0x399: {  	s5 =	sadd.s32 @!p0 s7, s21;
	s26 =	simm.s32 @!p0 $0x75D0;
	v13 =	vmul.f32 $4.878048790e-03, v13;
	v12 =	vsub.f32 v12, v14  }
0x39a: {  	[tilespmem:s26], [sflag:$0x2] =	stream.linear.gather @!p0 [hbm4b:s5+s22], $0x400, $0x38;
	[tilespmem:$0x12A00] =	vst v63  }
0x39b: {  	s5 =	sadd.s32 @!p0 s7, s23;
	s26 =	simm.s32 @!p0 $0x79E0;
	v11 =	vadd.f32 v13, v11;
	v12 =	vmul.f32 $6.999999880e-01, v12  }
0x39c: {  	[tilespmem:s26], [sflag:$0x2] =	stream.linear.gather @!p0 [hbm4b:s5+s22], $0x400, $0x38;
	[tilespmem:$0x12A00] =	vst v63  }
0x39d: {  	s5 =	sadd.s32 @!p0 s7, s24;
	s7 =	simm.s32 @!p0 $0x7DF0;
	v11 =	vadd.f32 v12, v11  }
0x39e: {  	[tilespmem:s7], [sflag:$0x2] =	stream.linear.gather @!p0 [hbm4b:s5+s22], $0x400, $0x38;
	[tilespmem:$0x12A00] =	vst v63  }
0x39f: {  	[tilespmem:s0+$0x12420] =	vst v11;
	s0 =	sadd.s32 $0x6, s31  }
0x3a0: {  	_ =	swait.ge [sflag:s28], $0x4000;
	s0 =	sshll.u32 @!p0 s0, $0xB  }
0x3a1: {  	s7 =	simm.s32 @!p0 $0x8200;
	[sflag:s28] =	ssyncset.done $0x0;
	s0 =	sadd.s32 @!p0 s3, s0  }
0x3a2: {  	s31 =	simm.s32 $0x0;
	[sflag:s28] =	ssyncadd.s32 $0xFFFFC000;
	s5 =	sadd.s32 @!p0 s4, s0  }
0x3a3: {  	[tilespmem:s7], [sflag:$0x3] =	stream.linear.gather @!p0 [hbm4b:s5+s22], $0x400, $0x38;
	[tilespmem:$0x12A00] =	vst v63  }
0x3a4: {  	s26 =	simm.s32 @!p0 $0x8610;
	v11 =	vmov s31;
	s7 =	sadd.s32 @!p0 s0, s6  }
0x3a5: {  	v11 =	vshrl.u32 v11, $0x3;
	[tilespmem:s26], [sflag:$0x3] =	stream.linear.gather @!p0 [hbm4b:s7+s22], $0x400, $0x38;
	[tilespmem:$0x12A00] =	vst v63  }
0x3a6: {  	v11 =	vshll.u32 v11, $0x3;
	s5 =	sadd.s32 @!p0 s0, s8;
	s7 =	simm.s32 @!p0 $0x8A20  }
0x3a7: {  	v11 =	vbroadcast v11, $0x0;
	[tilespmem:s7], [sflag:$0x3] =	stream.linear.gather @!p0 [hbm4b:s5+s22], $0x400, $0x38;
	[tilespmem:$0x12A00] =	vst v63  }
0x3a8: {  	s5 =	sadd.s32 @!p0 s0, s9;
	s7 =	simm.s32 @!p0 $0x8E30  }
0x3a9: {  	v12 =	vadd.s32 v10, v11;
	[tilespmem:s7], [sflag:$0x3] =	stream.linear.gather @!p0 [hbm4b:s5+s22], $0x400, $0x38;
	[tilespmem:$0x12A00] =	vst v63  }
0x3aa: {  	v13 =	vadd.s32 v1, v11;
	s5 =	sadd.s32 @!p0 s0, s12;
	s7 =	simm.s32 @!p0 $0x9240  }
0x3ab: {  	v14 =	vadd.s32 v4, v11;
	[tilespmem:s7], [sflag:$0x3] =	stream.linear.gather @!p0 [hbm4b:s5+s22], $0x400, $0x38;
	[tilespmem:$0x12A00] =	vst v63  }
0x3ac: {  	v15 =	vadd.s32 v5, v11;
	s5 =	sadd.s32 @!p0 s0, s13;
	s7 =	simm.s32 @!p0 $0x9650  }
0x3ad: {  	v16 =	vadd.s32 v6, v11;
	[tilespmem:s7], [sflag:$0x3] =	stream.linear.gather @!p0 [hbm4b:s5+s22], $0x400, $0x38;
	[tilespmem:$0x12A00] =	vst v63  }
0x3ae: {  	v17 =	vadd.s32 v7, v11;
	v12 =	vld.idx.msk [tilespmem:v12+s25+$0x0], $0xffff  }
0x3af: {  	v18 =	vadd.s32 v8, v11;
	v13 =	vld.idx.msk [tilespmem:v13+s25+$0x0], $0xffff  }
0x3b0: {  	v11 =	vadd.s32 v9, v11;
	v14 =	vld.idx.msk [tilespmem:v14+s25+$0x0], $0xffff  }
0x3b1: {  	v15 =	vld.idx.msk [tilespmem:v15+s25+$0x0], $0xffff  }
0x3b2: {  	v16 =	vld.idx.msk [tilespmem:v16+s25+$0x0], $0xffff  }
0x3b3: {  	v17 =	vld.idx.msk [tilespmem:v17+s25+$0x0], $0xffff  }
0x3b4: {  	v18 =	vld.idx.msk [tilespmem:v18+s25+$0x0], $0xffff  }
0x3b5: {  	v11 =	vld.idx.msk [tilespmem:v11+s25+$0x0], $0xffff;
	v12 =	vmul.f32 $3.200000000e+01, v12;
	_ =	sdelay $0x1  }
0x3b6: {  	v13 =	vmul.f32 $3.200000000e+01, v13;
	v12 =	vadd.f32 $2.560000000e+02, v12  }
0x3b7: {  	v14 =	vmul.f32 $3.200000000e+01, v14;
	v15 =	vmul.f32 $3.200000000e+01, v15  }
0x3b8: {  	v16 =	vmul.f32 $3.200000000e+01, v16;
	v17 =	vmul.f32 $3.200000000e+01, v17;
	v12 =	vmax.f32 v12, $0.0e+00  }
0x3b9: {  	v18 =	vmul.f32 $3.200000000e+01, v18;
	v11 =	vmul.f32 $3.200000000e+01, v11;
	v12 =	vmin.f32 v12, $5.110000000e+02  }
0x3ba: {  	v13 =	vadd.f32 $2.560000000e+02, v13;
	v14 =	vadd.f32 $2.560000000e+02, v14;
	v12 =	vtrunc.f32 v12  }
0x3bb: {  	s7 =	simm.s32 $0x8;
	v15 =	vadd.f32 $2.560000000e+02, v15;
	v16 =	vadd.f32 $2.560000000e+02, v16;
	v12 =	vcvt.f32.s32 v12  }
0x3bc: {  	v19 =	vmov s7;
	v17 =	vadd.f32 $2.560000000e+02, v17;
	v18 =	vadd.f32 $2.560000000e+02, v18  }
0x3bd: {  	v11 =	vadd.f32 $2.560000000e+02, v11;
	v13 =	vmax.f32 v13, $0.0e+00;
	v12 =	vshll.u32 v12, $0x4  }
0x3be: {  	v14 =	vmax.f32 v14, $0.0e+00;
	v20 =	vor.u32 v0, v12;
	v12 =	vshrl.u32 v19, $0x3  }
0x3bf: {  	v15 =	vmax.f32 v15, $0.0e+00;
	v16 =	vmax.f32 v16, $0.0e+00;
	v12 =	vshll.u32 v12, $0x3  }
0x3c0: {  	v17 =	vmax.f32 v17, $0.0e+00;
	v18 =	vmax.f32 v18, $0.0e+00;
	v12 =	vbroadcast v12, $0x0  }
0x3c1: {  	v11 =	vmax.f32 v11, $0.0e+00;
	v13 =	vmin.f32 v13, $5.110000000e+02;
	v14 =	vmin.f32 v14, $5.110000000e+02  }
0x3c2: {  	v15 =	vmin.f32 v15, $5.110000000e+02;
	v16 =	vmin.f32 v16, $5.110000000e+02;
	v19 =	vadd.s32 v10, v12  }
0x3c3: {  	v17 =	vmin.f32 v17, $5.110000000e+02;
	v18 =	vmin.f32 v18, $5.110000000e+02;
	v21 =	vadd.s32 v1, v12  }
0x3c4: {  	v11 =	vmin.f32 v11, $5.110000000e+02;
	v13 =	vtrunc.f32 v13;
	v22 =	vadd.s32 v4, v12  }
0x3c5: {  	v14 =	vtrunc.f32 v14;
	v15 =	vtrunc.f32 v15;
	v23 =	vadd.s32 v5, v12  }
0x3c6: {  	v16 =	vtrunc.f32 v16;
	v17 =	vtrunc.f32 v17;
	v55 =	vadd.s32 v6, v12  }
0x3c7: {  	v18 =	vtrunc.f32 v18;
	v11 =	vtrunc.f32 v11;
	v56 =	vadd.s32 v7, v12;
	v19 =	vld.idx.msk [tilespmem:v19+s25+$0x0], $0xffff  }
0x3c8: {  	v13 =	vcvt.f32.s32 v13;
	v11 =	vcvt.f32.s32 v11;
	v57 =	vadd.s32 v8, v12;
	v21 =	vld.idx.msk [tilespmem:v21+s25+$0x0], $0xffff  }
0x3c9: {  	v58 =	vadd.s32 v9, v12;
	v12 =	vcvt.f32.s32 v14;
	v14 =	vcvt.f32.s32 v15;
	v15 =	vld.idx.msk [tilespmem:v22+s25+$0x0], $0xffff  }
0x3ca: {  	v22 =	vshll.u32 v13, $0x4;
	v13 =	vcvt.f32.s32 v16;
	v16 =	vcvt.f32.s32 v17;
	v17 =	vld.idx.msk [tilespmem:v23+s25+$0x0], $0xffff  }
0x3cb: {  	v18 =	vcvt.f32.s32 v18;
	v11 =	vshll.u32 v11, $0x4;
	v24 =	vld.idx.msk [tilespmem:v55+s25+$0x0], $0xffff  }
0x3cc: {  	v14 =	vshll.u32 v14, $0x4;
	v23 =	vshll.u32 v12, $0x4;
	v12 =	vshll.u32 v16, $0x4;
	v16 =	vld.idx.msk [tilespmem:v56+s25+$0x0], $0xffff  }
0x3cd: {  	v59 =	vshll.u32 v13, $0x4;
	v13 =	vshll.u32 v18, $0x4;
	v18 =	vld.idx.msk [tilespmem:v57+s25+$0x0], $0xffff;
	v19 =	vmul.f32 $3.200000000e+01, v19  }
0x3ce: {  	v61 =	vor.u32 v0, v14;
	v60 =	vld.idx.msk [tilespmem:v58+s25+$0x0], $0xffff;
	v22 =	vor.u32 v0, v22;
	v21 =	vmul.f32 $3.200000000e+01, v21  }
0x3cf: {  	v23 =	vor.u32 v0, v23;
	v15 =	vmul.f32 $3.200000000e+01, v15;
	v19 =	vadd.f32 $2.560000000e+02, v19  }
0x3d0: {  	v14 =	vor.u32 v0, v59;
	v17 =	vmul.f32 $3.200000000e+01, v17;
	v62 =	vadd.f32 $2.560000000e+02, v21  }
0x3d1: {  	v63 =	vadd.f32 $2.560000000e+02, v15;
	v15 =	vmul.f32 $3.200000000e+01, v24;
	v19 =	vmax.f32 v19, $0.0e+00  }
0x3d2: {  	[tilespmem:v20+s1+$0x0] =	vst.idx.add.f32.msk $0xffff, v3;
	v16 =	vmul.f32 $3.200000000e+01, v16;
	v20 =	vmul.f32 $3.200000000e+01, v18;
	v19 =	vmin.f32 v19, $5.110000000e+02  }
0x3d3: {  	[tilespmem:v61+s1+$0x0] =	vst.idx.add.f32.msk $0xffff, v3;
	v17 =	vadd.f32 $2.560000000e+02, v17;
	v21 =	vmul.f32 $3.200000000e+01, v60;
	v19 =	vtrunc.f32 v19  }
0x3d4: {  	[tilespmem:v22+s1+$0x0] =	vst.idx.add.f32.msk $0xffff, v3;
	v15 =	vadd.f32 $2.560000000e+02, v15;
	v18 =	vadd.f32 $2.560000000e+02, v16;
	v22 =	vcvt.f32.s32 v19  }
0x3d5: {  	[tilespmem:v23+s1+$0x0] =	vst.idx.add.f32.msk $0xffff, v3;
	v16 =	vmax.f32 v63, $0.0e+00;
	v20 =	vadd.f32 $2.560000000e+02, v20;
	v19 =	vmax.f32 v62, $0.0e+00  }
.LBB2_23:
0x3d6: {  	s7 =	sadd.s32 $0x8, s7;
	v17 =	vmax.f32 v17, $0.0e+00;
	v21 =	vadd.f32 $2.560000000e+02, v21;
	v22 =	vshll.u32 v22, $0x4;
	[tilespmem:v14+s1+$0x0] =	vst.idx.add.f32.msk $0xffff, v3  }
0x3d7: {  	v15 =	vmax.f32 v15, $0.0e+00;
	v14 =	vmov s7;
	p1 =	slt.u32 s7, $0x3F8;
	v22 =	vor.u32 v0, v22  }
0x3d8: {  	v18 =	vmax.f32 v18, $0.0e+00;
	v20 =	vmax.f32 v20, $0.0e+00;
	v14 =	vshrl.u32 v14, $0x3  }
0x3d9: {  	v19 =	vmin.f32 v19, $5.110000000e+02;
	v21 =	vmax.f32 v21, $0.0e+00;
	v14 =	vshll.u32 v14, $0x3  }
0x3da: {  	v16 =	vmin.f32 v16, $5.110000000e+02;
	v17 =	vmin.f32 v17, $5.110000000e+02;
	v14 =	vbroadcast v14, $0x0  }
0x3db: {  	v15 =	vmin.f32 v15, $5.110000000e+02;
	v18 =	vmin.f32 v18, $5.110000000e+02;
	v20 =	vmin.f32 v20, $5.110000000e+02  }
0x3dc: {  	v21 =	vmin.f32 v21, $5.110000000e+02;
	v23 =	vadd.s32 v1, v14;
	v24 =	vadd.s32 v10, v14;
	[tilespmem:v22+s1+$0x0] =	vst.idx.add.f32.msk $0xffff, v3  }
0x3dd: {  	v22 =	vadd.s32 v4, v14;
	v25 =	vadd.s32 v5, v14;
	v26 =	vadd.s32 v6, v14  }
0x3de: {  	v27 =	vadd.s32 v7, v14;
	v28 =	vadd.s32 v8, v14;
	v14 =	vadd.s32 v9, v14  }
0x3df: {  	v29 =	vor.u32 v0, v12;
	v19 =	vtrunc.f32 v19;
	v16 =	vtrunc.f32 v16  }
0x3e0: {  	v12 =	vtrunc.f32 v17;
	v15 =	vtrunc.f32 v15;
	v17 =	vor.u32 v0, v13  }
0x3e1: {  	v18 =	vtrunc.f32 v18;
	v20 =	vtrunc.f32 v20;
	v13 =	vld.idx.msk [tilespmem:v24+s25+$0x0], $0xffff;
	v24 =	vor.u32 v0, v11  }
0x3e2: {  	v11 =	vcvt.f32.s32 v19;
	v19 =	vtrunc.f32 v21;
	v23 =	vld.idx.msk [tilespmem:v23+s25+$0x0], $0xffff  }
0x3e3: {  	v16 =	vcvt.f32.s32 v16;
	v12 =	vcvt.f32.s32 v12;
	v21 =	vld.idx.msk [tilespmem:v22+s25+$0x0], $0xffff  }
0x3e4: {  	v22 =	vld.idx.msk [tilespmem:v25+s25+$0x0], $0xffff;
	v25 =	vshll.u32 v11, $0x4;
	v11 =	vcvt.f32.s32 v15;
	v15 =	vcvt.f32.s32 v18  }
0x3e5: {  	v16 =	vshll.u32 v16, $0x4;
	v20 =	vcvt.f32.s32 v20;
	v19 =	vcvt.f32.s32 v19;
	v18 =	vld.idx.msk [tilespmem:v26+s25+$0x0], $0xffff  }
0x3e6: {  	v26 =	vld.idx.msk [tilespmem:v27+s25+$0x0], $0xffff;
	v27 =	vshll.u32 v12, $0x4;
	v30 =	vshll.u32 v11, $0x4;
	v12 =	vshll.u32 v15, $0x4  }
0x3e7: {  	v15 =	vmul.f32 $3.200000000e+01, v13;
	v13 =	vshll.u32 v20, $0x4;
	v11 =	vshll.u32 v19, $0x4;
	v28 =	vld.idx.msk [tilespmem:v28+s25+$0x0], $0xffff  }
0x3e8: {  	v16 =	vor.u32 v0, v16;
	v19 =	vmul.f32 $3.200000000e+01, v23;
	v23 =	vor.u32 v0, v25;
	v20 =	vld.idx.msk [tilespmem:v14+s25+$0x0], $0xffff  }
0x3e9: {  	v25 =	vor.u32 v0, v27;
	v21 =	vmul.f32 $3.200000000e+01, v21;
	v15 =	vadd.f32 $2.560000000e+02, v15;
	[tilespmem:v29+s1+$0x0] =	vst.idx.add.f32.msk $0xffff, v3  }
0x3ea: {  	v14 =	vor.u32 v0, v30;
	v19 =	vadd.f32 $2.560000000e+02, v19;
	v22 =	vmul.f32 $3.200000000e+01, v22;
	[tilespmem:v17+s1+$0x0] =	vst.idx.add.f32.msk $0xffff, v3  }
.Ltmp10:
0x3eb: {  	v27 =	vadd.f32 $2.560000000e+02, v21;
	v18 =	vmul.f32 $3.200000000e+01, v18;
	v15 =	vmax.f32 v15, $0.0e+00;
	[tilespmem:v24+s1+$0x0] =	vst.idx.add.f32.msk $0xffff, v3;
	(pc) =	sbr.rel @p1 .LBB2_23-.Ltmp10, $4  }
0x3ec: {  	v17 =	vadd.f32 $2.560000000e+02, v22;
	v21 =	vmul.f32 $3.200000000e+01, v26;
	v22 =	vmin.f32 v15, $5.110000000e+02  }
0x3ed: {  	v15 =	vadd.f32 $2.560000000e+02, v18;
	v24 =	vmul.f32 $3.200000000e+01, v28;
	v22 =	vtrunc.f32 v22;
	[tilespmem:v23+s1+$0x0] =	vst.idx.add.f32.msk $0xffff, v3  }
0x3ee: {  	v18 =	vadd.f32 $2.560000000e+02, v21;
	v21 =	vmul.f32 $3.200000000e+01, v20;
	v22 =	vcvt.f32.s32 v22;
	[tilespmem:v16+s1+$0x0] =	vst.idx.add.f32.msk $0xffff, v3  }
0x3ef: {  	v19 =	vmax.f32 v19, $0.0e+00;
	v16 =	vmax.f32 v27, $0.0e+00;
	v20 =	vadd.f32 $2.560000000e+02, v24;
	[tilespmem:v25+s1+$0x0] =	vst.idx.add.f32.msk $0xffff, v3  }
0x3f0: {  	v17 =	vmax.f32 v17, $0.0e+00;
	v22 =	vshll.u32 v22, $0x4  }
0x3f1: {  	v21 =	vadd.f32 $2.560000000e+02, v21;
	v15 =	vmax.f32 v15, $0.0e+00;
	v18 =	vmax.f32 v18, $0.0e+00  }
0x3f2: {  	v19 =	vmin.f32 v19, $5.110000000e+02;
	v16 =	vmin.f32 v16, $5.110000000e+02;
	v12 =	vor.u32 v0, v12  }
0x3f3: {  	v13 =	vor.u32 v0, v13;
	v11 =	vor.u32 v0, v11;
	v22 =	vor.u32 v0, v22  }
0x3f4: {  	v20 =	vmax.f32 v20, $0.0e+00;
	v17 =	vmin.f32 v17, $5.110000000e+02;
	v15 =	vmin.f32 v15, $5.110000000e+02  }
0x3f5: {  	v18 =	vmin.f32 v18, $5.110000000e+02;
	v19 =	vtrunc.f32 v19;
	v16 =	vtrunc.f32 v16  }
0x3f6: {  	v21 =	vmax.f32 v21, $0.0e+00;
	v17 =	vtrunc.f32 v17;
	v15 =	vtrunc.f32 v15  }
0x3f7: {  	v20 =	vmin.f32 v20, $5.110000000e+02;
	v18 =	vtrunc.f32 v18;
	v19 =	vcvt.f32.s32 v19  }
0x3f8: {  	v16 =	vcvt.f32.s32 v16;
	v21 =	vmin.f32 v21, $5.110000000e+02;
	v20 =	vtrunc.f32 v20  }
0x3f9: {  	[tilespmem:v14+s1+$0x0] =	vst.idx.add.f32.msk $0xffff, v3;
	v17 =	vcvt.f32.s32 v17;
	v14 =	vcvt.f32.s32 v15;
	v19 =	vshll.u32 v19, $0x4  }
0x3fa: {  	v18 =	vcvt.f32.s32 v18;
	v15 =	vshll.u32 v16, $0x4;
	v16 =	vor.u32 v0, v19  }
0x3fb: {  	v21 =	vtrunc.f32 v21;
	v17 =	vshll.u32 v17, $0x4;
	v15 =	vor.u32 v0, v15;
	[tilespmem:v12+s1+$0x0] =	vst.idx.add.f32.msk $0xffff, v3  }
0x3fc: {  	v19 =	vcvt.f32.s32 v20;
	v14 =	vshll.u32 v14, $0x4;
	[tilespmem:v13+s1+$0x0] =	vst.idx.add.f32.msk $0xffff, v3;
	v17 =	vor.u32 v0, v17  }
0x3fd: {  	v12 =	vcvt.f32.s32 v21;
	v18 =	vshll.u32 v18, $0x4;
	[tilespmem:v11+s1+$0x0] =	vst.idx.add.f32.msk $0xffff, v3;
	v14 =	vor.u32 v0, v14  }
0x3fe: {  	[tilespmem:v22+s1+$0x0] =	vst.idx.add.f32.msk $0xffff, v3;
	v11 =	vor.u32 v0, v18;
	v13 =	vshll.u32 v19, $0x4  }
0x3ff: {  	v12 =	vshll.u32 v12, $0x4;
	v13 =	vor.u32 v0, v13;
	[tilespmem:v16+s1+$0x0] =	vst.idx.add.f32.msk $0xffff, v3  }
0x400: {  	v12 =	vor.u32 v0, v12;
	[tilespmem:v15+s1+$0x0] =	vst.idx.add.f32.msk $0xffff, v3  }
0x401: {  	[tilespmem:v17+s1+$0x0] =	vst.idx.add.f32.msk $0xffff, v3  }
0x402: {  	[tilespmem:v14+s1+$0x0] =	vst.idx.add.f32.msk $0xffff, v3  }
0x403: {  	[tilespmem:v11+s1+$0x0] =	vst.idx.add.f32.msk $0xffff, v3  }
0x404: {  	[tilespmem:v13+s1+$0x0] =	vst.idx.add.f32.msk $0xffff, v3  }
0x405: {  	s5 =	sadd.s32 @!p0 s0, s14;
	s7 =	simm.s32 @!p0 $0x0;
	s22 =	simm.s32 @!p0 $0x9A60;
	[tilespmem:v12+s1+$0x0] =	vst.idx.add.f32.msk $0xffff, v3  }
0x406: {  	[tilespmem:s22], [sflag:$0x3] =	stream.linear.gather @!p0 [hbm4b:s5+s7], $0x400, $0x38;
	[tilespmem:$0x12A00] =	vst v63  }
0x407: {  	s5 =	sadd.s32 @!p0 s0, s15;
	s22 =	simm.s32 @!p0 $0x9E70  }
0x408: {  	[tilespmem:s22], [sflag:$0x3] =	stream.linear.gather @!p0 [hbm4b:s5+s7], $0x400, $0x38;
	[tilespmem:$0x12A00] =	vst v63  }
0x409: {  	s5 =	sadd.s32 @!p0 s0, s16;
	s22 =	simm.s32 @!p0 $0xA280  }
0x40a: {  	[tilespmem:s22], [sflag:$0x3] =	stream.linear.gather @!p0 [hbm4b:s5+s7], $0x400, $0x38;
	[tilespmem:$0x12A00] =	vst v63  }
0x40b: {  	s5 =	sadd.s32 @!p0 s0, s17;
	s22 =	simm.s32 @!p0 $0xA690  }
0x40c: {  	[tilespmem:s22], [sflag:$0x3] =	stream.linear.gather @!p0 [hbm4b:s5+s7], $0x400, $0x38;
	[tilespmem:$0x12A00] =	vst v63  }
0x40d: {  	s5 =	sadd.s32 @!p0 s0, s18;
	s22 =	simm.s32 @!p0 $0xAAA0  }
0x40e: {  	[tilespmem:s22], [sflag:$0x3] =	stream.linear.gather @!p0 [hbm4b:s5+s7], $0x400, $0x38;
	[tilespmem:$0x12A00] =	vst v63  }
0x40f: {  	s7 =	simm.s32 $0x10440  }
0x410: {  	v12 =	vld [tilespmem:s7+$0xFFFFFFD0]  }
0x411: {  	v13 =	vld [tilespmem:s7+$0x30]  }
0x412: {  	v15 =	vld [tilespmem:s7+$0x0]  }
0x413: {  	v17 =	vld [tilespmem:s7+$0xFFFFFFC0]  }
0x414: {  	v14 =	vld [tilespmem:s7+$0x20]  }
0x415: {  	v16 =	vld [tilespmem:s7+$0xFFFFFFE0]  }
0x416: {  	v18 =	vld [tilespmem:s7+$0x10]  }
0x417: {  	v19 =	vld [tilespmem:s7+$0xFFFFFFF0]  }
0x418: {  	v11 =	vimm.f32 $0.0e+00  }
0x419: {  	v20 =	vadd.f32 v17, v11  }
0x41a: {  	v13 =	vadd.f32 v13, v14;
	v21 =	vadd.f32 v16, v12  }
0x41b: {  	v12 =	vadd.f32 v12, v17;
	v22 =	vadd.f32 v14, v18  }
0x41c: {  	v24 =	vadd.f32 v18, v15;
	v18 =	vadd.f32 v19, v16  }
0x41d: {  	v15 =	vadd.f32 v15, v19;
	vm0 =	vlt.f32 v20, $8.200000000e+02;
	v23 =	vadd.f32 v21, v17  }
0x41e: {  	vm12 =	vlt.f32 v20, $2.050000000e+02;
	v20 =	vadd.f32 v12, v11;
	v25 =	vadd.f32 v24, v18  }
0x41f: {  	v26 =	vadd.f32 v18, v12;
	v21 =	vadd.f32 v15, v21  }
0x420: {  	v13 =	vadd.f32 v13, v24;
	v14 =	vsel vm0, $0x3F800000, v2;
	v16 =	vsel vm12, $0x3F800000, v2  }
0x421: {  	v19 =	vadd.f32 v23, v11;
	vm13 =	vlt.f32 v20, $8.200000000e+02;
	v12 =	vadd.f32 v25, v12  }
0x422: {  	[tilespmem:s7+$0xFFFFFFD0] =	vst v2;
	v24 =	vadd.f32 v26, v11;
	v25 =	vadd.f32 v21, v17;
	vm1 =	vlt.f32 v20, $2.050000000e+02  }
0x423: {  	[tilespmem:s7+$0x30] =	vst v2;
	v21 =	vadd.f32 v13, v26;
	v13 =	vimm.f32 $0.0e+00;
	v18 =	vsel vm13, $0x3F800000, v2  }
0x424: {  	[tilespmem:s7+$0x0] =	vst v2;
	vm14 =	vlt.f32 v19, $2.050000000e+02;
	vm2 =	vlt.f32 v19, $8.200000000e+02;
	v17 =	vadd.f32 v12, v11  }
0x425: {  	[tilespmem:s7+$0xFFFFFFC0] =	vst v2;
	v12 =	vadd.f32 v22, v15;
	vm3 =	vlt.f32 v24, $8.200000000e+02;
	vm15 =	vlt.f32 v24, $2.050000000e+02  }
0x426: {  	[tilespmem:s7+$0x20] =	vst v2;
	v24 =	vsel vm1, $0x3F800000, v2;
	v15 =	vsel vm2, $0x3F800000, v2;
	v20 =	vsel vm3, $0x3F800000, v2  }
0x427: {  	[tilespmem:s7+$0xFFFFFFE0] =	vst v2;
	v19 =	vsel vm14, $0x3F800000, v2;
	v22 =	vadd.f32 v12, v23;
	v15 =	vadd.f32 v20, v15  }
0x428: {  	s5 =	simm.s32 $0x0;
	s22 =	simm.s32 $0x104C0;
	[tilespmem:s7+$0x10] =	vst v2;
	v23 =	vsel vm15, $0x3F800000, v2;
	v20 =	vadd.f32 v25, v11;
	v12 =	vimm.f32 $0.0e+00  }
.LBB2_25:
0x429: {  	v25 =	vld [tilespmem:s22+$0xFFFFFFD0];
	s5 =	sadd.s32 $0x8, s5;
	[tilespmem:s7+$0xFFFFFFF0] =	vst v2;
	vm0 =	vlt.f32 v17, $2.050000000e+02;
	v16 =	vadd.f32 v24, v16;
	v19 =	vadd.f32 v23, v19;
	s7 =	smov.u32 s22  }
0x42a: {  	v22 =	vadd.f32 v22, v11;
	v14 =	vadd.f32 v18, v14;
	[tilespmem:s22+$0xFFFFFFD0] =	vst v2;
	v23 =	vld [tilespmem:s22+$0x30];
	p1 =	slt.u32 s5, $0x1F8;
	vm1 =	vlt.f32 v20, $8.200000000e+02  }
0x42b: {  	v11 =	vadd.f32 v21, v11;
	vm2 =	vlt.f32 v20, $2.050000000e+02;
	v20 =	vsel vm0, $0x3F800000, v2;
	v18 =	vld [tilespmem:s22+$0x0];
	[tilespmem:s22+$0x30] =	vst v2  }
0x42c: {  	vm0 =	vlt.f32 v22, $8.200000000e+02;
	v24 =	vsel vm2, $0x3F800000, v2;
	vm2 =	vlt.f32 v22, $2.050000000e+02;
	v21 =	vld [tilespmem:s22+$0xFFFFFFC0];
	[tilespmem:s22+$0x0] =	vst v2  }
0x42d: {  	vm3 =	vlt.f32 v17, $8.200000000e+02;
	vm4 =	vlt.f32 v11, $8.200000000e+02;
	v17 =	vadd.f32 v20, v24;
	[tilespmem:s22+$0xFFFFFFC0] =	vst v2;
	v22 =	vld [tilespmem:s22+$0x20]  }
0x42e: {  	v26 =	vsel vm3, $0x3F800000, v2;
	v24 =	vsel vm1, $0x3F800000, v2;
	vm1 =	vlt.f32 v11, $2.050000000e+02;
	v20 =	vld [tilespmem:s22+$0xFFFFFFE0];
	[tilespmem:s22+$0x20] =	vst v2  }
0x42f: {  	v24 =	vadd.f32 v26, v24;
	v26 =	vsel vm2, $0x3F800000, v2;
	v28 =	vsel vm1, $0x3F800000, v2;
	[tilespmem:s22+$0xFFFFFFE0] =	vst v2;
	v27 =	vld [tilespmem:s22+$0x10]  }
0x430: {  	v30 =	vsel vm0, $0x3F800000, v2;
	v26 =	vadd.f32 v28, v26;
	v28 =	vadd.f32 v19, v16;
	v29 =	vld [tilespmem:s22+$0xFFFFFFF0];
	[tilespmem:s22+$0x10] =	vst v2  }
0x431: {  	v15 =	vadd.f32 v15, v14;
	v19 =	vsel vm4, $0x3F800000, v2;
	v16 =	vadd.f32 v21, v11  }
0x432: {  	v19 =	vadd.f32 v19, v30;
	v23 =	vadd.f32 v23, v22  }
0x433: {  	v26 =	vadd.f32 v26, v17;
	v30 =	vadd.f32 v20, v25;
	vm0 =	vlt.f32 v16, $8.200000000e+02  }
0x434: {  	v17 =	vadd.f32 v25, v21;
	v22 =	vadd.f32 v22, v27;
	v14 =	vsel vm0, $0x3F800000, v2  }
0x435: {  	vm0 =	vlt.f32 v16, $2.050000000e+02;
	v25 =	vadd.f32 v18, v29;
	v31 =	vadd.f32 v30, v21  }
0x436: {  	v32 =	vadd.f32 v17, v11;
	v27 =	vadd.f32 v27, v18  }
0x437: {  	v19 =	vadd.f32 v19, v24;
	v20 =	vadd.f32 v29, v20;
	v16 =	vsel vm0, $0x3F800000, v2  }
0x438: {  	vm0 =	vlt.f32 v32, $8.200000000e+02;
	v24 =	vadd.f32 v25, v30;
	v29 =	vadd.f32 v31, v11  }
0x439: {  	v15 =	vadd.f32 v19, v15;
	v18 =	vsel vm0, $0x3F800000, v2;
	v30 =	vadd.f32 v27, v20  }
0x43a: {  	v20 =	vadd.f32 v20, v17;
	v27 =	vadd.f32 v23, v27;
	vm0 =	vlt.f32 v29, $2.050000000e+02  }
0x43b: {  	vm1 =	vlt.f32 v32, $2.050000000e+02;
	v24 =	vadd.f32 v24, v21;
	v17 =	vadd.f32 v30, v17  }
0x43c: {  	v12 =	vadd.f32 v15, v12;
	v21 =	vadd.f32 v20, v11;
	vm2 =	vlt.f32 v29, $8.200000000e+02  }
.Ltmp11:
0x43d: {  	v15 =	vadd.f32 v26, v28;
	v19 =	vsel vm0, $0x3F800000, v2;
	v17 =	vadd.f32 v17, v11;
	(pc) =	sbr.rel @p1 .LBB2_25-.Ltmp11, $4  }
0x43e: {  	v22 =	vadd.f32 v22, v25;
	vm0 =	vlt.f32 v21, $8.200000000e+02;
	vm3 =	vlt.f32 v21, $2.050000000e+02  }
0x43f: {  	v13 =	vadd.f32 v15, v13;
	v21 =	vsel vm2, $0x3F800000, v2;
	v23 =	vsel vm0, $0x3F800000, v2  }
0x440: {  	v22 =	vadd.f32 v22, v31;
	v15 =	vadd.f32 v23, v21;
	v23 =	vsel vm3, $0x3F800000, v2  }
0x441: {  	s22 =	sadd.s32 $0x80, s22;
	v21 =	vadd.f32 v27, v20;
	v20 =	vadd.f32 v24, v11;
	v24 =	vsel vm1, $0x3F800000, v2  }
0x442: {  	vm0 =	vlt.f32 v17, $2.050000000e+02;
	v16 =	vadd.f32 v24, v16;
	v19 =	vadd.f32 v23, v19  }
0x443: {  	s5 =	simm.s32 $0x0;
	v22 =	vadd.f32 v22, v11;
	v14 =	vadd.f32 v18, v14;
	vm3 =	vlt.f32 v17, $8.200000000e+02  }
0x444: {  	v25 =	vmov s5;
	vm1 =	vlt.f32 v20, $8.200000000e+02;
	v11 =	vadd.f32 v21, v11  }
0x445: {  	vm2 =	vlt.f32 v20, $2.050000000e+02;
	v18 =	vsel vm0, $0x3F800000, v2;
	v21 =	vsel vm3, $0x3F800000, v2  }
0x446: {  	v20 =	vsel vm2, $0x3F800000, v2;
	vm14 =	vlt.f32 v22, $2.050000000e+02;
	vm4 =	vlt.f32 v11, $2.050000000e+02  }
0x447: {  	v17 =	vsel vm14, $0x3F800000, v2;
	vm15 =	vlt.f32 v11, $8.200000000e+02;
	v11 =	vsel vm4, $0x3F800000, v2  }
0x448: {  	v18 =	vadd.f32 v18, v20;
	v11 =	vadd.f32 v11, v17;
	v17 =	vshrl.u32 v25, $0x3  }
0x449: {  	vm13 =	vlt.f32 v22, $8.200000000e+02;
	v16 =	vadd.f32 v19, v16;
	v17 =	vshll.u32 v17, $0x3  }
0x44a: {  	v20 =	vsel vm1, $0x3F800000, v2;
	v11 =	vadd.f32 v11, v18;
	v17 =	vbroadcast v17, $0x0  }
0x44b: {  	v19 =	vsel vm13, $0x3F800000, v2;
	v18 =	vadd.f32 v21, v20  }
0x44c: {  	v20 =	vsel vm15, $0x3F800000, v2;
	v11 =	vadd.f32 v11, v16;
	v16 =	vadd.s32 v1, v17  }
0x44d: {  	v14 =	vadd.f32 v15, v14;
	v19 =	vadd.f32 v20, v19;
	v15 =	vadd.s32 v4, v17  }
0x44e: {  	[tilespmem:s7+$0xFFFFFFF0] =	vst v2;
	s7 =	simm.s32 $0x8;
	v20 =	vadd.s32 v9, v17  }
0x44f: {  	v23 =	vmov s7;
	v18 =	vadd.f32 v19, v18;
	v19 =	vadd.s32 v6, v17  }
0x450: {  	v23 =	vshrl.u32 v23, $0x3;
	v11 =	vadd.f32 v11, v13;
	v13 =	vadd.s32 v7, v17  }
0x451: {  	v23 =	vshll.u32 v23, $0x3;
	v14 =	vadd.f32 v18, v14;
	v16 =	vld.idx.msk [tilespmem:v16+s25+$0x0], $0xffff  }
0x452: {  	v23 =	vbroadcast v23, $0x0;
	v11 =	vadd.f32 $1.000000000e+00, v11;
	v15 =	vld.idx.msk [tilespmem:v15+s25+$0x0], $0xffff  }
0x453: {  	v18 =	vadd.s32 v8, v17;
	v12 =	vadd.f32 v14, v12;
	v20 =	vld.idx.msk [tilespmem:v20+s25+$0x0], $0xffff  }
0x454: {  	v30 =	vadd.s32 v1, v23;
	v14 =	vadd.s32 v5, v17;
	v11 =	vmul.f32 $3.125000000e-02, v11;
	v19 =	vld.idx.msk [tilespmem:v19+s25+$0x0], $0xffff  }
0x455: {  	v32 =	vadd.s32 v4, v23;
	v17 =	vadd.s32 v10, v17;
	v21 =	vld.idx.msk [tilespmem:v13+s25+$0x0], $0xffff;
	v13 =	vmul.f32 $3.125000000e-02, v12  }
0x456: {  	v33 =	vadd.s32 v6, v23;
	v34 =	vadd.s32 v7, v23;
	v12 =	vadd.f32 $-8.000000000e+00, v11  }
0x457: {  	v37 =	vadd.s32 v8, v23;
	v38 =	vadd.s32 v9, v23;
	v11 =	vadd.f32 $-8.000000000e+00, v13  }
0x458: {  	v39 =	vadd.s32 v5, v23;
	v18 =	vld.idx.msk [tilespmem:v18+s25+$0x0], $0xffff;
	v22 =	vsub.f32 v12, v16;
	v24 =	vsub.f32 v12, v15  }
0x459: {  	v63 =	vadd.s32 v10, v23;
	v14 =	vld.idx.msk [tilespmem:v14+s25+$0x0], $0xffff;
	v29 =	vsub.f32 v12, v20;
	v26 =	vsub.f32 v19, v11  }
0x45a: {  	v13 =	vimm.f32 $0.0e+00;
	v31 =	vld.idx.msk [tilespmem:v17+s25+$0x0], $0xffff;
	v17 =	vsub.f32 v20, v11;
	v35 =	vsub.f32 v16, v11  }
0x45b: {  	v19 =	vsub.f32 v12, v19;
	v22 =	vmax.f32 v22, $0.0e+00;
	v25 =	vsub.f32 v12, v21  }
0x45c: {  	v24 =	vmax.f32 v24, $0.0e+00;
	v28 =	vsub.f32 v21, v11;
	v36 =	vmax.f32 v29, $0.0e+00  }
0x45d: {  	v29 =	vsub.f32 v15, v11;
	v27 =	vsub.f32 v12, v18;
	v21 =	vmax.f32 v17, $0.0e+00  }
0x45e: {  	v18 =	vsub.f32 v18, v11;
	v17 =	vld.idx.msk [tilespmem:v30+s25+$0x0], $0xffff;
	v24 =	vadd.f32 v24, v22;
	v25 =	vmax.f32 v25, $0.0e+00  }
0x45f: {  	v20 =	vsub.f32 v14, v11;
	v27 =	vmax.f32 v27, $0.0e+00;
	v23 =	vsub.f32 v31, v11  }
0x460: {  	v15 =	vld.idx.msk [tilespmem:v32+s25+$0x0], $0xffff;
	v41 =	vmax.f32 v28, $0.0e+00;
	v14 =	vsub.f32 v12, v14;
	v16 =	vadd.f32 v27, v25  }
0x461: {  	v25 =	vld.idx.msk [tilespmem:v34+s25+$0x0], $0xffff;
	v27 =	vmax.f32 v29, $0.0e+00;
	v34 =	vmax.f32 v19, $0.0e+00;
	v40 =	vmax.f32 v20, $0.0e+00  }
0x462: {  	v20 =	vsub.f32 v12, v31;
	v31 =	vmax.f32 v18, $0.0e+00;
	v18 =	vld.idx.msk [tilespmem:v33+s25+$0x0], $0xffff;
	v29 =	vmax.f32 v23, $0.0e+00  }
0x463: {  	v23 =	vld.idx.msk [tilespmem:v37+s25+$0x0], $0xffff;
	v30 =	vmax.f32 v14, $0.0e+00;
	v14 =	vmax.f32 v26, $0.0e+00;
	v22 =	vsub.f32 v12, v17  }
0x464: {  	v28 =	vld.idx.msk [tilespmem:v38+s25+$0x0], $0xffff;
	v31 =	vadd.f32 v31, v41;
	v32 =	vadd.f32 v14, v40;
	v20 =	vmax.f32 v20, $0.0e+00  }
0x465: {  	v33 =	vmax.f32 v35, $0.0e+00;
	v26 =	vadd.f32 v20, v36;
	v36 =	vsub.f32 v12, v15;
	v20 =	vld.idx.msk [tilespmem:v63+s25+$0x0], $0xffff  }
0x466: {  	v14 =	vimm.f32 $0.0e+00;
	v19 =	vmax.f32 v22, $0.0e+00;
	v22 =	vld.idx.msk [tilespmem:v39+s25+$0x0], $0xffff;
	v35 =	vsub.f32 v12, v25  }
.LBB2_27:
0x467: {  	s7 =	sadd.s32 $0x8, s7;
	v36 =	vmax.f32 v36, $0.0e+00;
	v37 =	vsub.f32 v18, v11;
	v21 =	vadd.f32 v29, v21  }
0x468: {  	v38 =	vsub.f32 v12, v23;
	v30 =	vadd.f32 v34, v30;
	v29 =	vmov s7;
	p1 =	slt.u32 s7, $0x3F8  }
0x469: {  	v34 =	vsub.f32 v25, v11;
	v25 =	vmax.f32 v35, $0.0e+00;
	v29 =	vshrl.u32 v29, $0x3  }
0x46a: {  	v27 =	vadd.f32 v27, v33;
	v35 =	vsub.f32 v12, v28;
	v29 =	vshll.u32 v29, $0x3  }
0x46b: {  	v28 =	vsub.f32 v28, v11;
	v31 =	vadd.f32 v21, v31;
	v29 =	vbroadcast v29, $0x0  }
0x46c: {  	v38 =	vmax.f32 v38, $0.0e+00;
	v27 =	vadd.f32 v32, v27;
	v33 =	vsub.f32 v22, v11  }
0x46d: {  	v24 =	vadd.f32 v30, v24;
	v32 =	vadd.s32 v1, v29;
	v39 =	vadd.s32 v4, v29  }
0x46e: {  	v26 =	vadd.f32 v26, v16;
	v30 =	vadd.s32 v6, v29;
	v40 =	vadd.s32 v7, v29  }
0x46f: {  	v41 =	vsub.f32 v17, v11;
	v21 =	vmax.f32 v28, $0.0e+00;
	v35 =	vmax.f32 v35, $0.0e+00  }
0x470: {  	v23 =	vsub.f32 v23, v11;
	v27 =	vadd.f32 v31, v27;
	v28 =	vadd.s32 v8, v29  }
0x471: {  	v42 =	vsub.f32 v15, v11;
	v16 =	vadd.f32 v38, v25;
	v31 =	vadd.s32 v9, v29  }
0x472: {  	v38 =	vmax.f32 v33, $0.0e+00;
	v33 =	vsub.f32 v12, v18;
	v17 =	vld.idx.msk [tilespmem:v32+s25+$0x0], $0xffff;
	v32 =	vadd.s32 v5, v29  }
0x473: {  	v15 =	vld.idx.msk [tilespmem:v39+s25+$0x0], $0xffff;
	v39 =	vadd.s32 v10, v29;
	v29 =	vsub.f32 v20, v11;
	v20 =	vsub.f32 v12, v20  }
0x474: {  	v26 =	vadd.f32 v26, v24;
	v13 =	vadd.f32 v27, v13;
	v25 =	vld.idx.msk [tilespmem:v40+s25+$0x0], $0xffff;
	v40 =	vmax.f32 v23, $0.0e+00  }
0x475: {  	v43 =	vmax.f32 v34, $0.0e+00;
	v22 =	vsub.f32 v12, v22;
	v18 =	vld.idx.msk [tilespmem:v30+s25+$0x0], $0xffff;
	v44 =	vmax.f32 v20, $0.0e+00  }
.Ltmp12:
0x476: {  	v24 =	vadd.f32 v36, v19;
	v27 =	vmax.f32 v42, $0.0e+00;
	v29 =	vmax.f32 v29, $0.0e+00;
	v23 =	vld.idx.msk [tilespmem:v28+s25+$0x0], $0xffff;
	(pc) =	sbr.rel @p1 .LBB2_27-.Ltmp12, $4  }
0x477: {  	v37 =	vmax.f32 v37, $0.0e+00;
	v14 =	vadd.f32 v26, v14;
	v30 =	vmax.f32 v22, $0.0e+00;
	v28 =	vld.idx.msk [tilespmem:v31+s25+$0x0], $0xffff  }
0x478: {  	v34 =	vmax.f32 v33, $0.0e+00;
	v26 =	vadd.f32 v44, v35;
	v19 =	vsub.f32 v12, v17;
	v20 =	vld.idx.msk [tilespmem:v39+s25+$0x0], $0xffff  }
0x479: {  	v33 =	vmax.f32 v41, $0.0e+00;
	v31 =	vadd.f32 v40, v43;
	v36 =	vsub.f32 v12, v15  }
0x47a: {  	v19 =	vmax.f32 v19, $0.0e+00;
	v35 =	vsub.f32 v12, v25;
	v22 =	vld.idx.msk [tilespmem:v32+s25+$0x0], $0xffff;
	v32 =	vadd.f32 v37, v38  }
0x47b: {  	v37 =	vsub.f32 v18, v11  }
0x47c: {  	v21 =	vadd.f32 v29, v21;
	v40 =	vsub.f32 v12, v23  }
0x47d: {  	v30 =	vadd.f32 v34, v30;
	v25 =	vsub.f32 v25, v11  }
0x47e: {  	v27 =	vadd.f32 v27, v33;
	v16 =	vadd.f32 v26, v16  }
0x47f: {  	v17 =	vsub.f32 v17, v11;
	v47 =	vsub.f32 v23, v11  }
0x480: {  	v15 =	vsub.f32 v15, v11;
	v51 =	vsub.f32 v12, v18  }
0x481: {  	v42 =	vmax.f32 v36, $0.0e+00;
	v41 =	vsub.f32 v12, v28;
	v43 =	vsub.f32 v28, v11  }
0x482: {  	v19 =	vadd.f32 v42, v19;
	v21 =	vadd.f32 v21, v31  }
0x483: {  	v44 =	vmax.f32 v35, $0.0e+00;
	v27 =	vadd.f32 v32, v27;
	v24 =	vadd.f32 v30, v24  }
0x484: {  	v29 =	vmax.f32 v40, $0.0e+00;
	v52 =	vsub.f32 v20, v11;
	v53 =	vsub.f32 v12, v20  }
0x485: {  	v23 =	vmax.f32 v47, $0.0e+00;
	v55 =	vmax.f32 v25, $0.0e+00;
	v15 =	vmax.f32 v15, $0.0e+00  }
0x486: {  	v57 =	vmax.f32 v37, $0.0e+00;
	v17 =	vmax.f32 v17, $0.0e+00;
	v49 =	vadd.f32 v29, v44  }
0x487: {  	v18 =	vmax.f32 v51, $0.0e+00;
	v23 =	vadd.f32 v23, v55;
	v15 =	vadd.f32 v15, v17  }
0x488: {  	v46 =	vmax.f32 v43, $0.0e+00;
	v45 =	vsub.f32 v22, v11;
	v54 =	vsub.f32 v12, v22  }
0x489: {  	v48 =	vmax.f32 v41, $0.0e+00;
	v21 =	vadd.f32 v21, v27;
	v16 =	vadd.f32 v16, v24  }
0x48a: {  	v20 =	vmax.f32 v53, $0.0e+00;
	v56 =	vmax.f32 v52, $0.0e+00;
	v22 =	vmax.f32 v54, $0.0e+00  }
0x48b: {  	v20 =	vadd.f32 v20, v48;
	v50 =	vmax.f32 v45, $0.0e+00;
	v18 =	vadd.f32 v18, v22  }
0x48c: {  	s5 =	sadd.s32 @!p0 s0, s19;
	s7 =	simm.s32 @!p0 $0x0;
	s22 =	simm.s32 @!p0 $0xAEB0;
	v59 =	vadd.f32 v56, v46;
	v58 =	vadd.f32 v57, v50  }
0x48d: {  	[tilespmem:s22], [sflag:$0x3] =	stream.linear.gather @!p0 [hbm4b:s5+s7], $0x400, $0x38;
	v61 =	vadd.f32 v20, v49;
	v60 =	vadd.f32 v18, v19;
	[tilespmem:$0x12A00] =	vst v63  }
0x48e: {  	s5 =	sadd.s32 @!p0 s0, s20;
	s22 =	simm.s32 @!p0 $0xB2C0;
	v14 =	vadd.f32 v16, v14;
	v62 =	vadd.f32 v59, v23  }
0x48f: {  	[tilespmem:s22], [sflag:$0x3] =	stream.linear.gather @!p0 [hbm4b:s5+s7], $0x400, $0x38;
	v15 =	vadd.f32 v58, v15;
	v17 =	vadd.f32 v61, v60;
	[tilespmem:$0x12A00] =	vst v63  }
0x490: {  	s5 =	sadd.s32 @!p0 s0, s21;
	s22 =	simm.s32 @!p0 $0xB6D0;
	v13 =	vadd.f32 v21, v13  }
0x491: {  	[tilespmem:s22], [sflag:$0x3] =	stream.linear.gather @!p0 [hbm4b:s5+s7], $0x400, $0x38;
	v15 =	vadd.f32 v62, v15;
	v14 =	vadd.f32 v17, v14;
	[tilespmem:$0x12A00] =	vst v63  }
0x492: {  	s5 =	sadd.s32 @!p0 s0, s23;
	s22 =	simm.s32 @!p0 $0xBAE0  }
0x493: {  	[tilespmem:s22], [sflag:$0x3] =	stream.linear.gather @!p0 [hbm4b:s5+s7], $0x400, $0x38;
	v13 =	vadd.f32 v15, v13;
	v14 =	vmul.f32 $4.878048790e-03, v14;
	[tilespmem:$0x12A00] =	vst v63  }
0x494: {  	s29 =	sadd.s32 $0x1, s29;
	s0 =	sadd.s32 @!p0 s0, s24;
	s5 =	simm.s32 @!p0 $0xBEF0  }
0x495: {  	[tilespmem:s5], [sflag:$0x3] =	stream.linear.gather @!p0 [hbm4b:s0+s7], $0x400, $0x38;
	v13 =	vmul.f32 $4.878048790e-03, v13;
	v63 =	vsub.f32 v12, v14;
	[tilespmem:$0x12A00] =	vst v63  }
0x496: {  	p0 =	sne.s32 s29, $0x18  }
.Ltmp13:
0x497: {  	v11 =	vadd.f32 v13, v11;
	v12 =	vmul.f32 $6.999999880e-01, v63;
	(pc) =	sbr.rel @p0 .LBB2_4-.Ltmp13, $4  }
0x498: {  	_ = 	snop  }
0x499: {  	s31 =	sshll.u32 s30, $0x4;
	v11 =	vadd.f32 v12, v11  }
0x49a: {  	s0 =	sand.u32 $0x3FFFFFF0, s31  }
0x49b: {  	[tilespmem:s0+$0x12400] =	vst v11  }
0x49c: {  	s0 =	rddreg [dreg:$0x7];
	s5 =	simm.s32 $0x12400;
	s30 =	simm.s32 $0x5  }
0x49d: {  	[hbm4b:s0+s2] =	stream.linear.scatter [tilespmem:s5], [sflag:$0x5], $0x600, $0x38;
	[tilespmem:$0x12A00] =	vst v63  }
0x49e: {  	_ =	swait.ge [sflag:s30], $0x600  }
0x49f: {  	s7 =	sld [smem:$0x7E8];
	_ =	sdelay $0x2  }
0x4a0: {  	s31 =	rddreg [dreg:$0x8];
	s7 =	sadd.s32 $0x1, s7  }
0x4a1: {  	p0 =	sne.s32 s7, s31  }
.Ltmp14:
0x4a2: {  	_ = 	snop;
	(pc) =	sbr.rel @p0 .LBB2_1-.Ltmp14, $3  }
0x4a3: {  	_ =	sdelay $0x1  }
0x4a4: {  	[sflag:s30] =	ssyncset.done $0x0  }
0x4a5: {  	[sflag:s30] =	ssyncadd.s32 $0xFFFFFA00  }
0x4a6: {  	_ =	sfence.sel $0x180000  }
0x4a7: {  	[bflag:$0x0] =	sbarrier.arrive $0xFFFF  }
0x4a8: {  	_ =	strace $0x9000004A  }
0x4a9: {  	s0 =	stileid.u32;
	[bflag:$0x2] =	sbarrier.arrive $0xFFFF  }
0x4aa: {  	p0 =	sne.s32 s0, $0x0;
	s0 =	rddreg [dreg:$0x2]  }
0x4ab: {  	s0 =	sadd.s32 @!p0 $0x100000, s0  }
0x4ac: {  	[sflag:s0] =	ssyncadd.tile.s32 @!p0 $0x1;
	_ =	shalt  }
.Lfunc_end2:
_tile_overlayer_lowered:
.L_overlay_start_2:
0x4ad: {  	(tag) =	ssettag $0x2  }
0x4ae: {  	s0 =	rddreg [dreg:$0x0];
	s2 =	stileid.u32  }
0x4af: {  	s1 =	rddreg [dreg:$0x1];
	p0 =	sne.s32 s2, $0x0  }
0x4b0: {  	s3 =	rddreg [dreg:$0x2];
	[bflag:$0x3] =	sbarrier.arrive $0xFFFF;
	s2 =	simm.s32 @!p0 $0x1C05  }
0x4b1: {  	[timem:s3], [sflag:s2] =	dma.local @!p0 [hbm:s0], s1  }
0x4b2: {  	s0 =	simm.s32 @!p0 $0x5  }
0x4b3: {  	_ =	swait.ge @!p0 [sflag:s0], s1  }
0x4b4: {  	s1 =	ssub.s32 @!p0 $0x0, s1;
	[sflag:s0] =	ssyncset.done @!p0 $0x0  }
0x4b5: {  	[sflag:s0] =	ssyncadd.s32 @!p0 s1  }
0x4b6: {  	[bflag:$0x3] =	sbarrier.arrive $0xFFFF  }
0x4b7: {  	_ =	shalt  }

// kernel: sparse-core-data-format-call.cloned.1.call-start
scs
called_computation_lowered:
.L_overlay_start_0:
0x0: {  	s2 =	sld [smem:$0x3FD9]  }
0x1: {  	s3 =	sld [smem:$0x3FFE];
	_ =	sdelay $0x1  }
0x2: {  	s1 =	srdreg.scid  }
0x3: {  	s0 =	sand.u32 $0x1, s1  }
0x4: {  	s18 =	sshll.u32 s0, $0xA;
	s2 =	sadd.s32 s3, s2  }
0x5: {  	s2 =	sadd.s32 s2, s18  }
0x6: {  	[smem:$0x3FC7] =	sst s2  }
0x7: {  	_ = 	snop  }
0x8: {  	s2 =	sld [smem:$0x3FC9];
	(tm) =	ssettm $0x1  }
0x9: {  	s19 =	sld [smem:$0x3FFB];
	_ =	sdelay $0x3  }
0xa: {  	_ =	strace s19  }
0xb: {  	s3 =	sld [smem:$0x3FFC];
	_ =	sdelay $0x3  }
0xc: {  	_ =	strace s3  }
0xd: {  	s3 =	sld [smem:$0x3FFD];
	_ =	sdelay $0x3  }
0xe: {  	_ =	strace s3  }
0xf: {  	_ =	strace $0x8FFFFFFF  }
0x10: {  	s20 =	sld [smem:$0x3FDB];
	_ =	sdelay $0x1  }
0x11: {  	s4 =	simm.s32 $_scs_section_size  }
0x12: {  	s5 =	simm.s32 $_size__tile_overlayer_lowered;
	s6 =	simm.s32 $_tile_overlayer_lowered  }
0x13: {  	s23 =	simm.s32 $0x1BFF;
	s22 =	sshll.u32 s6, $0x1;
	s3 =	sadd.s32 s4, s20  }
0x14: {  	s7 =	simm.s32 $0x0;
	s21 =	sshll.u32 s5, $0x1;
	s5 =	sadd.s32 s22, s3  }
0x15: {  	[timem:s7], [sflag:s23] =	dma.local [hbm:s5], s21  }
0x16: {  	_ =	swait.ge [sflag:s23], s21  }
0x17: {  	s4 =	ssub.s32 $0x0, s21;
	[sflag:s23] =	ssyncset.done $0x0  }
0x18: {  	[sflag:s23] =	ssyncadd.s32 s4;
	_ =	sdelay $0x1  }
0x19: {  	s24 =	simm.s32 $0x1B8B  }
0x1a: {  	_ =	swait.ge [sflag:s24], $0x1  }
0x1b: {  	[sflag:s24] =	ssyncset.done $0x0  }
0x1c: {  	s26 =	simm.s32 $0x1B8E;
	s25 =	sld [smem:$0x3FFE];
	[sflag:s24] =	ssyncadd.s32 $0xFFFFFFFF  }
0x1d: {  	s27 =	simm.s32 $execute0_lowered;
	[smem:$0x3FD2] =	sst s26  }
0x1e: {  	s5 =	sshll.u32 s27, $0x1;
	_ =	strace $0x80000046;
	[dreg:$0x1] =	wrdreg $0xFFFFFFFF  }
0x1f: {  	s28 =	simm.s32 $_size_execute0_lowered;
	s3 =	sadd.s32 s3, s5;
	[dreg:$0x0] =	wrdreg $0x0  }
0x20: {  	s5 =	sshll.u32 s28, $0x1;
	[dreg:$0x2] =	wrdreg s3  }
0x21: {  	[dreg:$0x3] =	wrdreg s5  }
0x22: {  	[dreg:$0x4] =	wrdreg $0xC0  }
0x23: {  	_ =	task [dreg:s7], $0x5FFFF  }
0x24: {  	[dreg:$0x1] =	wrdreg $0xFFFFFFFF  }
0x25: {  	[dreg:$0x0] =	wrdreg $0x60  }
0x26: {  	[dreg:$0x2] =	wrdreg s2  }
0x27: {  	[dreg:$0x3] =	wrdreg s25  }
0x28: {  	[dreg:$0x4] =	wrdreg $0x9  }
0x29: {  	_ =	task.clear_ibuf [dreg:s7], $0x5FFFF;
	_ =	strace $0x90000046  }
0x2a: {  	s29 =	simm.s32 $0x9;
	_ =	strace $0x80000048  }
0x2b: {  	_ =	swait.ge [sflag:s29], $0x1  }
0x2c: {  	[sflag:s29] =	ssyncadd.s32 $0xFFFFFFFF  }
0x2d: {  	_ =	strace $0x90000048  }
0x2e: {  	_ =	sfence  }
0x2f: {  	s30 =	sld [smem:$0x0];
	_ =	sdelay $0x2  }
0x30: {  	s31 =	sshll.u32 s1, $0xD;
	s1 =	sshrl.u32 s1, $0x2  }
0x31: {  	s3 =	sand.u32 $0x4000, s31;
	s1 =	sadd.s32 s1, s30  }
0x32: {  	s0 =	sor.u32 s3, s0;
	s1 =	sshll.u32 s1, $0x11  }
0x33: {  	s0 =	sor.u32 s1, s0  }
0x34: {  	s0 =	sadd.s32 $0x8F2B, s0  }
0x35: {  	[sflag:s0] =	ssyncadd.remote.s32 $0x1  }
0x36: {  	_ =	sfence.sel $0xFFFF  }
0x37: {  	[dreg:$0x0] =	wrdreg $0xFFFFFFFF;
	(pc) =	sbr.abs _section_cstart, $3  }
0x38: {  	[dreg:$0x1] =	wrdreg $0xFFFFFFFF  }
0x39: {  	_ =	task.clear_ibuf [dreg:s7], $0x2FFFF;
	_ =	strace $0x9FFFFFFF  }
0x3a: {  	(tm) =	ssettm $0x7FFFFFFF  }
0x3b: {  	_ =	shalt  }
tec
execute0_lowered:
.L_overlay_start_1:
0x0: {  	(tag) =	ssettag $0x1  }
0x1: {  	s0 =	srdreg.scid  }
0x2: {  	s1 =	sshll.u32 s0, $0x4  }
0x3: {  	s2 =	rddreg [dreg:$0x0];
	s0 =	stileid.u32;
	s1 =	sand.u32 $0x10, s1  }
0x4: {  	s4 =	rddreg [dreg:$0x1];
	s7 =	simm.s32 $0x1;
	s1 =	sor.u32 s0, s1  }
0x5: {  	s8 =	simm.s32 $0x2;
	s9 =	simm.s32 $0x0;
	s3 =	sshll.u32 s1, $0x1  }
0x6: {  	s12 =	simm.s32 $0x0;
	s11 =	simm.s32 $0x0;
	s6 =	ssub.s32 $0x1800, s3  }
.Ltmp0:
0x7: {  	s4 =	sadd.s32 $0x800, s4;
	s5 =	sand.u32 $0x3E, s6;
	(pc) =	sbr.rel .LBB1_1-.Ltmp0, $4  }
0x8: {  	s1 =	rddreg [dreg:$0x2];
	_ =	strace $0x80000047;
	p0 =	sne.s32 s5, $0x0  }
0x9: {  	s6 =	sshrl.u32 s6, $0x6;
	s5 =	simm.s32 $0x1;
	s7 =	simm.s32 @!p0 $0x0  }
0xa: {  	s10 =	smov.u32 s3;
	[sflag:s5] =	ssyncpa.u1 $0x0;
	s6 =	sadd.s32 s7, s6  }
0xb: {  	[sflag:s8] =	ssyncpa.u1 $0x0;
	s8 =	simm.s32 $0x0;
	s7 =	sadd.s32 $0x1, s6  }
.LBB1_9:
0xc: {  	s14 =	sadd.s32 $0x40, s10  }
0xd: {  	p1 =	sgt.s32 s14, $0x17FF  }
0xe: {  	s14 =	smov.u32 @p1 s3;
	p1 =	sne.s32 s11, s7  }
.Ltmp1:
0xf: {  	p0 =	slt.u32 s11, $0x2;
	(pc) =	sbr.rel @!p1 .LBB1_10-.Ltmp1, $4  }
0x10: {  	s13 =	simm.s32 @!p0 $0x2  }
0x11: {  	s15 =	sadd.s32 $0x1, s11;
	_ =	swait.ge @!p0 [sflag:s13], $0x4000  }
0x12: {  	s12 =	smov.u32 s10;
	s9 =	sadd.s32 $0x4000, s9;
	[sflag:s13] =	ssyncset.done @!p0 $0x0  }
0x13: {  	s11 =	smov.u32 s15;
	s10 =	smov.u32 s14;
	[sflag:s13] =	ssyncadd.s32 @!p0 $0xFFFFC000  }
.LBB1_1:
0x14: {  	p0 =	sge.u32 s11, s6  }
0x15: {  	s13 =	sxor.u32 @!p0 $0xFFFFFFFF, s11  }
0x16: {  	s31 =	sadd.s32 $0xFFFFFFFF, s11;
	s14 =	sshll.u32 @!p0 s10, $0xA;
	s13 =	sshll.u32 @!p0 s13, $0xE  }
0x17: {  	s15 =	simm.s32 @!p0 $0x0;
	s14 =	sadd.s32 @!p0 s2, s14;
	s13 =	sand.u32 @!p0 $0x4000, s13  }
0x18: {  	[tilespmem:s13], [sflag:$0x1] =	stream.linear.gather @!p0 [hbm4b:s14+s15], $0x4000, $0x38;
	[tilespmem:$0x10000] =	vst v63  }
0x19: {  	p0 =	sge.u32 s31, s6  }
.Ltmp2:
0x1a: {  	_ = 	snop;
	(pc) =	sbr.rel @p0 .LBB1_9-.Ltmp2, $1  }
0x1b: {  	_ =	sdelay $0x3  }
0x1c: {  	s13 =	sshll.u32 s9, $0x2  }
0x1d: {  	_ =	swait.ge [sflag:s5], $0x4000;
	s14 =	sshll.u32 s11, $0xE;
	s16 =	simm.s32 $0x0  }
0x1e: {  	p1 =	por $0x1, $0x1;
	s13 =	sand.u32 $0x10000, s13;
	[sflag:s5] =	ssyncset.done $0x0  }
0x1f: {  	s14 =	sand.u32 $0x4000, s14;
	s15 =	sshrl.u32 s13, $0x2;
	[sflag:s5] =	ssyncadd.s32 $0xFFFFC000  }
0x20: {  	s13 =	sor.u32 $0x8000, s14;
	s14 =	sadd.s32 $0x8040, s15;
	s15 =	sadd.s32 $0x40, s15  }
.LBB1_3:
0x21: {  	s16 =	sshll.u32 s16, $0x2  }
0x22: {  	p0 =	por p1, p1;
	s17 =	sshra.s32 s16, $0x2  }
0x23: {  	s18 =	simm.s32 $0x0;
	s16 =	sadd.s32 s17, s14;
	s17 =	sadd.s32 s17, s15  }
.LBB1_4:
0x24: {  	v0 =	vmov s17;
	_ =	sdelay $0x3  }
0x25: {  	s20 =	simm.s32 $0x0  }
0x26: {  	v6 =	vld.idx.msk [tilespmem:v0+s20+$0x30 ss:$0x1], $0xffff  }
0x27: {  	v7 =	vld.idx.msk [tilespmem:v0+s20+$0xFFFFFFC0 ss:$0x1], $0xffff  }
0x28: {  	v5 =	vld.idx.msk [tilespmem:v0+s20+$0xFFFFFFD0 ss:$0x1], $0xffff  }
0x29: {  	v4 =	vld.idx.msk [tilespmem:v0+s20+$0xFFFFFFE0 ss:$0x1], $0xffff  }
0x2a: {  	v3 =	vld.idx.msk [tilespmem:v0+s20+$0xFFFFFFF0 ss:$0x1], $0xffff  }
0x2b: {  	v1 =	vld.idx.msk [tilespmem:v0+s20+$0x0 ss:$0x1], $0xffff  }
0x2c: {  	v2 =	vld.idx.msk [tilespmem:v0+s20+$0x10 ss:$0x1], $0xffff;
	[tilespmem:s16+$0x30] =	vst v6  }
0x2d: {  	s19 =	simm.s32 $0x80;
	s21 =	simm.s32 $0x400;
	[tilespmem:s16+$0xFFFFFFC0] =	vst v7;
	v6 =	vld.idx.msk [tilespmem:v0+s20+$0x20 ss:$0x1], $0xffff;
	s20 =	smov.u32 s16  }
.LBB1_5:
0x2e: {  	p1 =	sne.s32 s21, $0xE00;
	v7 =	vld.idx.msk [tilespmem:v0+s19+$0x30 ss:$0x1], $0xffff;
	[tilespmem:s20+$0xFFFFFFD0] =	vst v5  }
0x2f: {  	v8 =	vld.idx.msk [tilespmem:v0+s19+$0xFFFFFFC0 ss:$0x1], $0xffff;
	[tilespmem:s20+$0xFFFFFFE0] =	vst v4  }
0x30: {  	v5 =	vld.idx.msk [tilespmem:v0+s19+$0xFFFFFFD0 ss:$0x1], $0xffff;
	[tilespmem:s20+$0xFFFFFFF0] =	vst v3  }
.Ltmp3:
0x31: {  	v4 =	vld.idx.msk [tilespmem:v0+s19+$0xFFFFFFE0 ss:$0x1], $0xffff;
	[tilespmem:s20+$0x0] =	vst v1;
	(pc) =	sbr.rel @p1 .LBB1_5-.Ltmp3, $4  }
0x32: {  	v3 =	vld.idx.msk [tilespmem:v0+s19+$0xFFFFFFF0 ss:$0x1], $0xffff;
	[tilespmem:s20+$0x10] =	vst v2  }
0x33: {  	v1 =	vld.idx.msk [tilespmem:v0+s19+$0x0 ss:$0x1], $0xffff;
	[tilespmem:s20+$0x20] =	vst v6;
	s20 =	sadd.s32 $0x400, s20  }
0x34: {  	v2 =	vld.idx.msk [tilespmem:v0+s19+$0x10 ss:$0x1], $0xffff;
	[tilespmem:s20+$0x30] =	vst v7  }
0x35: {  	[tilespmem:s20+$0xFFFFFFC0] =	vst v8;
	v6 =	vld.idx.msk [tilespmem:v0+s19+$0x20 ss:$0x1], $0xffff;
	s19 =	sshra.s32 s21, $0x2;
	s21 =	sadd.s32 $0x200, s21  }
0x36: {  	_ =	sdelay $0x2  }
0x37: {  	[tilespmem:s20+$0xFFFFFFD0] =	vst v5  }
0x38: {  	v56 =	vld.idx.msk [tilespmem:v0+s19+$0x30 ss:$0x1], $0xffff;
	[tilespmem:s20+$0xFFFFFFE0] =	vst v4  }
0x39: {  	v57 =	vld.idx.msk [tilespmem:v0+s19+$0xFFFFFFC0 ss:$0x1], $0xffff;
	[tilespmem:s20+$0xFFFFFFF0] =	vst v3  }
0x3a: {  	v58 =	vld.idx.msk [tilespmem:v0+s19+$0xFFFFFFD0 ss:$0x1], $0xffff;
	[tilespmem:s20+$0x0] =	vst v1  }
0x3b: {  	v59 =	vld.idx.msk [tilespmem:v0+s19+$0xFFFFFFE0 ss:$0x1], $0xffff;
	[tilespmem:s20+$0x10] =	vst v2  }
0x3c: {  	v60 =	vld.idx.msk [tilespmem:v0+s19+$0xFFFFFFF0 ss:$0x1], $0xffff;
	s31 =	sadd.s32 $0x400, s20;
	[tilespmem:s20+$0x20] =	vst v6  }
0x3d: {  	v61 =	vld.idx.msk [tilespmem:v0+s19+$0x0 ss:$0x1], $0xffff;
	[tilespmem:s31+$0x30] =	vst v56  }
0x3e: {  	v62 =	vld.idx.msk [tilespmem:v0+s19+$0x10 ss:$0x1], $0xffff;
	s18 =	sadd.s32 $0x1, s18;
	[tilespmem:s31+$0xFFFFFFC0] =	vst v57  }
0x3f: {  	v63 =	vld.idx.msk [tilespmem:v0+s19+$0x20 ss:$0x1], $0xffff;
	p1 =	sne.s32 s18, $0x8;
	[tilespmem:s31+$0xFFFFFFD0] =	vst v58  }
.Ltmp4:
0x40: {  	[tilespmem:s31+$0xFFFFFFE0] =	vst v59;
	(pc) =	sbr.rel @p1 .LBB1_4-.Ltmp4, $4  }
0x41: {  	[tilespmem:s31+$0xFFFFFFF0] =	vst v60  }
0x42: {  	[tilespmem:s31+$0x0] =	vst v61  }
0x43: {  	[tilespmem:s31+$0x10] =	vst v62  }
0x44: {  	s16 =	sadd.s32 $0x80, s16;
	s17 =	sadd.s32 $0x400, s17;
	[tilespmem:s31+$0x20] =	vst v63  }
.Ltmp5:
0x45: {  	(pc) =	sbr.rel @p0 .LBB1_3-.Ltmp5, $2  }
0x46: {  	_ =	sdelay $0x2  }
0x47: {  	s16 =	simm.s32 $0x2000;
	p1 =	por $0x0, $0x0  }
.Ltmp6:
0x48: {  	(pc) =	sbr.rel .LBB1_9-.Ltmp6, $4  }
0x49: {  	_ = 	snop  }
0x4a: {  	s12 =	sshll.u32 s12, $0xA  }
0x4b: {  	s12 =	sadd.s32 s4, s12  }
0x4c: {  	[hbm4b:s12+s8] =	stream.linear.scatter [tilespmem:s13], [sflag:$0x2], $0x4000, $0x38;
	[tilespmem:$0x10000] =	vst v63  }
.LBB1_10:
0x4d: {  	_ =	sfence.sel $0x180000  }
0x4e: {  	s2 =	simm.s32 $0x1;
	[bflag:$0x0] =	sbarrier.arrive $0xFFFF  }
0x4f: {  	s31 =	simm.s32 $0x2;
	[sflag:s2] =	ssyncpa.u1 $0x1  }
0x50: {  	[sflag:s31] =	ssyncpa.u1 $0x1  }
0x51: {  	p0 =	sne.s32 s0, $0x0;
	_ =	strace $0x90000047  }
0x52: {  	s0 =	sadd.s32 @!p0 $0x100000, s1;
	[bflag:$0x2] =	sbarrier.arrive $0xFFFF  }
0x53: {  	[sflag:s0] =	ssyncadd.tile.s32 @!p0 $0x1;
	_ =	shalt  }
.Lfunc_end1:
_tile_overlayer_lowered:
.L_overlay_start_2:
0x54: {  	(tag) =	ssettag $0x2  }
0x55: {  	s0 =	rddreg [dreg:$0x0];
	s2 =	stileid.u32  }
0x56: {  	s1 =	rddreg [dreg:$0x1];
	p0 =	sne.s32 s2, $0x0  }
0x57: {  	s3 =	rddreg [dreg:$0x2];
	[bflag:$0x3] =	sbarrier.arrive $0xFFFF;
	s2 =	simm.s32 @!p0 $0x1C01  }
0x58: {  	[timem:s3], [sflag:s2] =	dma.local @!p0 [hbm:s0], s1  }
0x59: {  	s0 =	simm.s32 @!p0 $0x1  }
0x5a: {  	_ =	swait.ge @!p0 [sflag:s0], s1  }
0x5b: {  	s1 =	ssub.s32 @!p0 $0x0, s1;
	[sflag:s0] =	ssyncset.done @!p0 $0x0  }
0x5c: {  	[sflag:s0] =	ssyncadd.s32 @!p0 s1  }
0x5d: {  	[bflag:$0x3] =	sbarrier.arrive $0xFFFF  }
0x5e: {  	_ =	shalt  }

</sc_bundles>
